<compile_context>
chip_gen: v7x
topology: tpu7x:2x2x1
jax: 0.10.2.dev20260603
libtpu: 0.0.44.dev20260713+nightly
codegen_flags: <defaults>
</compile_context>

<pallas_src>
import jax
import jax.numpy as jnp
from jax import lax
from jax.experimental import pallas as pl
from jax.experimental.pallas import tpu as pltpu
from jax.experimental.pallas import tpu_sc as plsc

_B = 16384
_D = 128
_C = 64
_NB = 4
_NC = 2
_NS = 16
_NW = _NC * _NS
_RPW = _B // _NW
_K = _RPW // _C


def _embed_body(charge_hbm, spin_hbm, dataset_hbm, ct_hbm, st_hbm, dt_hbm,
                bias_hbm, out_hbm, ct_sh, st_sh, dt_sh, idx_c, idx_s, idx_d,
                *rest):
    rows = [rest[3 * b:3 * b + 3] for b in range(_NB)]
    outs = [rest[3 * _NB], rest[3 * _NB + 1]]
    bias_v = rest[3 * _NB + 2]
    isem = rest[3 * _NB + 3]
    tsem = rest[3 * _NB + 4]
    gsems = rest[3 * _NB + 5:3 * _NB + 5 + _NB]
    osems = rest[3 * _NB + 5 + _NB:]

    sid = lax.axis_index("s")
    wid = sid * _NC + lax.axis_index("c")
    base = wid * _RPW

    cp_i = (pltpu.async_copy(charge_hbm.at[pl.ds(base, _RPW)], idx_c, isem),
            pltpu.async_copy(spin_hbm.at[pl.ds(base, _RPW)], idx_s, isem),
            pltpu.async_copy(dataset_hbm.at[pl.ds(base, _RPW)], idx_d, isem),
            pltpu.async_copy(bias_hbm, bias_v, isem))

    @pl.when(sid == 0)
    def _load_tables():
        pltpu.async_copy(ct_hbm, ct_sh, tsem)
        pltpu.async_copy(st_hbm, st_sh, tsem)
        pltpu.async_copy(dt_hbm, dt_sh, tsem)

    for cp in cp_i:
        cp.wait()

    for i in range(_RPW // 16):
        sl = pl.ds(i * 16, 16)
        idx_c[sl] = idx_c[sl] + 100

    bias_regs = [bias_v[pl.ds(j * 16, 16)] for j in range(8)]

    @pl.when(sid == 0)
    def _wait_tables():
        pltpu.make_async_copy(ct_hbm, ct_sh, tsem).wait()
        pltpu.make_async_copy(st_hbm, st_sh, tsem).wait()
        pltpu.make_async_copy(dt_hbm, dt_sh, tsem).wait()

    plsc.subcore_barrier()

    def issue_gather(k):
        b = k % _NB
        rc, rs, rd = rows[b]
        sl = pl.ds(k * _C, _C)
        return (pltpu.async_copy(ct_sh.at[idx_c.at[sl]], rc, gsems[b]),
                pltpu.async_copy(st_sh.at[idx_s.at[sl]], rs, gsems[b]),
                pltpu.async_copy(dt_sh.at[idx_d.at[sl]], rd, gsems[b]))

    pending_g = [None] * _NB
    pending_out = [None, None]
    for k in range(_NB - 1):
        pending_g[k % _NB] = issue_gather(k)

    for k in range(_K):
        b = k % _NB
        ob = k % 2
        for cp in pending_g[b]:
            cp.wait()
        if pending_out[ob] is not None:
            pending_out[ob].wait()
        rc, rs, rd = rows[b]
        ov = outs[ob]

        def row_body(r, carry):
            for j in range(8):
                sl = pl.ds(j * 16, 16)
                x = rc[r, sl] + rs[r, sl] + rd[r, sl] + bias_regs[j]
                ov[r, sl] = x / (1.0 + jnp.exp(-x))
            return carry

        lax.fori_loop(0, _C, row_body, 0)

        if k + _NB - 1 < _K:
            pending_g[(k + _NB - 1) % _NB] = issue_gather(k + _NB - 1)

        pending_out[ob] = pltpu.async_copy(
            ov, out_hbm.at[pl.ds(base + k * _C, _C)], osems[ob])

    pending_out[0].wait()
    pending_out[1].wait()


@jax.jit
def _embed(charge, spin, dataset, charge_table, spin_table, dataset_table,
           bias):
    mesh = plsc.VectorSubcoreMesh(core_axis_name="c", subcore_axis_name="s")
    scratch = [
        pltpu.VMEM_SHARED((201, _D), jnp.float32),
        pltpu.VMEM_SHARED((101, _D), jnp.float32),
        pltpu.VMEM_SHARED((1000, _D), jnp.float32),
        pltpu.VMEM((_RPW,), jnp.int32),
        pltpu.VMEM((_RPW,), jnp.int32),
        pltpu.VMEM((_RPW,), jnp.int32),
    ]
    scratch += [pltpu.VMEM((_C, _D), jnp.float32) for _ in range(3 * _NB + 2)]
    scratch += [pltpu.VMEM((_D,), jnp.float32)]
    scratch += [pltpu.SemaphoreType.DMA for _ in range(2 + _NB + 2)]
    kern = pl.kernel(
        _embed_body,
        mesh=mesh,
        out_type=jax.ShapeDtypeStruct((_B, _D), jnp.float32),
        scratch_types=scratch,
    )
    return kern(charge, spin, dataset, charge_table, spin_table,
                dataset_table, bias)


def kernel(charge, spin, dataset, charge_table, spin_table, dataset_table, bias):
    return _embed(charge, spin, dataset, charge_table, spin_table,
                  dataset_table, bias)

# --- scband reference (transcript-rebuilt; emitter-appended) ---
"""Pipeline reference for scband-charge-spin-dataset-embed-30176440222426 (READ-ONLY COPY).

The authoritative reference and input builder live on the scoring server;
editing this copy changes nothing except your own understanding.
"""

import jax, jax.numpy as jnp
import numpy as np

NUM_CHANNELS = 128
DATASET_SIZE = 1000
BATCH = 16384


def setup_inputs(seed: int = 0) -> dict:
    key = jax.random.key(seed)
    k1, k2, k3, k4, k5, k6 = jax.random.split(key, 6)
    charge = jax.random.randint(k1, (BATCH,), 0, 100, dtype=jnp.int32)
    spin = jax.random.randint(k2, (BATCH,), 0, 101, dtype=jnp.int32)
    dataset = jax.random.randint(k3, (BATCH,), 0, DATASET_SIZE, dtype=jnp.int32)
    # Embedding tables initialized like nnx.Embed default (normal init)
    charge_table = jax.random.normal(k4, (201, NUM_CHANNELS), dtype=jnp.float32) * 0.02
    spin_table = jax.random.normal(k5, (101, NUM_CHANNELS), dtype=jnp.float32) * 0.02
    dataset_table = jax.random.normal(k6, (DATASET_SIZE, NUM_CHANNELS), dtype=jnp.float32) * 0.02
    bias = jnp.zeros((NUM_CHANNELS,), dtype=jnp.float32)
    return {
        "charge": charge,
        "spin": spin,
        "dataset": dataset,
        "charge_table": charge_table,
        "spin_table": spin_table,
        "dataset_table": dataset_table,
        "bias": bias,
    }


def reference(charge, spin, dataset, charge_table, spin_table, dataset_table, bias):
    charge_emb = jnp.take(charge_table, charge + 100, axis=0)
    spin_emb = jnp.take(spin_table, spin, axis=0)
    dataset_emb = jnp.take(dataset_table, dataset, axis=0)
    embeddings = charge_emb + spin_emb
    embeddings = embeddings + dataset_emb
    embeddings = embeddings + bias
    return jax.nn.silu(embeddings)

if __name__ == "__main__":
    import jax
    _d = setup_inputs()
    print(jax.jit(kernel)(*tuple(_d.values())))

</pallas_src>

<mosaic_0001>
#map = affine_map<(d0, d1) -> (0)>
#map1 = affine_map<(d0, d1) -> (0, 0)>
module attributes {stable_mosaic.version = 14 : i64} {
  func.func @_embed_body(%arg0: i32, %arg1: i32, %arg2: memref<16384xi32, #tpu.memory_space<hbm>>, %arg3: memref<16384xi32, #tpu.memory_space<hbm>>, %arg4: memref<16384xi32, #tpu.memory_space<hbm>>, %arg5: memref<201x128xf32, #tpu.memory_space<hbm>>, %arg6: memref<101x128xf32, #tpu.memory_space<hbm>>, %arg7: memref<1000x128xf32, #tpu.memory_space<hbm>>, %arg8: memref<128xf32, #tpu.memory_space<hbm>>, %arg9: memref<16384x128xf32, #tpu.memory_space<hbm>>, %arg10: memref<201x128xf32, #tpu.memory_space<vmem_shared>>, %arg11: memref<101x128xf32, #tpu.memory_space<vmem_shared>>, %arg12: memref<1000x128xf32, #tpu.memory_space<vmem_shared>>, %arg13: memref<512xi32, #tpu.memory_space<vmem>>, %arg14: memref<512xi32, #tpu.memory_space<vmem>>, %arg15: memref<512xi32, #tpu.memory_space<vmem>>, %arg16: memref<64x128xf32, #tpu.memory_space<vmem>>, %arg17: memref<64x128xf32, #tpu.memory_space<vmem>>, %arg18: memref<64x128xf32, #tpu.memory_space<vmem>>, %arg19: memref<64x128xf32, #tpu.memory_space<vmem>>, %arg20: memref<64x128xf32, #tpu.memory_space<vmem>>, %arg21: memref<64x128xf32, #tpu.memory_space<vmem>>, %arg22: memref<64x128xf32, #tpu.memory_space<vmem>>, %arg23: memref<64x128xf32, #tpu.memory_space<vmem>>, %arg24: memref<64x128xf32, #tpu.memory_space<vmem>>, %arg25: memref<64x128xf32, #tpu.memory_space<vmem>>, %arg26: memref<64x128xf32, #tpu.memory_space<vmem>>, %arg27: memref<64x128xf32, #tpu.memory_space<vmem>>, %arg28: memref<64x128xf32, #tpu.memory_space<vmem>>, %arg29: memref<64x128xf32, #tpu.memory_space<vmem>>, %arg30: memref<128xf32, #tpu.memory_space<vmem>>, %arg31: memref<!tpu.dma_semaphore, #tpu.memory_space<semaphore_mem>>, %arg32: memref<!tpu.dma_semaphore, #tpu.memory_space<semaphore_mem>>, %arg33: memref<!tpu.dma_semaphore, #tpu.memory_space<semaphore_mem>>, %arg34: memref<!tpu.dma_semaphore, #tpu.memory_space<semaphore_mem>>, %arg35: memref<!tpu.dma_semaphore, #tpu.memory_space<semaphore_mem>>, %arg36: memref<!tpu.dma_semaphore, #tpu.memory_space<semaphore_mem>>, %arg37: memref<!tpu.dma_semaphore, #tpu.memory_space<semaphore_mem>>, %arg38: memref<!tpu.dma_semaphore, #tpu.memory_space<semaphore_mem>>) attributes {dimension_semantics = [#tpu.dimension_semantics<core_parallel>, #tpu.dimension_semantics<subcore_parallel>], iteration_bounds = array<i64: 2, 16>, scalar_prefetch = 0 : i64, scratch_operands = 29 : i64, tpu.core_type = #tpu.core_type<sc_vector_subcore>, window_params = [{transform_indices = #map}, {transform_indices = #map}, {transform_indices = #map}, {transform_indices = #map1}, {transform_indices = #map1}, {transform_indices = #map1}, {transform_indices = #map}, {transform_indices = #map1}]} {
    %mul3A = arith.constant 2 : i32
    %mul3A_0 = arith.muli %arg1, %mul3A : i32
    %add3A = arith.addi %mul3A_0, %arg0 : i32
    %mul3A_1 = arith.constant 512 : i32
    %mul3A_2 = arith.muli %add3A, %mul3A_1 : i32
    %dma_start3A = tpu.memref_slice %arg2[%mul3A_2] : memref<16384xi32, #tpu.memory_space<hbm>> -> memref<512xi32, #tpu.memory_space<hbm>>
    %dma_start3A_3 = tpu.memref_slice %arg2[%mul3A_2] : memref<16384xi32, #tpu.memory_space<hbm>> -> memref<512xi32, #tpu.memory_space<hbm>>
    tpu.enqueue_dma source(%dma_start3A_3 : memref<512xi32, #tpu.memory_space<hbm>>) target(%arg13 : memref<512xi32, #tpu.memory_space<vmem>>) target_semaphore(%arg31 : memref<!tpu.dma_semaphore, #tpu.memory_space<semaphore_mem>>)
    %dma_start3A_4 = tpu.memref_slice %arg3[%mul3A_2] : memref<16384xi32, #tpu.memory_space<hbm>> -> memref<512xi32, #tpu.memory_space<hbm>>
    %dma_start3A_5 = tpu.memref_slice %arg3[%mul3A_2] : memref<16384xi32, #tpu.memory_space<hbm>> -> memref<512xi32, #tpu.memory_space<hbm>>
    tpu.enqueue_dma source(%dma_start3A_5 : memref<512xi32, #tpu.memory_space<hbm>>) target(%arg14 : memref<512xi32, #tpu.memory_space<vmem>>) target_semaphore(%arg31 : memref<!tpu.dma_semaphore, #tpu.memory_space<semaphore_mem>>)
    %dma_start3A_6 = tpu.memref_slice %arg4[%mul3A_2] : memref<16384xi32, #tpu.memory_space<hbm>> -> memref<512xi32, #tpu.memory_space<hbm>>
    %dma_start3A_7 = tpu.memref_slice %arg4[%mul3A_2] : memref<16384xi32, #tpu.memory_space<hbm>> -> memref<512xi32, #tpu.memory_space<hbm>>
    tpu.enqueue_dma source(%dma_start3A_7 : memref<512xi32, #tpu.memory_space<hbm>>) target(%arg15 : memref<512xi32, #tpu.memory_space<vmem>>) target_semaphore(%arg31 : memref<!tpu.dma_semaphore, #tpu.memory_space<semaphore_mem>>)
    tpu.enqueue_dma source(%arg8 : memref<128xf32, #tpu.memory_space<hbm>>) target(%arg30 : memref<128xf32, #tpu.memory_space<vmem>>) target_semaphore(%arg31 : memref<!tpu.dma_semaphore, #tpu.memory_space<semaphore_mem>>)
    %eq3A = arith.constant 0 : i32
    %eq3A_8 = arith.cmpi eq, %arg1, %eq3A : i32
    %convert_element_type3A = arith.extui %eq3A_8 : i1 to i32
    %cond3A = arith.constant 0 : i32
    %cond3A_9 = arith.cmpi ne, %convert_element_type3A, %cond3A : i32
    scf.if %cond3A_9 {
      tpu.enqueue_dma source(%arg5 : memref<201x128xf32, #tpu.memory_space<hbm>>) target(%arg10 : memref<201x128xf32, #tpu.memory_space<vmem_shared>>) target_semaphore(%arg32 : memref<!tpu.dma_semaphore, #tpu.memory_space<semaphore_mem>>)
      tpu.enqueue_dma source(%arg6 : memref<101x128xf32, #tpu.memory_space<hbm>>) target(%arg11 : memref<101x128xf32, #tpu.memory_space<vmem_shared>>) target_semaphore(%arg32 : memref<!tpu.dma_semaphore, #tpu.memory_space<semaphore_mem>>)
      tpu.enqueue_dma source(%arg7 : memref<1000x128xf32, #tpu.memory_space<hbm>>) target(%arg12 : memref<1000x128xf32, #tpu.memory_space<vmem_shared>>) target_semaphore(%arg32 : memref<!tpu.dma_semaphore, #tpu.memory_space<semaphore_mem>>)
    } else {
    }
    %dma_wait3A = tpu.memref_slice %arg2[%mul3A_2] : memref<16384xi32, #tpu.memory_space<hbm>> -> memref<512xi32, #tpu.memory_space<hbm>>
    %dma_wait3A_10 = tpu.memref_slice %arg2[%mul3A_2] : memref<16384xi32, #tpu.memory_space<hbm>> -> memref<512xi32, #tpu.memory_space<hbm>>
    tpu.wait_dma2 semaphore(%arg31 : memref<!tpu.dma_semaphore, #tpu.memory_space<semaphore_mem>>) src(%dma_wait3A_10 : memref<512xi32, #tpu.memory_space<hbm>>) dst(%arg13 : memref<512xi32, #tpu.memory_space<vmem>>)
    %dma_wait3A_11 = tpu.memref_slice %arg3[%mul3A_2] : memref<16384xi32, #tpu.memory_space<hbm>> -> memref<512xi32, #tpu.memory_space<hbm>>
    %dma_wait3A_12 = tpu.memref_slice %arg3[%mul3A_2] : memref<16384xi32, #tpu.memory_space<hbm>> -> memref<512xi32, #tpu.memory_space<hbm>>
    tpu.wait_dma2 semaphore(%arg31 : memref<!tpu.dma_semaphore, #tpu.memory_space<semaphore_mem>>) src(%dma_wait3A_12 : memref<512xi32, #tpu.memory_space<hbm>>) dst(%arg14 : memref<512xi32, #tpu.memory_space<vmem>>)
    %dma_wait3A_13 = tpu.memref_slice %arg4[%mul3A_2] : memref<16384xi32, #tpu.memory_space<hbm>> -> memref<512xi32, #tpu.memory_space<hbm>>
    %dma_wait3A_14 = tpu.memref_slice %arg4[%mul3A_2] : memref<16384xi32, #tpu.memory_space<hbm>> -> memref<512xi32, #tpu.memory_space<hbm>>
    tpu.wait_dma2 semaphore(%arg31 : memref<!tpu.dma_semaphore, #tpu.memory_space<semaphore_mem>>) src(%dma_wait3A_14 : memref<512xi32, #tpu.memory_space<hbm>>) dst(%arg15 : memref<512xi32, #tpu.memory_space<vmem>>)
    tpu.wait_dma2 semaphore(%arg31 : memref<!tpu.dma_semaphore, #tpu.memory_space<semaphore_mem>>) src(%arg8 : memref<128xf32, #tpu.memory_space<hbm>>) dst(%arg30 : memref<128xf32, #tpu.memory_space<vmem>>)
    %get3A = arith.constant 0 : index
    %get3A_15 = tpu.vector_load %arg13[%get3A] {strides = array<i32>} : memref<512xi32, #tpu.memory_space<vmem>>, vector<16xi32>,
    %get3A_16 = vector.shape_cast %get3A_15 : vector<16xi32> to vector<16xi32>
    %add3A_17 = arith.constant 100 : i32
    %add3A_18 = vector.broadcast %add3A_17 : i32 to vector<16xi32>
    %add3A_19 = arith.addi %get3A_16, %add3A_18 : vector<16xi32>
    %swap3A = arith.constant 0 : index
    %swap3A_20 = tpu.vector_load %arg13[%swap3A] {strides = array<i32>} : memref<512xi32, #tpu.memory_space<vmem>>, vector<16xi32>,
    %swap3A_21 = vector.shape_cast %swap3A_20 : vector<16xi32> to vector<16xi32>
    %swap3A_22 = vector.shape_cast %add3A_19 : vector<16xi32> to vector<16xi32>
    tpu.vector_store %arg13[%swap3A], %swap3A_22 {strides = array<i32>} : memref<512xi32, #tpu.memory_space<vmem>>, vector<16xi32>,
    %get3A_23 = arith.constant 16 : index
    %get3A_24 = tpu.vector_load %arg13[%get3A_23] {strides = array<i32>} : memref<512xi32, #tpu.memory_space<vmem>>, vector<16xi32>,
    %get3A_25 = vector.shape_cast %get3A_24 : vector<16xi32> to vector<16xi32>
    %add3A_26 = arith.constant 100 : i32
    %add3A_27 = vector.broadcast %add3A_26 : i32 to vector<16xi32>
    %add3A_28 = arith.addi %get3A_25, %add3A_27 : vector<16xi32>
    %swap3A_29 = arith.constant 16 : index
    %swap3A_30 = tpu.vector_load %arg13[%swap3A_29] {strides = array<i32>} : memref<512xi32, #tpu.memory_space<vmem>>, vector<16xi32>,
    %swap3A_31 = vector.shape_cast %swap3A_30 : vector<16xi32> to vector<16xi32>
    %swap3A_32 = vector.shape_cast %add3A_28 : vector<16xi32> to vector<16xi32>
    tpu.vector_store %arg13[%swap3A_29], %swap3A_32 {strides = array<i32>} : memref<512xi32, #tpu.memory_space<vmem>>, vector<16xi32>,
    %get3A_33 = arith.constant 32 : index
    %get3A_34 = tpu.vector_load %arg13[%get3A_33] {strides = array<i32>} : memref<512xi32, #tpu.memory_space<vmem>>, vector<16xi32>,
    %get3A_35 = vector.shape_cast %get3A_34 : vector<16xi32> to vector<16xi32>
    %add3A_36 = arith.constant 100 : i32
    %add3A_37 = vector.broadcast %add3A_36 : i32 to vector<16xi32>
    %add3A_38 = arith.addi %get3A_35, %add3A_37 : vector<16xi32>
    %swap3A_39 = arith.constant 32 : index
    %swap3A_40 = tpu.vector_load %arg13[%swap3A_39] {strides = array<i32>} : memref<512xi32, #tpu.memory_space<vmem>>, vector<16xi32>,
    %swap3A_41 = vector.shape_cast %swap3A_40 : vector<16xi32> to vector<16xi32>
    %swap3A_42 = vector.shape_cast %add3A_38 : vector<16xi32> to vector<16xi32>
    tpu.vector_store %arg13[%swap3A_39], %swap3A_42 {strides = array<i32>} : memref<512xi32, #tpu.memory_space<vmem>>, vector<16xi32>,
    %get3A_43 = arith.constant 48 : index
    %get3A_44 = tpu.vector_load %arg13[%get3A_43] {strides = array<i32>} : memref<512xi32, #tpu.memory_space<vmem>>, vector<16xi32>,
    %get3A_45 = vector.shape_cast %get3A_44 : vector<16xi32> to vector<16xi32>
    %add3A_46 = arith.constant 100 : i32
    %add3A_47 = vector.broadcast %add3A_46 : i32 to vector<16xi32>
    %add3A_48 = arith.addi %get3A_45, %add3A_47 : vector<16xi32>
    %swap3A_49 = arith.constant 48 : index
    %swap3A_50 = tpu.vector_load %arg13[%swap3A_49] {strides = array<i32>} : memref<512xi32, #tpu.memory_space<vmem>>, vector<16xi32>,
    %swap3A_51 = vector.shape_cast %swap3A_50 : vector<16xi32> to vector<16xi32>
    %swap3A_52 = vector.shape_cast %add3A_48 : vector<16xi32> to vector<16xi32>
    tpu.vector_store %arg13[%swap3A_49], %swap3A_52 {strides = array<i32>} : memref<512xi32, #tpu.memory_space<vmem>>, vector<16xi32>,
    %get3A_53 = arith.constant 64 : index
    %get3A_54 = tpu.vector_load %arg13[%get3A_53] {strides = array<i32>} : memref<512xi32, #tpu.memory_space<vmem>>, vector<16xi32>,
    %get3A_55 = vector.shape_cast %get3A_54 : vector<16xi32> to vector<16xi32>
    %add3A_56 = arith.constant 100 : i32
    %add3A_57 = vector.broadcast %add3A_56 : i32 to vector<16xi32>
    %add3A_58 = arith.addi %get3A_55, %add3A_57 : vector<16xi32>
    %swap3A_59 = arith.constant 64 : index
    %swap3A_60 = tpu.vector_load %arg13[%swap3A_59] {strides = array<i32>} : memref<512xi32, #tpu.memory_space<vmem>>, vector<16xi32>,
    %swap3A_61 = vector.shape_cast %swap3A_60 : vector<16xi32> to vector<16xi32>
    %swap3A_62 = vector.shape_cast %add3A_58 : vector<16xi32> to vector<16xi32>
    tpu.vector_store %arg13[%swap3A_59], %swap3A_62 {strides = array<i32>} : memref<512xi32, #tpu.memory_space<vmem>>, vector<16xi32>,
    %get3A_63 = arith.constant 80 : index
    %get3A_64 = tpu.vector_load %arg13[%get3A_63] {strides = array<i32>} : memref<512xi32, #tpu.memory_space<vmem>>, vector<16xi32>,
    %get3A_65 = vector.shape_cast %get3A_64 : vector<16xi32> to vector<16xi32>
    %add3A_66 = arith.constant 100 : i32
    %add3A_67 = vector.broadcast %add3A_66 : i32 to vector<16xi32>
    %add3A_68 = arith.addi %get3A_65, %add3A_67 : vector<16xi32>
    %swap3A_69 = arith.constant 80 : index
    %swap3A_70 = tpu.vector_load %arg13[%swap3A_69] {strides = array<i32>} : memref<512xi32, #tpu.memory_space<vmem>>, vector<16xi32>,
    %swap3A_71 = vector.shape_cast %swap3A_70 : vector<16xi32> to vector<16xi32>
    %swap3A_72 = vector.shape_cast %add3A_68 : vector<16xi32> to vector<16xi32>
    tpu.vector_store %arg13[%swap3A_69], %swap3A_72 {strides = array<i32>} : memref<512xi32, #tpu.memory_space<vmem>>, vector<16xi32>,
    %get3A_73 = arith.constant 96 : index
    %get3A_74 = tpu.vector_load %arg13[%get3A_73] {strides = array<i32>} : memref<512xi32, #tpu.memory_space<vmem>>, vector<16xi32>,
    %get3A_75 = vector.shape_cast %get3A_74 : vector<16xi32> to vector<16xi32>
    %add3A_76 = arith.constant 100 : i32
    %add3A_77 = vector.broadcast %add3A_76 : i32 to vector<16xi32>
    %add3A_78 = arith.addi %get3A_75, %add3A_77 : vector<16xi32>
    %swap3A_79 = arith.constant 96 : index
    %swap3A_80 = tpu.vector_load %arg13[%swap3A_79] {strides = array<i32>} : memref<512xi32, #tpu.memory_space<vmem>>, vector<16xi32>,
    %swap3A_81 = vector.shape_cast %swap3A_80 : vector<16xi32> to vector<16xi32>
    %swap3A_82 = vector.shape_cast %add3A_78 : vector<16xi32> to vector<16xi32>
    tpu.vector_store %arg13[%swap3A_79], %swap3A_82 {strides = array<i32>} : memref<512xi32, #tpu.memory_space<vmem>>, vector<16xi32>,
    %get3A_83 = arith.constant 112 : index
    %get3A_84 = tpu.vector_load %arg13[%get3A_83] {strides = array<i32>} : memref<512xi32, #tpu.memory_space<vmem>>, vector<16xi32>,
    %get3A_85 = vector.shape_cast %get3A_84 : vector<16xi32> to vector<16xi32>
    %add3A_86 = arith.constant 100 : i32
    %add3A_87 = vector.broadcast %add3A_86 : i32 to vector<16xi32>
    %add3A_88 = arith.addi %get3A_85, %add3A_87 : vector<16xi32>
    %swap3A_89 = arith.constant 112 : index
    %swap3A_90 = tpu.vector_load %arg13[%swap3A_89] {strides = array<i32>} : memref<512xi32, #tpu.memory_space<vmem>>, vector<16xi32>,
    %swap3A_91 = vector.shape_cast %swap3A_90 : vector<16xi32> to vector<16xi32>
    %swap3A_92 = vector.shape_cast %add3A_88 : vector<16xi32> to vector<16xi32>
    tpu.vector_store %arg13[%swap3A_89], %swap3A_92 {strides = array<i32>} : memref<512xi32, #tpu.memory_space<vmem>>, vector<16xi32>,
    %get3A_93 = arith.constant 128 : index
    %get3A_94 = tpu.vector_load %arg13[%get3A_93] {strides = array<i32>} : memref<512xi32, #tpu.memory_space<vmem>>, vector<16xi32>,
    %get3A_95 = vector.shape_cast %get3A_94 : vector<16xi32> to vector<16xi32>
    %add3A_96 = arith.constant 100 : i32
    %add3A_97 = vector.broadcast %add3A_96 : i32 to vector<16xi32>
    %add3A_98 = arith.addi %get3A_95, %add3A_97 : vector<16xi32>
    %swap3A_99 = arith.constant 128 : index
    %swap3A_100 = tpu.vector_load %arg13[%swap3A_99] {strides = array<i32>} : memref<512xi32, #tpu.memory_space<vmem>>, vector<16xi32>,
    %swap3A_101 = vector.shape_cast %swap3A_100 : vector<16xi32> to vector<16xi32>
    %swap3A_102 = vector.shape_cast %add3A_98 : vector<16xi32> to vector<16xi32>
    tpu.vector_store %arg13[%swap3A_99], %swap3A_102 {strides = array<i32>} : memref<512xi32, #tpu.memory_space<vmem>>, vector<16xi32>,
    %get3A_103 = arith.constant 144 : index
    %get3A_104 = tpu.vector_load %arg13[%get3A_103] {strides = array<i32>} : memref<512xi32, #tpu.memory_space<vmem>>, vector<16xi32>,
    %get3A_105 = vector.shape_cast %get3A_104 : vector<16xi32> to vector<16xi32>
    %add3A_106 = arith.constant 100 : i32
    %add3A_107 = vector.broadcast %add3A_106 : i32 to vector<16xi32>
    %add3A_108 = arith.addi %get3A_105, %add3A_107 : vector<16xi32>
    %swap3A_109 = arith.constant 144 : index
    %swap3A_110 = tpu.vector_load %arg13[%swap3A_109] {strides = array<i32>} : memref<512xi32, #tpu.memory_space<vmem>>, vector<16xi32>,
    %swap3A_111 = vector.shape_cast %swap3A_110 : vector<16xi32> to vector<16xi32>
    %swap3A_112 = vector.shape_cast %add3A_108 : vector<16xi32> to vector<16xi32>
    tpu.vector_store %arg13[%swap3A_109], %swap3A_112 {strides = array<i32>} : memref<512xi32, #tpu.memory_space<vmem>>, vector<16xi32>,
    %get3A_113 = arith.constant 160 : index
    %get3A_114 = tpu.vector_load %arg13[%get3A_113] {strides = array<i32>} : memref<512xi32, #tpu.memory_space<vmem>>, vector<16xi32>,
    %get3A_115 = vector.shape_cast %get3A_114 : vector<16xi32> to vector<16xi32>
    %add3A_116 = arith.constant 100 : i32
    %add3A_117 = vector.broadcast %add3A_116 : i32 to vector<16xi32>
    %add3A_118 = arith.addi %get3A_115, %add3A_117 : vector<16xi32>
    %swap3A_119 = arith.constant 160 : index
    %swap3A_120 = tpu.vector_load %arg13[%swap3A_119] {strides = array<i32>} : memref<512xi32, #tpu.memory_space<vmem>>, vector<16xi32>,
    %swap3A_121 = vector.shape_cast %swap3A_120 : vector<16xi32> to vector<16xi32>
    %swap3A_122 = vector.shape_cast %add3A_118 : vector<16xi32> to vector<16xi32>
    tpu.vector_store %arg13[%swap3A_119], %swap3A_122 {strides = array<i32>} : memref<512xi32, #tpu.memory_space<vmem>>, vector<16xi32>,
    %get3A_123 = arith.constant 176 : index
    %get3A_124 = tpu.vector_load %arg13[%get3A_123] {strides = array<i32>} : memref<512xi32, #tpu.memory_space<vmem>>, vector<16xi32>,
    %get3A_125 = vector.shape_cast %get3A_124 : vector<16xi32> to vector<16xi32>
    %add3A_126 = arith.constant 100 : i32
    %add3A_127 = vector.broadcast %add3A_126 : i32 to vector<16xi32>
    %add3A_128 = arith.addi %get3A_125, %add3A_127 : vector<16xi32>
    %swap3A_129 = arith.constant 176 : index
    %swap3A_130 = tpu.vector_load %arg13[%swap3A_129] {strides = array<i32>} : memref<512xi32, #tpu.memory_space<vmem>>, vector<16xi32>,
    %swap3A_131 = vector.shape_cast %swap3A_130 : vector<16xi32> to vector<16xi32>
    %swap3A_132 = vector.shape_cast %add3A_128 : vector<16xi32> to vector<16xi32>
    tpu.vector_store %arg13[%swap3A_129], %swap3A_132 {strides = array<i32>} : memref<512xi32, #tpu.memory_space<vmem>>, vector<16xi32>,
    %get3A_133 = arith.constant 192 : index
    %get3A_134 = tpu.vector_load %arg13[%get3A_133] {strides = array<i32>} : memref<512xi32, #tpu.memory_space<vmem>>, vector<16xi32>,
    %get3A_135 = vector.shape_cast %get3A_134 : vector<16xi32> to vector<16xi32>
    %add3A_136 = arith.constant 100 : i32
    %add3A_137 = vector.broadcast %add3A_136 : i32 to vector<16xi32>
    %add3A_138 = arith.addi %get3A_135, %add3A_137 : vector<16xi32>
    %swap3A_139 = arith.constant 192 : index
    %swap3A_140 = tpu.vector_load %arg13[%swap3A_139] {strides = array<i32>} : memref<512xi32, #tpu.memory_space<vmem>>, vector<16xi32>,
    %swap3A_141 = vector.shape_cast %swap3A_140 : vector<16xi32> to vector<16xi32>
    %swap3A_142 = vector.shape_cast %add3A_138 : vector<16xi32> to vector<16xi32>
    tpu.vector_store %arg13[%swap3A_139], %swap3A_142 {strides = array<i32>} : memref<512xi32, #tpu.memory_space<vmem>>, vector<16xi32>,
    %get3A_143 = arith.constant 208 : index
    %get3A_144 = tpu.vector_load %arg13[%get3A_143] {strides = array<i32>} : memref<512xi32, #tpu.memory_space<vmem>>, vector<16xi32>,
    %get3A_145 = vector.shape_cast %get3A_144 : vector<16xi32> to vector<16xi32>
    %add3A_146 = arith.constant 100 : i32
    %add3A_147 = vector.broadcast %add3A_146 : i32 to vector<16xi32>
    %add3A_148 = arith.addi %get3A_145, %add3A_147 : vector<16xi32>
    %swap3A_149 = arith.constant 208 : index
    %swap3A_150 = tpu.vector_load %arg13[%swap3A_149] {strides = array<i32>} : memref<512xi32, #tpu.memory_space<vmem>>, vector<16xi32>,
    %swap3A_151 = vector.shape_cast %swap3A_150 : vector<16xi32> to vector<16xi32>
    %swap3A_152 = vector.shape_cast %add3A_148 : vector<16xi32> to vector<16xi32>
    tpu.vector_store %arg13[%swap3A_149], %swap3A_152 {strides = array<i32>} : memref<512xi32, #tpu.memory_space<vmem>>, vector<16xi32>,
    %get3A_153 = arith.constant 224 : index
    %get3A_154 = tpu.vector_load %arg13[%get3A_153] {strides = array<i32>} : memref<512xi32, #tpu.memory_space<vmem>>, vector<16xi32>,
    %get3A_155 = vector.shape_cast %get3A_154 : vector<16xi32> to vector<16xi32>
    %add3A_156 = arith.constant 100 : i32
    %add3A_157 = vector.broadcast %add3A_156 : i32 to vector<16xi32>
    %add3A_158 = arith.addi %get3A_155, %add3A_157 : vector<16xi32>
    %swap3A_159 = arith.constant 224 : index
    %swap3A_160 = tpu.vector_load %arg13[%swap3A_159] {strides = array<i32>} : memref<512xi32, #tpu.memory_space<vmem>>, vector<16xi32>,
    %swap3A_161 = vector.shape_cast %swap3A_160 : vector<16xi32> to vector<16xi32>
    %swap3A_162 = vector.shape_cast %add3A_158 : vector<16xi32> to vector<16xi32>
    tpu.vector_store %arg13[%swap3A_159], %swap3A_162 {strides = array<i32>} : memref<512xi32, #tpu.memory_space<vmem>>, vector<16xi32>,
    %get3A_163 = arith.constant 240 : index
    %get3A_164 = tpu.vector_load %arg13[%get3A_163] {strides = array<i32>} : memref<512xi32, #tpu.memory_space<vmem>>, vector<16xi32>,
    %get3A_165 = vector.shape_cast %get3A_164 : vector<16xi32> to vector<16xi32>
    %add3A_166 = arith.constant 100 : i32
    %add3A_167 = vector.broadcast %add3A_166 : i32 to vector<16xi32>
    %add3A_168 = arith.addi %get3A_165, %add3A_167 : vector<16xi32>
    %swap3A_169 = arith.constant 240 : index
    %swap3A_170 = tpu.vector_load %arg13[%swap3A_169] {strides = array<i32>} : memref<512xi32, #tpu.memory_space<vmem>>, vector<16xi32>,
    %swap3A_171 = vector.shape_cast %swap3A_170 : vector<16xi32> to vector<16xi32>
    %swap3A_172 = vector.shape_cast %add3A_168 : vector<16xi32> to vector<16xi32>
    tpu.vector_store %arg13[%swap3A_169], %swap3A_172 {strides = array<i32>} : memref<512xi32, #tpu.memory_space<vmem>>, vector<16xi32>,
    %get3A_173 = arith.constant 256 : index
    %get3A_174 = tpu.vector_load %arg13[%get3A_173] {strides = array<i32>} : memref<512xi32, #tpu.memory_space<vmem>>, vector<16xi32>,
    %get3A_175 = vector.shape_cast %get3A_174 : vector<16xi32> to vector<16xi32>
    %add3A_176 = arith.constant 100 : i32
    %add3A_177 = vector.broadcast %add3A_176 : i32 to vector<16xi32>
    %add3A_178 = arith.addi %get3A_175, %add3A_177 : vector<16xi32>
    %swap3A_179 = arith.constant 256 : index
    %swap3A_180 = tpu.vector_load %arg13[%swap3A_179] {strides = array<i32>} : memref<512xi32, #tpu.memory_space<vmem>>, vector<16xi32>,
    %swap3A_181 = vector.shape_cast %swap3A_180 : vector<16xi32> to vector<16xi32>
    %swap3A_182 = vector.shape_cast %add3A_178 : vector<16xi32> to vector<16xi32>
    tpu.vector_store %arg13[%swap3A_179], %swap3A_182 {strides = array<i32>} : memref<512xi32, #tpu.memory_space<vmem>>, vector<16xi32>,
    %get3A_183 = arith.constant 272 : index
    %get3A_184 = tpu.vector_load %arg13[%get3A_183] {strides = array<i32>} : memref<512xi32, #tpu.memory_space<vmem>>, vector<16xi32>,
    %get3A_185 = vector.shape_cast %get3A_184 : vector<16xi32> to vector<16xi32>
    %add3A_186 = arith.constant 100 : i32
    %add3A_187 = vector.broadcast %add3A_186 : i32 to vector<16xi32>
    %add3A_188 = arith.addi %get3A_185, %add3A_187 : vector<16xi32>
    %swap3A_189 = arith.constant 272 : index
    %swap3A_190 = tpu.vector_load %arg13[%swap3A_189] {strides = array<i32>} : memref<512xi32, #tpu.memory_space<vmem>>, vector<16xi32>,
    %swap3A_191 = vector.shape_cast %swap3A_190 : vector<16xi32> to vector<16xi32>
    %swap3A_192 = vector.shape_cast %add3A_188 : vector<16xi32> to vector<16xi32>
    tpu.vector_store %arg13[%swap3A_189], %swap3A_192 {strides = array<i32>} : memref<512xi32, #tpu.memory_space<vmem>>, vector<16xi32>,
    %get3A_193 = arith.constant 288 : index
    %get3A_194 = tpu.vector_load %arg13[%get3A_193] {strides = array<i32>} : memref<512xi32, #tpu.memory_space<vmem>>, vector<16xi32>,
    %get3A_195 = vector.shape_cast %get3A_194 : vector<16xi32> to vector<16xi32>
    %add3A_196 = arith.constant 100 : i32
    %add3A_197 = vector.broadcast %add3A_196 : i32 to vector<16xi32>
    %add3A_198 = arith.addi %get3A_195, %add3A_197 : vector<16xi32>
    %swap3A_199 = arith.constant 288 : index
    %swap3A_200 = tpu.vector_load %arg13[%swap3A_199] {strides = array<i32>} : memref<512xi32, #tpu.memory_space<vmem>>, vector<16xi32>,
    %swap3A_201 = vector.shape_cast %swap3A_200 : vector<16xi32> to vector<16xi32>
    %swap3A_202 = vector.shape_cast %add3A_198 : vector<16xi32> to vector<16xi32>
    tpu.vector_store %arg13[%swap3A_199], %swap3A_202 {strides = array<i32>} : memref<512xi32, #tpu.memory_space<vmem>>, vector<16xi32>,
    %get3A_203 = arith.constant 304 : index
    %get3A_204 = tpu.vector_load %arg13[%get3A_203] {strides = array<i32>} : memref<512xi32, #tpu.memory_space<vmem>>, vector<16xi32>,
    %get3A_205 = vector.shape_cast %get3A_204 : vector<16xi32> to vector<16xi32>
    %add3A_206 = arith.constant 100 : i32
    %add3A_207 = vector.broadcast %add3A_206 : i32 to vector<16xi32>
    %add3A_208 = arith.addi %get3A_205, %add3A_207 : vector<16xi32>
    %swap3A_209 = arith.constant 304 : index
    %swap3A_210 = tpu.vector_load %arg13[%swap3A_209] {strides = array<i32>} : memref<512xi32, #tpu.memory_space<vmem>>, vector<16xi32>,
    %swap3A_211 = vector.shape_cast %swap3A_210 : vector<16xi32> to vector<16xi32>
    %swap3A_212 = vector.shape_cast %add3A_208 : vector<16xi32> to vector<16xi32>
    tpu.vector_store %arg13[%swap3A_209], %swap3A_212 {strides = array<i32>} : memref<512xi32, #tpu.memory_space<vmem>>, vector<16xi32>,
    %get3A_213 = arith.constant 320 : index
    %get3A_214 = tpu.vector_load %arg13[%get3A_213] {strides = array<i32>} : memref<512xi32, #tpu.memory_space<vmem>>, vector<16xi32>,
    %get3A_215 = vector.shape_cast %get3A_214 : vector<16xi32> to vector<16xi32>
    %add3A_216 = arith.constant 100 : i32
    %add3A_217 = vector.broadcast %add3A_216 : i32 to vector<16xi32>
    %add3A_218 = arith.addi %get3A_215, %add3A_217 : vector<16xi32>
    %swap3A_219 = arith.constant 320 : index
    %swap3A_220 = tpu.vector_load %arg13[%swap3A_219] {strides = array<i32>} : memref<512xi32, #tpu.memory_space<vmem>>, vector<16xi32>,
    %swap3A_221 = vector.shape_cast %swap3A_220 : vector<16xi32> to vector<16xi32>
    %swap3A_222 = vector.shape_cast %add3A_218 : vector<16xi32> to vector<16xi32>
    tpu.vector_store %arg13[%swap3A_219], %swap3A_222 {strides = array<i32>} : memref<512xi32, #tpu.memory_space<vmem>>, vector<16xi32>,
    %get3A_223 = arith.constant 336 : index
    %get3A_224 = tpu.vector_load %arg13[%get3A_223] {strides = array<i32>} : memref<512xi32, #tpu.memory_space<vmem>>, vector<16xi32>,
    %get3A_225 = vector.shape_cast %get3A_224 : vector<16xi32> to vector<16xi32>
    %add3A_226 = arith.constant 100 : i32
    %add3A_227 = vector.broadcast %add3A_226 : i32 to vector<16xi32>
    %add3A_228 = arith.addi %get3A_225, %add3A_227 : vector<16xi32>
    %swap3A_229 = arith.constant 336 : index
    %swap3A_230 = tpu.vector_load %arg13[%swap3A_229] {strides = array<i32>} : memref<512xi32, #tpu.memory_space<vmem>>, vector<16xi32>,
    %swap3A_231 = vector.shape_cast %swap3A_230 : vector<16xi32> to vector<16xi32>
    %swap3A_232 = vector.shape_cast %add3A_228 : vector<16xi32> to vector<16xi32>
    tpu.vector_store %arg13[%swap3A_229], %swap3A_232 {strides = array<i32>} : memref<512xi32, #tpu.memory_space<vmem>>, vector<16xi32>,
    %get3A_233 = arith.constant 352 : index
    %get3A_234 = tpu.vector_load %arg13[%get3A_233] {strides = array<i32>} : memref<512xi32, #tpu.memory_space<vmem>>, vector<16xi32>,
    %get3A_235 = vector.shape_cast %get3A_234 : vector<16xi32> to vector<16xi32>
    %add3A_236 = arith.constant 100 : i32
    %add3A_237 = vector.broadcast %add3A_236 : i32 to vector<16xi32>
    %add3A_238 = arith.addi %get3A_235, %add3A_237 : vector<16xi32>
    %swap3A_239 = arith.constant 352 : index
    %swap3A_240 = tpu.vector_load %arg13[%swap3A_239] {strides = array<i32>} : memref<512xi32, #tpu.memory_space<vmem>>, vector<16xi32>,
    %swap3A_241 = vector.shape_cast %swap3A_240 : vector<16xi32> to vector<16xi32>
    %swap3A_242 = vector.shape_cast %add3A_238 : vector<16xi32> to vector<16xi32>
    tpu.vector_store %arg13[%swap3A_239], %swap3A_242 {strides = array<i32>} : memref<512xi32, #tpu.memory_space<vmem>>, vector<16xi32>,
    %get3A_243 = arith.constant 368 : index
    %get3A_244 = tpu.vector_load %arg13[%get3A_243] {strides = array<i32>} : memref<512xi32, #tpu.memory_space<vmem>>, vector<16xi32>,
    %get3A_245 = vector.shape_cast %get3A_244 : vector<16xi32> to vector<16xi32>
    %add3A_246 = arith.constant 100 : i32
    %add3A_247 = vector.broadcast %add3A_246 : i32 to vector<16xi32>
    %add3A_248 = arith.addi %get3A_245, %add3A_247 : vector<16xi32>
    %swap3A_249 = arith.constant 368 : index
    %swap3A_250 = tpu.vector_load %arg13[%swap3A_249] {strides = array<i32>} : memref<512xi32, #tpu.memory_space<vmem>>, vector<16xi32>,
    %swap3A_251 = vector.shape_cast %swap3A_250 : vector<16xi32> to vector<16xi32>
    %swap3A_252 = vector.shape_cast %add3A_248 : vector<16xi32> to vector<16xi32>
    tpu.vector_store %arg13[%swap3A_249], %swap3A_252 {strides = array<i32>} : memref<512xi32, #tpu.memory_space<vmem>>, vector<16xi32>,
    %get3A_253 = arith.constant 384 : index
    %get3A_254 = tpu.vector_load %arg13[%get3A_253] {strides = array<i32>} : memref<512xi32, #tpu.memory_space<vmem>>, vector<16xi32>,
    %get3A_255 = vector.shape_cast %get3A_254 : vector<16xi32> to vector<16xi32>
    %add3A_256 = arith.constant 100 : i32
    %add3A_257 = vector.broadcast %add3A_256 : i32 to vector<16xi32>
    %add3A_258 = arith.addi %get3A_255, %add3A_257 : vector<16xi32>
    %swap3A_259 = arith.constant 384 : index
    %swap3A_260 = tpu.vector_load %arg13[%swap3A_259] {strides = array<i32>} : memref<512xi32, #tpu.memory_space<vmem>>, vector<16xi32>,
    %swap3A_261 = vector.shape_cast %swap3A_260 : vector<16xi32> to vector<16xi32>
    %swap3A_262 = vector.shape_cast %add3A_258 : vector<16xi32> to vector<16xi32>
    tpu.vector_store %arg13[%swap3A_259], %swap3A_262 {strides = array<i32>} : memref<512xi32, #tpu.memory_space<vmem>>, vector<16xi32>,
    %get3A_263 = arith.constant 400 : index
    %get3A_264 = tpu.vector_load %arg13[%get3A_263] {strides = array<i32>} : memref<512xi32, #tpu.memory_space<vmem>>, vector<16xi32>,
    %get3A_265 = vector.shape_cast %get3A_264 : vector<16xi32> to vector<16xi32>
    %add3A_266 = arith.constant 100 : i32
    %add3A_267 = vector.broadcast %add3A_266 : i32 to vector<16xi32>
    %add3A_268 = arith.addi %get3A_265, %add3A_267 : vector<16xi32>
    %swap3A_269 = arith.constant 400 : index
    %swap3A_270 = tpu.vector_load %arg13[%swap3A_269] {strides = array<i32>} : memref<512xi32, #tpu.memory_space<vmem>>, vector<16xi32>,
    %swap3A_271 = vector.shape_cast %swap3A_270 : vector<16xi32> to vector<16xi32>
    %swap3A_272 = vector.shape_cast %add3A_268 : vector<16xi32> to vector<16xi32>
    tpu.vector_store %arg13[%swap3A_269], %swap3A_272 {strides = array<i32>} : memref<512xi32, #tpu.memory_space<vmem>>, vector<16xi32>,
    %get3A_273 = arith.constant 416 : index
    %get3A_274 = tpu.vector_load %arg13[%get3A_273] {strides = array<i32>} : memref<512xi32, #tpu.memory_space<vmem>>, vector<16xi32>,
    %get3A_275 = vector.shape_cast %get3A_274 : vector<16xi32> to vector<16xi32>
    %add3A_276 = arith.constant 100 : i32
    %add3A_277 = vector.broadcast %add3A_276 : i32 to vector<16xi32>
    %add3A_278 = arith.addi %get3A_275, %add3A_277 : vector<16xi32>
    %swap3A_279 = arith.constant 416 : index
    %swap3A_280 = tpu.vector_load %arg13[%swap3A_279] {strides = array<i32>} : memref<512xi32, #tpu.memory_space<vmem>>, vector<16xi32>,
    %swap3A_281 = vector.shape_cast %swap3A_280 : vector<16xi32> to vector<16xi32>
    %swap3A_282 = vector.shape_cast %add3A_278 : vector<16xi32> to vector<16xi32>
    tpu.vector_store %arg13[%swap3A_279], %swap3A_282 {strides = array<i32>} : memref<512xi32, #tpu.memory_space<vmem>>, vector<16xi32>,
    %get3A_283 = arith.constant 432 : index
    %get3A_284 = tpu.vector_load %arg13[%get3A_283] {strides = array<i32>} : memref<512xi32, #tpu.memory_space<vmem>>, vector<16xi32>,
    %get3A_285 = vector.shape_cast %get3A_284 : vector<16xi32> to vector<16xi32>
    %add3A_286 = arith.constant 100 : i32
    %add3A_287 = vector.broadcast %add3A_286 : i32 to vector<16xi32>
    %add3A_288 = arith.addi %get3A_285, %add3A_287 : vector<16xi32>
    %swap3A_289 = arith.constant 432 : index
    %swap3A_290 = tpu.vector_load %arg13[%swap3A_289] {strides = array<i32>} : memref<512xi32, #tpu.memory_space<vmem>>, vector<16xi32>,
    %swap3A_291 = vector.shape_cast %swap3A_290 : vector<16xi32> to vector<16xi32>
    %swap3A_292 = vector.shape_cast %add3A_288 : vector<16xi32> to vector<16xi32>
    tpu.vector_store %arg13[%swap3A_289], %swap3A_292 {strides = array<i32>} : memref<512xi32, #tpu.memory_space<vmem>>, vector<16xi32>,
    %get3A_293 = arith.constant 448 : index
    %get3A_294 = tpu.vector_load %arg13[%get3A_293] {strides = array<i32>} : memref<512xi32, #tpu.memory_space<vmem>>, vector<16xi32>,
    %get3A_295 = vector.shape_cast %get3A_294 : vector<16xi32> to vector<16xi32>
    %add3A_296 = arith.constant 100 : i32
    %add3A_297 = vector.broadcast %add3A_296 : i32 to vector<16xi32>
    %add3A_298 = arith.addi %get3A_295, %add3A_297 : vector<16xi32>
    %swap3A_299 = arith.constant 448 : index
    %swap3A_300 = tpu.vector_load %arg13[%swap3A_299] {strides = array<i32>} : memref<512xi32, #tpu.memory_space<vmem>>, vector<16xi32>,
    %swap3A_301 = vector.shape_cast %swap3A_300 : vector<16xi32> to vector<16xi32>
    %swap3A_302 = vector.shape_cast %add3A_298 : vector<16xi32> to vector<16xi32>
    tpu.vector_store %arg13[%swap3A_299], %swap3A_302 {strides = array<i32>} : memref<512xi32, #tpu.memory_space<vmem>>, vector<16xi32>,
    %get3A_303 = arith.constant 464 : index
    %get3A_304 = tpu.vector_load %arg13[%get3A_303] {strides = array<i32>} : memref<512xi32, #tpu.memory_space<vmem>>, vector<16xi32>,
    %get3A_305 = vector.shape_cast %get3A_304 : vector<16xi32> to vector<16xi32>
    %add3A_306 = arith.constant 100 : i32
    %add3A_307 = vector.broadcast %add3A_306 : i32 to vector<16xi32>
    %add3A_308 = arith.addi %get3A_305, %add3A_307 : vector<16xi32>
    %swap3A_309 = arith.constant 464 : index
    %swap3A_310 = tpu.vector_load %arg13[%swap3A_309] {strides = array<i32>} : memref<512xi32, #tpu.memory_space<vmem>>, vector<16xi32>,
    %swap3A_311 = vector.shape_cast %swap3A_310 : vector<16xi32> to vector<16xi32>
    %swap3A_312 = vector.shape_cast %add3A_308 : vector<16xi32> to vector<16xi32>
    tpu.vector_store %arg13[%swap3A_309], %swap3A_312 {strides = array<i32>} : memref<512xi32, #tpu.memory_space<vmem>>, vector<16xi32>,
    %get3A_313 = arith.constant 480 : index
    %get3A_314 = tpu.vector_load %arg13[%get3A_313] {strides = array<i32>} : memref<512xi32, #tpu.memory_space<vmem>>, vector<16xi32>,
    %get3A_315 = vector.shape_cast %get3A_314 : vector<16xi32> to vector<16xi32>
    %add3A_316 = arith.constant 100 : i32
    %add3A_317 = vector.broadcast %add3A_316 : i32 to vector<16xi32>
    %add3A_318 = arith.addi %get3A_315, %add3A_317 : vector<16xi32>
    %swap3A_319 = arith.constant 480 : index
    %swap3A_320 = tpu.vector_load %arg13[%swap3A_319] {strides = array<i32>} : memref<512xi32, #tpu.memory_space<vmem>>, vector<16xi32>,
    %swap3A_321 = vector.shape_cast %swap3A_320 : vector<16xi32> to vector<16xi32>
    %swap3A_322 = vector.shape_cast %add3A_318 : vector<16xi32> to vector<16xi32>
    tpu.vector_store %arg13[%swap3A_319], %swap3A_322 {strides = array<i32>} : memref<512xi32, #tpu.memory_space<vmem>>, vector<16xi32>,
    %get3A_323 = arith.constant 496 : index
    %get3A_324 = tpu.vector_load %arg13[%get3A_323] {strides = array<i32>} : memref<512xi32, #tpu.memory_space<vmem>>, vector<16xi32>,
    %get3A_325 = vector.shape_cast %get3A_324 : vector<16xi32> to vector<16xi32>
    %add3A_326 = arith.constant 100 : i32
    %add3A_327 = vector.broadcast %add3A_326 : i32 to vector<16xi32>
    %add3A_328 = arith.addi %get3A_325, %add3A_327 : vector<16xi32>
    %swap3A_329 = arith.constant 496 : index
    %swap3A_330 = tpu.vector_load %arg13[%swap3A_329] {strides = array<i32>} : memref<512xi32, #tpu.memory_space<vmem>>, vector<16xi32>,
    %swap3A_331 = vector.shape_cast %swap3A_330 : vector<16xi32> to vector<16xi32>
    %swap3A_332 = vector.shape_cast %add3A_328 : vector<16xi32> to vector<16xi32>
    tpu.vector_store %arg13[%swap3A_329], %swap3A_332 {strides = array<i32>} : memref<512xi32, #tpu.memory_space<vmem>>, vector<16xi32>,
    %get3A_333 = arith.constant 0 : index
    %get3A_334 = tpu.vector_load %arg30[%get3A_333] {strides = array<i32>} : memref<128xf32, #tpu.memory_space<vmem>>, vector<16xf32>,
    %get3A_335 = vector.shape_cast %get3A_334 : vector<16xf32> to vector<16xf32>
    %get3A_336 = arith.constant 16 : index
    %get3A_337 = tpu.vector_load %arg30[%get3A_336] {strides = array<i32>} : memref<128xf32, #tpu.memory_space<vmem>>, vector<16xf32>,
    %get3A_338 = vector.shape_cast %get3A_337 : vector<16xf32> to vector<16xf32>
    %get3A_339 = arith.constant 32 : index
    %get3A_340 = tpu.vector_load %arg30[%get3A_339] {strides = array<i32>} : memref<128xf32, #tpu.memory_space<vmem>>, vector<16xf32>,
    %get3A_341 = vector.shape_cast %get3A_340 : vector<16xf32> to vector<16xf32>
    %get3A_342 = arith.constant 48 : index
    %get3A_343 = tpu.vector_load %arg30[%get3A_342] {strides = array<i32>} : memref<128xf32, #tpu.memory_space<vmem>>, vector<16xf32>,
    %get3A_344 = vector.shape_cast %get3A_343 : vector<16xf32> to vector<16xf32>
    %get3A_345 = arith.constant 64 : index
    %get3A_346 = tpu.vector_load %arg30[%get3A_345] {strides = array<i32>} : memref<128xf32, #tpu.memory_space<vmem>>, vector<16xf32>,
    %get3A_347 = vector.shape_cast %get3A_346 : vector<16xf32> to vector<16xf32>
    %get3A_348 = arith.constant 80 : index
    %get3A_349 = tpu.vector_load %arg30[%get3A_348] {strides = array<i32>} : memref<128xf32, #tpu.memory_space<vmem>>, vector<16xf32>,
    %get3A_350 = vector.shape_cast %get3A_349 : vector<16xf32> to vector<16xf32>
    %get3A_351 = arith.constant 96 : index
    %get3A_352 = tpu.vector_load %arg30[%get3A_351] {strides = array<i32>} : memref<128xf32, #tpu.memory_space<vmem>>, vector<16xf32>,
    %get3A_353 = vector.shape_cast %get3A_352 : vector<16xf32> to vector<16xf32>
    %get3A_354 = arith.constant 112 : index
    %get3A_355 = tpu.vector_load %arg30[%get3A_354] {strides = array<i32>} : memref<128xf32, #tpu.memory_space<vmem>>, vector<16xf32>,
    %get3A_356 = vector.shape_cast %get3A_355 : vector<16xf32> to vector<16xf32>
    %eq3A_357 = arith.constant 0 : i32
    %eq3A_358 = arith.cmpi eq, %arg1, %eq3A_357 : i32
    %convert_element_type3A_359 = arith.extui %eq3A_358 : i1 to i32
    %cond3A_360 = arith.constant 0 : i32
    %cond3A_361 = arith.cmpi ne, %convert_element_type3A_359, %cond3A_360 : i32
    scf.if %cond3A_361 {
      tpu.wait_dma2 semaphore(%arg32 : memref<!tpu.dma_semaphore, #tpu.memory_space<semaphore_mem>>) src(%arg5 : memref<201x128xf32, #tpu.memory_space<hbm>>) dst(%arg10 : memref<201x128xf32, #tpu.memory_space<vmem_shared>>)
      tpu.wait_dma2 semaphore(%arg32 : memref<!tpu.dma_semaphore, #tpu.memory_space<semaphore_mem>>) src(%arg6 : memref<101x128xf32, #tpu.memory_space<hbm>>) dst(%arg11 : memref<101x128xf32, #tpu.memory_space<vmem_shared>>)
      tpu.wait_dma2 semaphore(%arg32 : memref<!tpu.dma_semaphore, #tpu.memory_space<semaphore_mem>>) src(%arg7 : memref<1000x128xf32, #tpu.memory_space<hbm>>) dst(%arg12 : memref<1000x128xf32, #tpu.memory_space<vmem_shared>>)
    } else {
    }
    %barrier3A = arith.constant 0 : index
    tpu.barrier barrier_id(%barrier3A)
    %dma_start3A_362 = arith.constant 0 : i32
    %dma_start3A_363 = tpu.memref_slice %arg13[%dma_start3A_362] : memref<512xi32, #tpu.memory_space<vmem>> -> memref<64xi32, #tpu.memory_space<vmem>>
    %dma_start3A_364 = arith.constant 0 : i32
    %dma_start3A_365 = arith.constant 0 : i32
    %dma_start3A_366 = tpu.memref_slice %arg10[%dma_start3A_364, %dma_start3A_365] : memref<201x128xf32, #tpu.memory_space<vmem_shared>> -> memref<201x128xf32, #tpu.memory_space<vmem_shared>>
    tpu.enqueue_indirect_dma source(%dma_start3A_366 : memref<201x128xf32, #tpu.memory_space<vmem_shared>>) target(%arg16 : memref<64x128xf32, #tpu.memory_space<vmem>>) offsets(%dma_start3A_363 : memref<64xi32, #tpu.memory_space<vmem>>) semaphore(%arg33 : memref<!tpu.dma_semaphore, #tpu.memory_space<semaphore_mem>>)
    %dma_start3A_367 = arith.constant 0 : i32
    %dma_start3A_368 = tpu.memref_slice %arg14[%dma_start3A_367] : memref<512xi32, #tpu.memory_space<vmem>> -> memref<64xi32, #tpu.memory_space<vmem>>
    %dma_start3A_369 = arith.constant 0 : i32
    %dma_start3A_370 = arith.constant 0 : i32
    %dma_start3A_371 = tpu.memref_slice %arg11[%dma_start3A_369, %dma_start3A_370] : memref<101x128xf32, #tpu.memory_space<vmem_shared>> -> memref<101x128xf32, #tpu.memory_space<vmem_shared>>
    tpu.enqueue_indirect_dma source(%dma_start3A_371 : memref<101x128xf32, #tpu.memory_space<vmem_shared>>) target(%arg17 : memref<64x128xf32, #tpu.memory_space<vmem>>) offsets(%dma_start3A_368 : memref<64xi32, #tpu.memory_space<vmem>>) semaphore(%arg33 : memref<!tpu.dma_semaphore, #tpu.memory_space<semaphore_mem>>)
    %dma_start3A_372 = arith.constant 0 : i32
    %dma_start3A_373 = tpu.memref_slice %arg15[%dma_start3A_372] : memref<512xi32, #tpu.memory_space<vmem>> -> memref<64xi32, #tpu.memory_space<vmem>>
    %dma_start3A_374 = arith.constant 0 : i32
    %dma_start3A_375 = arith.constant 0 : i32
    %dma_start3A_376 = tpu.memref_slice %arg12[%dma_start3A_374, %dma_start3A_375] : memref<1000x128xf32, #tpu.memory_space<vmem_shared>> -> memref<1000x128xf32, #tpu.memory_space<vmem_shared>>
    tpu.enqueue_indirect_dma source(%dma_start3A_376 : memref<1000x128xf32, #tpu.memory_space<vmem_shared>>) target(%arg18 : memref<64x128xf32, #tpu.memory_space<vmem>>) offsets(%dma_start3A_373 : memref<64xi32, #tpu.memory_space<vmem>>) semaphore(%arg33 : memref<!tpu.dma_semaphore, #tpu.memory_space<semaphore_mem>>)
    %dma_start3A_377 = arith.constant 64 : i32
    %dma_start3A_378 = tpu.memref_slice %arg13[%dma_start3A_377] : memref<512xi32, #tpu.memory_space<vmem>> -> memref<64xi32, #tpu.memory_space<vmem>>
    %dma_start3A_379 = arith.constant 0 : i32
    %dma_start3A_380 = arith.constant 0 : i32
    %dma_start3A_381 = tpu.memref_slice %arg10[%dma_start3A_379, %dma_start3A_380] : memref<201x128xf32, #tpu.memory_space<vmem_shared>> -> memref<201x128xf32, #tpu.memory_space<vmem_shared>>
    tpu.enqueue_indirect_dma source(%dma_start3A_381 : memref<201x128xf32, #tpu.memory_space<vmem_shared>>) target(%arg19 : memref<64x128xf32, #tpu.memory_space<vmem>>) offsets(%dma_start3A_378 : memref<64xi32, #tpu.memory_space<vmem>>) semaphore(%arg34 : memref<!tpu.dma_semaphore, #tpu.memory_space<semaphore_mem>>)
    %dma_start3A_382 = arith.constant 64 : i32
    %dma_start3A_383 = tpu.memref_slice %arg14[%dma_start3A_382] : memref<512xi32, #tpu.memory_space<vmem>> -> memref<64xi32, #tpu.memory_space<vmem>>
    %dma_start3A_384 = arith.constant 0 : i32
    %dma_start3A_385 = arith.constant 0 : i32
    %dma_start3A_386 = tpu.memref_slice %arg11[%dma_start3A_384, %dma_start3A_385] : memref<101x128xf32, #tpu.memory_space<vmem_shared>> -> memref<101x128xf32, #tpu.memory_space<vmem_shared>>
    tpu.enqueue_indirect_dma source(%dma_start3A_386 : memref<101x128xf32, #tpu.memory_space<vmem_shared>>) target(%arg20 : memref<64x128xf32, #tpu.memory_space<vmem>>) offsets(%dma_start3A_383 : memref<64xi32, #tpu.memory_space<vmem>>) semaphore(%arg34 : memref<!tpu.dma_semaphore, #tpu.memory_space<semaphore_mem>>)
    %dma_start3A_387 = arith.constant 64 : i32
    %dma_start3A_388 = tpu.memref_slice %arg15[%dma_start3A_387] : memref<512xi32, #tpu.memory_space<vmem>> -> memref<64xi32, #tpu.memory_space<vmem>>
    %dma_start3A_389 = arith.constant 0 : i32
    %dma_start3A_390 = arith.constant 0 : i32
    %dma_start3A_391 = tpu.memref_slice %arg12[%dma_start3A_389, %dma_start3A_390] : memref<1000x128xf32, #tpu.memory_space<vmem_shared>> -> memref<1000x128xf32, #tpu.memory_space<vmem_shared>>
    tpu.enqueue_indirect_dma source(%dma_start3A_391 : memref<1000x128xf32, #tpu.memory_space<vmem_shared>>) target(%arg21 : memref<64x128xf32, #tpu.memory_space<vmem>>) offsets(%dma_start3A_388 : memref<64xi32, #tpu.memory_space<vmem>>) semaphore(%arg34 : memref<!tpu.dma_semaphore, #tpu.memory_space<semaphore_mem>>)
    %dma_start3A_392 = arith.constant 128 : i32
    %dma_start3A_393 = tpu.memref_slice %arg13[%dma_start3A_392] : memref<512xi32, #tpu.memory_space<vmem>> -> memref<64xi32, #tpu.memory_space<vmem>>
    %dma_start3A_394 = arith.constant 0 : i32
    %dma_start3A_395 = arith.constant 0 : i32
    %dma_start3A_396 = tpu.memref_slice %arg10[%dma_start3A_394, %dma_start3A_395] : memref<201x128xf32, #tpu.memory_space<vmem_shared>> -> memref<201x128xf32, #tpu.memory_space<vmem_shared>>
    tpu.enqueue_indirect_dma source(%dma_start3A_396 : memref<201x128xf32, #tpu.memory_space<vmem_shared>>) target(%arg22 : memref<64x128xf32, #tpu.memory_space<vmem>>) offsets(%dma_start3A_393 : memref<64xi32, #tpu.memory_space<vmem>>) semaphore(%arg35 : memref<!tpu.dma_semaphore, #tpu.memory_space<semaphore_mem>>)
    %dma_start3A_397 = arith.constant 128 : i32
    %dma_start3A_398 = tpu.memref_slice %arg14[%dma_start3A_397] : memref<512xi32, #tpu.memory_space<vmem>> -> memref<64xi32, #tpu.memory_space<vmem>>
    %dma_start3A_399 = arith.constant 0 : i32
    %dma_start3A_400 = arith.constant 0 : i32
    %dma_start3A_401 = tpu.memref_slice %arg11[%dma_start3A_399, %dma_start3A_400] : memref<101x128xf32, #tpu.memory_space<vmem_shared>> -> memref<101x128xf32, #tpu.memory_space<vmem_shared>>
    tpu.enqueue_indirect_dma source(%dma_start3A_401 : memref<101x128xf32, #tpu.memory_space<vmem_shared>>) target(%arg23 : memref<64x128xf32, #tpu.memory_space<vmem>>) offsets(%dma_start3A_398 : memref<64xi32, #tpu.memory_space<vmem>>) semaphore(%arg35 : memref<!tpu.dma_semaphore, #tpu.memory_space<semaphore_mem>>)
    %dma_start3A_402 = arith.constant 128 : i32
    %dma_start3A_403 = tpu.memref_slice %arg15[%dma_start3A_402] : memref<512xi32, #tpu.memory_space<vmem>> -> memref<64xi32, #tpu.memory_space<vmem>>
    %dma_start3A_404 = arith.constant 0 : i32
    %dma_start3A_405 = arith.constant 0 : i32
    %dma_start3A_406 = tpu.memref_slice %arg12[%dma_start3A_404, %dma_start3A_405] : memref<1000x128xf32, #tpu.memory_space<vmem_shared>> -> memref<1000x128xf32, #tpu.memory_space<vmem_shared>>
    tpu.enqueue_indirect_dma source(%dma_start3A_406 : memref<1000x128xf32, #tpu.memory_space<vmem_shared>>) target(%arg24 : memref<64x128xf32, #tpu.memory_space<vmem>>) offsets(%dma_start3A_403 : memref<64xi32, #tpu.memory_space<vmem>>) semaphore(%arg35 : memref<!tpu.dma_semaphore, #tpu.memory_space<semaphore_mem>>)
    %dma_wait3A_407 = arith.constant 0 : i32
    %dma_wait3A_408 = tpu.memref_slice %arg13[%dma_wait3A_407] : memref<512xi32, #tpu.memory_space<vmem>> -> memref<64xi32, #tpu.memory_space<vmem>>
    %dma_wait3A_409 = arith.constant 0 : i32
    %dma_wait3A_410 = arith.constant 0 : i32
    %dma_wait3A_411 = tpu.memref_slice %arg10[%dma_wait3A_409, %dma_wait3A_410] : memref<201x128xf32, #tpu.memory_space<vmem_shared>> -> memref<201x128xf32, #tpu.memory_space<vmem_shared>>
    tpu.wait_indirect_dma semaphore(%arg33 : memref<!tpu.dma_semaphore, #tpu.memory_space<semaphore_mem>>) src(%dma_wait3A_411 : memref<201x128xf32, #tpu.memory_space<vmem_shared>>) dst(%arg16 : memref<64x128xf32, #tpu.memory_space<vmem>>)
    %dma_wait3A_412 = arith.constant 0 : i32
    %dma_wait3A_413 = tpu.memref_slice %arg14[%dma_wait3A_412] : memref<512xi32, #tpu.memory_space<vmem>> -> memref<64xi32, #tpu.memory_space<vmem>>
    %dma_wait3A_414 = arith.constant 0 : i32
    %dma_wait3A_415 = arith.constant 0 : i32
    %dma_wait3A_416 = tpu.memref_slice %arg11[%dma_wait3A_414, %dma_wait3A_415] : memref<101x128xf32, #tpu.memory_space<vmem_shared>> -> memref<101x128xf32, #tpu.memory_space<vmem_shared>>
    tpu.wait_indirect_dma semaphore(%arg33 : memref<!tpu.dma_semaphore, #tpu.memory_space<semaphore_mem>>) src(%dma_wait3A_416 : memref<101x128xf32, #tpu.memory_space<vmem_shared>>) dst(%arg17 : memref<64x128xf32, #tpu.memory_space<vmem>>)
    %dma_wait3A_417 = arith.constant 0 : i32
    %dma_wait3A_418 = tpu.memref_slice %arg15[%dma_wait3A_417] : memref<512xi32, #tpu.memory_space<vmem>> -> memref<64xi32, #tpu.memory_space<vmem>>
    %dma_wait3A_419 = arith.constant 0 : i32
    %dma_wait3A_420 = arith.constant 0 : i32
    %dma_wait3A_421 = tpu.memref_slice %arg12[%dma_wait3A_419, %dma_wait3A_420] : memref<1000x128xf32, #tpu.memory_space<vmem_shared>> -> memref<1000x128xf32, #tpu.memory_space<vmem_shared>>
    tpu.wait_indirect_dma semaphore(%arg33 : memref<!tpu.dma_semaphore, #tpu.memory_space<semaphore_mem>>) src(%dma_wait3A_421 : memref<1000x128xf32, #tpu.memory_space<vmem_shared>>) dst(%arg18 : memref<64x128xf32, #tpu.memory_space<vmem>>)
    %scan3A = arith.constant 0 : i32
    %scan3A_422 = arith.constant 0 : i32
    %scan3A_423 = arith.constant 64 : i32
    %scan3A_424 = arith.addi %scan3A_422, %scan3A_423 : i32
    %scan3A_425 = arith.constant 1 : i32
    scf.for %scan3A_729 = %scan3A_422 to %scan3A_424 step %scan3A_425  : i32 {
      %get3A_730 = arith.index_cast %scan3A_729 : i32 to index
      %get3A_731 = arith.constant 0 : index
      %get3A_732 = tpu.vector_load %arg16[%get3A_730, %get3A_731] {strides = array<i32>} : memref<64x128xf32, #tpu.memory_space<vmem>>, vector<1x16xf32>,
      %get3A_733 = vector.shape_cast %get3A_732 : vector<1x16xf32> to vector<16xf32>
      %get3A_734 = arith.index_cast %scan3A_729 : i32 to index
      %get3A_735 = arith.constant 0 : index
      %get3A_736 = tpu.vector_load %arg17[%get3A_734, %get3A_735] {strides = array<i32>} : memref<64x128xf32, #tpu.memory_space<vmem>>, vector<1x16xf32>,
      %get3A_737 = vector.shape_cast %get3A_736 : vector<1x16xf32> to vector<16xf32>
      %add3A_738 = arith.addf %get3A_733, %get3A_737 : vector<16xf32>
      %get3A_739 = arith.index_cast %scan3A_729 : i32 to index
      %get3A_740 = arith.constant 0 : index
      %get3A_741 = tpu.vector_load %arg18[%get3A_739, %get3A_740] {strides = array<i32>} : memref<64x128xf32, #tpu.memory_space<vmem>>, vector<1x16xf32>,
      %get3A_742 = vector.shape_cast %get3A_741 : vector<1x16xf32> to vector<16xf32>
      %add3A_743 = arith.addf %add3A_738, %get3A_742 : vector<16xf32>
      %add3A_744 = arith.addf %add3A_743, %get3A_335 : vector<16xf32>
      %neg3A = arith.constant 0.000000e+00 : f32
      %neg3A_745 = vector.broadcast %neg3A : f32 to vector<16xf32>
      %neg3A_746 = arith.subf %neg3A_745, %add3A_744 : vector<16xf32>
      %exp3A = math.exp %neg3A_746 : vector<16xf32>
      %add3A_747 = arith.constant 1.000000e+00 : f32
      %add3A_748 = vector.broadcast %add3A_747 : f32 to vector<16xf32>
      %add3A_749 = arith.addf %add3A_748, %exp3A : vector<16xf32>
      %div3A = arith.divf %add3A_744, %add3A_749 : vector<16xf32>
      %swap3A_750 = arith.index_cast %scan3A_729 : i32 to index
      %swap3A_751 = arith.constant 0 : index
      %swap3A_752 = tpu.vector_load %arg28[%swap3A_750, %swap3A_751] {strides = array<i32>} : memref<64x128xf32, #tpu.memory_space<vmem>>, vector<1x16xf32>,
      %swap3A_753 = vector.shape_cast %swap3A_752 : vector<1x16xf32> to vector<16xf32>
      %swap3A_754 = vector.shape_cast %div3A : vector<16xf32> to vector<1x16xf32>
      tpu.vector_store %arg28[%swap3A_750, %swap3A_751], %swap3A_754 {strides = array<i32>} : memref<64x128xf32, #tpu.memory_space<vmem>>, vector<1x16xf32>,
      %get3A_755 = arith.index_cast %scan3A_729 : i32 to index
      %get3A_756 = arith.constant 16 : index
      %get3A_757 = tpu.vector_load %arg16[%get3A_755, %get3A_756] {strides = array<i32>} : memref<64x128xf32, #tpu.memory_space<vmem>>, vector<1x16xf32>,
      %get3A_758 = vector.shape_cast %get3A_757 : vector<1x16xf32> to vector<16xf32>
      %get3A_759 = arith.index_cast %scan3A_729 : i32 to index
      %get3A_760 = arith.constant 16 : index
      %get3A_761 = tpu.vector_load %arg17[%get3A_759, %get3A_760] {strides = array<i32>} : memref<64x128xf32, #tpu.memory_space<vmem>>, vector<1x16xf32>,
      %get3A_762 = vector.shape_cast %get3A_761 : vector<1x16xf32> to vector<16xf32>
      %add3A_763 = arith.addf %get3A_758, %get3A_762 : vector<16xf32>
      %get3A_764 = arith.index_cast %scan3A_729 : i32 to index
      %get3A_765 = arith.constant 16 : index
      %get3A_766 = tpu.vector_load %arg18[%get3A_764, %get3A_765] {strides = array<i32>} : memref<64x128xf32, #tpu.memory_space<vmem>>, vector<1x16xf32>,
      %get3A_767 = vector.shape_cast %get3A_766 : vector<1x16xf32> to vector<16xf32>
      %add3A_768 = arith.addf %add3A_763, %get3A_767 : vector<16xf32>
      %add3A_769 = arith.addf %add3A_768, %get3A_338 : vector<16xf32>
      %neg3A_770 = arith.constant 0.000000e+00 : f32
      %neg3A_771 = vector.broadcast %neg3A_770 : f32 to vector<16xf32>
      %neg3A_772 = arith.subf %neg3A_771, %add3A_769 : vector<16xf32>
      %exp3A_773 = math.exp %neg3A_772 : vector<16xf32>
      %add3A_774 = arith.constant 1.000000e+00 : f32
      %add3A_775 = vector.broadcast %add3A_774 : f32 to vector<16xf32>
      %add3A_776 = arith.addf %add3A_775, %exp3A_773 : vector<16xf32>
      %div3A_777 = arith.divf %add3A_769, %add3A_776 : vector<16xf32>
      %swap3A_778 = arith.index_cast %scan3A_729 : i32 to index
      %swap3A_779 = arith.constant 16 : index
      %swap3A_780 = tpu.vector_load %arg28[%swap3A_778, %swap3A_779] {strides = array<i32>} : memref<64x128xf32, #tpu.memory_space<vmem>>, vector<1x16xf32>,
      %swap3A_781 = vector.shape_cast %swap3A_780 : vector<1x16xf32> to vector<16xf32>
      %swap3A_782 = vector.shape_cast %div3A_777 : vector<16xf32> to vector<1x16xf32>
      tpu.vector_store %arg28[%swap3A_778, %swap3A_779], %swap3A_782 {strides = array<i32>} : memref<64x128xf32, #tpu.memory_space<vmem>>, vector<1x16xf32>,
      %get3A_783 = arith.index_cast %scan3A_729 : i32 to index
      %get3A_784 = arith.constant 32 : index
      %get3A_785 = tpu.vector_load %arg16[%get3A_783, %get3A_784] {strides = array<i32>} : memref<64x128xf32, #tpu.memory_space<vmem>>, vector<1x16xf32>,
      %get3A_786 = vector.shape_cast %get3A_785 : vector<1x16xf32> to vector<16xf32>
      %get3A_787 = arith.index_cast %scan3A_729 : i32 to index
      %get3A_788 = arith.constant 32 : index
      %get3A_789 = tpu.vector_load %arg17[%get3A_787, %get3A_788] {strides = array<i32>} : memref<64x128xf32, #tpu.memory_space<vmem>>, vector<1x16xf32>,
      %get3A_790 = vector.shape_cast %get3A_789 : vector<1x16xf32> to vector<16xf32>
      %add3A_791 = arith.addf %get3A_786, %get3A_790 : vector<16xf32>
      %get3A_792 = arith.index_cast %scan3A_729 : i32 to index
      %get3A_793 = arith.constant 32 : index
      %get3A_794 = tpu.vector_load %arg18[%get3A_792, %get3A_793] {strides = array<i32>} : memref<64x128xf32, #tpu.memory_space<vmem>>, vector<1x16xf32>,
      %get3A_795 = vector.shape_cast %get3A_794 : vector<1x16xf32> to vector<16xf32>
      %add3A_796 = arith.addf %add3A_791, %get3A_795 : vector<16xf32>
      %add3A_797 = arith.addf %add3A_796, %get3A_341 : vector<16xf32>
      %neg3A_798 = arith.constant 0.000000e+00 : f32
      %neg3A_799 = vector.broadcast %neg3A_798 : f32 to vector<16xf32>
      %neg3A_800 = arith.subf %neg3A_799, %add3A_797 : vector<16xf32>
      %exp3A_801 = math.exp %neg3A_800 : vector<16xf32>
      %add3A_802 = arith.constant 1.000000e+00 : f32
      %add3A_803 = vector.broadcast %add3A_802 : f32 to vector<16xf32>
      %add3A_804 = arith.addf %add3A_803, %exp3A_801 : vector<16xf32>
      %div3A_805 = arith.divf %add3A_797, %add3A_804 : vector<16xf32>
      %swap3A_806 = arith.index_cast %scan3A_729 : i32 to index
      %swap3A_807 = arith.constant 32 : index
      %swap3A_808 = tpu.vector_load %arg28[%swap3A_806, %swap3A_807] {strides = array<i32>} : memref<64x128xf32, #tpu.memory_space<vmem>>, vector<1x16xf32>,
      %swap3A_809 = vector.shape_cast %swap3A_808 : vector<1x16xf32> to vector<16xf32>
      %swap3A_810 = vector.shape_cast %div3A_805 : vector<16xf32> to vector<1x16xf32>
      tpu.vector_store %arg28[%swap3A_806, %swap3A_807], %swap3A_810 {strides = array<i32>} : memref<64x128xf32, #tpu.memory_space<vmem>>, vector<1x16xf32>,
      %get3A_811 = arith.index_cast %scan3A_729 : i32 to index
      %get3A_812 = arith.constant 48 : index
      %get3A_813 = tpu.vector_load %arg16[%get3A_811, %get3A_812] {strides = array<i32>} : memref<64x128xf32, #tpu.memory_space<vmem>>, vector<1x16xf32>,
      %get3A_814 = vector.shape_cast %get3A_813 : vector<1x16xf32> to vector<16xf32>
      %get3A_815 = arith.index_cast %scan3A_729 : i32 to index
      %get3A_816 = arith.constant 48 : index
      %get3A_817 = tpu.vector_load %arg17[%get3A_815, %get3A_816] {strides = array<i32>} : memref<64x128xf32, #tpu.memory_space<vmem>>, vector<1x16xf32>,
      %get3A_818 = vector.shape_cast %get3A_817 : vector<1x16xf32> to vector<16xf32>
      %add3A_819 = arith.addf %get3A_814, %get3A_818 : vector<16xf32>
      %get3A_820 = arith.index_cast %scan3A_729 : i32 to index
      %get3A_821 = arith.constant 48 : index
      %get3A_822 = tpu.vector_load %arg18[%get3A_820, %get3A_821] {strides = array<i32>} : memref<64x128xf32, #tpu.memory_space<vmem>>, vector<1x16xf32>,
      %get3A_823 = vector.shape_cast %get3A_822 : vector<1x16xf32> to vector<16xf32>
      %add3A_824 = arith.addf %add3A_819, %get3A_823 : vector<16xf32>
      %add3A_825 = arith.addf %add3A_824, %get3A_344 : vector<16xf32>
      %neg3A_826 = arith.constant 0.000000e+00 : f32
      %neg3A_827 = vector.broadcast %neg3A_826 : f32 to vector<16xf32>
      %neg3A_828 = arith.subf %neg3A_827, %add3A_825 : vector<16xf32>
      %exp3A_829 = math.exp %neg3A_828 : vector<16xf32>
      %add3A_830 = arith.constant 1.000000e+00 : f32
      %add3A_831 = vector.broadcast %add3A_830 : f32 to vector<16xf32>
      %add3A_832 = arith.addf %add3A_831, %exp3A_829 : vector<16xf32>
      %div3A_833 = arith.divf %add3A_825, %add3A_832 : vector<16xf32>
      %swap3A_834 = arith.index_cast %scan3A_729 : i32 to index
      %swap3A_835 = arith.constant 48 : index
      %swap3A_836 = tpu.vector_load %arg28[%swap3A_834, %swap3A_835] {strides = array<i32>} : memref<64x128xf32, #tpu.memory_space<vmem>>, vector<1x16xf32>,
      %swap3A_837 = vector.shape_cast %swap3A_836 : vector<1x16xf32> to vector<16xf32>
      %swap3A_838 = vector.shape_cast %div3A_833 : vector<16xf32> to vector<1x16xf32>
      tpu.vector_store %arg28[%swap3A_834, %swap3A_835], %swap3A_838 {strides = array<i32>} : memref<64x128xf32, #tpu.memory_space<vmem>>, vector<1x16xf32>,
      %get3A_839 = arith.index_cast %scan3A_729 : i32 to index
      %get3A_840 = arith.constant 64 : index
      %get3A_841 = tpu.vector_load %arg16[%get3A_839, %get3A_840] {strides = array<i32>} : memref<64x128xf32, #tpu.memory_space<vmem>>, vector<1x16xf32>,
      %get3A_842 = vector.shape_cast %get3A_841 : vector<1x16xf32> to vector<16xf32>
      %get3A_843 = arith.index_cast %scan3A_729 : i32 to index
      %get3A_844 = arith.constant 64 : index
      %get3A_845 = tpu.vector_load %arg17[%get3A_843, %get3A_844] {strides = array<i32>} : memref<64x128xf32, #tpu.memory_space<vmem>>, vector<1x16xf32>,
      %get3A_846 = vector.shape_cast %get3A_845 : vector<1x16xf32> to vector<16xf32>
      %add3A_847 = arith.addf %get3A_842, %get3A_846 : vector<16xf32>
      %get3A_848 = arith.index_cast %scan3A_729 : i32 to index
      %get3A_849 = arith.constant 64 : index
      %get3A_850 = tpu.vector_load %arg18[%get3A_848, %get3A_849] {strides = array<i32>} : memref<64x128xf32, #tpu.memory_space<vmem>>, vector<1x16xf32>,
      %get3A_851 = vector.shape_cast %get3A_850 : vector<1x16xf32> to vector<16xf32>
      %add3A_852 = arith.addf %add3A_847, %get3A_851 : vector<16xf32>
      %add3A_853 = arith.addf %add3A_852, %get3A_347 : vector<16xf32>
      %neg3A_854 = arith.constant 0.000000e+00 : f32
      %neg3A_855 = vector.broadcast %neg3A_854 : f32 to vector<16xf32>
      %neg3A_856 = arith.subf %neg3A_855, %add3A_853 : vector<16xf32>
      %exp3A_857 = math.exp %neg3A_856 : vector<16xf32>
      %add3A_858 = arith.constant 1.000000e+00 : f32
      %add3A_859 = vector.broadcast %add3A_858 : f32 to vector<16xf32>
      %add3A_860 = arith.addf %add3A_859, %exp3A_857 : vector<16xf32>
      %div3A_861 = arith.divf %add3A_853, %add3A_860 : vector<16xf32>
      %swap3A_862 = arith.index_cast %scan3A_729 : i32 to index
      %swap3A_863 = arith.constant 64 : index
      %swap3A_864 = tpu.vector_load %arg28[%swap3A_862, %swap3A_863] {strides = array<i32>} : memref<64x128xf32, #tpu.memory_space<vmem>>, vector<1x16xf32>,
      %swap3A_865 = vector.shape_cast %swap3A_864 : vector<1x16xf32> to vector<16xf32>
      %swap3A_866 = vector.shape_cast %div3A_861 : vector<16xf32> to vector<1x16xf32>
      tpu.vector_store %arg28[%swap3A_862, %swap3A_863], %swap3A_866 {strides = array<i32>} : memref<64x128xf32, #tpu.memory_space<vmem>>, vector<1x16xf32>,
      %get3A_867 = arith.index_cast %scan3A_729 : i32 to index
      %get3A_868 = arith.constant 80 : index
      %get3A_869 = tpu.vector_load %arg16[%get3A_867, %get3A_868] {strides = array<i32>} : memref<64x128xf32, #tpu.memory_space<vmem>>, vector<1x16xf32>,
      %get3A_870 = vector.shape_cast %get3A_869 : vector<1x16xf32> to vector<16xf32>
      %get3A_871 = arith.index_cast %scan3A_729 : i32 to index
      %get3A_872 = arith.constant 80 : index
      %get3A_873 = tpu.vector_load %arg17[%get3A_871, %get3A_872] {strides = array<i32>} : memref<64x128xf32, #tpu.memory_space<vmem>>, vector<1x16xf32>,
      %get3A_874 = vector.shape_cast %get3A_873 : vector<1x16xf32> to vector<16xf32>
      %add3A_875 = arith.addf %get3A_870, %get3A_874 : vector<16xf32>
      %get3A_876 = arith.index_cast %scan3A_729 : i32 to index
      %get3A_877 = arith.constant 80 : index
      %get3A_878 = tpu.vector_load %arg18[%get3A_876, %get3A_877] {strides = array<i32>} : memref<64x128xf32, #tpu.memory_space<vmem>>, vector<1x16xf32>,
      %get3A_879 = vector.shape_cast %get3A_878 : vector<1x16xf32> to vector<16xf32>
      %add3A_880 = arith.addf %add3A_875, %get3A_879 : vector<16xf32>
      %add3A_881 = arith.addf %add3A_880, %get3A_350 : vector<16xf32>
      %neg3A_882 = arith.constant 0.000000e+00 : f32
      %neg3A_883 = vector.broadcast %neg3A_882 : f32 to vector<16xf32>
      %neg3A_884 = arith.subf %neg3A_883, %add3A_881 : vector<16xf32>
      %exp3A_885 = math.exp %neg3A_884 : vector<16xf32>
      %add3A_886 = arith.constant 1.000000e+00 : f32
      %add3A_887 = vector.broadcast %add3A_886 : f32 to vector<16xf32>
      %add3A_888 = arith.addf %add3A_887, %exp3A_885 : vector<16xf32>
      %div3A_889 = arith.divf %add3A_881, %add3A_888 : vector<16xf32>
      %swap3A_890 = arith.index_cast %scan3A_729 : i32 to index
      %swap3A_891 = arith.constant 80 : index
      %swap3A_892 = tpu.vector_load %arg28[%swap3A_890, %swap3A_891] {strides = array<i32>} : memref<64x128xf32, #tpu.memory_space<vmem>>, vector<1x16xf32>,
      %swap3A_893 = vector.shape_cast %swap3A_892 : vector<1x16xf32> to vector<16xf32>
      %swap3A_894 = vector.shape_cast %div3A_889 : vector<16xf32> to vector<1x16xf32>
      tpu.vector_store %arg28[%swap3A_890, %swap3A_891], %swap3A_894 {strides = array<i32>} : memref<64x128xf32, #tpu.memory_space<vmem>>, vector<1x16xf32>,
      %get3A_895 = arith.index_cast %scan3A_729 : i32 to index
      %get3A_896 = arith.constant 96 : index
      %get3A_897 = tpu.vector_load %arg16[%get3A_895, %get3A_896] {strides = array<i32>} : memref<64x128xf32, #tpu.memory_space<vmem>>, vector<1x16xf32>,
      %get3A_898 = vector.shape_cast %get3A_897 : vector<1x16xf32> to vector<16xf32>
      %get3A_899 = arith.index_cast %scan3A_729 : i32 to index
      %get3A_900 = arith.constant 96 : index
      %get3A_901 = tpu.vector_load %arg17[%get3A_899, %get3A_900] {strides = array<i32>} : memref<64x128xf32, #tpu.memory_space<vmem>>, vector<1x16xf32>,
      %get3A_902 = vector.shape_cast %get3A_901 : vector<1x16xf32> to vector<16xf32>
      %add3A_903 = arith.addf %get3A_898, %get3A_902 : vector<16xf32>
      %get3A_904 = arith.index_cast %scan3A_729 : i32 to index
      %get3A_905 = arith.constant 96 : index
      %get3A_906 = tpu.vector_load %arg18[%get3A_904, %get3A_905] {strides = array<i32>} : memref<64x128xf32, #tpu.memory_space<vmem>>, vector<1x16xf32>,
      %get3A_907 = vector.shape_cast %get3A_906 : vector<1x16xf32> to vector<16xf32>
      %add3A_908 = arith.addf %add3A_903, %get3A_907 : vector<16xf32>
      %add3A_909 = arith.addf %add3A_908, %get3A_353 : vector<16xf32>
      %neg3A_910 = arith.constant 0.000000e+00 : f32
      %neg3A_911 = vector.broadcast %neg3A_910 : f32 to vector<16xf32>
      %neg3A_912 = arith.subf %neg3A_911, %add3A_909 : vector<16xf32>
      %exp3A_913 = math.exp %neg3A_912 : vector<16xf32>
      %add3A_914 = arith.constant 1.000000e+00 : f32
      %add3A_915 = vector.broadcast %add3A_914 : f32 to vector<16xf32>
      %add3A_916 = arith.addf %add3A_915, %exp3A_913 : vector<16xf32>
      %div3A_917 = arith.divf %add3A_909, %add3A_916 : vector<16xf32>
      %swap3A_918 = arith.index_cast %scan3A_729 : i32 to index
      %swap3A_919 = arith.constant 96 : index
      %swap3A_920 = tpu.vector_load %arg28[%swap3A_918, %swap3A_919] {strides = array<i32>} : memref<64x128xf32, #tpu.memory_space<vmem>>, vector<1x16xf32>,
      %swap3A_921 = vector.shape_cast %swap3A_920 : vector<1x16xf32> to vector<16xf32>
      %swap3A_922 = vector.shape_cast %div3A_917 : vector<16xf32> to vector<1x16xf32>
      tpu.vector_store %arg28[%swap3A_918, %swap3A_919], %swap3A_922 {strides = array<i32>} : memref<64x128xf32, #tpu.memory_space<vmem>>, vector<1x16xf32>,
      %get3A_923 = arith.index_cast %scan3A_729 : i32 to index
      %get3A_924 = arith.constant 112 : index
      %get3A_925 = tpu.vector_load %arg16[%get3A_923, %get3A_924] {strides = array<i32>} : memref<64x128xf32, #tpu.memory_space<vmem>>, vector<1x16xf32>,
      %get3A_926 = vector.shape_cast %get3A_925 : vector<1x16xf32> to vector<16xf32>
      %get3A_927 = arith.index_cast %scan3A_729 : i32 to index
      %get3A_928 = arith.constant 112 : index
      %get3A_929 = tpu.vector_load %arg17[%get3A_927, %get3A_928] {strides = array<i32>} : memref<64x128xf32, #tpu.memory_space<vmem>>, vector<1x16xf32>,
      %get3A_930 = vector.shape_cast %get3A_929 : vector<1x16xf32> to vector<16xf32>
      %add3A_931 = arith.addf %get3A_926, %get3A_930 : vector<16xf32>
      %get3A_932 = arith.index_cast %scan3A_729 : i32 to index
      %get3A_933 = arith.constant 112 : index
      %get3A_934 = tpu.vector_load %arg18[%get3A_932, %get3A_933] {strides = array<i32>} : memref<64x128xf32, #tpu.memory_space<vmem>>, vector<1x16xf32>,
      %get3A_935 = vector.shape_cast %get3A_934 : vector<1x16xf32> to vector<16xf32>
      %add3A_936 = arith.addf %add3A_931, %get3A_935 : vector<16xf32>
      %add3A_937 = arith.addf %add3A_936, %get3A_356 : vector<16xf32>
      %neg3A_938 = arith.constant 0.000000e+00 : f32
      %neg3A_939 = vector.broadcast %neg3A_938 : f32 to vector<16xf32>
      %neg3A_940 = arith.subf %neg3A_939, %add3A_937 : vector<16xf32>
      %exp3A_941 = math.exp %neg3A_940 : vector<16xf32>
      %add3A_942 = arith.constant 1.000000e+00 : f32
      %add3A_943 = vector.broadcast %add3A_942 : f32 to vector<16xf32>
      %add3A_944 = arith.addf %add3A_943, %exp3A_941 : vector<16xf32>
      %div3A_945 = arith.divf %add3A_937, %add3A_944 : vector<16xf32>
      %swap3A_946 = arith.index_cast %scan3A_729 : i32 to index
      %swap3A_947 = arith.constant 112 : index
      %swap3A_948 = tpu.vector_load %arg28[%swap3A_946, %swap3A_947] {strides = array<i32>} : memref<64x128xf32, #tpu.memory_space<vmem>>, vector<1x16xf32>,
      %swap3A_949 = vector.shape_cast %swap3A_948 : vector<1x16xf32> to vector<16xf32>
      %swap3A_950 = vector.shape_cast %div3A_945 : vector<16xf32> to vector<1x16xf32>
      tpu.vector_store %arg28[%swap3A_946, %swap3A_947], %swap3A_950 {strides = array<i32>} : memref<64x128xf32, #tpu.memory_space<vmem>>, vector<1x16xf32>,
    }
    %scan3A_426 = arith.constant 64 : i32
    %dma_start3A_427 = arith.constant 192 : i32
    %dma_start3A_428 = tpu.memref_slice %arg13[%dma_start3A_427] : memref<512xi32, #tpu.memory_space<vmem>> -> memref<64xi32, #tpu.memory_space<vmem>>
    %dma_start3A_429 = arith.constant 0 : i32
    %dma_start3A_430 = arith.constant 0 : i32
    %dma_start3A_431 = tpu.memref_slice %arg10[%dma_start3A_429, %dma_start3A_430] : memref<201x128xf32, #tpu.memory_space<vmem_shared>> -> memref<201x128xf32, #tpu.memory_space<vmem_shared>>
    tpu.enqueue_indirect_dma source(%dma_start3A_431 : memref<201x128xf32, #tpu.memory_space<vmem_shared>>) target(%arg25 : memref<64x128xf32, #tpu.memory_space<vmem>>) offsets(%dma_start3A_428 : memref<64xi32, #tpu.memory_space<vmem>>) semaphore(%arg36 : memref<!tpu.dma_semaphore, #tpu.memory_space<semaphore_mem>>)
    %dma_start3A_432 = arith.constant 192 : i32
    %dma_start3A_433 = tpu.memref_slice %arg14[%dma_start3A_432] : memref<512xi32, #tpu.memory_space<vmem>> -> memref<64xi32, #tpu.memory_space<vmem>>
    %dma_start3A_434 = arith.constant 0 : i32
    %dma_start3A_435 = arith.constant 0 : i32
    %dma_start3A_436 = tpu.memref_slice %arg11[%dma_start3A_434, %dma_start3A_435] : memref<101x128xf32, #tpu.memory_space<vmem_shared>> -> memref<101x128xf32, #tpu.memory_space<vmem_shared>>
    tpu.enqueue_indirect_dma source(%dma_start3A_436 : memref<101x128xf32, #tpu.memory_space<vmem_shared>>) target(%arg26 : memref<64x128xf32, #tpu.memory_space<vmem>>) offsets(%dma_start3A_433 : memref<64xi32, #tpu.memory_space<vmem>>) semaphore(%arg36 : memref<!tpu.dma_semaphore, #tpu.memory_space<semaphore_mem>>)
    %dma_start3A_437 = arith.constant 192 : i32
    %dma_start3A_438 = tpu.memref_slice %arg15[%dma_start3A_437] : memref<512xi32, #tpu.memory_space<vmem>> -> memref<64xi32, #tpu.memory_space<vmem>>
    %dma_start3A_439 = arith.constant 0 : i32
    %dma_start3A_440 = arith.constant 0 : i32
    %dma_start3A_441 = tpu.memref_slice %arg12[%dma_start3A_439, %dma_start3A_440] : memref<1000x128xf32, #tpu.memory_space<vmem_shared>> -> memref<1000x128xf32, #tpu.memory_space<vmem_shared>>
    tpu.enqueue_indirect_dma source(%dma_start3A_441 : memref<1000x128xf32, #tpu.memory_space<vmem_shared>>) target(%arg27 : memref<64x128xf32, #tpu.memory_space<vmem>>) offsets(%dma_start3A_438 : memref<64xi32, #tpu.memory_space<vmem>>) semaphore(%arg36 : memref<!tpu.dma_semaphore, #tpu.memory_space<semaphore_mem>>)
    %add3A_442 = arith.constant 0 : i32
    %add3A_443 = arith.addi %mul3A_2, %add3A_442 : i32
    %dma_start3A_444 = arith.constant 0 : i32
    %dma_start3A_445 = tpu.memref_slice %arg9[%add3A_443, %dma_start3A_444] : memref<16384x128xf32, #tpu.memory_space<hbm>> -> memref<64x128xf32, #tpu.memory_space<hbm>>
    %dma_start3A_446 = arith.constant 0 : i32
    %dma_start3A_447 = tpu.memref_slice %arg9[%add3A_443, %dma_start3A_446] : memref<16384x128xf32, #tpu.memory_space<hbm>> -> memref<64x128xf32, #tpu.memory_space<hbm>>
    tpu.enqueue_dma source(%arg28 : memref<64x128xf32, #tpu.memory_space<vmem>>) target(%dma_start3A_447 : memref<64x128xf32, #tpu.memory_space<hbm>>) target_semaphore(%arg37 : memref<!tpu.dma_semaphore, #tpu.memory_space<semaphore_mem>>)
    %dma_wait3A_448 = arith.constant 64 : i32
    %dma_wait3A_449 = tpu.memref_slice %arg13[%dma_wait3A_448] : memref<512xi32, #tpu.memory_space<vmem>> -> memref<64xi32, #tpu.memory_space<vmem>>
    %dma_wait3A_450 = arith.constant 0 : i32
    %dma_wait3A_451 = arith.constant 0 : i32
    %dma_wait3A_452 = tpu.memref_slice %arg10[%dma_wait3A_450, %dma_wait3A_451] : memref<201x128xf32, #tpu.memory_space<vmem_shared>> -> memref<201x128xf32, #tpu.memory_space<vmem_shared>>
    tpu.wait_indirect_dma semaphore(%arg34 : memref<!tpu.dma_semaphore, #tpu.memory_space<semaphore_mem>>) src(%dma_wait3A_452 : memref<201x128xf32, #tpu.memory_space<vmem_shared>>) dst(%arg19 : memref<64x128xf32, #tpu.memory_space<vmem>>)
    %dma_wait3A_453 = arith.constant 64 : i32
    %dma_wait3A_454 = tpu.memref_slice %arg14[%dma_wait3A_453] : memref<512xi32, #tpu.memory_space<vmem>> -> memref<64xi32, #tpu.memory_space<vmem>>
    %dma_wait3A_455 = arith.constant 0 : i32
    %dma_wait3A_456 = arith.constant 0 : i32
    %dma_wait3A_457 = tpu.memref_slice %arg11[%dma_wait3A_455, %dma_wait3A_456] : memref<101x128xf32, #tpu.memory_space<vmem_shared>> -> memref<101x128xf32, #tpu.memory_space<vmem_shared>>
    tpu.wait_indirect_dma semaphore(%arg34 : memref<!tpu.dma_semaphore, #tpu.memory_space<semaphore_mem>>) src(%dma_wait3A_457 : memref<101x128xf32, #tpu.memory_space<vmem_shared>>) dst(%arg20 : memref<64x128xf32, #tpu.memory_space<vmem>>)
    %dma_wait3A_458 = arith.constant 64 : i32
    %dma_wait3A_459 = tpu.memref_slice %arg15[%dma_wait3A_458] : memref<512xi32, #tpu.memory_space<vmem>> -> memref<64xi32, #tpu.memory_space<vmem>>
    %dma_wait3A_460 = arith.constant 0 : i32
    %dma_wait3A_461 = arith.constant 0 : i32
    %dma_wait3A_462 = tpu.memref_slice %arg12[%dma_wait3A_460, %dma_wait3A_461] : memref<1000x128xf32, #tpu.memory_space<vmem_shared>> -> memref<1000x128xf32, #tpu.memory_space<vmem_shared>>
    tpu.wait_indirect_dma semaphore(%arg34 : memref<!tpu.dma_semaphore, #tpu.memory_space<semaphore_mem>>) src(%dma_wait3A_462 : memref<1000x128xf32, #tpu.memory_space<vmem_shared>>) dst(%arg21 : memref<64x128xf32, #tpu.memory_space<vmem>>)
    %scan3A_463 = arith.constant 0 : i32
    %scan3A_464 = arith.constant 0 : i32
    %scan3A_465 = arith.constant 64 : i32
    %scan3A_466 = arith.addi %scan3A_464, %scan3A_465 : i32
    %scan3A_467 = arith.constant 1 : i32
    scf.for %scan3A_729 = %scan3A_464 to %scan3A_466 step %scan3A_467  : i32 {
      %get3A_730 = arith.index_cast %scan3A_729 : i32 to index
      %get3A_731 = arith.constant 0 : index
      %get3A_732 = tpu.vector_load %arg19[%get3A_730, %get3A_731] {strides = array<i32>} : memref<64x128xf32, #tpu.memory_space<vmem>>, vector<1x16xf32>,
      %get3A_733 = vector.shape_cast %get3A_732 : vector<1x16xf32> to vector<16xf32>
      %get3A_734 = arith.index_cast %scan3A_729 : i32 to index
      %get3A_735 = arith.constant 0 : index
      %get3A_736 = tpu.vector_load %arg20[%get3A_734, %get3A_735] {strides = array<i32>} : memref<64x128xf32, #tpu.memory_space<vmem>>, vector<1x16xf32>,
      %get3A_737 = vector.shape_cast %get3A_736 : vector<1x16xf32> to vector<16xf32>
      %add3A_738 = arith.addf %get3A_733, %get3A_737 : vector<16xf32>
      %get3A_739 = arith.index_cast %scan3A_729 : i32 to index
      %get3A_740 = arith.constant 0 : index
      %get3A_741 = tpu.vector_load %arg21[%get3A_739, %get3A_740] {strides = array<i32>} : memref<64x128xf32, #tpu.memory_space<vmem>>, vector<1x16xf32>,
      %get3A_742 = vector.shape_cast %get3A_741 : vector<1x16xf32> to vector<16xf32>
      %add3A_743 = arith.addf %add3A_738, %get3A_742 : vector<16xf32>
      %add3A_744 = arith.addf %add3A_743, %get3A_335 : vector<16xf32>
      %neg3A = arith.constant 0.000000e+00 : f32
      %neg3A_745 = vector.broadcast %neg3A : f32 to vector<16xf32>
      %neg3A_746 = arith.subf %neg3A_745, %add3A_744 : vector<16xf32>
      %exp3A = math.exp %neg3A_746 : vector<16xf32>
      %add3A_747 = arith.constant 1.000000e+00 : f32
      %add3A_748 = vector.broadcast %add3A_747 : f32 to vector<16xf32>
      %add3A_749 = arith.addf %add3A_748, %exp3A : vector<16xf32>
      %div3A = arith.divf %add3A_744, %add3A_749 : vector<16xf32>
      %swap3A_750 = arith.index_cast %scan3A_729 : i32 to index
      %swap3A_751 = arith.constant 0 : index
      %swap3A_752 = tpu.vector_load %arg29[%swap3A_750, %swap3A_751] {strides = array<i32>} : memref<64x128xf32, #tpu.memory_space<vmem>>, vector<1x16xf32>,
      %swap3A_753 = vector.shape_cast %swap3A_752 : vector<1x16xf32> to vector<16xf32>
      %swap3A_754 = vector.shape_cast %div3A : vector<16xf32> to vector<1x16xf32>
      tpu.vector_store %arg29[%swap3A_750, %swap3A_751], %swap3A_754 {strides = array<i32>} : memref<64x128xf32, #tpu.memory_space<vmem>>, vector<1x16xf32>,
      %get3A_755 = arith.index_cast %scan3A_729 : i32 to index
      %get3A_756 = arith.constant 16 : index
      %get3A_757 = tpu.vector_load %arg19[%get3A_755, %get3A_756] {strides = array<i32>} : memref<64x128xf32, #tpu.memory_space<vmem>>, vector<1x16xf32>,
      %get3A_758 = vector.shape_cast %get3A_757 : vector<1x16xf32> to vector<16xf32>
      %get3A_759 = arith.index_cast %scan3A_729 : i32 to index
      %get3A_760 = arith.constant 16 : index
      %get3A_761 = tpu.vector_load %arg20[%get3A_759, %get3A_760] {strides = array<i32>} : memref<64x128xf32, #tpu.memory_space<vmem>>, vector<1x16xf32>,
      %get3A_762 = vector.shape_cast %get3A_761 : vector<1x16xf32> to vector<16xf32>
      %add3A_763 = arith.addf %get3A_758, %get3A_762 : vector<16xf32>
      %get3A_764 = arith.index_cast %scan3A_729 : i32 to index
      %get3A_765 = arith.constant 16 : index
      %get3A_766 = tpu.vector_load %arg21[%get3A_764, %get3A_765] {strides = array<i32>} : memref<64x128xf32, #tpu.memory_space<vmem>>, vector<1x16xf32>,
      %get3A_767 = vector.shape_cast %get3A_766 : vector<1x16xf32> to vector<16xf32>
      %add3A_768 = arith.addf %add3A_763, %get3A_767 : vector<16xf32>
      %add3A_769 = arith.addf %add3A_768, %get3A_338 : vector<16xf32>
      %neg3A_770 = arith.constant 0.000000e+00 : f32
      %neg3A_771 = vector.broadcast %neg3A_770 : f32 to vector<16xf32>
      %neg3A_772 = arith.subf %neg3A_771, %add3A_769 : vector<16xf32>
      %exp3A_773 = math.exp %neg3A_772 : vector<16xf32>
      %add3A_774 = arith.constant 1.000000e+00 : f32
      %add3A_775 = vector.broadcast %add3A_774 : f32 to vector<16xf32>
      %add3A_776 = arith.addf %add3A_775, %exp3A_773 : vector<16xf32>
      %div3A_777 = arith.divf %add3A_769, %add3A_776 : vector<16xf32>
      %swap3A_778 = arith.index_cast %scan3A_729 : i32 to index
      %swap3A_779 = arith.constant 16 : index
      %swap3A_780 = tpu.vector_load %arg29[%swap3A_778, %swap3A_779] {strides = array<i32>} : memref<64x128xf32, #tpu.memory_space<vmem>>, vector<1x16xf32>,
      %swap3A_781 = vector.shape_cast %swap3A_780 : vector<1x16xf32> to vector<16xf32>
      %swap3A_782 = vector.shape_cast %div3A_777 : vector<16xf32> to vector<1x16xf32>
      tpu.vector_store %arg29[%swap3A_778, %swap3A_779], %swap3A_782 {strides = array<i32>} : memref<64x128xf32, #tpu.memory_space<vmem>>, vector<1x16xf32>,
      %get3A_783 = arith.index_cast %scan3A_729 : i32 to index
      %get3A_784 = arith.constant 32 : index
      %get3A_785 = tpu.vector_load %arg19[%get3A_783, %get3A_784] {strides = array<i32>} : memref<64x128xf32, #tpu.memory_space<vmem>>, vector<1x16xf32>,
      %get3A_786 = vector.shape_cast %get3A_785 : vector<1x16xf32> to vector<16xf32>
      %get3A_787 = arith.index_cast %scan3A_729 : i32 to index
      %get3A_788 = arith.constant 32 : index
      %get3A_789 = tpu.vector_load %arg20[%get3A_787, %get3A_788] {strides = array<i32>} : memref<64x128xf32, #tpu.memory_space<vmem>>, vector<1x16xf32>,
      %get3A_790 = vector.shape_cast %get3A_789 : vector<1x16xf32> to vector<16xf32>
      %add3A_791 = arith.addf %get3A_786, %get3A_790 : vector<16xf32>
      %get3A_792 = arith.index_cast %scan3A_729 : i32 to index
      %get3A_793 = arith.constant 32 : index
      %get3A_794 = tpu.vector_load %arg21[%get3A_792, %get3A_793] {strides = array<i32>} : memref<64x128xf32, #tpu.memory_space<vmem>>, vector<1x16xf32>,
      %get3A_795 = vector.shape_cast %get3A_794 : vector<1x16xf32> to vector<16xf32>
      %add3A_796 = arith.addf %add3A_791, %get3A_795 : vector<16xf32>
      %add3A_797 = arith.addf %add3A_796, %get3A_341 : vector<16xf32>
      %neg3A_798 = arith.constant 0.000000e+00 : f32
      %neg3A_799 = vector.broadcast %neg3A_798 : f32 to vector<16xf32>
      %neg3A_800 = arith.subf %neg3A_799, %add3A_797 : vector<16xf32>
      %exp3A_801 = math.exp %neg3A_800 : vector<16xf32>
      %add3A_802 = arith.constant 1.000000e+00 : f32
      %add3A_803 = vector.broadcast %add3A_802 : f32 to vector<16xf32>
      %add3A_804 = arith.addf %add3A_803, %exp3A_801 : vector<16xf32>
      %div3A_805 = arith.divf %add3A_797, %add3A_804 : vector<16xf32>
      %swap3A_806 = arith.index_cast %scan3A_729 : i32 to index
      %swap3A_807 = arith.constant 32 : index
      %swap3A_808 = tpu.vector_load %arg29[%swap3A_806, %swap3A_807] {strides = array<i32>} : memref<64x128xf32, #tpu.memory_space<vmem>>, vector<1x16xf32>,
      %swap3A_809 = vector.shape_cast %swap3A_808 : vector<1x16xf32> to vector<16xf32>
      %swap3A_810 = vector.shape_cast %div3A_805 : vector<16xf32> to vector<1x16xf32>
      tpu.vector_store %arg29[%swap3A_806, %swap3A_807], %swap3A_810 {strides = array<i32>} : memref<64x128xf32, #tpu.memory_space<vmem>>, vector<1x16xf32>,
      %get3A_811 = arith.index_cast %scan3A_729 : i32 to index
      %get3A_812 = arith.constant 48 : index
      %get3A_813 = tpu.vector_load %arg19[%get3A_811, %get3A_812] {strides = array<i32>} : memref<64x128xf32, #tpu.memory_space<vmem>>, vector<1x16xf32>,
      %get3A_814 = vector.shape_cast %get3A_813 : vector<1x16xf32> to vector<16xf32>
      %get3A_815 = arith.index_cast %scan3A_729 : i32 to index
      %get3A_816 = arith.constant 48 : index
      %get3A_817 = tpu.vector_load %arg20[%get3A_815, %get3A_816] {strides = array<i32>} : memref<64x128xf32, #tpu.memory_space<vmem>>, vector<1x16xf32>,
      %get3A_818 = vector.shape_cast %get3A_817 : vector<1x16xf32> to vector<16xf32>
      %add3A_819 = arith.addf %get3A_814, %get3A_818 : vector<16xf32>
      %get3A_820 = arith.index_cast %scan3A_729 : i32 to index
      %get3A_821 = arith.constant 48 : index
      %get3A_822 = tpu.vector_load %arg21[%get3A_820, %get3A_821] {strides = array<i32>} : memref<64x128xf32, #tpu.memory_space<vmem>>, vector<1x16xf32>,
      %get3A_823 = vector.shape_cast %get3A_822 : vector<1x16xf32> to vector<16xf32>
      %add3A_824 = arith.addf %add3A_819, %get3A_823 : vector<16xf32>
      %add3A_825 = arith.addf %add3A_824, %get3A_344 : vector<16xf32>
      %neg3A_826 = arith.constant 0.000000e+00 : f32
      %neg3A_827 = vector.broadcast %neg3A_826 : f32 to vector<16xf32>
      %neg3A_828 = arith.subf %neg3A_827, %add3A_825 : vector<16xf32>
      %exp3A_829 = math.exp %neg3A_828 : vector<16xf32>
      %add3A_830 = arith.constant 1.000000e+00 : f32
      %add3A_831 = vector.broadcast %add3A_830 : f32 to vector<16xf32>
      %add3A_832 = arith.addf %add3A_831, %exp3A_829 : vector<16xf32>
      %div3A_833 = arith.divf %add3A_825, %add3A_832 : vector<16xf32>
      %swap3A_834 = arith.index_cast %scan3A_729 : i32 to index
      %swap3A_835 = arith.constant 48 : index
      %swap3A_836 = tpu.vector_load %arg29[%swap3A_834, %swap3A_835] {strides = array<i32>} : memref<64x128xf32, #tpu.memory_space<vmem>>, vector<1x16xf32>,
      %swap3A_837 = vector.shape_cast %swap3A_836 : vector<1x16xf32> to vector<16xf32>
      %swap3A_838 = vector.shape_cast %div3A_833 : vector<16xf32> to vector<1x16xf32>
      tpu.vector_store %arg29[%swap3A_834, %swap3A_835], %swap3A_838 {strides = array<i32>} : memref<64x128xf32, #tpu.memory_space<vmem>>, vector<1x16xf32>,
      %get3A_839 = arith.index_cast %scan3A_729 : i32 to index
      %get3A_840 = arith.constant 64 : index
      %get3A_841 = tpu.vector_load %arg19[%get3A_839, %get3A_840] {strides = array<i32>} : memref<64x128xf32, #tpu.memory_space<vmem>>, vector<1x16xf32>,
      %get3A_842 = vector.shape_cast %get3A_841 : vector<1x16xf32> to vector<16xf32>
      %get3A_843 = arith.index_cast %scan3A_729 : i32 to index
      %get3A_844 = arith.constant 64 : index
      %get3A_845 = tpu.vector_load %arg20[%get3A_843, %get3A_844] {strides = array<i32>} : memref<64x128xf32, #tpu.memory_space<vmem>>, vector<1x16xf32>,
      %get3A_846 = vector.shape_cast %get3A_845 : vector<1x16xf32> to vector<16xf32>
      %add3A_847 = arith.addf %get3A_842, %get3A_846 : vector<16xf32>
      %get3A_848 = arith.index_cast %scan3A_729 : i32 to index
      %get3A_849 = arith.constant 64 : index
      %get3A_850 = tpu.vector_load %arg21[%get3A_848, %get3A_849] {strides = array<i32>} : memref<64x128xf32, #tpu.memory_space<vmem>>, vector<1x16xf32>,
      %get3A_851 = vector.shape_cast %get3A_850 : vector<1x16xf32> to vector<16xf32>
      %add3A_852 = arith.addf %add3A_847, %get3A_851 : vector<16xf32>
      %add3A_853 = arith.addf %add3A_852, %get3A_347 : vector<16xf32>
      %neg3A_854 = arith.constant 0.000000e+00 : f32
      %neg3A_855 = vector.broadcast %neg3A_854 : f32 to vector<16xf32>
      %neg3A_856 = arith.subf %neg3A_855, %add3A_853 : vector<16xf32>
      %exp3A_857 = math.exp %neg3A_856 : vector<16xf32>
      %add3A_858 = arith.constant 1.000000e+00 : f32
      %add3A_859 = vector.broadcast %add3A_858 : f32 to vector<16xf32>
      %add3A_860 = arith.addf %add3A_859, %exp3A_857 : vector<16xf32>
      %div3A_861 = arith.divf %add3A_853, %add3A_860 : vector<16xf32>
      %swap3A_862 = arith.index_cast %scan3A_729 : i32 to index
      %swap3A_863 = arith.constant 64 : index
      %swap3A_864 = tpu.vector_load %arg29[%swap3A_862, %swap3A_863] {strides = array<i32>} : memref<64x128xf32, #tpu.memory_space<vmem>>, vector<1x16xf32>,
      %swap3A_865 = vector.shape_cast %swap3A_864 : vector<1x16xf32> to vector<16xf32>
      %swap3A_866 = vector.shape_cast %div3A_861 : vector<16xf32> to vector<1x16xf32>
      tpu.vector_store %arg29[%swap3A_862, %swap3A_863], %swap3A_866 {strides = array<i32>} : memref<64x128xf32, #tpu.memory_space<vmem>>, vector<1x16xf32>,
      %get3A_867 = arith.index_cast %scan3A_729 : i32 to index
      %get3A_868 = arith.constant 80 : index
      %get3A_869 = tpu.vector_load %arg19[%get3A_867, %get3A_868] {strides = array<i32>} : memref<64x128xf32, #tpu.memory_space<vmem>>, vector<1x16xf32>,
      %get3A_870 = vector.shape_cast %get3A_869 : vector<1x16xf32> to vector<16xf32>
      %get3A_871 = arith.index_cast %scan3A_729 : i32 to index
      %get3A_872 = arith.constant 80 : index
      %get3A_873 = tpu.vector_load %arg20[%get3A_871, %get3A_872] {strides = array<i32>} : memref<64x128xf32, #tpu.memory_space<vmem>>, vector<1x16xf32>,
      %get3A_874 = vector.shape_cast %get3A_873 : vector<1x16xf32> to vector<16xf32>
      %add3A_875 = arith.addf %get3A_870, %get3A_874 : vector<16xf32>
      %get3A_876 = arith.index_cast %scan3A_729 : i32 to index
      %get3A_877 = arith.constant 80 : index
      %get3A_878 = tpu.vector_load %arg21[%get3A_876, %get3A_877] {strides = array<i32>} : memref<64x128xf32, #tpu.memory_space<vmem>>, vector<1x16xf32>,
      %get3A_879 = vector.shape_cast %get3A_878 : vector<1x16xf32> to vector<16xf32>
      %add3A_880 = arith.addf %add3A_875, %get3A_879 : vector<16xf32>
      %add3A_881 = arith.addf %add3A_880, %get3A_350 : vector<16xf32>
      %neg3A_882 = arith.constant 0.000000e+00 : f32
      %neg3A_883 = vector.broadcast %neg3A_882 : f32 to vector<16xf32>
      %neg3A_884 = arith.subf %neg3A_883, %add3A_881 : vector<16xf32>
      %exp3A_885 = math.exp %neg3A_884 : vector<16xf32>
      %add3A_886 = arith.constant 1.000000e+00 : f32
      %add3A_887 = vector.broadcast %add3A_886 : f32 to vector<16xf32>
      %add3A_888 = arith.addf %add3A_887, %exp3A_885 : vector<16xf32>
      %div3A_889 = arith.divf %add3A_881, %add3A_888 : vector<16xf32>
      %swap3A_890 = arith.index_cast %scan3A_729 : i32 to index
      %swap3A_891 = arith.constant 80 : index
      %swap3A_892 = tpu.vector_load %arg29[%swap3A_890, %swap3A_891] {strides = array<i32>} : memref<64x128xf32, #tpu.memory_space<vmem>>, vector<1x16xf32>,
      %swap3A_893 = vector.shape_cast %swap3A_892 : vector<1x16xf32> to vector<16xf32>
      %swap3A_894 = vector.shape_cast %div3A_889 : vector<16xf32> to vector<1x16xf32>
      tpu.vector_store %arg29[%swap3A_890, %swap3A_891], %swap3A_894 {strides = array<i32>} : memref<64x128xf32, #tpu.memory_space<vmem>>, vector<1x16xf32>,
      %get3A_895 = arith.index_cast %scan3A_729 : i32 to index
      %get3A_896 = arith.constant 96 : index
      %get3A_897 = tpu.vector_load %arg19[%get3A_895, %get3A_896] {strides = array<i32>} : memref<64x128xf32, #tpu.memory_space<vmem>>, vector<1x16xf32>,
      %get3A_898 = vector.shape_cast %get3A_897 : vector<1x16xf32> to vector<16xf32>
      %get3A_899 = arith.index_cast %scan3A_729 : i32 to index
      %get3A_900 = arith.constant 96 : index
      %get3A_901 = tpu.vector_load %arg20[%get3A_899, %get3A_900] {strides = array<i32>} : memref<64x128xf32, #tpu.memory_space<vmem>>, vector<1x16xf32>,
      %get3A_902 = vector.shape_cast %get3A_901 : vector<1x16xf32> to vector<16xf32>
      %add3A_903 = arith.addf %get3A_898, %get3A_902 : vector<16xf32>
      %get3A_904 = arith.index_cast %scan3A_729 : i32 to index
      %get3A_905 = arith.constant 96 : index
      %get3A_906 = tpu.vector_load %arg21[%get3A_904, %get3A_905] {strides = array<i32>} : memref<64x128xf32, #tpu.memory_space<vmem>>, vector<1x16xf32>,
      %get3A_907 = vector.shape_cast %get3A_906 : vector<1x16xf32> to vector<16xf32>
      %add3A_908 = arith.addf %add3A_903, %get3A_907 : vector<16xf32>
      %add3A_909 = arith.addf %add3A_908, %get3A_353 : vector<16xf32>
      %neg3A_910 = arith.constant 0.000000e+00 : f32
      %neg3A_911 = vector.broadcast %neg3A_910 : f32 to vector<16xf32>
      %neg3A_912 = arith.subf %neg3A_911, %add3A_909 : vector<16xf32>
      %exp3A_913 = math.exp %neg3A_912 : vector<16xf32>
      %add3A_914 = arith.constant 1.000000e+00 : f32
      %add3A_915 = vector.broadcast %add3A_914 : f32 to vector<16xf32>
      %add3A_916 = arith.addf %add3A_915, %exp3A_913 : vector<16xf32>
      %div3A_917 = arith.divf %add3A_909, %add3A_916 : vector<16xf32>
      %swap3A_918 = arith.index_cast %scan3A_729 : i32 to index
      %swap3A_919 = arith.constant 96 : index
      %swap3A_920 = tpu.vector_load %arg29[%swap3A_918, %swap3A_919] {strides = array<i32>} : memref<64x128xf32, #tpu.memory_space<vmem>>, vector<1x16xf32>,
      %swap3A_921 = vector.shape_cast %swap3A_920 : vector<1x16xf32> to vector<16xf32>
      %swap3A_922 = vector.shape_cast %div3A_917 : vector<16xf32> to vector<1x16xf32>
      tpu.vector_store %arg29[%swap3A_918, %swap3A_919], %swap3A_922 {strides = array<i32>} : memref<64x128xf32, #tpu.memory_space<vmem>>, vector<1x16xf32>,
      %get3A_923 = arith.index_cast %scan3A_729 : i32 to index
      %get3A_924 = arith.constant 112 : index
      %get3A_925 = tpu.vector_load %arg19[%get3A_923, %get3A_924] {strides = array<i32>} : memref<64x128xf32, #tpu.memory_space<vmem>>, vector<1x16xf32>,
      %get3A_926 = vector.shape_cast %get3A_925 : vector<1x16xf32> to vector<16xf32>
      %get3A_927 = arith.index_cast %scan3A_729 : i32 to index
      %get3A_928 = arith.constant 112 : index
      %get3A_929 = tpu.vector_load %arg20[%get3A_927, %get3A_928] {strides = array<i32>} : memref<64x128xf32, #tpu.memory_space<vmem>>, vector<1x16xf32>,
      %get3A_930 = vector.shape_cast %get3A_929 : vector<1x16xf32> to vector<16xf32>
      %add3A_931 = arith.addf %get3A_926, %get3A_930 : vector<16xf32>
      %get3A_932 = arith.index_cast %scan3A_729 : i32 to index
      %get3A_933 = arith.constant 112 : index
      %get3A_934 = tpu.vector_load %arg21[%get3A_932, %get3A_933] {strides = array<i32>} : memref<64x128xf32, #tpu.memory_space<vmem>>, vector<1x16xf32>,
      %get3A_935 = vector.shape_cast %get3A_934 : vector<1x16xf32> to vector<16xf32>
      %add3A_936 = arith.addf %add3A_931, %get3A_935 : vector<16xf32>
      %add3A_937 = arith.addf %add3A_936, %get3A_356 : vector<16xf32>
      %neg3A_938 = arith.constant 0.000000e+00 : f32
      %neg3A_939 = vector.broadcast %neg3A_938 : f32 to vector<16xf32>
      %neg3A_940 = arith.subf %neg3A_939, %add3A_937 : vector<16xf32>
      %exp3A_941 = math.exp %neg3A_940 : vector<16xf32>
      %add3A_942 = arith.constant 1.000000e+00 : f32
      %add3A_943 = vector.broadcast %add3A_942 : f32 to vector<16xf32>
      %add3A_944 = arith.addf %add3A_943, %exp3A_941 : vector<16xf32>
      %div3A_945 = arith.divf %add3A_937, %add3A_944 : vector<16xf32>
      %swap3A_946 = arith.index_cast %scan3A_729 : i32 to index
      %swap3A_947 = arith.constant 112 : index
      %swap3A_948 = tpu.vector_load %arg29[%swap3A_946, %swap3A_947] {strides = array<i32>} : memref<64x128xf32, #tpu.memory_space<vmem>>, vector<1x16xf32>,
      %swap3A_949 = vector.shape_cast %swap3A_948 : vector<1x16xf32> to vector<16xf32>
      %swap3A_950 = vector.shape_cast %div3A_945 : vector<16xf32> to vector<1x16xf32>
      tpu.vector_store %arg29[%swap3A_946, %swap3A_947], %swap3A_950 {strides = array<i32>} : memref<64x128xf32, #tpu.memory_space<vmem>>, vector<1x16xf32>,
    }
    %scan3A_468 = arith.constant 64 : i32
    %dma_start3A_469 = arith.constant 256 : i32
    %dma_start3A_470 = tpu.memref_slice %arg13[%dma_start3A_469] : memref<512xi32, #tpu.memory_space<vmem>> -> memref<64xi32, #tpu.memory_space<vmem>>
    %dma_start3A_471 = arith.constant 0 : i32
    %dma_start3A_472 = arith.constant 0 : i32
    %dma_start3A_473 = tpu.memref_slice %arg10[%dma_start3A_471, %dma_start3A_472] : memref<201x128xf32, #tpu.memory_space<vmem_shared>> -> memref<201x128xf32, #tpu.memory_space<vmem_shared>>
    tpu.enqueue_indirect_dma source(%dma_start3A_473 : memref<201x128xf32, #tpu.memory_space<vmem_shared>>) target(%arg16 : memref<64x128xf32, #tpu.memory_space<vmem>>) offsets(%dma_start3A_470 : memref<64xi32, #tpu.memory_space<vmem>>) semaphore(%arg33 : memref<!tpu.dma_semaphore, #tpu.memory_space<semaphore_mem>>)
    %dma_start3A_474 = arith.constant 256 : i32
    %dma_start3A_475 = tpu.memref_slice %arg14[%dma_start3A_474] : memref<512xi32, #tpu.memory_space<vmem>> -> memref<64xi32, #tpu.memory_space<vmem>>
    %dma_start3A_476 = arith.constant 0 : i32
    %dma_start3A_477 = arith.constant 0 : i32
    %dma_start3A_478 = tpu.memref_slice %arg11[%dma_start3A_476, %dma_start3A_477] : memref<101x128xf32, #tpu.memory_space<vmem_shared>> -> memref<101x128xf32, #tpu.memory_space<vmem_shared>>
    tpu.enqueue_indirect_dma source(%dma_start3A_478 : memref<101x128xf32, #tpu.memory_space<vmem_shared>>) target(%arg17 : memref<64x128xf32, #tpu.memory_space<vmem>>) offsets(%dma_start3A_475 : memref<64xi32, #tpu.memory_space<vmem>>) semaphore(%arg33 : memref<!tpu.dma_semaphore, #tpu.memory_space<semaphore_mem>>)
    %dma_start3A_479 = arith.constant 256 : i32
    %dma_start3A_480 = tpu.memref_slice %arg15[%dma_start3A_479] : memref<512xi32, #tpu.memory_space<vmem>> -> memref<64xi32, #tpu.memory_space<vmem>>
    %dma_start3A_481 = arith.constant 0 : i32
    %dma_start3A_482 = arith.constant 0 : i32
    %dma_start3A_483 = tpu.memref_slice %arg12[%dma_start3A_481, %dma_start3A_482] : memref<1000x128xf32, #tpu.memory_space<vmem_shared>> -> memref<1000x128xf32, #tpu.memory_space<vmem_shared>>
    tpu.enqueue_indirect_dma source(%dma_start3A_483 : memref<1000x128xf32, #tpu.memory_space<vmem_shared>>) target(%arg18 : memref<64x128xf32, #tpu.memory_space<vmem>>) offsets(%dma_start3A_480 : memref<64xi32, #tpu.memory_space<vmem>>) semaphore(%arg33 : memref<!tpu.dma_semaphore, #tpu.memory_space<semaphore_mem>>)
    %add3A_484 = arith.constant 64 : i32
    %add3A_485 = arith.addi %mul3A_2, %add3A_484 : i32
    %dma_start3A_486 = arith.constant 0 : i32
    %dma_start3A_487 = tpu.memref_slice %arg9[%add3A_485, %dma_start3A_486] : memref<16384x128xf32, #tpu.memory_space<hbm>> -> memref<64x128xf32, #tpu.memory_space<hbm>>
    %dma_start3A_488 = arith.constant 0 : i32
    %dma_start3A_489 = tpu.memref_slice %arg9[%add3A_485, %dma_start3A_488] : memref<16384x128xf32, #tpu.memory_space<hbm>> -> memref<64x128xf32, #tpu.memory_space<hbm>>
    tpu.enqueue_dma source(%arg29 : memref<64x128xf32, #tpu.memory_space<vmem>>) target(%dma_start3A_489 : memref<64x128xf32, #tpu.memory_space<hbm>>) target_semaphore(%arg38 : memref<!tpu.dma_semaphore, #tpu.memory_space<semaphore_mem>>)
    %dma_wait3A_490 = arith.constant 128 : i32
    %dma_wait3A_491 = tpu.memref_slice %arg13[%dma_wait3A_490] : memref<512xi32, #tpu.memory_space<vmem>> -> memref<64xi32, #tpu.memory_space<vmem>>
    %dma_wait3A_492 = arith.constant 0 : i32
    %dma_wait3A_493 = arith.constant 0 : i32
    %dma_wait3A_494 = tpu.memref_slice %arg10[%dma_wait3A_492, %dma_wait3A_493] : memref<201x128xf32, #tpu.memory_space<vmem_shared>> -> memref<201x128xf32, #tpu.memory_space<vmem_shared>>
    tpu.wait_indirect_dma semaphore(%arg35 : memref<!tpu.dma_semaphore, #tpu.memory_space<semaphore_mem>>) src(%dma_wait3A_494 : memref<201x128xf32, #tpu.memory_space<vmem_shared>>) dst(%arg22 : memref<64x128xf32, #tpu.memory_space<vmem>>)
    %dma_wait3A_495 = arith.constant 128 : i32
    %dma_wait3A_496 = tpu.memref_slice %arg14[%dma_wait3A_495] : memref<512xi32, #tpu.memory_space<vmem>> -> memref<64xi32, #tpu.memory_space<vmem>>
    %dma_wait3A_497 = arith.constant 0 : i32
    %dma_wait3A_498 = arith.constant 0 : i32
    %dma_wait3A_499 = tpu.memref_slice %arg11[%dma_wait3A_497, %dma_wait3A_498] : memref<101x128xf32, #tpu.memory_space<vmem_shared>> -> memref<101x128xf32, #tpu.memory_space<vmem_shared>>
    tpu.wait_indirect_dma semaphore(%arg35 : memref<!tpu.dma_semaphore, #tpu.memory_space<semaphore_mem>>) src(%dma_wait3A_499 : memref<101x128xf32, #tpu.memory_space<vmem_shared>>) dst(%arg23 : memref<64x128xf32, #tpu.memory_space<vmem>>)
    %dma_wait3A_500 = arith.constant 128 : i32
    %dma_wait3A_501 = tpu.memref_slice %arg15[%dma_wait3A_500] : memref<512xi32, #tpu.memory_space<vmem>> -> memref<64xi32, #tpu.memory_space<vmem>>
    %dma_wait3A_502 = arith.constant 0 : i32
    %dma_wait3A_503 = arith.constant 0 : i32
    %dma_wait3A_504 = tpu.memref_slice %arg12[%dma_wait3A_502, %dma_wait3A_503] : memref<1000x128xf32, #tpu.memory_space<vmem_shared>> -> memref<1000x128xf32, #tpu.memory_space<vmem_shared>>
    tpu.wait_indirect_dma semaphore(%arg35 : memref<!tpu.dma_semaphore, #tpu.memory_space<semaphore_mem>>) src(%dma_wait3A_504 : memref<1000x128xf32, #tpu.memory_space<vmem_shared>>) dst(%arg24 : memref<64x128xf32, #tpu.memory_space<vmem>>)
    %dma_wait3A_505 = arith.constant 0 : i32
    %dma_wait3A_506 = tpu.memref_slice %arg9[%add3A_443, %dma_wait3A_505] : memref<16384x128xf32, #tpu.memory_space<hbm>> -> memref<64x128xf32, #tpu.memory_space<hbm>>
    %dma_wait3A_507 = arith.constant 0 : i32
    %dma_wait3A_508 = tpu.memref_slice %arg9[%add3A_443, %dma_wait3A_507] : memref<16384x128xf32, #tpu.memory_space<hbm>> -> memref<64x128xf32, #tpu.memory_space<hbm>>
    tpu.wait_dma2 semaphore(%arg37 : memref<!tpu.dma_semaphore, #tpu.memory_space<semaphore_mem>>) src(%arg28 : memref<64x128xf32, #tpu.memory_space<vmem>>) dst(%dma_wait3A_508 : memref<64x128xf32, #tpu.memory_space<hbm>>)
    %scan3A_509 = arith.constant 0 : i32
    %scan3A_510 = arith.constant 0 : i32
    %scan3A_511 = arith.constant 64 : i32
    %scan3A_512 = arith.addi %scan3A_510, %scan3A_511 : i32
    %scan3A_513 = arith.constant 1 : i32
    scf.for %scan3A_729 = %scan3A_510 to %scan3A_512 step %scan3A_513  : i32 {
      %get3A_730 = arith.index_cast %scan3A_729 : i32 to index
      %get3A_731 = arith.constant 0 : index
      %get3A_732 = tpu.vector_load %arg22[%get3A_730, %get3A_731] {strides = array<i32>} : memref<64x128xf32, #tpu.memory_space<vmem>>, vector<1x16xf32>,
      %get3A_733 = vector.shape_cast %get3A_732 : vector<1x16xf32> to vector<16xf32>
      %get3A_734 = arith.index_cast %scan3A_729 : i32 to index
      %get3A_735 = arith.constant 0 : index
      %get3A_736 = tpu.vector_load %arg23[%get3A_734, %get3A_735] {strides = array<i32>} : memref<64x128xf32, #tpu.memory_space<vmem>>, vector<1x16xf32>,
      %get3A_737 = vector.shape_cast %get3A_736 : vector<1x16xf32> to vector<16xf32>
      %add3A_738 = arith.addf %get3A_733, %get3A_737 : vector<16xf32>
      %get3A_739 = arith.index_cast %scan3A_729 : i32 to index
      %get3A_740 = arith.constant 0 : index
      %get3A_741 = tpu.vector_load %arg24[%get3A_739, %get3A_740] {strides = array<i32>} : memref<64x128xf32, #tpu.memory_space<vmem>>, vector<1x16xf32>,
      %get3A_742 = vector.shape_cast %get3A_741 : vector<1x16xf32> to vector<16xf32>
      %add3A_743 = arith.addf %add3A_738, %get3A_742 : vector<16xf32>
      %add3A_744 = arith.addf %add3A_743, %get3A_335 : vector<16xf32>
      %neg3A = arith.constant 0.000000e+00 : f32
      %neg3A_745 = vector.broadcast %neg3A : f32 to vector<16xf32>
      %neg3A_746 = arith.subf %neg3A_745, %add3A_744 : vector<16xf32>
      %exp3A = math.exp %neg3A_746 : vector<16xf32>
      %add3A_747 = arith.constant 1.000000e+00 : f32
      %add3A_748 = vector.broadcast %add3A_747 : f32 to vector<16xf32>
      %add3A_749 = arith.addf %add3A_748, %exp3A : vector<16xf32>
      %div3A = arith.divf %add3A_744, %add3A_749 : vector<16xf32>
      %swap3A_750 = arith.index_cast %scan3A_729 : i32 to index
      %swap3A_751 = arith.constant 0 : index
      %swap3A_752 = tpu.vector_load %arg28[%swap3A_750, %swap3A_751] {strides = array<i32>} : memref<64x128xf32, #tpu.memory_space<vmem>>, vector<1x16xf32>,
      %swap3A_753 = vector.shape_cast %swap3A_752 : vector<1x16xf32> to vector<16xf32>
      %swap3A_754 = vector.shape_cast %div3A : vector<16xf32> to vector<1x16xf32>
      tpu.vector_store %arg28[%swap3A_750, %swap3A_751], %swap3A_754 {strides = array<i32>} : memref<64x128xf32, #tpu.memory_space<vmem>>, vector<1x16xf32>,
      %get3A_755 = arith.index_cast %scan3A_729 : i32 to index
      %get3A_756 = arith.constant 16 : index
      %get3A_757 = tpu.vector_load %arg22[%get3A_755, %get3A_756] {strides = array<i32>} : memref<64x128xf32, #tpu.memory_space<vmem>>, vector<1x16xf32>,
      %get3A_758 = vector.shape_cast %get3A_757 : vector<1x16xf32> to vector<16xf32>
      %get3A_759 = arith.index_cast %scan3A_729 : i32 to index
      %get3A_760 = arith.constant 16 : index
      %get3A_761 = tpu.vector_load %arg23[%get3A_759, %get3A_760] {strides = array<i32>} : memref<64x128xf32, #tpu.memory_space<vmem>>, vector<1x16xf32>,
      %get3A_762 = vector.shape_cast %get3A_761 : vector<1x16xf32> to vector<16xf32>
      %add3A_763 = arith.addf %get3A_758, %get3A_762 : vector<16xf32>
      %get3A_764 = arith.index_cast %scan3A_729 : i32 to index
      %get3A_765 = arith.constant 16 : index
      %get3A_766 = tpu.vector_load %arg24[%get3A_764, %get3A_765] {strides = array<i32>} : memref<64x128xf32, #tpu.memory_space<vmem>>, vector<1x16xf32>,
      %get3A_767 = vector.shape_cast %get3A_766 : vector<1x16xf32> to vector<16xf32>
      %add3A_768 = arith.addf %add3A_763, %get3A_767 : vector<16xf32>
      %add3A_769 = arith.addf %add3A_768, %get3A_338 : vector<16xf32>
      %neg3A_770 = arith.constant 0.000000e+00 : f32
      %neg3A_771 = vector.broadcast %neg3A_770 : f32 to vector<16xf32>
      %neg3A_772 = arith.subf %neg3A_771, %add3A_769 : vector<16xf32>
      %exp3A_773 = math.exp %neg3A_772 : vector<16xf32>
      %add3A_774 = arith.constant 1.000000e+00 : f32
      %add3A_775 = vector.broadcast %add3A_774 : f32 to vector<16xf32>
      %add3A_776 = arith.addf %add3A_775, %exp3A_773 : vector<16xf32>
      %div3A_777 = arith.divf %add3A_769, %add3A_776 : vector<16xf32>
      %swap3A_778 = arith.index_cast %scan3A_729 : i32 to index
      %swap3A_779 = arith.constant 16 : index
      %swap3A_780 = tpu.vector_load %arg28[%swap3A_778, %swap3A_779] {strides = array<i32>} : memref<64x128xf32, #tpu.memory_space<vmem>>, vector<1x16xf32>,
      %swap3A_781 = vector.shape_cast %swap3A_780 : vector<1x16xf32> to vector<16xf32>
      %swap3A_782 = vector.shape_cast %div3A_777 : vector<16xf32> to vector<1x16xf32>
      tpu.vector_store %arg28[%swap3A_778, %swap3A_779], %swap3A_782 {strides = array<i32>} : memref<64x128xf32, #tpu.memory_space<vmem>>, vector<1x16xf32>,
      %get3A_783 = arith.index_cast %scan3A_729 : i32 to index
      %get3A_784 = arith.constant 32 : index
      %get3A_785 = tpu.vector_load %arg22[%get3A_783, %get3A_784] {strides = array<i32>} : memref<64x128xf32, #tpu.memory_space<vmem>>, vector<1x16xf32>,
      %get3A_786 = vector.shape_cast %get3A_785 : vector<1x16xf32> to vector<16xf32>
      %get3A_787 = arith.index_cast %scan3A_729 : i32 to index
      %get3A_788 = arith.constant 32 : index
      %get3A_789 = tpu.vector_load %arg23[%get3A_787, %get3A_788] {strides = array<i32>} : memref<64x128xf32, #tpu.memory_space<vmem>>, vector<1x16xf32>,
      %get3A_790 = vector.shape_cast %get3A_789 : vector<1x16xf32> to vector<16xf32>
      %add3A_791 = arith.addf %get3A_786, %get3A_790 : vector<16xf32>
      %get3A_792 = arith.index_cast %scan3A_729 : i32 to index
      %get3A_793 = arith.constant 32 : index
      %get3A_794 = tpu.vector_load %arg24[%get3A_792, %get3A_793] {strides = array<i32>} : memref<64x128xf32, #tpu.memory_space<vmem>>, vector<1x16xf32>,
      %get3A_795 = vector.shape_cast %get3A_794 : vector<1x16xf32> to vector<16xf32>
      %add3A_796 = arith.addf %add3A_791, %get3A_795 : vector<16xf32>
      %add3A_797 = arith.addf %add3A_796, %get3A_341 : vector<16xf32>
      %neg3A_798 = arith.constant 0.000000e+00 : f32
      %neg3A_799 = vector.broadcast %neg3A_798 : f32 to vector<16xf32>
      %neg3A_800 = arith.subf %neg3A_799, %add3A_797 : vector<16xf32>
      %exp3A_801 = math.exp %neg3A_800 : vector<16xf32>
      %add3A_802 = arith.constant 1.000000e+00 : f32
      %add3A_803 = vector.broadcast %add3A_802 : f32 to vector<16xf32>
      %add3A_804 = arith.addf %add3A_803, %exp3A_801 : vector<16xf32>
      %div3A_805 = arith.divf %add3A_797, %add3A_804 : vector<16xf32>
      %swap3A_806 = arith.index_cast %scan3A_729 : i32 to index
      %swap3A_807 = arith.constant 32 : index
      %swap3A_808 = tpu.vector_load %arg28[%swap3A_806, %swap3A_807] {strides = array<i32>} : memref<64x128xf32, #tpu.memory_space<vmem>>, vector<1x16xf32>,
      %swap3A_809 = vector.shape_cast %swap3A_808 : vector<1x16xf32> to vector<16xf32>
      %swap3A_810 = vector.shape_cast %div3A_805 : vector<16xf32> to vector<1x16xf32>
      tpu.vector_store %arg28[%swap3A_806, %swap3A_807], %swap3A_810 {strides = array<i32>} : memref<64x128xf32, #tpu.memory_space<vmem>>, vector<1x16xf32>,
      %get3A_811 = arith.index_cast %scan3A_729 : i32 to index
      %get3A_812 = arith.constant 48 : index
      %get3A_813 = tpu.vector_load %arg22[%get3A_811, %get3A_812] {strides = array<i32>} : memref<64x128xf32, #tpu.memory_space<vmem>>, vector<1x16xf32>,
      %get3A_814 = vector.shape_cast %get3A_813 : vector<1x16xf32> to vector<16xf32>
      %get3A_815 = arith.index_cast %scan3A_729 : i32 to index
      %get3A_816 = arith.constant 48 : index
      %get3A_817 = tpu.vector_load %arg23[%get3A_815, %get3A_816] {strides = array<i32>} : memref<64x128xf32, #tpu.memory_space<vmem>>, vector<1x16xf32>,
      %get3A_818 = vector.shape_cast %get3A_817 : vector<1x16xf32> to vector<16xf32>
      %add3A_819 = arith.addf %get3A_814, %get3A_818 : vector<16xf32>
      %get3A_820 = arith.index_cast %scan3A_729 : i32 to index
      %get3A_821 = arith.constant 48 : index
      %get3A_822 = tpu.vector_load %arg24[%get3A_820, %get3A_821] {strides = array<i32>} : memref<64x128xf32, #tpu.memory_space<vmem>>, vector<1x16xf32>,
      %get3A_823 = vector.shape_cast %get3A_822 : vector<1x16xf32> to vector<16xf32>
      %add3A_824 = arith.addf %add3A_819, %get3A_823 : vector<16xf32>
      %add3A_825 = arith.addf %add3A_824, %get3A_344 : vector<16xf32>
      %neg3A_826 = arith.constant 0.000000e+00 : f32
      %neg3A_827 = vector.broadcast %neg3A_826 : f32 to vector<16xf32>
      %neg3A_828 = arith.subf %neg3A_827, %add3A_825 : vector<16xf32>
      %exp3A_829 = math.exp %neg3A_828 : vector<16xf32>
      %add3A_830 = arith.constant 1.000000e+00 : f32
      %add3A_831 = vector.broadcast %add3A_830 : f32 to vector<16xf32>
      %add3A_832 = arith.addf %add3A_831, %exp3A_829 : vector<16xf32>
      %div3A_833 = arith.divf %add3A_825, %add3A_832 : vector<16xf32>
      %swap3A_834 = arith.index_cast %scan3A_729 : i32 to index
      %swap3A_835 = arith.constant 48 : index
      %swap3A_836 = tpu.vector_load %arg28[%swap3A_834, %swap3A_835] {strides = array<i32>} : memref<64x128xf32, #tpu.memory_space<vmem>>, vector<1x16xf32>,
      %swap3A_837 = vector.shape_cast %swap3A_836 : vector<1x16xf32> to vector<16xf32>
      %swap3A_838 = vector.shape_cast %div3A_833 : vector<16xf32> to vector<1x16xf32>
      tpu.vector_store %arg28[%swap3A_834, %swap3A_835], %swap3A_838 {strides = array<i32>} : memref<64x128xf32, #tpu.memory_space<vmem>>, vector<1x16xf32>,
      %get3A_839 = arith.index_cast %scan3A_729 : i32 to index
      %get3A_840 = arith.constant 64 : index
      %get3A_841 = tpu.vector_load %arg22[%get3A_839, %get3A_840] {strides = array<i32>} : memref<64x128xf32, #tpu.memory_space<vmem>>, vector<1x16xf32>,
      %get3A_842 = vector.shape_cast %get3A_841 : vector<1x16xf32> to vector<16xf32>
      %get3A_843 = arith.index_cast %scan3A_729 : i32 to index
      %get3A_844 = arith.constant 64 : index
      %get3A_845 = tpu.vector_load %arg23[%get3A_843, %get3A_844] {strides = array<i32>} : memref<64x128xf32, #tpu.memory_space<vmem>>, vector<1x16xf32>,
      %get3A_846 = vector.shape_cast %get3A_845 : vector<1x16xf32> to vector<16xf32>
      %add3A_847 = arith.addf %get3A_842, %get3A_846 : vector<16xf32>
      %get3A_848 = arith.index_cast %scan3A_729 : i32 to index
      %get3A_849 = arith.constant 64 : index
      %get3A_850 = tpu.vector_load %arg24[%get3A_848, %get3A_849] {strides = array<i32>} : memref<64x128xf32, #tpu.memory_space<vmem>>, vector<1x16xf32>,
      %get3A_851 = vector.shape_cast %get3A_850 : vector<1x16xf32> to vector<16xf32>
      %add3A_852 = arith.addf %add3A_847, %get3A_851 : vector<16xf32>
      %add3A_853 = arith.addf %add3A_852, %get3A_347 : vector<16xf32>
      %neg3A_854 = arith.constant 0.000000e+00 : f32
      %neg3A_855 = vector.broadcast %neg3A_854 : f32 to vector<16xf32>
      %neg3A_856 = arith.subf %neg3A_855, %add3A_853 : vector<16xf32>
      %exp3A_857 = math.exp %neg3A_856 : vector<16xf32>
      %add3A_858 = arith.constant 1.000000e+00 : f32
      %add3A_859 = vector.broadcast %add3A_858 : f32 to vector<16xf32>
      %add3A_860 = arith.addf %add3A_859, %exp3A_857 : vector<16xf32>
      %div3A_861 = arith.divf %add3A_853, %add3A_860 : vector<16xf32>
      %swap3A_862 = arith.index_cast %scan3A_729 : i32 to index
      %swap3A_863 = arith.constant 64 : index
      %swap3A_864 = tpu.vector_load %arg28[%swap3A_862, %swap3A_863] {strides = array<i32>} : memref<64x128xf32, #tpu.memory_space<vmem>>, vector<1x16xf32>,
      %swap3A_865 = vector.shape_cast %swap3A_864 : vector<1x16xf32> to vector<16xf32>
      %swap3A_866 = vector.shape_cast %div3A_861 : vector<16xf32> to vector<1x16xf32>
      tpu.vector_store %arg28[%swap3A_862, %swap3A_863], %swap3A_866 {strides = array<i32>} : memref<64x128xf32, #tpu.memory_space<vmem>>, vector<1x16xf32>,
      %get3A_867 = arith.index_cast %scan3A_729 : i32 to index
      %get3A_868 = arith.constant 80 : index
      %get3A_869 = tpu.vector_load %arg22[%get3A_867, %get3A_868] {strides = array<i32>} : memref<64x128xf32, #tpu.memory_space<vmem>>, vector<1x16xf32>,
      %get3A_870 = vector.shape_cast %get3A_869 : vector<1x16xf32> to vector<16xf32>
      %get3A_871 = arith.index_cast %scan3A_729 : i32 to index
      %get3A_872 = arith.constant 80 : index
      %get3A_873 = tpu.vector_load %arg23[%get3A_871, %get3A_872] {strides = array<i32>} : memref<64x128xf32, #tpu.memory_space<vmem>>, vector<1x16xf32>,
      %get3A_874 = vector.shape_cast %get3A_873 : vector<1x16xf32> to vector<16xf32>
      %add3A_875 = arith.addf %get3A_870, %get3A_874 : vector<16xf32>
      %get3A_876 = arith.index_cast %scan3A_729 : i32 to index
      %get3A_877 = arith.constant 80 : index
      %get3A_878 = tpu.vector_load %arg24[%get3A_876, %get3A_877] {strides = array<i32>} : memref<64x128xf32, #tpu.memory_space<vmem>>, vector<1x16xf32>,
      %get3A_879 = vector.shape_cast %get3A_878 : vector<1x16xf32> to vector<16xf32>
      %add3A_880 = arith.addf %add3A_875, %get3A_879 : vector<16xf32>
      %add3A_881 = arith.addf %add3A_880, %get3A_350 : vector<16xf32>
      %neg3A_882 = arith.constant 0.000000e+00 : f32
      %neg3A_883 = vector.broadcast %neg3A_882 : f32 to vector<16xf32>
      %neg3A_884 = arith.subf %neg3A_883, %add3A_881 : vector<16xf32>
      %exp3A_885 = math.exp %neg3A_884 : vector<16xf32>
      %add3A_886 = arith.constant 1.000000e+00 : f32
      %add3A_887 = vector.broadcast %add3A_886 : f32 to vector<16xf32>
      %add3A_888 = arith.addf %add3A_887, %exp3A_885 : vector<16xf32>
      %div3A_889 = arith.divf %add3A_881, %add3A_888 : vector<16xf32>
      %swap3A_890 = arith.index_cast %scan3A_729 : i32 to index
      %swap3A_891 = arith.constant 80 : index
      %swap3A_892 = tpu.vector_load %arg28[%swap3A_890, %swap3A_891] {strides = array<i32>} : memref<64x128xf32, #tpu.memory_space<vmem>>, vector<1x16xf32>,
      %swap3A_893 = vector.shape_cast %swap3A_892 : vector<1x16xf32> to vector<16xf32>
      %swap3A_894 = vector.shape_cast %div3A_889 : vector<16xf32> to vector<1x16xf32>
      tpu.vector_store %arg28[%swap3A_890, %swap3A_891], %swap3A_894 {strides = array<i32>} : memref<64x128xf32, #tpu.memory_space<vmem>>, vector<1x16xf32>,
      %get3A_895 = arith.index_cast %scan3A_729 : i32 to index
      %get3A_896 = arith.constant 96 : index
      %get3A_897 = tpu.vector_load %arg22[%get3A_895, %get3A_896] {strides = array<i32>} : memref<64x128xf32, #tpu.memory_space<vmem>>, vector<1x16xf32>,
      %get3A_898 = vector.shape_cast %get3A_897 : vector<1x16xf32> to vector<16xf32>
      %get3A_899 = arith.index_cast %scan3A_729 : i32 to index
      %get3A_900 = arith.constant 96 : index
      %get3A_901 = tpu.vector_load %arg23[%get3A_899, %get3A_900] {strides = array<i32>} : memref<64x128xf32, #tpu.memory_space<vmem>>, vector<1x16xf32>,
      %get3A_902 = vector.shape_cast %get3A_901 : vector<1x16xf32> to vector<16xf32>
      %add3A_903 = arith.addf %get3A_898, %get3A_902 : vector<16xf32>
      %get3A_904 = arith.index_cast %scan3A_729 : i32 to index
      %get3A_905 = arith.constant 96 : index
      %get3A_906 = tpu.vector_load %arg24[%get3A_904, %get3A_905] {strides = array<i32>} : memref<64x128xf32, #tpu.memory_space<vmem>>, vector<1x16xf32>,
      %get3A_907 = vector.shape_cast %get3A_906 : vector<1x16xf32> to vector<16xf32>
      %add3A_908 = arith.addf %add3A_903, %get3A_907 : vector<16xf32>
      %add3A_909 = arith.addf %add3A_908, %get3A_353 : vector<16xf32>
      %neg3A_910 = arith.constant 0.000000e+00 : f32
      %neg3A_911 = vector.broadcast %neg3A_910 : f32 to vector<16xf32>
      %neg3A_912 = arith.subf %neg3A_911, %add3A_909 : vector<16xf32>
      %exp3A_913 = math.exp %neg3A_912 : vector<16xf32>
      %add3A_914 = arith.constant 1.000000e+00 : f32
      %add3A_915 = vector.broadcast %add3A_914 : f32 to vector<16xf32>
      %add3A_916 = arith.addf %add3A_915, %exp3A_913 : vector<16xf32>
      %div3A_917 = arith.divf %add3A_909, %add3A_916 : vector<16xf32>
      %swap3A_918 = arith.index_cast %scan3A_729 : i32 to index
      %swap3A_919 = arith.constant 96 : index
      %swap3A_920 = tpu.vector_load %arg28[%swap3A_918, %swap3A_919] {strides = array<i32>} : memref<64x128xf32, #tpu.memory_space<vmem>>, vector<1x16xf32>,
      %swap3A_921 = vector.shape_cast %swap3A_920 : vector<1x16xf32> to vector<16xf32>
      %swap3A_922 = vector.shape_cast %div3A_917 : vector<16xf32> to vector<1x16xf32>
      tpu.vector_store %arg28[%swap3A_918, %swap3A_919], %swap3A_922 {strides = array<i32>} : memref<64x128xf32, #tpu.memory_space<vmem>>, vector<1x16xf32>,
      %get3A_923 = arith.index_cast %scan3A_729 : i32 to index
      %get3A_924 = arith.constant 112 : index
      %get3A_925 = tpu.vector_load %arg22[%get3A_923, %get3A_924] {strides = array<i32>} : memref<64x128xf32, #tpu.memory_space<vmem>>, vector<1x16xf32>,
      %get3A_926 = vector.shape_cast %get3A_925 : vector<1x16xf32> to vector<16xf32>
      %get3A_927 = arith.index_cast %scan3A_729 : i32 to index
      %get3A_928 = arith.constant 112 : index
      %get3A_929 = tpu.vector_load %arg23[%get3A_927, %get3A_928] {strides = array<i32>} : memref<64x128xf32, #tpu.memory_space<vmem>>, vector<1x16xf32>,
      %get3A_930 = vector.shape_cast %get3A_929 : vector<1x16xf32> to vector<16xf32>
      %add3A_931 = arith.addf %get3A_926, %get3A_930 : vector<16xf32>
      %get3A_932 = arith.index_cast %scan3A_729 : i32 to index
      %get3A_933 = arith.constant 112 : index
      %get3A_934 = tpu.vector_load %arg24[%get3A_932, %get3A_933] {strides = array<i32>} : memref<64x128xf32, #tpu.memory_space<vmem>>, vector<1x16xf32>,
      %get3A_935 = vector.shape_cast %get3A_934 : vector<1x16xf32> to vector<16xf32>
      %add3A_936 = arith.addf %add3A_931, %get3A_935 : vector<16xf32>
      %add3A_937 = arith.addf %add3A_936, %get3A_356 : vector<16xf32>
      %neg3A_938 = arith.constant 0.000000e+00 : f32
      %neg3A_939 = vector.broadcast %neg3A_938 : f32 to vector<16xf32>
      %neg3A_940 = arith.subf %neg3A_939, %add3A_937 : vector<16xf32>
      %exp3A_941 = math.exp %neg3A_940 : vector<16xf32>
      %add3A_942 = arith.constant 1.000000e+00 : f32
      %add3A_943 = vector.broadcast %add3A_942 : f32 to vector<16xf32>
      %add3A_944 = arith.addf %add3A_943, %exp3A_941 : vector<16xf32>
      %div3A_945 = arith.divf %add3A_937, %add3A_944 : vector<16xf32>
      %swap3A_946 = arith.index_cast %scan3A_729 : i32 to index
      %swap3A_947 = arith.constant 112 : index
      %swap3A_948 = tpu.vector_load %arg28[%swap3A_946, %swap3A_947] {strides = array<i32>} : memref<64x128xf32, #tpu.memory_space<vmem>>, vector<1x16xf32>,
      %swap3A_949 = vector.shape_cast %swap3A_948 : vector<1x16xf32> to vector<16xf32>
      %swap3A_950 = vector.shape_cast %div3A_945 : vector<16xf32> to vector<1x16xf32>
      tpu.vector_store %arg28[%swap3A_946, %swap3A_947], %swap3A_950 {strides = array<i32>} : memref<64x128xf32, #tpu.memory_space<vmem>>, vector<1x16xf32>,
    }
    %scan3A_514 = arith.constant 64 : i32
    %dma_start3A_515 = arith.constant 320 : i32
    %dma_start3A_516 = tpu.memref_slice %arg13[%dma_start3A_515] : memref<512xi32, #tpu.memory_space<vmem>> -> memref<64xi32, #tpu.memory_space<vmem>>
    %dma_start3A_517 = arith.constant 0 : i32
    %dma_start3A_518 = arith.constant 0 : i32
    %dma_start3A_519 = tpu.memref_slice %arg10[%dma_start3A_517, %dma_start3A_518] : memref<201x128xf32, #tpu.memory_space<vmem_shared>> -> memref<201x128xf32, #tpu.memory_space<vmem_shared>>
    tpu.enqueue_indirect_dma source(%dma_start3A_519 : memref<201x128xf32, #tpu.memory_space<vmem_shared>>) target(%arg19 : memref<64x128xf32, #tpu.memory_space<vmem>>) offsets(%dma_start3A_516 : memref<64xi32, #tpu.memory_space<vmem>>) semaphore(%arg34 : memref<!tpu.dma_semaphore, #tpu.memory_space<semaphore_mem>>)
    %dma_start3A_520 = arith.constant 320 : i32
    %dma_start3A_521 = tpu.memref_slice %arg14[%dma_start3A_520] : memref<512xi32, #tpu.memory_space<vmem>> -> memref<64xi32, #tpu.memory_space<vmem>>
    %dma_start3A_522 = arith.constant 0 : i32
    %dma_start3A_523 = arith.constant 0 : i32
    %dma_start3A_524 = tpu.memref_slice %arg11[%dma_start3A_522, %dma_start3A_523] : memref<101x128xf32, #tpu.memory_space<vmem_shared>> -> memref<101x128xf32, #tpu.memory_space<vmem_shared>>
    tpu.enqueue_indirect_dma source(%dma_start3A_524 : memref<101x128xf32, #tpu.memory_space<vmem_shared>>) target(%arg20 : memref<64x128xf32, #tpu.memory_space<vmem>>) offsets(%dma_start3A_521 : memref<64xi32, #tpu.memory_space<vmem>>) semaphore(%arg34 : memref<!tpu.dma_semaphore, #tpu.memory_space<semaphore_mem>>)
    %dma_start3A_525 = arith.constant 320 : i32
    %dma_start3A_526 = tpu.memref_slice %arg15[%dma_start3A_525] : memref<512xi32, #tpu.memory_space<vmem>> -> memref<64xi32, #tpu.memory_space<vmem>>
    %dma_start3A_527 = arith.constant 0 : i32
    %dma_start3A_528 = arith.constant 0 : i32
    %dma_start3A_529 = tpu.memref_slice %arg12[%dma_start3A_527, %dma_start3A_528] : memref<1000x128xf32, #tpu.memory_space<vmem_shared>> -> memref<1000x128xf32, #tpu.memory_space<vmem_shared>>
    tpu.enqueue_indirect_dma source(%dma_start3A_529 : memref<1000x128xf32, #tpu.memory_space<vmem_shared>>) target(%arg21 : memref<64x128xf32, #tpu.memory_space<vmem>>) offsets(%dma_start3A_526 : memref<64xi32, #tpu.memory_space<vmem>>) semaphore(%arg34 : memref<!tpu.dma_semaphore, #tpu.memory_space<semaphore_mem>>)
    %add3A_530 = arith.constant 128 : i32
    %add3A_531 = arith.addi %mul3A_2, %add3A_530 : i32
    %dma_start3A_532 = arith.constant 0 : i32
    %dma_start3A_533 = tpu.memref_slice %arg9[%add3A_531, %dma_start3A_532] : memref<16384x128xf32, #tpu.memory_space<hbm>> -> memref<64x128xf32, #tpu.memory_space<hbm>>
    %dma_start3A_534 = arith.constant 0 : i32
    %dma_start3A_535 = tpu.memref_slice %arg9[%add3A_531, %dma_start3A_534] : memref<16384x128xf32, #tpu.memory_space<hbm>> -> memref<64x128xf32, #tpu.memory_space<hbm>>
    tpu.enqueue_dma source(%arg28 : memref<64x128xf32, #tpu.memory_space<vmem>>) target(%dma_start3A_535 : memref<64x128xf32, #tpu.memory_space<hbm>>) target_semaphore(%arg37 : memref<!tpu.dma_semaphore, #tpu.memory_space<semaphore_mem>>)
    %dma_wait3A_536 = arith.constant 192 : i32
    %dma_wait3A_537 = tpu.memref_slice %arg13[%dma_wait3A_536] : memref<512xi32, #tpu.memory_space<vmem>> -> memref<64xi32, #tpu.memory_space<vmem>>
    %dma_wait3A_538 = arith.constant 0 : i32
    %dma_wait3A_539 = arith.constant 0 : i32
    %dma_wait3A_540 = tpu.memref_slice %arg10[%dma_wait3A_538, %dma_wait3A_539] : memref<201x128xf32, #tpu.memory_space<vmem_shared>> -> memref<201x128xf32, #tpu.memory_space<vmem_shared>>
    tpu.wait_indirect_dma semaphore(%arg36 : memref<!tpu.dma_semaphore, #tpu.memory_space<semaphore_mem>>) src(%dma_wait3A_540 : memref<201x128xf32, #tpu.memory_space<vmem_shared>>) dst(%arg25 : memref<64x128xf32, #tpu.memory_space<vmem>>)
    %dma_wait3A_541 = arith.constant 192 : i32
    %dma_wait3A_542 = tpu.memref_slice %arg14[%dma_wait3A_541] : memref<512xi32, #tpu.memory_space<vmem>> -> memref<64xi32, #tpu.memory_space<vmem>>
    %dma_wait3A_543 = arith.constant 0 : i32
    %dma_wait3A_544 = arith.constant 0 : i32
    %dma_wait3A_545 = tpu.memref_slice %arg11[%dma_wait3A_543, %dma_wait3A_544] : memref<101x128xf32, #tpu.memory_space<vmem_shared>> -> memref<101x128xf32, #tpu.memory_space<vmem_shared>>
    tpu.wait_indirect_dma semaphore(%arg36 : memref<!tpu.dma_semaphore, #tpu.memory_space<semaphore_mem>>) src(%dma_wait3A_545 : memref<101x128xf32, #tpu.memory_space<vmem_shared>>) dst(%arg26 : memref<64x128xf32, #tpu.memory_space<vmem>>)
    %dma_wait3A_546 = arith.constant 192 : i32
    %dma_wait3A_547 = tpu.memref_slice %arg15[%dma_wait3A_546] : memref<512xi32, #tpu.memory_space<vmem>> -> memref<64xi32, #tpu.memory_space<vmem>>
    %dma_wait3A_548 = arith.constant 0 : i32
    %dma_wait3A_549 = arith.constant 0 : i32
    %dma_wait3A_550 = tpu.memref_slice %arg12[%dma_wait3A_548, %dma_wait3A_549] : memref<1000x128xf32, #tpu.memory_space<vmem_shared>> -> memref<1000x128xf32, #tpu.memory_space<vmem_shared>>
    tpu.wait_indirect_dma semaphore(%arg36 : memref<!tpu.dma_semaphore, #tpu.memory_space<semaphore_mem>>) src(%dma_wait3A_550 : memref<1000x128xf32, #tpu.memory_space<vmem_shared>>) dst(%arg27 : memref<64x128xf32, #tpu.memory_space<vmem>>)
    %dma_wait3A_551 = arith.constant 0 : i32
    %dma_wait3A_552 = tpu.memref_slice %arg9[%add3A_485, %dma_wait3A_551] : memref<16384x128xf32, #tpu.memory_space<hbm>> -> memref<64x128xf32, #tpu.memory_space<hbm>>
    %dma_wait3A_553 = arith.constant 0 : i32
    %dma_wait3A_554 = tpu.memref_slice %arg9[%add3A_485, %dma_wait3A_553] : memref<16384x128xf32, #tpu.memory_space<hbm>> -> memref<64x128xf32, #tpu.memory_space<hbm>>
    tpu.wait_dma2 semaphore(%arg38 : memref<!tpu.dma_semaphore, #tpu.memory_space<semaphore_mem>>) src(%arg29 : memref<64x128xf32, #tpu.memory_space<vmem>>) dst(%dma_wait3A_554 : memref<64x128xf32, #tpu.memory_space<hbm>>)
    %scan3A_555 = arith.constant 0 : i32
    %scan3A_556 = arith.constant 0 : i32
    %scan3A_557 = arith.constant 64 : i32
    %scan3A_558 = arith.addi %scan3A_556, %scan3A_557 : i32
    %scan3A_559 = arith.constant 1 : i32
    scf.for %scan3A_729 = %scan3A_556 to %scan3A_558 step %scan3A_559  : i32 {
      %get3A_730 = arith.index_cast %scan3A_729 : i32 to index
      %get3A_731 = arith.constant 0 : index
      %get3A_732 = tpu.vector_load %arg25[%get3A_730, %get3A_731] {strides = array<i32>} : memref<64x128xf32, #tpu.memory_space<vmem>>, vector<1x16xf32>,
      %get3A_733 = vector.shape_cast %get3A_732 : vector<1x16xf32> to vector<16xf32>
      %get3A_734 = arith.index_cast %scan3A_729 : i32 to index
      %get3A_735 = arith.constant 0 : index
      %get3A_736 = tpu.vector_load %arg26[%get3A_734, %get3A_735] {strides = array<i32>} : memref<64x128xf32, #tpu.memory_space<vmem>>, vector<1x16xf32>,
      %get3A_737 = vector.shape_cast %get3A_736 : vector<1x16xf32> to vector<16xf32>
      %add3A_738 = arith.addf %get3A_733, %get3A_737 : vector<16xf32>
      %get3A_739 = arith.index_cast %scan3A_729 : i32 to index
      %get3A_740 = arith.constant 0 : index
      %get3A_741 = tpu.vector_load %arg27[%get3A_739, %get3A_740] {strides = array<i32>} : memref<64x128xf32, #tpu.memory_space<vmem>>, vector<1x16xf32>,
      %get3A_742 = vector.shape_cast %get3A_741 : vector<1x16xf32> to vector<16xf32>
      %add3A_743 = arith.addf %add3A_738, %get3A_742 : vector<16xf32>
      %add3A_744 = arith.addf %add3A_743, %get3A_335 : vector<16xf32>
      %neg3A = arith.constant 0.000000e+00 : f32
      %neg3A_745 = vector.broadcast %neg3A : f32 to vector<16xf32>
      %neg3A_746 = arith.subf %neg3A_745, %add3A_744 : vector<16xf32>
      %exp3A = math.exp %neg3A_746 : vector<16xf32>
      %add3A_747 = arith.constant 1.000000e+00 : f32
      %add3A_748 = vector.broadcast %add3A_747 : f32 to vector<16xf32>
      %add3A_749 = arith.addf %add3A_748, %exp3A : vector<16xf32>
      %div3A = arith.divf %add3A_744, %add3A_749 : vector<16xf32>
      %swap3A_750 = arith.index_cast %scan3A_729 : i32 to index
      %swap3A_751 = arith.constant 0 : index
      %swap3A_752 = tpu.vector_load %arg29[%swap3A_750, %swap3A_751] {strides = array<i32>} : memref<64x128xf32, #tpu.memory_space<vmem>>, vector<1x16xf32>,
      %swap3A_753 = vector.shape_cast %swap3A_752 : vector<1x16xf32> to vector<16xf32>
      %swap3A_754 = vector.shape_cast %div3A : vector<16xf32> to vector<1x16xf32>
      tpu.vector_store %arg29[%swap3A_750, %swap3A_751], %swap3A_754 {strides = array<i32>} : memref<64x128xf32, #tpu.memory_space<vmem>>, vector<1x16xf32>,
      %get3A_755 = arith.index_cast %scan3A_729 : i32 to index
      %get3A_756 = arith.constant 16 : index
      %get3A_757 = tpu.vector_load %arg25[%get3A_755, %get3A_756] {strides = array<i32>} : memref<64x128xf32, #tpu.memory_space<vmem>>, vector<1x16xf32>,
      %get3A_758 = vector.shape_cast %get3A_757 : vector<1x16xf32> to vector<16xf32>
      %get3A_759 = arith.index_cast %scan3A_729 : i32 to index
      %get3A_760 = arith.constant 16 : index
      %get3A_761 = tpu.vector_load %arg26[%get3A_759, %get3A_760] {strides = array<i32>} : memref<64x128xf32, #tpu.memory_space<vmem>>, vector<1x16xf32>,
      %get3A_762 = vector.shape_cast %get3A_761 : vector<1x16xf32> to vector<16xf32>
      %add3A_763 = arith.addf %get3A_758, %get3A_762 : vector<16xf32>
      %get3A_764 = arith.index_cast %scan3A_729 : i32 to index
      %get3A_765 = arith.constant 16 : index
      %get3A_766 = tpu.vector_load %arg27[%get3A_764, %get3A_765] {strides = array<i32>} : memref<64x128xf32, #tpu.memory_space<vmem>>, vector<1x16xf32>,
      %get3A_767 = vector.shape_cast %get3A_766 : vector<1x16xf32> to vector<16xf32>
      %add3A_768 = arith.addf %add3A_763, %get3A_767 : vector<16xf32>
      %add3A_769 = arith.addf %add3A_768, %get3A_338 : vector<16xf32>
      %neg3A_770 = arith.constant 0.000000e+00 : f32
      %neg3A_771 = vector.broadcast %neg3A_770 : f32 to vector<16xf32>
      %neg3A_772 = arith.subf %neg3A_771, %add3A_769 : vector<16xf32>
      %exp3A_773 = math.exp %neg3A_772 : vector<16xf32>
      %add3A_774 = arith.constant 1.000000e+00 : f32
      %add3A_775 = vector.broadcast %add3A_774 : f32 to vector<16xf32>
      %add3A_776 = arith.addf %add3A_775, %exp3A_773 : vector<16xf32>
      %div3A_777 = arith.divf %add3A_769, %add3A_776 : vector<16xf32>
      %swap3A_778 = arith.index_cast %scan3A_729 : i32 to index
      %swap3A_779 = arith.constant 16 : index
      %swap3A_780 = tpu.vector_load %arg29[%swap3A_778, %swap3A_779] {strides = array<i32>} : memref<64x128xf32, #tpu.memory_space<vmem>>, vector<1x16xf32>,
      %swap3A_781 = vector.shape_cast %swap3A_780 : vector<1x16xf32> to vector<16xf32>
      %swap3A_782 = vector.shape_cast %div3A_777 : vector<16xf32> to vector<1x16xf32>
      tpu.vector_store %arg29[%swap3A_778, %swap3A_779], %swap3A_782 {strides = array<i32>} : memref<64x128xf32, #tpu.memory_space<vmem>>, vector<1x16xf32>,
      %get3A_783 = arith.index_cast %scan3A_729 : i32 to index
      %get3A_784 = arith.constant 32 : index
      %get3A_785 = tpu.vector_load %arg25[%get3A_783, %get3A_784] {strides = array<i32>} : memref<64x128xf32, #tpu.memory_space<vmem>>, vector<1x16xf32>,
      %get3A_786 = vector.shape_cast %get3A_785 : vector<1x16xf32> to vector<16xf32>
      %get3A_787 = arith.index_cast %scan3A_729 : i32 to index
      %get3A_788 = arith.constant 32 : index
      %get3A_789 = tpu.vector_load %arg26[%get3A_787, %get3A_788] {strides = array<i32>} : memref<64x128xf32, #tpu.memory_space<vmem>>, vector<1x16xf32>,
      %get3A_790 = vector.shape_cast %get3A_789 : vector<1x16xf32> to vector<16xf32>
      %add3A_791 = arith.addf %get3A_786, %get3A_790 : vector<16xf32>
      %get3A_792 = arith.index_cast %scan3A_729 : i32 to index
      %get3A_793 = arith.constant 32 : index
      %get3A_794 = tpu.vector_load %arg27[%get3A_792, %get3A_793] {strides = array<i32>} : memref<64x128xf32, #tpu.memory_space<vmem>>, vector<1x16xf32>,
      %get3A_795 = vector.shape_cast %get3A_794 : vector<1x16xf32> to vector<16xf32>
      %add3A_796 = arith.addf %add3A_791, %get3A_795 : vector<16xf32>
      %add3A_797 = arith.addf %add3A_796, %get3A_341 : vector<16xf32>
      %neg3A_798 = arith.constant 0.000000e+00 : f32
      %neg3A_799 = vector.broadcast %neg3A_798 : f32 to vector<16xf32>
      %neg3A_800 = arith.subf %neg3A_799, %add3A_797 : vector<16xf32>
      %exp3A_801 = math.exp %neg3A_800 : vector<16xf32>
      %add3A_802 = arith.constant 1.000000e+00 : f32
      %add3A_803 = vector.broadcast %add3A_802 : f32 to vector<16xf32>
      %add3A_804 = arith.addf %add3A_803, %exp3A_801 : vector<16xf32>
      %div3A_805 = arith.divf %add3A_797, %add3A_804 : vector<16xf32>
      %swap3A_806 = arith.index_cast %scan3A_729 : i32 to index
      %swap3A_807 = arith.constant 32 : index
      %swap3A_808 = tpu.vector_load %arg29[%swap3A_806, %swap3A_807] {strides = array<i32>} : memref<64x128xf32, #tpu.memory_space<vmem>>, vector<1x16xf32>,
      %swap3A_809 = vector.shape_cast %swap3A_808 : vector<1x16xf32> to vector<16xf32>
      %swap3A_810 = vector.shape_cast %div3A_805 : vector<16xf32> to vector<1x16xf32>
      tpu.vector_store %arg29[%swap3A_806, %swap3A_807], %swap3A_810 {strides = array<i32>} : memref<64x128xf32, #tpu.memory_space<vmem>>, vector<1x16xf32>,
      %get3A_811 = arith.index_cast %scan3A_729 : i32 to index
      %get3A_812 = arith.constant 48 : index
      %get3A_813 = tpu.vector_load %arg25[%get3A_811, %get3A_812] {strides = array<i32>} : memref<64x128xf32, #tpu.memory_space<vmem>>, vector<1x16xf32>,
      %get3A_814 = vector.shape_cast %get3A_813 : vector<1x16xf32> to vector<16xf32>
      %get3A_815 = arith.index_cast %scan3A_729 : i32 to index
      %get3A_816 = arith.constant 48 : index
      %get3A_817 = tpu.vector_load %arg26[%get3A_815, %get3A_816] {strides = array<i32>} : memref<64x128xf32, #tpu.memory_space<vmem>>, vector<1x16xf32>,
      %get3A_818 = vector.shape_cast %get3A_817 : vector<1x16xf32> to vector<16xf32>
      %add3A_819 = arith.addf %get3A_814, %get3A_818 : vector<16xf32>
      %get3A_820 = arith.index_cast %scan3A_729 : i32 to index
      %get3A_821 = arith.constant 48 : index
      %get3A_822 = tpu.vector_load %arg27[%get3A_820, %get3A_821] {strides = array<i32>} : memref<64x128xf32, #tpu.memory_space<vmem>>, vector<1x16xf32>,
      %get3A_823 = vector.shape_cast %get3A_822 : vector<1x16xf32> to vector<16xf32>
      %add3A_824 = arith.addf %add3A_819, %get3A_823 : vector<16xf32>
      %add3A_825 = arith.addf %add3A_824, %get3A_344 : vector<16xf32>
      %neg3A_826 = arith.constant 0.000000e+00 : f32
      %neg3A_827 = vector.broadcast %neg3A_826 : f32 to vector<16xf32>
      %neg3A_828 = arith.subf %neg3A_827, %add3A_825 : vector<16xf32>
      %exp3A_829 = math.exp %neg3A_828 : vector<16xf32>
      %add3A_830 = arith.constant 1.000000e+00 : f32
      %add3A_831 = vector.broadcast %add3A_830 : f32 to vector<16xf32>
      %add3A_832 = arith.addf %add3A_831, %exp3A_829 : vector<16xf32>
      %div3A_833 = arith.divf %add3A_825, %add3A_832 : vector<16xf32>
      %swap3A_834 = arith.index_cast %scan3A_729 : i32 to index
      %swap3A_835 = arith.constant 48 : index
      %swap3A_836 = tpu.vector_load %arg29[%swap3A_834, %swap3A_835] {strides = array<i32>} : memref<64x128xf32, #tpu.memory_space<vmem>>, vector<1x16xf32>,
      %swap3A_837 = vector.shape_cast %swap3A_836 : vector<1x16xf32> to vector<16xf32>
      %swap3A_838 = vector.shape_cast %div3A_833 : vector<16xf32> to vector<1x16xf32>
      tpu.vector_store %arg29[%swap3A_834, %swap3A_835], %swap3A_838 {strides = array<i32>} : memref<64x128xf32, #tpu.memory_space<vmem>>, vector<1x16xf32>,
      %get3A_839 = arith.index_cast %scan3A_729 : i32 to index
      %get3A_840 = arith.constant 64 : index
      %get3A_841 = tpu.vector_load %arg25[%get3A_839, %get3A_840] {strides = array<i32>} : memref<64x128xf32, #tpu.memory_space<vmem>>, vector<1x16xf32>,
      %get3A_842 = vector.shape_cast %get3A_841 : vector<1x16xf32> to vector<16xf32>
      %get3A_843 = arith.index_cast %scan3A_729 : i32 to index
      %get3A_844 = arith.constant 64 : index
      %get3A_845 = tpu.vector_load %arg26[%get3A_843, %get3A_844] {strides = array<i32>} : memref<64x128xf32, #tpu.memory_space<vmem>>, vector<1x16xf32>,
      %get3A_846 = vector.shape_cast %get3A_845 : vector<1x16xf32> to vector<16xf32>
      %add3A_847 = arith.addf %get3A_842, %get3A_846 : vector<16xf32>
      %get3A_848 = arith.index_cast %scan3A_729 : i32 to index
      %get3A_849 = arith.constant 64 : index
      %get3A_850 = tpu.vector_load %arg27[%get3A_848, %get3A_849] {strides = array<i32>} : memref<64x128xf32, #tpu.memory_space<vmem>>, vector<1x16xf32>,
      %get3A_851 = vector.shape_cast %get3A_850 : vector<1x16xf32> to vector<16xf32>
      %add3A_852 = arith.addf %add3A_847, %get3A_851 : vector<16xf32>
      %add3A_853 = arith.addf %add3A_852, %get3A_347 : vector<16xf32>
      %neg3A_854 = arith.constant 0.000000e+00 : f32
      %neg3A_855 = vector.broadcast %neg3A_854 : f32 to vector<16xf32>
      %neg3A_856 = arith.subf %neg3A_855, %add3A_853 : vector<16xf32>
      %exp3A_857 = math.exp %neg3A_856 : vector<16xf32>
      %add3A_858 = arith.constant 1.000000e+00 : f32
      %add3A_859 = vector.broadcast %add3A_858 : f32 to vector<16xf32>
      %add3A_860 = arith.addf %add3A_859, %exp3A_857 : vector<16xf32>
      %div3A_861 = arith.divf %add3A_853, %add3A_860 : vector<16xf32>
      %swap3A_862 = arith.index_cast %scan3A_729 : i32 to index
      %swap3A_863 = arith.constant 64 : index
      %swap3A_864 = tpu.vector_load %arg29[%swap3A_862, %swap3A_863] {strides = array<i32>} : memref<64x128xf32, #tpu.memory_space<vmem>>, vector<1x16xf32>,
      %swap3A_865 = vector.shape_cast %swap3A_864 : vector<1x16xf32> to vector<16xf32>
      %swap3A_866 = vector.shape_cast %div3A_861 : vector<16xf32> to vector<1x16xf32>
      tpu.vector_store %arg29[%swap3A_862, %swap3A_863], %swap3A_866 {strides = array<i32>} : memref<64x128xf32, #tpu.memory_space<vmem>>, vector<1x16xf32>,
      %get3A_867 = arith.index_cast %scan3A_729 : i32 to index
      %get3A_868 = arith.constant 80 : index
      %get3A_869 = tpu.vector_load %arg25[%get3A_867, %get3A_868] {strides = array<i32>} : memref<64x128xf32, #tpu.memory_space<vmem>>, vector<1x16xf32>,
      %get3A_870 = vector.shape_cast %get3A_869 : vector<1x16xf32> to vector<16xf32>
      %get3A_871 = arith.index_cast %scan3A_729 : i32 to index
      %get3A_872 = arith.constant 80 : index
      %get3A_873 = tpu.vector_load %arg26[%get3A_871, %get3A_872] {strides = array<i32>} : memref<64x128xf32, #tpu.memory_space<vmem>>, vector<1x16xf32>,
      %get3A_874 = vector.shape_cast %get3A_873 : vector<1x16xf32> to vector<16xf32>
      %add3A_875 = arith.addf %get3A_870, %get3A_874 : vector<16xf32>
      %get3A_876 = arith.index_cast %scan3A_729 : i32 to index
      %get3A_877 = arith.constant 80 : index
      %get3A_878 = tpu.vector_load %arg27[%get3A_876, %get3A_877] {strides = array<i32>} : memref<64x128xf32, #tpu.memory_space<vmem>>, vector<1x16xf32>,
      %get3A_879 = vector.shape_cast %get3A_878 : vector<1x16xf32> to vector<16xf32>
      %add3A_880 = arith.addf %add3A_875, %get3A_879 : vector<16xf32>
      %add3A_881 = arith.addf %add3A_880, %get3A_350 : vector<16xf32>
      %neg3A_882 = arith.constant 0.000000e+00 : f32
      %neg3A_883 = vector.broadcast %neg3A_882 : f32 to vector<16xf32>
      %neg3A_884 = arith.subf %neg3A_883, %add3A_881 : vector<16xf32>
      %exp3A_885 = math.exp %neg3A_884 : vector<16xf32>
      %add3A_886 = arith.constant 1.000000e+00 : f32
      %add3A_887 = vector.broadcast %add3A_886 : f32 to vector<16xf32>
      %add3A_888 = arith.addf %add3A_887, %exp3A_885 : vector<16xf32>
      %div3A_889 = arith.divf %add3A_881, %add3A_888 : vector<16xf32>
      %swap3A_890 = arith.index_cast %scan3A_729 : i32 to index
      %swap3A_891 = arith.constant 80 : index
      %swap3A_892 = tpu.vector_load %arg29[%swap3A_890, %swap3A_891] {strides = array<i32>} : memref<64x128xf32, #tpu.memory_space<vmem>>, vector<1x16xf32>,
      %swap3A_893 = vector.shape_cast %swap3A_892 : vector<1x16xf32> to vector<16xf32>
      %swap3A_894 = vector.shape_cast %div3A_889 : vector<16xf32> to vector<1x16xf32>
      tpu.vector_store %arg29[%swap3A_890, %swap3A_891], %swap3A_894 {strides = array<i32>} : memref<64x128xf32, #tpu.memory_space<vmem>>, vector<1x16xf32>,
      %get3A_895 = arith.index_cast %scan3A_729 : i32 to index
      %get3A_896 = arith.constant 96 : index
      %get3A_897 = tpu.vector_load %arg25[%get3A_895, %get3A_896] {strides = array<i32>} : memref<64x128xf32, #tpu.memory_space<vmem>>, vector<1x16xf32>,
      %get3A_898 = vector.shape_cast %get3A_897 : vector<1x16xf32> to vector<16xf32>
      %get3A_899 = arith.index_cast %scan3A_729 : i32 to index
      %get3A_900 = arith.constant 96 : index
      %get3A_901 = tpu.vector_load %arg26[%get3A_899, %get3A_900] {strides = array<i32>} : memref<64x128xf32, #tpu.memory_space<vmem>>, vector<1x16xf32>,
      %get3A_902 = vector.shape_cast %get3A_901 : vector<1x16xf32> to vector<16xf32>
      %add3A_903 = arith.addf %get3A_898, %get3A_902 : vector<16xf32>
      %get3A_904 = arith.index_cast %scan3A_729 : i32 to index
      %get3A_905 = arith.constant 96 : index
      %get3A_906 = tpu.vector_load %arg27[%get3A_904, %get3A_905] {strides = array<i32>} : memref<64x128xf32, #tpu.memory_space<vmem>>, vector<1x16xf32>,
      %get3A_907 = vector.shape_cast %get3A_906 : vector<1x16xf32> to vector<16xf32>
      %add3A_908 = arith.addf %add3A_903, %get3A_907 : vector<16xf32>
      %add3A_909 = arith.addf %add3A_908, %get3A_353 : vector<16xf32>
      %neg3A_910 = arith.constant 0.000000e+00 : f32
      %neg3A_911 = vector.broadcast %neg3A_910 : f32 to vector<16xf32>
      %neg3A_912 = arith.subf %neg3A_911, %add3A_909 : vector<16xf32>
      %exp3A_913 = math.exp %neg3A_912 : vector<16xf32>
      %add3A_914 = arith.constant 1.000000e+00 : f32
      %add3A_915 = vector.broadcast %add3A_914 : f32 to vector<16xf32>
      %add3A_916 = arith.addf %add3A_915, %exp3A_913 : vector<16xf32>
      %div3A_917 = arith.divf %add3A_909, %add3A_916 : vector<16xf32>
      %swap3A_918 = arith.index_cast %scan3A_729 : i32 to index
      %swap3A_919 = arith.constant 96 : index
      %swap3A_920 = tpu.vector_load %arg29[%swap3A_918, %swap3A_919] {strides = array<i32>} : memref<64x128xf32, #tpu.memory_space<vmem>>, vector<1x16xf32>,
      %swap3A_921 = vector.shape_cast %swap3A_920 : vector<1x16xf32> to vector<16xf32>
      %swap3A_922 = vector.shape_cast %div3A_917 : vector<16xf32> to vector<1x16xf32>
      tpu.vector_store %arg29[%swap3A_918, %swap3A_919], %swap3A_922 {strides = array<i32>} : memref<64x128xf32, #tpu.memory_space<vmem>>, vector<1x16xf32>,
      %get3A_923 = arith.index_cast %scan3A_729 : i32 to index
      %get3A_924 = arith.constant 112 : index
      %get3A_925 = tpu.vector_load %arg25[%get3A_923, %get3A_924] {strides = array<i32>} : memref<64x128xf32, #tpu.memory_space<vmem>>, vector<1x16xf32>,
      %get3A_926 = vector.shape_cast %get3A_925 : vector<1x16xf32> to vector<16xf32>
      %get3A_927 = arith.index_cast %scan3A_729 : i32 to index
      %get3A_928 = arith.constant 112 : index
      %get3A_929 = tpu.vector_load %arg26[%get3A_927, %get3A_928] {strides = array<i32>} : memref<64x128xf32, #tpu.memory_space<vmem>>, vector<1x16xf32>,
      %get3A_930 = vector.shape_cast %get3A_929 : vector<1x16xf32> to vector<16xf32>
      %add3A_931 = arith.addf %get3A_926, %get3A_930 : vector<16xf32>
      %get3A_932 = arith.index_cast %scan3A_729 : i32 to index
      %get3A_933 = arith.constant 112 : index
      %get3A_934 = tpu.vector_load %arg27[%get3A_932, %get3A_933] {strides = array<i32>} : memref<64x128xf32, #tpu.memory_space<vmem>>, vector<1x16xf32>,
      %get3A_935 = vector.shape_cast %get3A_934 : vector<1x16xf32> to vector<16xf32>
      %add3A_936 = arith.addf %add3A_931, %get3A_935 : vector<16xf32>
      %add3A_937 = arith.addf %add3A_936, %get3A_356 : vector<16xf32>
      %neg3A_938 = arith.constant 0.000000e+00 : f32
      %neg3A_939 = vector.broadcast %neg3A_938 : f32 to vector<16xf32>
      %neg3A_940 = arith.subf %neg3A_939, %add3A_937 : vector<16xf32>
      %exp3A_941 = math.exp %neg3A_940 : vector<16xf32>
      %add3A_942 = arith.constant 1.000000e+00 : f32
      %add3A_943 = vector.broadcast %add3A_942 : f32 to vector<16xf32>
      %add3A_944 = arith.addf %add3A_943, %exp3A_941 : vector<16xf32>
      %div3A_945 = arith.divf %add3A_937, %add3A_944 : vector<16xf32>
      %swap3A_946 = arith.index_cast %scan3A_729 : i32 to index
      %swap3A_947 = arith.constant 112 : index
      %swap3A_948 = tpu.vector_load %arg29[%swap3A_946, %swap3A_947] {strides = array<i32>} : memref<64x128xf32, #tpu.memory_space<vmem>>, vector<1x16xf32>,
      %swap3A_949 = vector.shape_cast %swap3A_948 : vector<1x16xf32> to vector<16xf32>
      %swap3A_950 = vector.shape_cast %div3A_945 : vector<16xf32> to vector<1x16xf32>
      tpu.vector_store %arg29[%swap3A_946, %swap3A_947], %swap3A_950 {strides = array<i32>} : memref<64x128xf32, #tpu.memory_space<vmem>>, vector<1x16xf32>,
    }
    %scan3A_560 = arith.constant 64 : i32
    %dma_start3A_561 = arith.constant 384 : i32
    %dma_start3A_562 = tpu.memref_slice %arg13[%dma_start3A_561] : memref<512xi32, #tpu.memory_space<vmem>> -> memref<64xi32, #tpu.memory_space<vmem>>
    %dma_start3A_563 = arith.constant 0 : i32
    %dma_start3A_564 = arith.constant 0 : i32
    %dma_start3A_565 = tpu.memref_slice %arg10[%dma_start3A_563, %dma_start3A_564] : memref<201x128xf32, #tpu.memory_space<vmem_shared>> -> memref<201x128xf32, #tpu.memory_space<vmem_shared>>
    tpu.enqueue_indirect_dma source(%dma_start3A_565 : memref<201x128xf32, #tpu.memory_space<vmem_shared>>) target(%arg22 : memref<64x128xf32, #tpu.memory_space<vmem>>) offsets(%dma_start3A_562 : memref<64xi32, #tpu.memory_space<vmem>>) semaphore(%arg35 : memref<!tpu.dma_semaphore, #tpu.memory_space<semaphore_mem>>)
    %dma_start3A_566 = arith.constant 384 : i32
    %dma_start3A_567 = tpu.memref_slice %arg14[%dma_start3A_566] : memref<512xi32, #tpu.memory_space<vmem>> -> memref<64xi32, #tpu.memory_space<vmem>>
    %dma_start3A_568 = arith.constant 0 : i32
    %dma_start3A_569 = arith.constant 0 : i32
    %dma_start3A_570 = tpu.memref_slice %arg11[%dma_start3A_568, %dma_start3A_569] : memref<101x128xf32, #tpu.memory_space<vmem_shared>> -> memref<101x128xf32, #tpu.memory_space<vmem_shared>>
    tpu.enqueue_indirect_dma source(%dma_start3A_570 : memref<101x128xf32, #tpu.memory_space<vmem_shared>>) target(%arg23 : memref<64x128xf32, #tpu.memory_space<vmem>>) offsets(%dma_start3A_567 : memref<64xi32, #tpu.memory_space<vmem>>) semaphore(%arg35 : memref<!tpu.dma_semaphore, #tpu.memory_space<semaphore_mem>>)
    %dma_start3A_571 = arith.constant 384 : i32
    %dma_start3A_572 = tpu.memref_slice %arg15[%dma_start3A_571] : memref<512xi32, #tpu.memory_space<vmem>> -> memref<64xi32, #tpu.memory_space<vmem>>
    %dma_start3A_573 = arith.constant 0 : i32
    %dma_start3A_574 = arith.constant 0 : i32
    %dma_start3A_575 = tpu.memref_slice %arg12[%dma_start3A_573, %dma_start3A_574] : memref<1000x128xf32, #tpu.memory_space<vmem_shared>> -> memref<1000x128xf32, #tpu.memory_space<vmem_shared>>
    tpu.enqueue_indirect_dma source(%dma_start3A_575 : memref<1000x128xf32, #tpu.memory_space<vmem_shared>>) target(%arg24 : memref<64x128xf32, #tpu.memory_space<vmem>>) offsets(%dma_start3A_572 : memref<64xi32, #tpu.memory_space<vmem>>) semaphore(%arg35 : memref<!tpu.dma_semaphore, #tpu.memory_space<semaphore_mem>>)
    %add3A_576 = arith.constant 192 : i32
    %add3A_577 = arith.addi %mul3A_2, %add3A_576 : i32
    %dma_start3A_578 = arith.constant 0 : i32
    %dma_start3A_579 = tpu.memref_slice %arg9[%add3A_577, %dma_start3A_578] : memref<16384x128xf32, #tpu.memory_space<hbm>> -> memref<64x128xf32, #tpu.memory_space<hbm>>
    %dma_start3A_580 = arith.constant 0 : i32
    %dma_start3A_581 = tpu.memref_slice %arg9[%add3A_577, %dma_start3A_580] : memref<16384x128xf32, #tpu.memory_space<hbm>> -> memref<64x128xf32, #tpu.memory_space<hbm>>
    tpu.enqueue_dma source(%arg29 : memref<64x128xf32, #tpu.memory_space<vmem>>) target(%dma_start3A_581 : memref<64x128xf32, #tpu.memory_space<hbm>>) target_semaphore(%arg38 : memref<!tpu.dma_semaphore, #tpu.memory_space<semaphore_mem>>)
    %dma_wait3A_582 = arith.constant 256 : i32
    %dma_wait3A_583 = tpu.memref_slice %arg13[%dma_wait3A_582] : memref<512xi32, #tpu.memory_space<vmem>> -> memref<64xi32, #tpu.memory_space<vmem>>
    %dma_wait3A_584 = arith.constant 0 : i32
    %dma_wait3A_585 = arith.constant 0 : i32
    %dma_wait3A_586 = tpu.memref_slice %arg10[%dma_wait3A_584, %dma_wait3A_585] : memref<201x128xf32, #tpu.memory_space<vmem_shared>> -> memref<201x128xf32, #tpu.memory_space<vmem_shared>>
    tpu.wait_indirect_dma semaphore(%arg33 : memref<!tpu.dma_semaphore, #tpu.memory_space<semaphore_mem>>) src(%dma_wait3A_586 : memref<201x128xf32, #tpu.memory_space<vmem_shared>>) dst(%arg16 : memref<64x128xf32, #tpu.memory_space<vmem>>)
    %dma_wait3A_587 = arith.constant 256 : i32
    %dma_wait3A_588 = tpu.memref_slice %arg14[%dma_wait3A_587] : memref<512xi32, #tpu.memory_space<vmem>> -> memref<64xi32, #tpu.memory_space<vmem>>
    %dma_wait3A_589 = arith.constant 0 : i32
    %dma_wait3A_590 = arith.constant 0 : i32
    %dma_wait3A_591 = tpu.memref_slice %arg11[%dma_wait3A_589, %dma_wait3A_590] : memref<101x128xf32, #tpu.memory_space<vmem_shared>> -> memref<101x128xf32, #tpu.memory_space<vmem_shared>>
    tpu.wait_indirect_dma semaphore(%arg33 : memref<!tpu.dma_semaphore, #tpu.memory_space<semaphore_mem>>) src(%dma_wait3A_591 : memref<101x128xf32, #tpu.memory_space<vmem_shared>>) dst(%arg17 : memref<64x128xf32, #tpu.memory_space<vmem>>)
    %dma_wait3A_592 = arith.constant 256 : i32
    %dma_wait3A_593 = tpu.memref_slice %arg15[%dma_wait3A_592] : memref<512xi32, #tpu.memory_space<vmem>> -> memref<64xi32, #tpu.memory_space<vmem>>
    %dma_wait3A_594 = arith.constant 0 : i32
    %dma_wait3A_595 = arith.constant 0 : i32
    %dma_wait3A_596 = tpu.memref_slice %arg12[%dma_wait3A_594, %dma_wait3A_595] : memref<1000x128xf32, #tpu.memory_space<vmem_shared>> -> memref<1000x128xf32, #tpu.memory_space<vmem_shared>>
    tpu.wait_indirect_dma semaphore(%arg33 : memref<!tpu.dma_semaphore, #tpu.memory_space<semaphore_mem>>) src(%dma_wait3A_596 : memref<1000x128xf32, #tpu.memory_space<vmem_shared>>) dst(%arg18 : memref<64x128xf32, #tpu.memory_space<vmem>>)
    %dma_wait3A_597 = arith.constant 0 : i32
    %dma_wait3A_598 = tpu.memref_slice %arg9[%add3A_531, %dma_wait3A_597] : memref<16384x128xf32, #tpu.memory_space<hbm>> -> memref<64x128xf32, #tpu.memory_space<hbm>>
    %dma_wait3A_599 = arith.constant 0 : i32
    %dma_wait3A_600 = tpu.memref_slice %arg9[%add3A_531, %dma_wait3A_599] : memref<16384x128xf32, #tpu.memory_space<hbm>> -> memref<64x128xf32, #tpu.memory_space<hbm>>
    tpu.wait_dma2 semaphore(%arg37 : memref<!tpu.dma_semaphore, #tpu.memory_space<semaphore_mem>>) src(%arg28 : memref<64x128xf32, #tpu.memory_space<vmem>>) dst(%dma_wait3A_600 : memref<64x128xf32, #tpu.memory_space<hbm>>)
    %scan3A_601 = arith.constant 0 : i32
    %scan3A_602 = arith.constant 0 : i32
    %scan3A_603 = arith.constant 64 : i32
    %scan3A_604 = arith.addi %scan3A_602, %scan3A_603 : i32
    %scan3A_605 = arith.constant 1 : i32
    scf.for %scan3A_729 = %scan3A_602 to %scan3A_604 step %scan3A_605  : i32 {
      %get3A_730 = arith.index_cast %scan3A_729 : i32 to index
      %get3A_731 = arith.constant 0 : index
      %get3A_732 = tpu.vector_load %arg16[%get3A_730, %get3A_731] {strides = array<i32>} : memref<64x128xf32, #tpu.memory_space<vmem>>, vector<1x16xf32>,
      %get3A_733 = vector.shape_cast %get3A_732 : vector<1x16xf32> to vector<16xf32>
      %get3A_734 = arith.index_cast %scan3A_729 : i32 to index
      %get3A_735 = arith.constant 0 : index
      %get3A_736 = tpu.vector_load %arg17[%get3A_734, %get3A_735] {strides = array<i32>} : memref<64x128xf32, #tpu.memory_space<vmem>>, vector<1x16xf32>,
      %get3A_737 = vector.shape_cast %get3A_736 : vector<1x16xf32> to vector<16xf32>
      %add3A_738 = arith.addf %get3A_733, %get3A_737 : vector<16xf32>
      %get3A_739 = arith.index_cast %scan3A_729 : i32 to index
      %get3A_740 = arith.constant 0 : index
      %get3A_741 = tpu.vector_load %arg18[%get3A_739, %get3A_740] {strides = array<i32>} : memref<64x128xf32, #tpu.memory_space<vmem>>, vector<1x16xf32>,
      %get3A_742 = vector.shape_cast %get3A_741 : vector<1x16xf32> to vector<16xf32>
      %add3A_743 = arith.addf %add3A_738, %get3A_742 : vector<16xf32>
      %add3A_744 = arith.addf %add3A_743, %get3A_335 : vector<16xf32>
      %neg3A = arith.constant 0.000000e+00 : f32
      %neg3A_745 = vector.broadcast %neg3A : f32 to vector<16xf32>
      %neg3A_746 = arith.subf %neg3A_745, %add3A_744 : vector<16xf32>
      %exp3A = math.exp %neg3A_746 : vector<16xf32>
      %add3A_747 = arith.constant 1.000000e+00 : f32
      %add3A_748 = vector.broadcast %add3A_747 : f32 to vector<16xf32>
      %add3A_749 = arith.addf %add3A_748, %exp3A : vector<16xf32>
      %div3A = arith.divf %add3A_744, %add3A_749 : vector<16xf32>
      %swap3A_750 = arith.index_cast %scan3A_729 : i32 to index
      %swap3A_751 = arith.constant 0 : index
      %swap3A_752 = tpu.vector_load %arg28[%swap3A_750, %swap3A_751] {strides = array<i32>} : memref<64x128xf32, #tpu.memory_space<vmem>>, vector<1x16xf32>,
      %swap3A_753 = vector.shape_cast %swap3A_752 : vector<1x16xf32> to vector<16xf32>
      %swap3A_754 = vector.shape_cast %div3A : vector<16xf32> to vector<1x16xf32>
      tpu.vector_store %arg28[%swap3A_750, %swap3A_751], %swap3A_754 {strides = array<i32>} : memref<64x128xf32, #tpu.memory_space<vmem>>, vector<1x16xf32>,
      %get3A_755 = arith.index_cast %scan3A_729 : i32 to index
      %get3A_756 = arith.constant 16 : index
      %get3A_757 = tpu.vector_load %arg16[%get3A_755, %get3A_756] {strides = array<i32>} : memref<64x128xf32, #tpu.memory_space<vmem>>, vector<1x16xf32>,
      %get3A_758 = vector.shape_cast %get3A_757 : vector<1x16xf32> to vector<16xf32>
      %get3A_759 = arith.index_cast %scan3A_729 : i32 to index
      %get3A_760 = arith.constant 16 : index
      %get3A_761 = tpu.vector_load %arg17[%get3A_759, %get3A_760] {strides = array<i32>} : memref<64x128xf32, #tpu.memory_space<vmem>>, vector<1x16xf32>,
      %get3A_762 = vector.shape_cast %get3A_761 : vector<1x16xf32> to vector<16xf32>
      %add3A_763 = arith.addf %get3A_758, %get3A_762 : vector<16xf32>
      %get3A_764 = arith.index_cast %scan3A_729 : i32 to index
      %get3A_765 = arith.constant 16 : index
      %get3A_766 = tpu.vector_load %arg18[%get3A_764, %get3A_765] {strides = array<i32>} : memref<64x128xf32, #tpu.memory_space<vmem>>, vector<1x16xf32>,
      %get3A_767 = vector.shape_cast %get3A_766 : vector<1x16xf32> to vector<16xf32>
      %add3A_768 = arith.addf %add3A_763, %get3A_767 : vector<16xf32>
      %add3A_769 = arith.addf %add3A_768, %get3A_338 : vector<16xf32>
      %neg3A_770 = arith.constant 0.000000e+00 : f32
      %neg3A_771 = vector.broadcast %neg3A_770 : f32 to vector<16xf32>
      %neg3A_772 = arith.subf %neg3A_771, %add3A_769 : vector<16xf32>
      %exp3A_773 = math.exp %neg3A_772 : vector<16xf32>
      %add3A_774 = arith.constant 1.000000e+00 : f32
      %add3A_775 = vector.broadcast %add3A_774 : f32 to vector<16xf32>
      %add3A_776 = arith.addf %add3A_775, %exp3A_773 : vector<16xf32>
      %div3A_777 = arith.divf %add3A_769, %add3A_776 : vector<16xf32>
      %swap3A_778 = arith.index_cast %scan3A_729 : i32 to index
      %swap3A_779 = arith.constant 16 : index
      %swap3A_780 = tpu.vector_load %arg28[%swap3A_778, %swap3A_779] {strides = array<i32>} : memref<64x128xf32, #tpu.memory_space<vmem>>, vector<1x16xf32>,
      %swap3A_781 = vector.shape_cast %swap3A_780 : vector<1x16xf32> to vector<16xf32>
      %swap3A_782 = vector.shape_cast %div3A_777 : vector<16xf32> to vector<1x16xf32>
      tpu.vector_store %arg28[%swap3A_778, %swap3A_779], %swap3A_782 {strides = array<i32>} : memref<64x128xf32, #tpu.memory_space<vmem>>, vector<1x16xf32>,
      %get3A_783 = arith.index_cast %scan3A_729 : i32 to index
      %get3A_784 = arith.constant 32 : index
      %get3A_785 = tpu.vector_load %arg16[%get3A_783, %get3A_784] {strides = array<i32>} : memref<64x128xf32, #tpu.memory_space<vmem>>, vector<1x16xf32>,
      %get3A_786 = vector.shape_cast %get3A_785 : vector<1x16xf32> to vector<16xf32>
      %get3A_787 = arith.index_cast %scan3A_729 : i32 to index
      %get3A_788 = arith.constant 32 : index
      %get3A_789 = tpu.vector_load %arg17[%get3A_787, %get3A_788] {strides = array<i32>} : memref<64x128xf32, #tpu.memory_space<vmem>>, vector<1x16xf32>,
      %get3A_790 = vector.shape_cast %get3A_789 : vector<1x16xf32> to vector<16xf32>
      %add3A_791 = arith.addf %get3A_786, %get3A_790 : vector<16xf32>
      %get3A_792 = arith.index_cast %scan3A_729 : i32 to index
      %get3A_793 = arith.constant 32 : index
      %get3A_794 = tpu.vector_load %arg18[%get3A_792, %get3A_793] {strides = array<i32>} : memref<64x128xf32, #tpu.memory_space<vmem>>, vector<1x16xf32>,
      %get3A_795 = vector.shape_cast %get3A_794 : vector<1x16xf32> to vector<16xf32>
      %add3A_796 = arith.addf %add3A_791, %get3A_795 : vector<16xf32>
      %add3A_797 = arith.addf %add3A_796, %get3A_341 : vector<16xf32>
      %neg3A_798 = arith.constant 0.000000e+00 : f32
      %neg3A_799 = vector.broadcast %neg3A_798 : f32 to vector<16xf32>
      %neg3A_800 = arith.subf %neg3A_799, %add3A_797 : vector<16xf32>
      %exp3A_801 = math.exp %neg3A_800 : vector<16xf32>
      %add3A_802 = arith.constant 1.000000e+00 : f32
      %add3A_803 = vector.broadcast %add3A_802 : f32 to vector<16xf32>
      %add3A_804 = arith.addf %add3A_803, %exp3A_801 : vector<16xf32>
      %div3A_805 = arith.divf %add3A_797, %add3A_804 : vector<16xf32>
      %swap3A_806 = arith.index_cast %scan3A_729 : i32 to index
      %swap3A_807 = arith.constant 32 : index
      %swap3A_808 = tpu.vector_load %arg28[%swap3A_806, %swap3A_807] {strides = array<i32>} : memref<64x128xf32, #tpu.memory_space<vmem>>, vector<1x16xf32>,
      %swap3A_809 = vector.shape_cast %swap3A_808 : vector<1x16xf32> to vector<16xf32>
      %swap3A_810 = vector.shape_cast %div3A_805 : vector<16xf32> to vector<1x16xf32>
      tpu.vector_store %arg28[%swap3A_806, %swap3A_807], %swap3A_810 {strides = array<i32>} : memref<64x128xf32, #tpu.memory_space<vmem>>, vector<1x16xf32>,
      %get3A_811 = arith.index_cast %scan3A_729 : i32 to index
      %get3A_812 = arith.constant 48 : index
      %get3A_813 = tpu.vector_load %arg16[%get3A_811, %get3A_812] {strides = array<i32>} : memref<64x128xf32, #tpu.memory_space<vmem>>, vector<1x16xf32>,
      %get3A_814 = vector.shape_cast %get3A_813 : vector<1x16xf32> to vector<16xf32>
      %get3A_815 = arith.index_cast %scan3A_729 : i32 to index
      %get3A_816 = arith.constant 48 : index
      %get3A_817 = tpu.vector_load %arg17[%get3A_815, %get3A_816] {strides = array<i32>} : memref<64x128xf32, #tpu.memory_space<vmem>>, vector<1x16xf32>,
      %get3A_818 = vector.shape_cast %get3A_817 : vector<1x16xf32> to vector<16xf32>
      %add3A_819 = arith.addf %get3A_814, %get3A_818 : vector<16xf32>
      %get3A_820 = arith.index_cast %scan3A_729 : i32 to index
      %get3A_821 = arith.constant 48 : index
      %get3A_822 = tpu.vector_load %arg18[%get3A_820, %get3A_821] {strides = array<i32>} : memref<64x128xf32, #tpu.memory_space<vmem>>, vector<1x16xf32>,
      %get3A_823 = vector.shape_cast %get3A_822 : vector<1x16xf32> to vector<16xf32>
      %add3A_824 = arith.addf %add3A_819, %get3A_823 : vector<16xf32>
      %add3A_825 = arith.addf %add3A_824, %get3A_344 : vector<16xf32>
      %neg3A_826 = arith.constant 0.000000e+00 : f32
      %neg3A_827 = vector.broadcast %neg3A_826 : f32 to vector<16xf32>
      %neg3A_828 = arith.subf %neg3A_827, %add3A_825 : vector<16xf32>
      %exp3A_829 = math.exp %neg3A_828 : vector<16xf32>
      %add3A_830 = arith.constant 1.000000e+00 : f32
      %add3A_831 = vector.broadcast %add3A_830 : f32 to vector<16xf32>
      %add3A_832 = arith.addf %add3A_831, %exp3A_829 : vector<16xf32>
      %div3A_833 = arith.divf %add3A_825, %add3A_832 : vector<16xf32>
      %swap3A_834 = arith.index_cast %scan3A_729 : i32 to index
      %swap3A_835 = arith.constant 48 : index
      %swap3A_836 = tpu.vector_load %arg28[%swap3A_834, %swap3A_835] {strides = array<i32>} : memref<64x128xf32, #tpu.memory_space<vmem>>, vector<1x16xf32>,
      %swap3A_837 = vector.shape_cast %swap3A_836 : vector<1x16xf32> to vector<16xf32>
      %swap3A_838 = vector.shape_cast %div3A_833 : vector<16xf32> to vector<1x16xf32>
      tpu.vector_store %arg28[%swap3A_834, %swap3A_835], %swap3A_838 {strides = array<i32>} : memref<64x128xf32, #tpu.memory_space<vmem>>, vector<1x16xf32>,
      %get3A_839 = arith.index_cast %scan3A_729 : i32 to index
      %get3A_840 = arith.constant 64 : index
      %get3A_841 = tpu.vector_load %arg16[%get3A_839, %get3A_840] {strides = array<i32>} : memref<64x128xf32, #tpu.memory_space<vmem>>, vector<1x16xf32>,
      %get3A_842 = vector.shape_cast %get3A_841 : vector<1x16xf32> to vector<16xf32>
      %get3A_843 = arith.index_cast %scan3A_729 : i32 to index
      %get3A_844 = arith.constant 64 : index
      %get3A_845 = tpu.vector_load %arg17[%get3A_843, %get3A_844] {strides = array<i32>} : memref<64x128xf32, #tpu.memory_space<vmem>>, vector<1x16xf32>,
      %get3A_846 = vector.shape_cast %get3A_845 : vector<1x16xf32> to vector<16xf32>
      %add3A_847 = arith.addf %get3A_842, %get3A_846 : vector<16xf32>
      %get3A_848 = arith.index_cast %scan3A_729 : i32 to index
      %get3A_849 = arith.constant 64 : index
      %get3A_850 = tpu.vector_load %arg18[%get3A_848, %get3A_849] {strides = array<i32>} : memref<64x128xf32, #tpu.memory_space<vmem>>, vector<1x16xf32>,
      %get3A_851 = vector.shape_cast %get3A_850 : vector<1x16xf32> to vector<16xf32>
      %add3A_852 = arith.addf %add3A_847, %get3A_851 : vector<16xf32>
      %add3A_853 = arith.addf %add3A_852, %get3A_347 : vector<16xf32>
      %neg3A_854 = arith.constant 0.000000e+00 : f32
      %neg3A_855 = vector.broadcast %neg3A_854 : f32 to vector<16xf32>
      %neg3A_856 = arith.subf %neg3A_855, %add3A_853 : vector<16xf32>
      %exp3A_857 = math.exp %neg3A_856 : vector<16xf32>
      %add3A_858 = arith.constant 1.000000e+00 : f32
      %add3A_859 = vector.broadcast %add3A_858 : f32 to vector<16xf32>
      %add3A_860 = arith.addf %add3A_859, %exp3A_857 : vector<16xf32>
      %div3A_861 = arith.divf %add3A_853, %add3A_860 : vector<16xf32>
      %swap3A_862 = arith.index_cast %scan3A_729 : i32 to index
      %swap3A_863 = arith.constant 64 : index
      %swap3A_864 = tpu.vector_load %arg28[%swap3A_862, %swap3A_863] {strides = array<i32>} : memref<64x128xf32, #tpu.memory_space<vmem>>, vector<1x16xf32>,
      %swap3A_865 = vector.shape_cast %swap3A_864 : vector<1x16xf32> to vector<16xf32>
      %swap3A_866 = vector.shape_cast %div3A_861 : vector<16xf32> to vector<1x16xf32>
      tpu.vector_store %arg28[%swap3A_862, %swap3A_863], %swap3A_866 {strides = array<i32>} : memref<64x128xf32, #tpu.memory_space<vmem>>, vector<1x16xf32>,
      %get3A_867 = arith.index_cast %scan3A_729 : i32 to index
      %get3A_868 = arith.constant 80 : index
      %get3A_869 = tpu.vector_load %arg16[%get3A_867, %get3A_868] {strides = array<i32>} : memref<64x128xf32, #tpu.memory_space<vmem>>, vector<1x16xf32>,
      %get3A_870 = vector.shape_cast %get3A_869 : vector<1x16xf32> to vector<16xf32>
      %get3A_871 = arith.index_cast %scan3A_729 : i32 to index
      %get3A_872 = arith.constant 80 : index
      %get3A_873 = tpu.vector_load %arg17[%get3A_871, %get3A_872] {strides = array<i32>} : memref<64x128xf32, #tpu.memory_space<vmem>>, vector<1x16xf32>,
      %get3A_874 = vector.shape_cast %get3A_873 : vector<1x16xf32> to vector<16xf32>
      %add3A_875 = arith.addf %get3A_870, %get3A_874 : vector<16xf32>
      %get3A_876 = arith.index_cast %scan3A_729 : i32 to index
      %get3A_877 = arith.constant 80 : index
      %get3A_878 = tpu.vector_load %arg18[%get3A_876, %get3A_877] {strides = array<i32>} : memref<64x128xf32, #tpu.memory_space<vmem>>, vector<1x16xf32>,
      %get3A_879 = vector.shape_cast %get3A_878 : vector<1x16xf32> to vector<16xf32>
      %add3A_880 = arith.addf %add3A_875, %get3A_879 : vector<16xf32>
      %add3A_881 = arith.addf %add3A_880, %get3A_350 : vector<16xf32>
      %neg3A_882 = arith.constant 0.000000e+00 : f32
      %neg3A_883 = vector.broadcast %neg3A_882 : f32 to vector<16xf32>
      %neg3A_884 = arith.subf %neg3A_883, %add3A_881 : vector<16xf32>
      %exp3A_885 = math.exp %neg3A_884 : vector<16xf32>
      %add3A_886 = arith.constant 1.000000e+00 : f32
      %add3A_887 = vector.broadcast %add3A_886 : f32 to vector<16xf32>
      %add3A_888 = arith.addf %add3A_887, %exp3A_885 : vector<16xf32>
      %div3A_889 = arith.divf %add3A_881, %add3A_888 : vector<16xf32>
      %swap3A_890 = arith.index_cast %scan3A_729 : i32 to index
      %swap3A_891 = arith.constant 80 : index
      %swap3A_892 = tpu.vector_load %arg28[%swap3A_890, %swap3A_891] {strides = array<i32>} : memref<64x128xf32, #tpu.memory_space<vmem>>, vector<1x16xf32>,
      %swap3A_893 = vector.shape_cast %swap3A_892 : vector<1x16xf32> to vector<16xf32>
      %swap3A_894 = vector.shape_cast %div3A_889 : vector<16xf32> to vector<1x16xf32>
      tpu.vector_store %arg28[%swap3A_890, %swap3A_891], %swap3A_894 {strides = array<i32>} : memref<64x128xf32, #tpu.memory_space<vmem>>, vector<1x16xf32>,
      %get3A_895 = arith.index_cast %scan3A_729 : i32 to index
      %get3A_896 = arith.constant 96 : index
      %get3A_897 = tpu.vector_load %arg16[%get3A_895, %get3A_896] {strides = array<i32>} : memref<64x128xf32, #tpu.memory_space<vmem>>, vector<1x16xf32>,
      %get3A_898 = vector.shape_cast %get3A_897 : vector<1x16xf32> to vector<16xf32>
      %get3A_899 = arith.index_cast %scan3A_729 : i32 to index
      %get3A_900 = arith.constant 96 : index
      %get3A_901 = tpu.vector_load %arg17[%get3A_899, %get3A_900] {strides = array<i32>} : memref<64x128xf32, #tpu.memory_space<vmem>>, vector<1x16xf32>,
      %get3A_902 = vector.shape_cast %get3A_901 : vector<1x16xf32> to vector<16xf32>
      %add3A_903 = arith.addf %get3A_898, %get3A_902 : vector<16xf32>
      %get3A_904 = arith.index_cast %scan3A_729 : i32 to index
      %get3A_905 = arith.constant 96 : index
      %get3A_906 = tpu.vector_load %arg18[%get3A_904, %get3A_905] {strides = array<i32>} : memref<64x128xf32, #tpu.memory_space<vmem>>, vector<1x16xf32>,
      %get3A_907 = vector.shape_cast %get3A_906 : vector<1x16xf32> to vector<16xf32>
      %add3A_908 = arith.addf %add3A_903, %get3A_907 : vector<16xf32>
      %add3A_909 = arith.addf %add3A_908, %get3A_353 : vector<16xf32>
      %neg3A_910 = arith.constant 0.000000e+00 : f32
      %neg3A_911 = vector.broadcast %neg3A_910 : f32 to vector<16xf32>
      %neg3A_912 = arith.subf %neg3A_911, %add3A_909 : vector<16xf32>
      %exp3A_913 = math.exp %neg3A_912 : vector<16xf32>
      %add3A_914 = arith.constant 1.000000e+00 : f32
      %add3A_915 = vector.broadcast %add3A_914 : f32 to vector<16xf32>
      %add3A_916 = arith.addf %add3A_915, %exp3A_913 : vector<16xf32>
      %div3A_917 = arith.divf %add3A_909, %add3A_916 : vector<16xf32>
      %swap3A_918 = arith.index_cast %scan3A_729 : i32 to index
      %swap3A_919 = arith.constant 96 : index
      %swap3A_920 = tpu.vector_load %arg28[%swap3A_918, %swap3A_919] {strides = array<i32>} : memref<64x128xf32, #tpu.memory_space<vmem>>, vector<1x16xf32>,
      %swap3A_921 = vector.shape_cast %swap3A_920 : vector<1x16xf32> to vector<16xf32>
      %swap3A_922 = vector.shape_cast %div3A_917 : vector<16xf32> to vector<1x16xf32>
      tpu.vector_store %arg28[%swap3A_918, %swap3A_919], %swap3A_922 {strides = array<i32>} : memref<64x128xf32, #tpu.memory_space<vmem>>, vector<1x16xf32>,
      %get3A_923 = arith.index_cast %scan3A_729 : i32 to index
      %get3A_924 = arith.constant 112 : index
      %get3A_925 = tpu.vector_load %arg16[%get3A_923, %get3A_924] {strides = array<i32>} : memref<64x128xf32, #tpu.memory_space<vmem>>, vector<1x16xf32>,
      %get3A_926 = vector.shape_cast %get3A_925 : vector<1x16xf32> to vector<16xf32>
      %get3A_927 = arith.index_cast %scan3A_729 : i32 to index
      %get3A_928 = arith.constant 112 : index
      %get3A_929 = tpu.vector_load %arg17[%get3A_927, %get3A_928] {strides = array<i32>} : memref<64x128xf32, #tpu.memory_space<vmem>>, vector<1x16xf32>,
      %get3A_930 = vector.shape_cast %get3A_929 : vector<1x16xf32> to vector<16xf32>
      %add3A_931 = arith.addf %get3A_926, %get3A_930 : vector<16xf32>
      %get3A_932 = arith.index_cast %scan3A_729 : i32 to index
      %get3A_933 = arith.constant 112 : index
      %get3A_934 = tpu.vector_load %arg18[%get3A_932, %get3A_933] {strides = array<i32>} : memref<64x128xf32, #tpu.memory_space<vmem>>, vector<1x16xf32>,
      %get3A_935 = vector.shape_cast %get3A_934 : vector<1x16xf32> to vector<16xf32>
      %add3A_936 = arith.addf %add3A_931, %get3A_935 : vector<16xf32>
      %add3A_937 = arith.addf %add3A_936, %get3A_356 : vector<16xf32>
      %neg3A_938 = arith.constant 0.000000e+00 : f32
      %neg3A_939 = vector.broadcast %neg3A_938 : f32 to vector<16xf32>
      %neg3A_940 = arith.subf %neg3A_939, %add3A_937 : vector<16xf32>
      %exp3A_941 = math.exp %neg3A_940 : vector<16xf32>
      %add3A_942 = arith.constant 1.000000e+00 : f32
      %add3A_943 = vector.broadcast %add3A_942 : f32 to vector<16xf32>
      %add3A_944 = arith.addf %add3A_943, %exp3A_941 : vector<16xf32>
      %div3A_945 = arith.divf %add3A_937, %add3A_944 : vector<16xf32>
      %swap3A_946 = arith.index_cast %scan3A_729 : i32 to index
      %swap3A_947 = arith.constant 112 : index
      %swap3A_948 = tpu.vector_load %arg28[%swap3A_946, %swap3A_947] {strides = array<i32>} : memref<64x128xf32, #tpu.memory_space<vmem>>, vector<1x16xf32>,
      %swap3A_949 = vector.shape_cast %swap3A_948 : vector<1x16xf32> to vector<16xf32>
      %swap3A_950 = vector.shape_cast %div3A_945 : vector<16xf32> to vector<1x16xf32>
      tpu.vector_store %arg28[%swap3A_946, %swap3A_947], %swap3A_950 {strides = array<i32>} : memref<64x128xf32, #tpu.memory_space<vmem>>, vector<1x16xf32>,
    }
    %scan3A_606 = arith.constant 64 : i32
    %dma_start3A_607 = arith.constant 448 : i32
    %dma_start3A_608 = tpu.memref_slice %arg13[%dma_start3A_607] : memref<512xi32, #tpu.memory_space<vmem>> -> memref<64xi32, #tpu.memory_space<vmem>>
    %dma_start3A_609 = arith.constant 0 : i32
    %dma_start3A_610 = arith.constant 0 : i32
    %dma_start3A_611 = tpu.memref_slice %arg10[%dma_start3A_609, %dma_start3A_610] : memref<201x128xf32, #tpu.memory_space<vmem_shared>> -> memref<201x128xf32, #tpu.memory_space<vmem_shared>>
    tpu.enqueue_indirect_dma source(%dma_start3A_611 : memref<201x128xf32, #tpu.memory_space<vmem_shared>>) target(%arg25 : memref<64x128xf32, #tpu.memory_space<vmem>>) offsets(%dma_start3A_608 : memref<64xi32, #tpu.memory_space<vmem>>) semaphore(%arg36 : memref<!tpu.dma_semaphore, #tpu.memory_space<semaphore_mem>>)
    %dma_start3A_612 = arith.constant 448 : i32
    %dma_start3A_613 = tpu.memref_slice %arg14[%dma_start3A_612] : memref<512xi32, #tpu.memory_space<vmem>> -> memref<64xi32, #tpu.memory_space<vmem>>
    %dma_start3A_614 = arith.constant 0 : i32
    %dma_start3A_615 = arith.constant 0 : i32
    %dma_start3A_616 = tpu.memref_slice %arg11[%dma_start3A_614, %dma_start3A_615] : memref<101x128xf32, #tpu.memory_space<vmem_shared>> -> memref<101x128xf32, #tpu.memory_space<vmem_shared>>
    tpu.enqueue_indirect_dma source(%dma_start3A_616 : memref<101x128xf32, #tpu.memory_space<vmem_shared>>) target(%arg26 : memref<64x128xf32, #tpu.memory_space<vmem>>) offsets(%dma_start3A_613 : memref<64xi32, #tpu.memory_space<vmem>>) semaphore(%arg36 : memref<!tpu.dma_semaphore, #tpu.memory_space<semaphore_mem>>)
    %dma_start3A_617 = arith.constant 448 : i32
    %dma_start3A_618 = tpu.memref_slice %arg15[%dma_start3A_617] : memref<512xi32, #tpu.memory_space<vmem>> -> memref<64xi32, #tpu.memory_space<vmem>>
    %dma_start3A_619 = arith.constant 0 : i32
    %dma_start3A_620 = arith.constant 0 : i32
    %dma_start3A_621 = tpu.memref_slice %arg12[%dma_start3A_619, %dma_start3A_620] : memref<1000x128xf32, #tpu.memory_space<vmem_shared>> -> memref<1000x128xf32, #tpu.memory_space<vmem_shared>>
    tpu.enqueue_indirect_dma source(%dma_start3A_621 : memref<1000x128xf32, #tpu.memory_space<vmem_shared>>) target(%arg27 : memref<64x128xf32, #tpu.memory_space<vmem>>) offsets(%dma_start3A_618 : memref<64xi32, #tpu.memory_space<vmem>>) semaphore(%arg36 : memref<!tpu.dma_semaphore, #tpu.memory_space<semaphore_mem>>)
    %add3A_622 = arith.constant 256 : i32
    %add3A_623 = arith.addi %mul3A_2, %add3A_622 : i32
    %dma_start3A_624 = arith.constant 0 : i32
    %dma_start3A_625 = tpu.memref_slice %arg9[%add3A_623, %dma_start3A_624] : memref<16384x128xf32, #tpu.memory_space<hbm>> -> memref<64x128xf32, #tpu.memory_space<hbm>>
    %dma_start3A_626 = arith.constant 0 : i32
    %dma_start3A_627 = tpu.memref_slice %arg9[%add3A_623, %dma_start3A_626] : memref<16384x128xf32, #tpu.memory_space<hbm>> -> memref<64x128xf32, #tpu.memory_space<hbm>>
    tpu.enqueue_dma source(%arg28 : memref<64x128xf32, #tpu.memory_space<vmem>>) target(%dma_start3A_627 : memref<64x128xf32, #tpu.memory_space<hbm>>) target_semaphore(%arg37 : memref<!tpu.dma_semaphore, #tpu.memory_space<semaphore_mem>>)
    %dma_wait3A_628 = arith.constant 320 : i32
    %dma_wait3A_629 = tpu.memref_slice %arg13[%dma_wait3A_628] : memref<512xi32, #tpu.memory_space<vmem>> -> memref<64xi32, #tpu.memory_space<vmem>>
    %dma_wait3A_630 = arith.constant 0 : i32
    %dma_wait3A_631 = arith.constant 0 : i32
    %dma_wait3A_632 = tpu.memref_slice %arg10[%dma_wait3A_630, %dma_wait3A_631] : memref<201x128xf32, #tpu.memory_space<vmem_shared>> -> memref<201x128xf32, #tpu.memory_space<vmem_shared>>
    tpu.wait_indirect_dma semaphore(%arg34 : memref<!tpu.dma_semaphore, #tpu.memory_space<semaphore_mem>>) src(%dma_wait3A_632 : memref<201x128xf32, #tpu.memory_space<vmem_shared>>) dst(%arg19 : memref<64x128xf32, #tpu.memory_space<vmem>>)
    %dma_wait3A_633 = arith.constant 320 : i32
    %dma_wait3A_634 = tpu.memref_slice %arg14[%dma_wait3A_633] : memref<512xi32, #tpu.memory_space<vmem>> -> memref<64xi32, #tpu.memory_space<vmem>>
    %dma_wait3A_635 = arith.constant 0 : i32
    %dma_wait3A_636 = arith.constant 0 : i32
    %dma_wait3A_637 = tpu.memref_slice %arg11[%dma_wait3A_635, %dma_wait3A_636] : memref<101x128xf32, #tpu.memory_space<vmem_shared>> -> memref<101x128xf32, #tpu.memory_space<vmem_shared>>
    tpu.wait_indirect_dma semaphore(%arg34 : memref<!tpu.dma_semaphore, #tpu.memory_space<semaphore_mem>>) src(%dma_wait3A_637 : memref<101x128xf32, #tpu.memory_space<vmem_shared>>) dst(%arg20 : memref<64x128xf32, #tpu.memory_space<vmem>>)
    %dma_wait3A_638 = arith.constant 320 : i32
    %dma_wait3A_639 = tpu.memref_slice %arg15[%dma_wait3A_638] : memref<512xi32, #tpu.memory_space<vmem>> -> memref<64xi32, #tpu.memory_space<vmem>>
    %dma_wait3A_640 = arith.constant 0 : i32
    %dma_wait3A_641 = arith.constant 0 : i32
    %dma_wait3A_642 = tpu.memref_slice %arg12[%dma_wait3A_640, %dma_wait3A_641] : memref<1000x128xf32, #tpu.memory_space<vmem_shared>> -> memref<1000x128xf32, #tpu.memory_space<vmem_shared>>
    tpu.wait_indirect_dma semaphore(%arg34 : memref<!tpu.dma_semaphore, #tpu.memory_space<semaphore_mem>>) src(%dma_wait3A_642 : memref<1000x128xf32, #tpu.memory_space<vmem_shared>>) dst(%arg21 : memref<64x128xf32, #tpu.memory_space<vmem>>)
    %dma_wait3A_643 = arith.constant 0 : i32
    %dma_wait3A_644 = tpu.memref_slice %arg9[%add3A_577, %dma_wait3A_643] : memref<16384x128xf32, #tpu.memory_space<hbm>> -> memref<64x128xf32, #tpu.memory_space<hbm>>
    %dma_wait3A_645 = arith.constant 0 : i32
    %dma_wait3A_646 = tpu.memref_slice %arg9[%add3A_577, %dma_wait3A_645] : memref<16384x128xf32, #tpu.memory_space<hbm>> -> memref<64x128xf32, #tpu.memory_space<hbm>>
    tpu.wait_dma2 semaphore(%arg38 : memref<!tpu.dma_semaphore, #tpu.memory_space<semaphore_mem>>) src(%arg29 : memref<64x128xf32, #tpu.memory_space<vmem>>) dst(%dma_wait3A_646 : memref<64x128xf32, #tpu.memory_space<hbm>>)
    %scan3A_647 = arith.constant 0 : i32
    %scan3A_648 = arith.constant 0 : i32
    %scan3A_649 = arith.constant 64 : i32
    %scan3A_650 = arith.addi %scan3A_648, %scan3A_649 : i32
    %scan3A_651 = arith.constant 1 : i32
    scf.for %scan3A_729 = %scan3A_648 to %scan3A_650 step %scan3A_651  : i32 {
      %get3A_730 = arith.index_cast %scan3A_729 : i32 to index
      %get3A_731 = arith.constant 0 : index
      %get3A_732 = tpu.vector_load %arg19[%get3A_730, %get3A_731] {strides = array<i32>} : memref<64x128xf32, #tpu.memory_space<vmem>>, vector<1x16xf32>,
      %get3A_733 = vector.shape_cast %get3A_732 : vector<1x16xf32> to vector<16xf32>
      %get3A_734 = arith.index_cast %scan3A_729 : i32 to index
      %get3A_735 = arith.constant 0 : index
      %get3A_736 = tpu.vector_load %arg20[%get3A_734, %get3A_735] {strides = array<i32>} : memref<64x128xf32, #tpu.memory_space<vmem>>, vector<1x16xf32>,
      %get3A_737 = vector.shape_cast %get3A_736 : vector<1x16xf32> to vector<16xf32>
      %add3A_738 = arith.addf %get3A_733, %get3A_737 : vector<16xf32>
      %get3A_739 = arith.index_cast %scan3A_729 : i32 to index
      %get3A_740 = arith.constant 0 : index
      %get3A_741 = tpu.vector_load %arg21[%get3A_739, %get3A_740] {strides = array<i32>} : memref<64x128xf32, #tpu.memory_space<vmem>>, vector<1x16xf32>,
      %get3A_742 = vector.shape_cast %get3A_741 : vector<1x16xf32> to vector<16xf32>
      %add3A_743 = arith.addf %add3A_738, %get3A_742 : vector<16xf32>
      %add3A_744 = arith.addf %add3A_743, %get3A_335 : vector<16xf32>
      %neg3A = arith.constant 0.000000e+00 : f32
      %neg3A_745 = vector.broadcast %neg3A : f32 to vector<16xf32>
      %neg3A_746 = arith.subf %neg3A_745, %add3A_744 : vector<16xf32>
      %exp3A = math.exp %neg3A_746 : vector<16xf32>
      %add3A_747 = arith.constant 1.000000e+00 : f32
      %add3A_748 = vector.broadcast %add3A_747 : f32 to vector<16xf32>
      %add3A_749 = arith.addf %add3A_748, %exp3A : vector<16xf32>
      %div3A = arith.divf %add3A_744, %add3A_749 : vector<16xf32>
      %swap3A_750 = arith.index_cast %scan3A_729 : i32 to index
      %swap3A_751 = arith.constant 0 : index
      %swap3A_752 = tpu.vector_load %arg29[%swap3A_750, %swap3A_751] {strides = array<i32>} : memref<64x128xf32, #tpu.memory_space<vmem>>, vector<1x16xf32>,
      %swap3A_753 = vector.shape_cast %swap3A_752 : vector<1x16xf32> to vector<16xf32>
      %swap3A_754 = vector.shape_cast %div3A : vector<16xf32> to vector<1x16xf32>
      tpu.vector_store %arg29[%swap3A_750, %swap3A_751], %swap3A_754 {strides = array<i32>} : memref<64x128xf32, #tpu.memory_space<vmem>>, vector<1x16xf32>,
      %get3A_755 = arith.index_cast %scan3A_729 : i32 to index
      %get3A_756 = arith.constant 16 : index
      %get3A_757 = tpu.vector_load %arg19[%get3A_755, %get3A_756] {strides = array<i32>} : memref<64x128xf32, #tpu.memory_space<vmem>>, vector<1x16xf32>,
      %get3A_758 = vector.shape_cast %get3A_757 : vector<1x16xf32> to vector<16xf32>
      %get3A_759 = arith.index_cast %scan3A_729 : i32 to index
      %get3A_760 = arith.constant 16 : index
      %get3A_761 = tpu.vector_load %arg20[%get3A_759, %get3A_760] {strides = array<i32>} : memref<64x128xf32, #tpu.memory_space<vmem>>, vector<1x16xf32>,
      %get3A_762 = vector.shape_cast %get3A_761 : vector<1x16xf32> to vector<16xf32>
      %add3A_763 = arith.addf %get3A_758, %get3A_762 : vector<16xf32>
      %get3A_764 = arith.index_cast %scan3A_729 : i32 to index
      %get3A_765 = arith.constant 16 : index
      %get3A_766 = tpu.vector_load %arg21[%get3A_764, %get3A_765] {strides = array<i32>} : memref<64x128xf32, #tpu.memory_space<vmem>>, vector<1x16xf32>,
      %get3A_767 = vector.shape_cast %get3A_766 : vector<1x16xf32> to vector<16xf32>
      %add3A_768 = arith.addf %add3A_763, %get3A_767 : vector<16xf32>
      %add3A_769 = arith.addf %add3A_768, %get3A_338 : vector<16xf32>
      %neg3A_770 = arith.constant 0.000000e+00 : f32
      %neg3A_771 = vector.broadcast %neg3A_770 : f32 to vector<16xf32>
      %neg3A_772 = arith.subf %neg3A_771, %add3A_769 : vector<16xf32>
      %exp3A_773 = math.exp %neg3A_772 : vector<16xf32>
      %add3A_774 = arith.constant 1.000000e+00 : f32
      %add3A_775 = vector.broadcast %add3A_774 : f32 to vector<16xf32>
      %add3A_776 = arith.addf %add3A_775, %exp3A_773 : vector<16xf32>
      %div3A_777 = arith.divf %add3A_769, %add3A_776 : vector<16xf32>
      %swap3A_778 = arith.index_cast %scan3A_729 : i32 to index
      %swap3A_779 = arith.constant 16 : index
      %swap3A_780 = tpu.vector_load %arg29[%swap3A_778, %swap3A_779] {strides = array<i32>} : memref<64x128xf32, #tpu.memory_space<vmem>>, vector<1x16xf32>,
      %swap3A_781 = vector.shape_cast %swap3A_780 : vector<1x16xf32> to vector<16xf32>
      %swap3A_782 = vector.shape_cast %div3A_777 : vector<16xf32> to vector<1x16xf32>
      tpu.vector_store %arg29[%swap3A_778, %swap3A_779], %swap3A_782 {strides = array<i32>} : memref<64x128xf32, #tpu.memory_space<vmem>>, vector<1x16xf32>,
      %get3A_783 = arith.index_cast %scan3A_729 : i32 to index
      %get3A_784 = arith.constant 32 : index
      %get3A_785 = tpu.vector_load %arg19[%get3A_783, %get3A_784] {strides = array<i32>} : memref<64x128xf32, #tpu.memory_space<vmem>>, vector<1x16xf32>,
      %get3A_786 = vector.shape_cast %get3A_785 : vector<1x16xf32> to vector<16xf32>
      %get3A_787 = arith.index_cast %scan3A_729 : i32 to index
      %get3A_788 = arith.constant 32 : index
      %get3A_789 = tpu.vector_load %arg20[%get3A_787, %get3A_788] {strides = array<i32>} : memref<64x128xf32, #tpu.memory_space<vmem>>, vector<1x16xf32>,
      %get3A_790 = vector.shape_cast %get3A_789 : vector<1x16xf32> to vector<16xf32>
      %add3A_791 = arith.addf %get3A_786, %get3A_790 : vector<16xf32>
      %get3A_792 = arith.index_cast %scan3A_729 : i32 to index
      %get3A_793 = arith.constant 32 : index
      %get3A_794 = tpu.vector_load %arg21[%get3A_792, %get3A_793] {strides = array<i32>} : memref<64x128xf32, #tpu.memory_space<vmem>>, vector<1x16xf32>,
      %get3A_795 = vector.shape_cast %get3A_794 : vector<1x16xf32> to vector<16xf32>
      %add3A_796 = arith.addf %add3A_791, %get3A_795 : vector<16xf32>
      %add3A_797 = arith.addf %add3A_796, %get3A_341 : vector<16xf32>
      %neg3A_798 = arith.constant 0.000000e+00 : f32
      %neg3A_799 = vector.broadcast %neg3A_798 : f32 to vector<16xf32>
      %neg3A_800 = arith.subf %neg3A_799, %add3A_797 : vector<16xf32>
      %exp3A_801 = math.exp %neg3A_800 : vector<16xf32>
      %add3A_802 = arith.constant 1.000000e+00 : f32
      %add3A_803 = vector.broadcast %add3A_802 : f32 to vector<16xf32>
      %add3A_804 = arith.addf %add3A_803, %exp3A_801 : vector<16xf32>
      %div3A_805 = arith.divf %add3A_797, %add3A_804 : vector<16xf32>
      %swap3A_806 = arith.index_cast %scan3A_729 : i32 to index
      %swap3A_807 = arith.constant 32 : index
      %swap3A_808 = tpu.vector_load %arg29[%swap3A_806, %swap3A_807] {strides = array<i32>} : memref<64x128xf32, #tpu.memory_space<vmem>>, vector<1x16xf32>,
      %swap3A_809 = vector.shape_cast %swap3A_808 : vector<1x16xf32> to vector<16xf32>
      %swap3A_810 = vector.shape_cast %div3A_805 : vector<16xf32> to vector<1x16xf32>
      tpu.vector_store %arg29[%swap3A_806, %swap3A_807], %swap3A_810 {strides = array<i32>} : memref<64x128xf32, #tpu.memory_space<vmem>>, vector<1x16xf32>,
      %get3A_811 = arith.index_cast %scan3A_729 : i32 to index
      %get3A_812 = arith.constant 48 : index
      %get3A_813 = tpu.vector_load %arg19[%get3A_811, %get3A_812] {strides = array<i32>} : memref<64x128xf32, #tpu.memory_space<vmem>>, vector<1x16xf32>,
      %get3A_814 = vector.shape_cast %get3A_813 : vector<1x16xf32> to vector<16xf32>
      %get3A_815 = arith.index_cast %scan3A_729 : i32 to index
      %get3A_816 = arith.constant 48 : index
      %get3A_817 = tpu.vector_load %arg20[%get3A_815, %get3A_816] {strides = array<i32>} : memref<64x128xf32, #tpu.memory_space<vmem>>, vector<1x16xf32>,
      %get3A_818 = vector.shape_cast %get3A_817 : vector<1x16xf32> to vector<16xf32>
      %add3A_819 = arith.addf %get3A_814, %get3A_818 : vector<16xf32>
      %get3A_820 = arith.index_cast %scan3A_729 : i32 to index
      %get3A_821 = arith.constant 48 : index
      %get3A_822 = tpu.vector_load %arg21[%get3A_820, %get3A_821] {strides = array<i32>} : memref<64x128xf32, #tpu.memory_space<vmem>>, vector<1x16xf32>,
      %get3A_823 = vector.shape_cast %get3A_822 : vector<1x16xf32> to vector<16xf32>
      %add3A_824 = arith.addf %add3A_819, %get3A_823 : vector<16xf32>
      %add3A_825 = arith.addf %add3A_824, %get3A_344 : vector<16xf32>
      %neg3A_826 = arith.constant 0.000000e+00 : f32
      %neg3A_827 = vector.broadcast %neg3A_826 : f32 to vector<16xf32>
      %neg3A_828 = arith.subf %neg3A_827, %add3A_825 : vector<16xf32>
      %exp3A_829 = math.exp %neg3A_828 : vector<16xf32>
      %add3A_830 = arith.constant 1.000000e+00 : f32
      %add3A_831 = vector.broadcast %add3A_830 : f32 to vector<16xf32>
      %add3A_832 = arith.addf %add3A_831, %exp3A_829 : vector<16xf32>
      %div3A_833 = arith.divf %add3A_825, %add3A_832 : vector<16xf32>
      %swap3A_834 = arith.index_cast %scan3A_729 : i32 to index
      %swap3A_835 = arith.constant 48 : index
      %swap3A_836 = tpu.vector_load %arg29[%swap3A_834, %swap3A_835] {strides = array<i32>} : memref<64x128xf32, #tpu.memory_space<vmem>>, vector<1x16xf32>,
      %swap3A_837 = vector.shape_cast %swap3A_836 : vector<1x16xf32> to vector<16xf32>
      %swap3A_838 = vector.shape_cast %div3A_833 : vector<16xf32> to vector<1x16xf32>
      tpu.vector_store %arg29[%swap3A_834, %swap3A_835], %swap3A_838 {strides = array<i32>} : memref<64x128xf32, #tpu.memory_space<vmem>>, vector<1x16xf32>,
      %get3A_839 = arith.index_cast %scan3A_729 : i32 to index
      %get3A_840 = arith.constant 64 : index
      %get3A_841 = tpu.vector_load %arg19[%get3A_839, %get3A_840] {strides = array<i32>} : memref<64x128xf32, #tpu.memory_space<vmem>>, vector<1x16xf32>,
      %get3A_842 = vector.shape_cast %get3A_841 : vector<1x16xf32> to vector<16xf32>
      %get3A_843 = arith.index_cast %scan3A_729 : i32 to index
      %get3A_844 = arith.constant 64 : index
      %get3A_845 = tpu.vector_load %arg20[%get3A_843, %get3A_844] {strides = array<i32>} : memref<64x128xf32, #tpu.memory_space<vmem>>, vector<1x16xf32>,
      %get3A_846 = vector.shape_cast %get3A_845 : vector<1x16xf32> to vector<16xf32>
      %add3A_847 = arith.addf %get3A_842, %get3A_846 : vector<16xf32>
      %get3A_848 = arith.index_cast %scan3A_729 : i32 to index
      %get3A_849 = arith.constant 64 : index
      %get3A_850 = tpu.vector_load %arg21[%get3A_848, %get3A_849] {strides = array<i32>} : memref<64x128xf32, #tpu.memory_space<vmem>>, vector<1x16xf32>,
      %get3A_851 = vector.shape_cast %get3A_850 : vector<1x16xf32> to vector<16xf32>
      %add3A_852 = arith.addf %add3A_847, %get3A_851 : vector<16xf32>
      %add3A_853 = arith.addf %add3A_852, %get3A_347 : vector<16xf32>
      %neg3A_854 = arith.constant 0.000000e+00 : f32
      %neg3A_855 = vector.broadcast %neg3A_854 : f32 to vector<16xf32>
      %neg3A_856 = arith.subf %neg3A_855, %add3A_853 : vector<16xf32>
      %exp3A_857 = math.exp %neg3A_856 : vector<16xf32>
      %add3A_858 = arith.constant 1.000000e+00 : f32
      %add3A_859 = vector.broadcast %add3A_858 : f32 to vector<16xf32>
      %add3A_860 = arith.addf %add3A_859, %exp3A_857 : vector<16xf32>
      %div3A_861 = arith.divf %add3A_853, %add3A_860 : vector<16xf32>
      %swap3A_862 = arith.index_cast %scan3A_729 : i32 to index
      %swap3A_863 = arith.constant 64 : index
      %swap3A_864 = tpu.vector_load %arg29[%swap3A_862, %swap3A_863] {strides = array<i32>} : memref<64x128xf32, #tpu.memory_space<vmem>>, vector<1x16xf32>,
      %swap3A_865 = vector.shape_cast %swap3A_864 : vector<1x16xf32> to vector<16xf32>
      %swap3A_866 = vector.shape_cast %div3A_861 : vector<16xf32> to vector<1x16xf32>
      tpu.vector_store %arg29[%swap3A_862, %swap3A_863], %swap3A_866 {strides = array<i32>} : memref<64x128xf32, #tpu.memory_space<vmem>>, vector<1x16xf32>,
      %get3A_867 = arith.index_cast %scan3A_729 : i32 to index
      %get3A_868 = arith.constant 80 : index
      %get3A_869 = tpu.vector_load %arg19[%get3A_867, %get3A_868] {strides = array<i32>} : memref<64x128xf32, #tpu.memory_space<vmem>>, vector<1x16xf32>,
      %get3A_870 = vector.shape_cast %get3A_869 : vector<1x16xf32> to vector<16xf32>
      %get3A_871 = arith.index_cast %scan3A_729 : i32 to index
      %get3A_872 = arith.constant 80 : index
      %get3A_873 = tpu.vector_load %arg20[%get3A_871, %get3A_872] {strides = array<i32>} : memref<64x128xf32, #tpu.memory_space<vmem>>, vector<1x16xf32>,
      %get3A_874 = vector.shape_cast %get3A_873 : vector<1x16xf32> to vector<16xf32>
      %add3A_875 = arith.addf %get3A_870, %get3A_874 : vector<16xf32>
      %get3A_876 = arith.index_cast %scan3A_729 : i32 to index
      %get3A_877 = arith.constant 80 : index
      %get3A_878 = tpu.vector_load %arg21[%get3A_876, %get3A_877] {strides = array<i32>} : memref<64x128xf32, #tpu.memory_space<vmem>>, vector<1x16xf32>,
      %get3A_879 = vector.shape_cast %get3A_878 : vector<1x16xf32> to vector<16xf32>
      %add3A_880 = arith.addf %add3A_875, %get3A_879 : vector<16xf32>
      %add3A_881 = arith.addf %add3A_880, %get3A_350 : vector<16xf32>
      %neg3A_882 = arith.constant 0.000000e+00 : f32
      %neg3A_883 = vector.broadcast %neg3A_882 : f32 to vector<16xf32>
      %neg3A_884 = arith.subf %neg3A_883, %add3A_881 : vector<16xf32>
      %exp3A_885 = math.exp %neg3A_884 : vector<16xf32>
      %add3A_886 = arith.constant 1.000000e+00 : f32
      %add3A_887 = vector.broadcast %add3A_886 : f32 to vector<16xf32>
      %add3A_888 = arith.addf %add3A_887, %exp3A_885 : vector<16xf32>
      %div3A_889 = arith.divf %add3A_881, %add3A_888 : vector<16xf32>
      %swap3A_890 = arith.index_cast %scan3A_729 : i32 to index
      %swap3A_891 = arith.constant 80 : index
      %swap3A_892 = tpu.vector_load %arg29[%swap3A_890, %swap3A_891] {strides = array<i32>} : memref<64x128xf32, #tpu.memory_space<vmem>>, vector<1x16xf32>,
      %swap3A_893 = vector.shape_cast %swap3A_892 : vector<1x16xf32> to vector<16xf32>
      %swap3A_894 = vector.shape_cast %div3A_889 : vector<16xf32> to vector<1x16xf32>
      tpu.vector_store %arg29[%swap3A_890, %swap3A_891], %swap3A_894 {strides = array<i32>} : memref<64x128xf32, #tpu.memory_space<vmem>>, vector<1x16xf32>,
      %get3A_895 = arith.index_cast %scan3A_729 : i32 to index
      %get3A_896 = arith.constant 96 : index
      %get3A_897 = tpu.vector_load %arg19[%get3A_895, %get3A_896] {strides = array<i32>} : memref<64x128xf32, #tpu.memory_space<vmem>>, vector<1x16xf32>,
      %get3A_898 = vector.shape_cast %get3A_897 : vector<1x16xf32> to vector<16xf32>
      %get3A_899 = arith.index_cast %scan3A_729 : i32 to index
      %get3A_900 = arith.constant 96 : index
      %get3A_901 = tpu.vector_load %arg20[%get3A_899, %get3A_900] {strides = array<i32>} : memref<64x128xf32, #tpu.memory_space<vmem>>, vector<1x16xf32>,
      %get3A_902 = vector.shape_cast %get3A_901 : vector<1x16xf32> to vector<16xf32>
      %add3A_903 = arith.addf %get3A_898, %get3A_902 : vector<16xf32>
      %get3A_904 = arith.index_cast %scan3A_729 : i32 to index
      %get3A_905 = arith.constant 96 : index
      %get3A_906 = tpu.vector_load %arg21[%get3A_904, %get3A_905] {strides = array<i32>} : memref<64x128xf32, #tpu.memory_space<vmem>>, vector<1x16xf32>,
      %get3A_907 = vector.shape_cast %get3A_906 : vector<1x16xf32> to vector<16xf32>
      %add3A_908 = arith.addf %add3A_903, %get3A_907 : vector<16xf32>
      %add3A_909 = arith.addf %add3A_908, %get3A_353 : vector<16xf32>
      %neg3A_910 = arith.constant 0.000000e+00 : f32
      %neg3A_911 = vector.broadcast %neg3A_910 : f32 to vector<16xf32>
      %neg3A_912 = arith.subf %neg3A_911, %add3A_909 : vector<16xf32>
      %exp3A_913 = math.exp %neg3A_912 : vector<16xf32>
      %add3A_914 = arith.constant 1.000000e+00 : f32
      %add3A_915 = vector.broadcast %add3A_914 : f32 to vector<16xf32>
      %add3A_916 = arith.addf %add3A_915, %exp3A_913 : vector<16xf32>
      %div3A_917 = arith.divf %add3A_909, %add3A_916 : vector<16xf32>
      %swap3A_918 = arith.index_cast %scan3A_729 : i32 to index
      %swap3A_919 = arith.constant 96 : index
      %swap3A_920 = tpu.vector_load %arg29[%swap3A_918, %swap3A_919] {strides = array<i32>} : memref<64x128xf32, #tpu.memory_space<vmem>>, vector<1x16xf32>,
      %swap3A_921 = vector.shape_cast %swap3A_920 : vector<1x16xf32> to vector<16xf32>
      %swap3A_922 = vector.shape_cast %div3A_917 : vector<16xf32> to vector<1x16xf32>
      tpu.vector_store %arg29[%swap3A_918, %swap3A_919], %swap3A_922 {strides = array<i32>} : memref<64x128xf32, #tpu.memory_space<vmem>>, vector<1x16xf32>,
      %get3A_923 = arith.index_cast %scan3A_729 : i32 to index
      %get3A_924 = arith.constant 112 : index
      %get3A_925 = tpu.vector_load %arg19[%get3A_923, %get3A_924] {strides = array<i32>} : memref<64x128xf32, #tpu.memory_space<vmem>>, vector<1x16xf32>,
      %get3A_926 = vector.shape_cast %get3A_925 : vector<1x16xf32> to vector<16xf32>
      %get3A_927 = arith.index_cast %scan3A_729 : i32 to index
      %get3A_928 = arith.constant 112 : index
      %get3A_929 = tpu.vector_load %arg20[%get3A_927, %get3A_928] {strides = array<i32>} : memref<64x128xf32, #tpu.memory_space<vmem>>, vector<1x16xf32>,
      %get3A_930 = vector.shape_cast %get3A_929 : vector<1x16xf32> to vector<16xf32>
      %add3A_931 = arith.addf %get3A_926, %get3A_930 : vector<16xf32>
      %get3A_932 = arith.index_cast %scan3A_729 : i32 to index
      %get3A_933 = arith.constant 112 : index
      %get3A_934 = tpu.vector_load %arg21[%get3A_932, %get3A_933] {strides = array<i32>} : memref<64x128xf32, #tpu.memory_space<vmem>>, vector<1x16xf32>,
      %get3A_935 = vector.shape_cast %get3A_934 : vector<1x16xf32> to vector<16xf32>
      %add3A_936 = arith.addf %add3A_931, %get3A_935 : vector<16xf32>
      %add3A_937 = arith.addf %add3A_936, %get3A_356 : vector<16xf32>
      %neg3A_938 = arith.constant 0.000000e+00 : f32
      %neg3A_939 = vector.broadcast %neg3A_938 : f32 to vector<16xf32>
      %neg3A_940 = arith.subf %neg3A_939, %add3A_937 : vector<16xf32>
      %exp3A_941 = math.exp %neg3A_940 : vector<16xf32>
      %add3A_942 = arith.constant 1.000000e+00 : f32
      %add3A_943 = vector.broadcast %add3A_942 : f32 to vector<16xf32>
      %add3A_944 = arith.addf %add3A_943, %exp3A_941 : vector<16xf32>
      %div3A_945 = arith.divf %add3A_937, %add3A_944 : vector<16xf32>
      %swap3A_946 = arith.index_cast %scan3A_729 : i32 to index
      %swap3A_947 = arith.constant 112 : index
      %swap3A_948 = tpu.vector_load %arg29[%swap3A_946, %swap3A_947] {strides = array<i32>} : memref<64x128xf32, #tpu.memory_space<vmem>>, vector<1x16xf32>,
      %swap3A_949 = vector.shape_cast %swap3A_948 : vector<1x16xf32> to vector<16xf32>
      %swap3A_950 = vector.shape_cast %div3A_945 : vector<16xf32> to vector<1x16xf32>
      tpu.vector_store %arg29[%swap3A_946, %swap3A_947], %swap3A_950 {strides = array<i32>} : memref<64x128xf32, #tpu.memory_space<vmem>>, vector<1x16xf32>,
    }
    %scan3A_652 = arith.constant 64 : i32
    %add3A_653 = arith.constant 320 : i32
    %add3A_654 = arith.addi %mul3A_2, %add3A_653 : i32
    %dma_start3A_655 = arith.constant 0 : i32
    %dma_start3A_656 = tpu.memref_slice %arg9[%add3A_654, %dma_start3A_655] : memref<16384x128xf32, #tpu.memory_space<hbm>> -> memref<64x128xf32, #tpu.memory_space<hbm>>
    %dma_start3A_657 = arith.constant 0 : i32
    %dma_start3A_658 = tpu.memref_slice %arg9[%add3A_654, %dma_start3A_657] : memref<16384x128xf32, #tpu.memory_space<hbm>> -> memref<64x128xf32, #tpu.memory_space<hbm>>
    tpu.enqueue_dma source(%arg29 : memref<64x128xf32, #tpu.memory_space<vmem>>) target(%dma_start3A_658 : memref<64x128xf32, #tpu.memory_space<hbm>>) target_semaphore(%arg38 : memref<!tpu.dma_semaphore, #tpu.memory_space<semaphore_mem>>)
    %dma_wait3A_659 = arith.constant 384 : i32
    %dma_wait3A_660 = tpu.memref_slice %arg13[%dma_wait3A_659] : memref<512xi32, #tpu.memory_space<vmem>> -> memref<64xi32, #tpu.memory_space<vmem>>
    %dma_wait3A_661 = arith.constant 0 : i32
    %dma_wait3A_662 = arith.constant 0 : i32
    %dma_wait3A_663 = tpu.memref_slice %arg10[%dma_wait3A_661, %dma_wait3A_662] : memref<201x128xf32, #tpu.memory_space<vmem_shared>> -> memref<201x128xf32, #tpu.memory_space<vmem_shared>>
    tpu.wait_indirect_dma semaphore(%arg35 : memref<!tpu.dma_semaphore, #tpu.memory_space<semaphore_mem>>) src(%dma_wait3A_663 : memref<201x128xf32, #tpu.memory_space<vmem_shared>>) dst(%arg22 : memref<64x128xf32, #tpu.memory_space<vmem>>)
    %dma_wait3A_664 = arith.constant 384 : i32
    %dma_wait3A_665 = tpu.memref_slice %arg14[%dma_wait3A_664] : memref<512xi32, #tpu.memory_space<vmem>> -> memref<64xi32, #tpu.memory_space<vmem>>
    %dma_wait3A_666 = arith.constant 0 : i32
    %dma_wait3A_667 = arith.constant 0 : i32
    %dma_wait3A_668 = tpu.memref_slice %arg11[%dma_wait3A_666, %dma_wait3A_667] : memref<101x128xf32, #tpu.memory_space<vmem_shared>> -> memref<101x128xf32, #tpu.memory_space<vmem_shared>>
    tpu.wait_indirect_dma semaphore(%arg35 : memref<!tpu.dma_semaphore, #tpu.memory_space<semaphore_mem>>) src(%dma_wait3A_668 : memref<101x128xf32, #tpu.memory_space<vmem_shared>>) dst(%arg23 : memref<64x128xf32, #tpu.memory_space<vmem>>)
    %dma_wait3A_669 = arith.constant 384 : i32
    %dma_wait3A_670 = tpu.memref_slice %arg15[%dma_wait3A_669] : memref<512xi32, #tpu.memory_space<vmem>> -> memref<64xi32, #tpu.memory_space<vmem>>
    %dma_wait3A_671 = arith.constant 0 : i32
    %dma_wait3A_672 = arith.constant 0 : i32
    %dma_wait3A_673 = tpu.memref_slice %arg12[%dma_wait3A_671, %dma_wait3A_672] : memref<1000x128xf32, #tpu.memory_space<vmem_shared>> -> memref<1000x128xf32, #tpu.memory_space<vmem_shared>>
    tpu.wait_indirect_dma semaphore(%arg35 : memref<!tpu.dma_semaphore, #tpu.memory_space<semaphore_mem>>) src(%dma_wait3A_673 : memref<1000x128xf32, #tpu.memory_space<vmem_shared>>) dst(%arg24 : memref<64x128xf32, #tpu.memory_space<vmem>>)
    %dma_wait3A_674 = arith.constant 0 : i32
    %dma_wait3A_675 = tpu.memref_slice %arg9[%add3A_623, %dma_wait3A_674] : memref<16384x128xf32, #tpu.memory_space<hbm>> -> memref<64x128xf32, #tpu.memory_space<hbm>>
    %dma_wait3A_676 = arith.constant 0 : i32
    %dma_wait3A_677 = tpu.memref_slice %arg9[%add3A_623, %dma_wait3A_676] : memref<16384x128xf32, #tpu.memory_space<hbm>> -> memref<64x128xf32, #tpu.memory_space<hbm>>
    tpu.wait_dma2 semaphore(%arg37 : memref<!tpu.dma_semaphore, #tpu.memory_space<semaphore_mem>>) src(%arg28 : memref<64x128xf32, #tpu.memory_space<vmem>>) dst(%dma_wait3A_677 : memref<64x128xf32, #tpu.memory_space<hbm>>)
    %scan3A_678 = arith.constant 0 : i32
    %scan3A_679 = arith.constant 0 : i32
    %scan3A_680 = arith.constant 64 : i32
    %scan3A_681 = arith.addi %scan3A_679, %scan3A_680 : i32
    %scan3A_682 = arith.constant 1 : i32
    scf.for %scan3A_729 = %scan3A_679 to %scan3A_681 step %scan3A_682  : i32 {
      %get3A_730 = arith.index_cast %scan3A_729 : i32 to index
      %get3A_731 = arith.constant 0 : index
      %get3A_732 = tpu.vector_load %arg22[%get3A_730, %get3A_731] {strides = array<i32>} : memref<64x128xf32, #tpu.memory_space<vmem>>, vector<1x16xf32>,
      %get3A_733 = vector.shape_cast %get3A_732 : vector<1x16xf32> to vector<16xf32>
      %get3A_734 = arith.index_cast %scan3A_729 : i32 to index
      %get3A_735 = arith.constant 0 : index
      %get3A_736 = tpu.vector_load %arg23[%get3A_734, %get3A_735] {strides = array<i32>} : memref<64x128xf32, #tpu.memory_space<vmem>>, vector<1x16xf32>,
      %get3A_737 = vector.shape_cast %get3A_736 : vector<1x16xf32> to vector<16xf32>
      %add3A_738 = arith.addf %get3A_733, %get3A_737 : vector<16xf32>
      %get3A_739 = arith.index_cast %scan3A_729 : i32 to index
      %get3A_740 = arith.constant 0 : index
      %get3A_741 = tpu.vector_load %arg24[%get3A_739, %get3A_740] {strides = array<i32>} : memref<64x128xf32, #tpu.memory_space<vmem>>, vector<1x16xf32>,
      %get3A_742 = vector.shape_cast %get3A_741 : vector<1x16xf32> to vector<16xf32>
      %add3A_743 = arith.addf %add3A_738, %get3A_742 : vector<16xf32>
      %add3A_744 = arith.addf %add3A_743, %get3A_335 : vector<16xf32>
      %neg3A = arith.constant 0.000000e+00 : f32
      %neg3A_745 = vector.broadcast %neg3A : f32 to vector<16xf32>
      %neg3A_746 = arith.subf %neg3A_745, %add3A_744 : vector<16xf32>
      %exp3A = math.exp %neg3A_746 : vector<16xf32>
      %add3A_747 = arith.constant 1.000000e+00 : f32
      %add3A_748 = vector.broadcast %add3A_747 : f32 to vector<16xf32>
      %add3A_749 = arith.addf %add3A_748, %exp3A : vector<16xf32>
      %div3A = arith.divf %add3A_744, %add3A_749 : vector<16xf32>
      %swap3A_750 = arith.index_cast %scan3A_729 : i32 to index
      %swap3A_751 = arith.constant 0 : index
      %swap3A_752 = tpu.vector_load %arg28[%swap3A_750, %swap3A_751] {strides = array<i32>} : memref<64x128xf32, #tpu.memory_space<vmem>>, vector<1x16xf32>,
      %swap3A_753 = vector.shape_cast %swap3A_752 : vector<1x16xf32> to vector<16xf32>
      %swap3A_754 = vector.shape_cast %div3A : vector<16xf32> to vector<1x16xf32>
      tpu.vector_store %arg28[%swap3A_750, %swap3A_751], %swap3A_754 {strides = array<i32>} : memref<64x128xf32, #tpu.memory_space<vmem>>, vector<1x16xf32>,
      %get3A_755 = arith.index_cast %scan3A_729 : i32 to index
      %get3A_756 = arith.constant 16 : index
      %get3A_757 = tpu.vector_load %arg22[%get3A_755, %get3A_756] {strides = array<i32>} : memref<64x128xf32, #tpu.memory_space<vmem>>, vector<1x16xf32>,
      %get3A_758 = vector.shape_cast %get3A_757 : vector<1x16xf32> to vector<16xf32>
      %get3A_759 = arith.index_cast %scan3A_729 : i32 to index
      %get3A_760 = arith.constant 16 : index
      %get3A_761 = tpu.vector_load %arg23[%get3A_759, %get3A_760] {strides = array<i32>} : memref<64x128xf32, #tpu.memory_space<vmem>>, vector<1x16xf32>,
      %get3A_762 = vector.shape_cast %get3A_761 : vector<1x16xf32> to vector<16xf32>
      %add3A_763 = arith.addf %get3A_758, %get3A_762 : vector<16xf32>
      %get3A_764 = arith.index_cast %scan3A_729 : i32 to index
      %get3A_765 = arith.constant 16 : index
      %get3A_766 = tpu.vector_load %arg24[%get3A_764, %get3A_765] {strides = array<i32>} : memref<64x128xf32, #tpu.memory_space<vmem>>, vector<1x16xf32>,
      %get3A_767 = vector.shape_cast %get3A_766 : vector<1x16xf32> to vector<16xf32>
      %add3A_768 = arith.addf %add3A_763, %get3A_767 : vector<16xf32>
      %add3A_769 = arith.addf %add3A_768, %get3A_338 : vector<16xf32>
      %neg3A_770 = arith.constant 0.000000e+00 : f32
      %neg3A_771 = vector.broadcast %neg3A_770 : f32 to vector<16xf32>
      %neg3A_772 = arith.subf %neg3A_771, %add3A_769 : vector<16xf32>
      %exp3A_773 = math.exp %neg3A_772 : vector<16xf32>
      %add3A_774 = arith.constant 1.000000e+00 : f32
      %add3A_775 = vector.broadcast %add3A_774 : f32 to vector<16xf32>
      %add3A_776 = arith.addf %add3A_775, %exp3A_773 : vector<16xf32>
      %div3A_777 = arith.divf %add3A_769, %add3A_776 : vector<16xf32>
      %swap3A_778 = arith.index_cast %scan3A_729 : i32 to index
      %swap3A_779 = arith.constant 16 : index
      %swap3A_780 = tpu.vector_load %arg28[%swap3A_778, %swap3A_779] {strides = array<i32>} : memref<64x128xf32, #tpu.memory_space<vmem>>, vector<1x16xf32>,
      %swap3A_781 = vector.shape_cast %swap3A_780 : vector<1x16xf32> to vector<16xf32>
      %swap3A_782 = vector.shape_cast %div3A_777 : vector<16xf32> to vector<1x16xf32>
      tpu.vector_store %arg28[%swap3A_778, %swap3A_779], %swap3A_782 {strides = array<i32>} : memref<64x128xf32, #tpu.memory_space<vmem>>, vector<1x16xf32>,
      %get3A_783 = arith.index_cast %scan3A_729 : i32 to index
      %get3A_784 = arith.constant 32 : index
      %get3A_785 = tpu.vector_load %arg22[%get3A_783, %get3A_784] {strides = array<i32>} : memref<64x128xf32, #tpu.memory_space<vmem>>, vector<1x16xf32>,
      %get3A_786 = vector.shape_cast %get3A_785 : vector<1x16xf32> to vector<16xf32>
      %get3A_787 = arith.index_cast %scan3A_729 : i32 to index
      %get3A_788 = arith.constant 32 : index
      %get3A_789 = tpu.vector_load %arg23[%get3A_787, %get3A_788] {strides = array<i32>} : memref<64x128xf32, #tpu.memory_space<vmem>>, vector<1x16xf32>,
      %get3A_790 = vector.shape_cast %get3A_789 : vector<1x16xf32> to vector<16xf32>
      %add3A_791 = arith.addf %get3A_786, %get3A_790 : vector<16xf32>
      %get3A_792 = arith.index_cast %scan3A_729 : i32 to index
      %get3A_793 = arith.constant 32 : index
      %get3A_794 = tpu.vector_load %arg24[%get3A_792, %get3A_793] {strides = array<i32>} : memref<64x128xf32, #tpu.memory_space<vmem>>, vector<1x16xf32>,
      %get3A_795 = vector.shape_cast %get3A_794 : vector<1x16xf32> to vector<16xf32>
      %add3A_796 = arith.addf %add3A_791, %get3A_795 : vector<16xf32>
      %add3A_797 = arith.addf %add3A_796, %get3A_341 : vector<16xf32>
      %neg3A_798 = arith.constant 0.000000e+00 : f32
      %neg3A_799 = vector.broadcast %neg3A_798 : f32 to vector<16xf32>
      %neg3A_800 = arith.subf %neg3A_799, %add3A_797 : vector<16xf32>
      %exp3A_801 = math.exp %neg3A_800 : vector<16xf32>
      %add3A_802 = arith.constant 1.000000e+00 : f32
      %add3A_803 = vector.broadcast %add3A_802 : f32 to vector<16xf32>
      %add3A_804 = arith.addf %add3A_803, %exp3A_801 : vector<16xf32>
      %div3A_805 = arith.divf %add3A_797, %add3A_804 : vector<16xf32>
      %swap3A_806 = arith.index_cast %scan3A_729 : i32 to index
      %swap3A_807 = arith.constant 32 : index
      %swap3A_808 = tpu.vector_load %arg28[%swap3A_806, %swap3A_807] {strides = array<i32>} : memref<64x128xf32, #tpu.memory_space<vmem>>, vector<1x16xf32>,
      %swap3A_809 = vector.shape_cast %swap3A_808 : vector<1x16xf32> to vector<16xf32>
      %swap3A_810 = vector.shape_cast %div3A_805 : vector<16xf32> to vector<1x16xf32>
      tpu.vector_store %arg28[%swap3A_806, %swap3A_807], %swap3A_810 {strides = array<i32>} : memref<64x128xf32, #tpu.memory_space<vmem>>, vector<1x16xf32>,
      %get3A_811 = arith.index_cast %scan3A_729 : i32 to index
      %get3A_812 = arith.constant 48 : index
      %get3A_813 = tpu.vector_load %arg22[%get3A_811, %get3A_812] {strides = array<i32>} : memref<64x128xf32, #tpu.memory_space<vmem>>, vector<1x16xf32>,
      %get3A_814 = vector.shape_cast %get3A_813 : vector<1x16xf32> to vector<16xf32>
      %get3A_815 = arith.index_cast %scan3A_729 : i32 to index
      %get3A_816 = arith.constant 48 : index
      %get3A_817 = tpu.vector_load %arg23[%get3A_815, %get3A_816] {strides = array<i32>} : memref<64x128xf32, #tpu.memory_space<vmem>>, vector<1x16xf32>,
      %get3A_818 = vector.shape_cast %get3A_817 : vector<1x16xf32> to vector<16xf32>
      %add3A_819 = arith.addf %get3A_814, %get3A_818 : vector<16xf32>
      %get3A_820 = arith.index_cast %scan3A_729 : i32 to index
      %get3A_821 = arith.constant 48 : index
      %get3A_822 = tpu.vector_load %arg24[%get3A_820, %get3A_821] {strides = array<i32>} : memref<64x128xf32, #tpu.memory_space<vmem>>, vector<1x16xf32>,
      %get3A_823 = vector.shape_cast %get3A_822 : vector<1x16xf32> to vector<16xf32>
      %add3A_824 = arith.addf %add3A_819, %get3A_823 : vector<16xf32>
      %add3A_825 = arith.addf %add3A_824, %get3A_344 : vector<16xf32>
      %neg3A_826 = arith.constant 0.000000e+00 : f32
      %neg3A_827 = vector.broadcast %neg3A_826 : f32 to vector<16xf32>
      %neg3A_828 = arith.subf %neg3A_827, %add3A_825 : vector<16xf32>
      %exp3A_829 = math.exp %neg3A_828 : vector<16xf32>
      %add3A_830 = arith.constant 1.000000e+00 : f32
      %add3A_831 = vector.broadcast %add3A_830 : f32 to vector<16xf32>
      %add3A_832 = arith.addf %add3A_831, %exp3A_829 : vector<16xf32>
      %div3A_833 = arith.divf %add3A_825, %add3A_832 : vector<16xf32>
      %swap3A_834 = arith.index_cast %scan3A_729 : i32 to index
      %swap3A_835 = arith.constant 48 : index
      %swap3A_836 = tpu.vector_load %arg28[%swap3A_834, %swap3A_835] {strides = array<i32>} : memref<64x128xf32, #tpu.memory_space<vmem>>, vector<1x16xf32>,
      %swap3A_837 = vector.shape_cast %swap3A_836 : vector<1x16xf32> to vector<16xf32>
      %swap3A_838 = vector.shape_cast %div3A_833 : vector<16xf32> to vector<1x16xf32>
      tpu.vector_store %arg28[%swap3A_834, %swap3A_835], %swap3A_838 {strides = array<i32>} : memref<64x128xf32, #tpu.memory_space<vmem>>, vector<1x16xf32>,
      %get3A_839 = arith.index_cast %scan3A_729 : i32 to index
      %get3A_840 = arith.constant 64 : index
      %get3A_841 = tpu.vector_load %arg22[%get3A_839, %get3A_840] {strides = array<i32>} : memref<64x128xf32, #tpu.memory_space<vmem>>, vector<1x16xf32>,
      %get3A_842 = vector.shape_cast %get3A_841 : vector<1x16xf32> to vector<16xf32>
      %get3A_843 = arith.index_cast %scan3A_729 : i32 to index
      %get3A_844 = arith.constant 64 : index
      %get3A_845 = tpu.vector_load %arg23[%get3A_843, %get3A_844] {strides = array<i32>} : memref<64x128xf32, #tpu.memory_space<vmem>>, vector<1x16xf32>,
      %get3A_846 = vector.shape_cast %get3A_845 : vector<1x16xf32> to vector<16xf32>
      %add3A_847 = arith.addf %get3A_842, %get3A_846 : vector<16xf32>
      %get3A_848 = arith.index_cast %scan3A_729 : i32 to index
      %get3A_849 = arith.constant 64 : index
      %get3A_850 = tpu.vector_load %arg24[%get3A_848, %get3A_849] {strides = array<i32>} : memref<64x128xf32, #tpu.memory_space<vmem>>, vector<1x16xf32>,
      %get3A_851 = vector.shape_cast %get3A_850 : vector<1x16xf32> to vector<16xf32>
      %add3A_852 = arith.addf %add3A_847, %get3A_851 : vector<16xf32>
      %add3A_853 = arith.addf %add3A_852, %get3A_347 : vector<16xf32>
      %neg3A_854 = arith.constant 0.000000e+00 : f32
      %neg3A_855 = vector.broadcast %neg3A_854 : f32 to vector<16xf32>
      %neg3A_856 = arith.subf %neg3A_855, %add3A_853 : vector<16xf32>
      %exp3A_857 = math.exp %neg3A_856 : vector<16xf32>
      %add3A_858 = arith.constant 1.000000e+00 : f32
      %add3A_859 = vector.broadcast %add3A_858 : f32 to vector<16xf32>
      %add3A_860 = arith.addf %add3A_859, %exp3A_857 : vector<16xf32>
      %div3A_861 = arith.divf %add3A_853, %add3A_860 : vector<16xf32>
      %swap3A_862 = arith.index_cast %scan3A_729 : i32 to index
      %swap3A_863 = arith.constant 64 : index
      %swap3A_864 = tpu.vector_load %arg28[%swap3A_862, %swap3A_863] {strides = array<i32>} : memref<64x128xf32, #tpu.memory_space<vmem>>, vector<1x16xf32>,
      %swap3A_865 = vector.shape_cast %swap3A_864 : vector<1x16xf32> to vector<16xf32>
      %swap3A_866 = vector.shape_cast %div3A_861 : vector<16xf32> to vector<1x16xf32>
      tpu.vector_store %arg28[%swap3A_862, %swap3A_863], %swap3A_866 {strides = array<i32>} : memref<64x128xf32, #tpu.memory_space<vmem>>, vector<1x16xf32>,
      %get3A_867 = arith.index_cast %scan3A_729 : i32 to index
      %get3A_868 = arith.constant 80 : index
      %get3A_869 = tpu.vector_load %arg22[%get3A_867, %get3A_868] {strides = array<i32>} : memref<64x128xf32, #tpu.memory_space<vmem>>, vector<1x16xf32>,
      %get3A_870 = vector.shape_cast %get3A_869 : vector<1x16xf32> to vector<16xf32>
      %get3A_871 = arith.index_cast %scan3A_729 : i32 to index
      %get3A_872 = arith.constant 80 : index
      %get3A_873 = tpu.vector_load %arg23[%get3A_871, %get3A_872] {strides = array<i32>} : memref<64x128xf32, #tpu.memory_space<vmem>>, vector<1x16xf32>,
      %get3A_874 = vector.shape_cast %get3A_873 : vector<1x16xf32> to vector<16xf32>
      %add3A_875 = arith.addf %get3A_870, %get3A_874 : vector<16xf32>
      %get3A_876 = arith.index_cast %scan3A_729 : i32 to index
      %get3A_877 = arith.constant 80 : index
      %get3A_878 = tpu.vector_load %arg24[%get3A_876, %get3A_877] {strides = array<i32>} : memref<64x128xf32, #tpu.memory_space<vmem>>, vector<1x16xf32>,
      %get3A_879 = vector.shape_cast %get3A_878 : vector<1x16xf32> to vector<16xf32>
      %add3A_880 = arith.addf %add3A_875, %get3A_879 : vector<16xf32>
      %add3A_881 = arith.addf %add3A_880, %get3A_350 : vector<16xf32>
      %neg3A_882 = arith.constant 0.000000e+00 : f32
      %neg3A_883 = vector.broadcast %neg3A_882 : f32 to vector<16xf32>
      %neg3A_884 = arith.subf %neg3A_883, %add3A_881 : vector<16xf32>
      %exp3A_885 = math.exp %neg3A_884 : vector<16xf32>
      %add3A_886 = arith.constant 1.000000e+00 : f32
      %add3A_887 = vector.broadcast %add3A_886 : f32 to vector<16xf32>
      %add3A_888 = arith.addf %add3A_887, %exp3A_885 : vector<16xf32>
      %div3A_889 = arith.divf %add3A_881, %add3A_888 : vector<16xf32>
      %swap3A_890 = arith.index_cast %scan3A_729 : i32 to index
      %swap3A_891 = arith.constant 80 : index
      %swap3A_892 = tpu.vector_load %arg28[%swap3A_890, %swap3A_891] {strides = array<i32>} : memref<64x128xf32, #tpu.memory_space<vmem>>, vector<1x16xf32>,
      %swap3A_893 = vector.shape_cast %swap3A_892 : vector<1x16xf32> to vector<16xf32>
      %swap3A_894 = vector.shape_cast %div3A_889 : vector<16xf32> to vector<1x16xf32>
      tpu.vector_store %arg28[%swap3A_890, %swap3A_891], %swap3A_894 {strides = array<i32>} : memref<64x128xf32, #tpu.memory_space<vmem>>, vector<1x16xf32>,
      %get3A_895 = arith.index_cast %scan3A_729 : i32 to index
      %get3A_896 = arith.constant 96 : index
      %get3A_897 = tpu.vector_load %arg22[%get3A_895, %get3A_896] {strides = array<i32>} : memref<64x128xf32, #tpu.memory_space<vmem>>, vector<1x16xf32>,
      %get3A_898 = vector.shape_cast %get3A_897 : vector<1x16xf32> to vector<16xf32>
      %get3A_899 = arith.index_cast %scan3A_729 : i32 to index
      %get3A_900 = arith.constant 96 : index
      %get3A_901 = tpu.vector_load %arg23[%get3A_899, %get3A_900] {strides = array<i32>} : memref<64x128xf32, #tpu.memory_space<vmem>>, vector<1x16xf32>,
      %get3A_902 = vector.shape_cast %get3A_901 : vector<1x16xf32> to vector<16xf32>
      %add3A_903 = arith.addf %get3A_898, %get3A_902 : vector<16xf32>
      %get3A_904 = arith.index_cast %scan3A_729 : i32 to index
      %get3A_905 = arith.constant 96 : index
      %get3A_906 = tpu.vector_load %arg24[%get3A_904, %get3A_905] {strides = array<i32>} : memref<64x128xf32, #tpu.memory_space<vmem>>, vector<1x16xf32>,
      %get3A_907 = vector.shape_cast %get3A_906 : vector<1x16xf32> to vector<16xf32>
      %add3A_908 = arith.addf %add3A_903, %get3A_907 : vector<16xf32>
      %add3A_909 = arith.addf %add3A_908, %get3A_353 : vector<16xf32>
      %neg3A_910 = arith.constant 0.000000e+00 : f32
      %neg3A_911 = vector.broadcast %neg3A_910 : f32 to vector<16xf32>
      %neg3A_912 = arith.subf %neg3A_911, %add3A_909 : vector<16xf32>
      %exp3A_913 = math.exp %neg3A_912 : vector<16xf32>
      %add3A_914 = arith.constant 1.000000e+00 : f32
      %add3A_915 = vector.broadcast %add3A_914 : f32 to vector<16xf32>
      %add3A_916 = arith.addf %add3A_915, %exp3A_913 : vector<16xf32>
      %div3A_917 = arith.divf %add3A_909, %add3A_916 : vector<16xf32>
      %swap3A_918 = arith.index_cast %scan3A_729 : i32 to index
      %swap3A_919 = arith.constant 96 : index
      %swap3A_920 = tpu.vector_load %arg28[%swap3A_918, %swap3A_919] {strides = array<i32>} : memref<64x128xf32, #tpu.memory_space<vmem>>, vector<1x16xf32>,
      %swap3A_921 = vector.shape_cast %swap3A_920 : vector<1x16xf32> to vector<16xf32>
      %swap3A_922 = vector.shape_cast %div3A_917 : vector<16xf32> to vector<1x16xf32>
      tpu.vector_store %arg28[%swap3A_918, %swap3A_919], %swap3A_922 {strides = array<i32>} : memref<64x128xf32, #tpu.memory_space<vmem>>, vector<1x16xf32>,
      %get3A_923 = arith.index_cast %scan3A_729 : i32 to index
      %get3A_924 = arith.constant 112 : index
      %get3A_925 = tpu.vector_load %arg22[%get3A_923, %get3A_924] {strides = array<i32>} : memref<64x128xf32, #tpu.memory_space<vmem>>, vector<1x16xf32>,
      %get3A_926 = vector.shape_cast %get3A_925 : vector<1x16xf32> to vector<16xf32>
      %get3A_927 = arith.index_cast %scan3A_729 : i32 to index
      %get3A_928 = arith.constant 112 : index
      %get3A_929 = tpu.vector_load %arg23[%get3A_927, %get3A_928] {strides = array<i32>} : memref<64x128xf32, #tpu.memory_space<vmem>>, vector<1x16xf32>,
      %get3A_930 = vector.shape_cast %get3A_929 : vector<1x16xf32> to vector<16xf32>
      %add3A_931 = arith.addf %get3A_926, %get3A_930 : vector<16xf32>
      %get3A_932 = arith.index_cast %scan3A_729 : i32 to index
      %get3A_933 = arith.constant 112 : index
      %get3A_934 = tpu.vector_load %arg24[%get3A_932, %get3A_933] {strides = array<i32>} : memref<64x128xf32, #tpu.memory_space<vmem>>, vector<1x16xf32>,
      %get3A_935 = vector.shape_cast %get3A_934 : vector<1x16xf32> to vector<16xf32>
      %add3A_936 = arith.addf %add3A_931, %get3A_935 : vector<16xf32>
      %add3A_937 = arith.addf %add3A_936, %get3A_356 : vector<16xf32>
      %neg3A_938 = arith.constant 0.000000e+00 : f32
      %neg3A_939 = vector.broadcast %neg3A_938 : f32 to vector<16xf32>
      %neg3A_940 = arith.subf %neg3A_939, %add3A_937 : vector<16xf32>
      %exp3A_941 = math.exp %neg3A_940 : vector<16xf32>
      %add3A_942 = arith.constant 1.000000e+00 : f32
      %add3A_943 = vector.broadcast %add3A_942 : f32 to vector<16xf32>
      %add3A_944 = arith.addf %add3A_943, %exp3A_941 : vector<16xf32>
      %div3A_945 = arith.divf %add3A_937, %add3A_944 : vector<16xf32>
      %swap3A_946 = arith.index_cast %scan3A_729 : i32 to index
      %swap3A_947 = arith.constant 112 : index
      %swap3A_948 = tpu.vector_load %arg28[%swap3A_946, %swap3A_947] {strides = array<i32>} : memref<64x128xf32, #tpu.memory_space<vmem>>, vector<1x16xf32>,
      %swap3A_949 = vector.shape_cast %swap3A_948 : vector<1x16xf32> to vector<16xf32>
      %swap3A_950 = vector.shape_cast %div3A_945 : vector<16xf32> to vector<1x16xf32>
      tpu.vector_store %arg28[%swap3A_946, %swap3A_947], %swap3A_950 {strides = array<i32>} : memref<64x128xf32, #tpu.memory_space<vmem>>, vector<1x16xf32>,
    }
    %scan3A_683 = arith.constant 64 : i32
    %add3A_684 = arith.constant 384 : i32
    %add3A_685 = arith.addi %mul3A_2, %add3A_684 : i32
    %dma_start3A_686 = arith.constant 0 : i32
    %dma_start3A_687 = tpu.memref_slice %arg9[%add3A_685, %dma_start3A_686] : memref<16384x128xf32, #tpu.memory_space<hbm>> -> memref<64x128xf32, #tpu.memory_space<hbm>>
    %dma_start3A_688 = arith.constant 0 : i32
    %dma_start3A_689 = tpu.memref_slice %arg9[%add3A_685, %dma_start3A_688] : memref<16384x128xf32, #tpu.memory_space<hbm>> -> memref<64x128xf32, #tpu.memory_space<hbm>>
    tpu.enqueue_dma source(%arg28 : memref<64x128xf32, #tpu.memory_space<vmem>>) target(%dma_start3A_689 : memref<64x128xf32, #tpu.memory_space<hbm>>) target_semaphore(%arg37 : memref<!tpu.dma_semaphore, #tpu.memory_space<semaphore_mem>>)
    %dma_wait3A_690 = arith.constant 448 : i32
    %dma_wait3A_691 = tpu.memref_slice %arg13[%dma_wait3A_690] : memref<512xi32, #tpu.memory_space<vmem>> -> memref<64xi32, #tpu.memory_space<vmem>>
    %dma_wait3A_692 = arith.constant 0 : i32
    %dma_wait3A_693 = arith.constant 0 : i32
    %dma_wait3A_694 = tpu.memref_slice %arg10[%dma_wait3A_692, %dma_wait3A_693] : memref<201x128xf32, #tpu.memory_space<vmem_shared>> -> memref<201x128xf32, #tpu.memory_space<vmem_shared>>
    tpu.wait_indirect_dma semaphore(%arg36 : memref<!tpu.dma_semaphore, #tpu.memory_space<semaphore_mem>>) src(%dma_wait3A_694 : memref<201x128xf32, #tpu.memory_space<vmem_shared>>) dst(%arg25 : memref<64x128xf32, #tpu.memory_space<vmem>>)
    %dma_wait3A_695 = arith.constant 448 : i32
    %dma_wait3A_696 = tpu.memref_slice %arg14[%dma_wait3A_695] : memref<512xi32, #tpu.memory_space<vmem>> -> memref<64xi32, #tpu.memory_space<vmem>>
    %dma_wait3A_697 = arith.constant 0 : i32
    %dma_wait3A_698 = arith.constant 0 : i32
    %dma_wait3A_699 = tpu.memref_slice %arg11[%dma_wait3A_697, %dma_wait3A_698] : memref<101x128xf32, #tpu.memory_space<vmem_shared>> -> memref<101x128xf32, #tpu.memory_space<vmem_shared>>
    tpu.wait_indirect_dma semaphore(%arg36 : memref<!tpu.dma_semaphore, #tpu.memory_space<semaphore_mem>>) src(%dma_wait3A_699 : memref<101x128xf32, #tpu.memory_space<vmem_shared>>) dst(%arg26 : memref<64x128xf32, #tpu.memory_space<vmem>>)
    %dma_wait3A_700 = arith.constant 448 : i32
    %dma_wait3A_701 = tpu.memref_slice %arg15[%dma_wait3A_700] : memref<512xi32, #tpu.memory_space<vmem>> -> memref<64xi32, #tpu.memory_space<vmem>>
    %dma_wait3A_702 = arith.constant 0 : i32
    %dma_wait3A_703 = arith.constant 0 : i32
    %dma_wait3A_704 = tpu.memref_slice %arg12[%dma_wait3A_702, %dma_wait3A_703] : memref<1000x128xf32, #tpu.memory_space<vmem_shared>> -> memref<1000x128xf32, #tpu.memory_space<vmem_shared>>
    tpu.wait_indirect_dma semaphore(%arg36 : memref<!tpu.dma_semaphore, #tpu.memory_space<semaphore_mem>>) src(%dma_wait3A_704 : memref<1000x128xf32, #tpu.memory_space<vmem_shared>>) dst(%arg27 : memref<64x128xf32, #tpu.memory_space<vmem>>)
    %dma_wait3A_705 = arith.constant 0 : i32
    %dma_wait3A_706 = tpu.memref_slice %arg9[%add3A_654, %dma_wait3A_705] : memref<16384x128xf32, #tpu.memory_space<hbm>> -> memref<64x128xf32, #tpu.memory_space<hbm>>
    %dma_wait3A_707 = arith.constant 0 : i32
    %dma_wait3A_708 = tpu.memref_slice %arg9[%add3A_654, %dma_wait3A_707] : memref<16384x128xf32, #tpu.memory_space<hbm>> -> memref<64x128xf32, #tpu.memory_space<hbm>>
    tpu.wait_dma2 semaphore(%arg38 : memref<!tpu.dma_semaphore, #tpu.memory_space<semaphore_mem>>) src(%arg29 : memref<64x128xf32, #tpu.memory_space<vmem>>) dst(%dma_wait3A_708 : memref<64x128xf32, #tpu.memory_space<hbm>>)
    %scan3A_709 = arith.constant 0 : i32
    %scan3A_710 = arith.constant 0 : i32
    %scan3A_711 = arith.constant 64 : i32
    %scan3A_712 = arith.addi %scan3A_710, %scan3A_711 : i32
    %scan3A_713 = arith.constant 1 : i32
    scf.for %scan3A_729 = %scan3A_710 to %scan3A_712 step %scan3A_713  : i32 {
      %get3A_730 = arith.index_cast %scan3A_729 : i32 to index
      %get3A_731 = arith.constant 0 : index
      %get3A_732 = tpu.vector_load %arg25[%get3A_730, %get3A_731] {strides = array<i32>} : memref<64x128xf32, #tpu.memory_space<vmem>>, vector<1x16xf32>,
      %get3A_733 = vector.shape_cast %get3A_732 : vector<1x16xf32> to vector<16xf32>
      %get3A_734 = arith.index_cast %scan3A_729 : i32 to index
      %get3A_735 = arith.constant 0 : index
      %get3A_736 = tpu.vector_load %arg26[%get3A_734, %get3A_735] {strides = array<i32>} : memref<64x128xf32, #tpu.memory_space<vmem>>, vector<1x16xf32>,
      %get3A_737 = vector.shape_cast %get3A_736 : vector<1x16xf32> to vector<16xf32>
      %add3A_738 = arith.addf %get3A_733, %get3A_737 : vector<16xf32>
      %get3A_739 = arith.index_cast %scan3A_729 : i32 to index
      %get3A_740 = arith.constant 0 : index
      %get3A_741 = tpu.vector_load %arg27[%get3A_739, %get3A_740] {strides = array<i32>} : memref<64x128xf32, #tpu.memory_space<vmem>>, vector<1x16xf32>,
      %get3A_742 = vector.shape_cast %get3A_741 : vector<1x16xf32> to vector<16xf32>
      %add3A_743 = arith.addf %add3A_738, %get3A_742 : vector<16xf32>
      %add3A_744 = arith.addf %add3A_743, %get3A_335 : vector<16xf32>
      %neg3A = arith.constant 0.000000e+00 : f32
      %neg3A_745 = vector.broadcast %neg3A : f32 to vector<16xf32>
      %neg3A_746 = arith.subf %neg3A_745, %add3A_744 : vector<16xf32>
      %exp3A = math.exp %neg3A_746 : vector<16xf32>
      %add3A_747 = arith.constant 1.000000e+00 : f32
      %add3A_748 = vector.broadcast %add3A_747 : f32 to vector<16xf32>
      %add3A_749 = arith.addf %add3A_748, %exp3A : vector<16xf32>
      %div3A = arith.divf %add3A_744, %add3A_749 : vector<16xf32>
      %swap3A_750 = arith.index_cast %scan3A_729 : i32 to index
      %swap3A_751 = arith.constant 0 : index
      %swap3A_752 = tpu.vector_load %arg29[%swap3A_750, %swap3A_751] {strides = array<i32>} : memref<64x128xf32, #tpu.memory_space<vmem>>, vector<1x16xf32>,
      %swap3A_753 = vector.shape_cast %swap3A_752 : vector<1x16xf32> to vector<16xf32>
      %swap3A_754 = vector.shape_cast %div3A : vector<16xf32> to vector<1x16xf32>
      tpu.vector_store %arg29[%swap3A_750, %swap3A_751], %swap3A_754 {strides = array<i32>} : memref<64x128xf32, #tpu.memory_space<vmem>>, vector<1x16xf32>,
      %get3A_755 = arith.index_cast %scan3A_729 : i32 to index
      %get3A_756 = arith.constant 16 : index
      %get3A_757 = tpu.vector_load %arg25[%get3A_755, %get3A_756] {strides = array<i32>} : memref<64x128xf32, #tpu.memory_space<vmem>>, vector<1x16xf32>,
      %get3A_758 = vector.shape_cast %get3A_757 : vector<1x16xf32> to vector<16xf32>
      %get3A_759 = arith.index_cast %scan3A_729 : i32 to index
      %get3A_760 = arith.constant 16 : index
      %get3A_761 = tpu.vector_load %arg26[%get3A_759, %get3A_760] {strides = array<i32>} : memref<64x128xf32, #tpu.memory_space<vmem>>, vector<1x16xf32>,
      %get3A_762 = vector.shape_cast %get3A_761 : vector<1x16xf32> to vector<16xf32>
      %add3A_763 = arith.addf %get3A_758, %get3A_762 : vector<16xf32>
      %get3A_764 = arith.index_cast %scan3A_729 : i32 to index
      %get3A_765 = arith.constant 16 : index
      %get3A_766 = tpu.vector_load %arg27[%get3A_764, %get3A_765] {strides = array<i32>} : memref<64x128xf32, #tpu.memory_space<vmem>>, vector<1x16xf32>,
      %get3A_767 = vector.shape_cast %get3A_766 : vector<1x16xf32> to vector<16xf32>
      %add3A_768 = arith.addf %add3A_763, %get3A_767 : vector<16xf32>
      %add3A_769 = arith.addf %add3A_768, %get3A_338 : vector<16xf32>
      %neg3A_770 = arith.constant 0.000000e+00 : f32
      %neg3A_771 = vector.broadcast %neg3A_770 : f32 to vector<16xf32>
      %neg3A_772 = arith.subf %neg3A_771, %add3A_769 : vector<16xf32>
      %exp3A_773 = math.exp %neg3A_772 : vector<16xf32>
      %add3A_774 = arith.constant 1.000000e+00 : f32
      %add3A_775 = vector.broadcast %add3A_774 : f32 to vector<16xf32>
      %add3A_776 = arith.addf %add3A_775, %exp3A_773 : vector<16xf32>
      %div3A_777 = arith.divf %add3A_769, %add3A_776 : vector<16xf32>
      %swap3A_778 = arith.index_cast %scan3A_729 : i32 to index
      %swap3A_779 = arith.constant 16 : index
      %swap3A_780 = tpu.vector_load %arg29[%swap3A_778, %swap3A_779] {strides = array<i32>} : memref<64x128xf32, #tpu.memory_space<vmem>>, vector<1x16xf32>,
      %swap3A_781 = vector.shape_cast %swap3A_780 : vector<1x16xf32> to vector<16xf32>
      %swap3A_782 = vector.shape_cast %div3A_777 : vector<16xf32> to vector<1x16xf32>
      tpu.vector_store %arg29[%swap3A_778, %swap3A_779], %swap3A_782 {strides = array<i32>} : memref<64x128xf32, #tpu.memory_space<vmem>>, vector<1x16xf32>,
      %get3A_783 = arith.index_cast %scan3A_729 : i32 to index
      %get3A_784 = arith.constant 32 : index
      %get3A_785 = tpu.vector_load %arg25[%get3A_783, %get3A_784] {strides = array<i32>} : memref<64x128xf32, #tpu.memory_space<vmem>>, vector<1x16xf32>,
      %get3A_786 = vector.shape_cast %get3A_785 : vector<1x16xf32> to vector<16xf32>
      %get3A_787 = arith.index_cast %scan3A_729 : i32 to index
      %get3A_788 = arith.constant 32 : index
      %get3A_789 = tpu.vector_load %arg26[%get3A_787, %get3A_788] {strides = array<i32>} : memref<64x128xf32, #tpu.memory_space<vmem>>, vector<1x16xf32>,
      %get3A_790 = vector.shape_cast %get3A_789 : vector<1x16xf32> to vector<16xf32>
      %add3A_791 = arith.addf %get3A_786, %get3A_790 : vector<16xf32>
      %get3A_792 = arith.index_cast %scan3A_729 : i32 to index
      %get3A_793 = arith.constant 32 : index
      %get3A_794 = tpu.vector_load %arg27[%get3A_792, %get3A_793] {strides = array<i32>} : memref<64x128xf32, #tpu.memory_space<vmem>>, vector<1x16xf32>,
      %get3A_795 = vector.shape_cast %get3A_794 : vector<1x16xf32> to vector<16xf32>
      %add3A_796 = arith.addf %add3A_791, %get3A_795 : vector<16xf32>
      %add3A_797 = arith.addf %add3A_796, %get3A_341 : vector<16xf32>
      %neg3A_798 = arith.constant 0.000000e+00 : f32
      %neg3A_799 = vector.broadcast %neg3A_798 : f32 to vector<16xf32>
      %neg3A_800 = arith.subf %neg3A_799, %add3A_797 : vector<16xf32>
      %exp3A_801 = math.exp %neg3A_800 : vector<16xf32>
      %add3A_802 = arith.constant 1.000000e+00 : f32
      %add3A_803 = vector.broadcast %add3A_802 : f32 to vector<16xf32>
      %add3A_804 = arith.addf %add3A_803, %exp3A_801 : vector<16xf32>
      %div3A_805 = arith.divf %add3A_797, %add3A_804 : vector<16xf32>
      %swap3A_806 = arith.index_cast %scan3A_729 : i32 to index
      %swap3A_807 = arith.constant 32 : index
      %swap3A_808 = tpu.vector_load %arg29[%swap3A_806, %swap3A_807] {strides = array<i32>} : memref<64x128xf32, #tpu.memory_space<vmem>>, vector<1x16xf32>,
      %swap3A_809 = vector.shape_cast %swap3A_808 : vector<1x16xf32> to vector<16xf32>
      %swap3A_810 = vector.shape_cast %div3A_805 : vector<16xf32> to vector<1x16xf32>
      tpu.vector_store %arg29[%swap3A_806, %swap3A_807], %swap3A_810 {strides = array<i32>} : memref<64x128xf32, #tpu.memory_space<vmem>>, vector<1x16xf32>,
      %get3A_811 = arith.index_cast %scan3A_729 : i32 to index
      %get3A_812 = arith.constant 48 : index
      %get3A_813 = tpu.vector_load %arg25[%get3A_811, %get3A_812] {strides = array<i32>} : memref<64x128xf32, #tpu.memory_space<vmem>>, vector<1x16xf32>,
      %get3A_814 = vector.shape_cast %get3A_813 : vector<1x16xf32> to vector<16xf32>
      %get3A_815 = arith.index_cast %scan3A_729 : i32 to index
      %get3A_816 = arith.constant 48 : index
      %get3A_817 = tpu.vector_load %arg26[%get3A_815, %get3A_816] {strides = array<i32>} : memref<64x128xf32, #tpu.memory_space<vmem>>, vector<1x16xf32>,
      %get3A_818 = vector.shape_cast %get3A_817 : vector<1x16xf32> to vector<16xf32>
      %add3A_819 = arith.addf %get3A_814, %get3A_818 : vector<16xf32>
      %get3A_820 = arith.index_cast %scan3A_729 : i32 to index
      %get3A_821 = arith.constant 48 : index
      %get3A_822 = tpu.vector_load %arg27[%get3A_820, %get3A_821] {strides = array<i32>} : memref<64x128xf32, #tpu.memory_space<vmem>>, vector<1x16xf32>,
      %get3A_823 = vector.shape_cast %get3A_822 : vector<1x16xf32> to vector<16xf32>
      %add3A_824 = arith.addf %add3A_819, %get3A_823 : vector<16xf32>
      %add3A_825 = arith.addf %add3A_824, %get3A_344 : vector<16xf32>
      %neg3A_826 = arith.constant 0.000000e+00 : f32
      %neg3A_827 = vector.broadcast %neg3A_826 : f32 to vector<16xf32>
      %neg3A_828 = arith.subf %neg3A_827, %add3A_825 : vector<16xf32>
      %exp3A_829 = math.exp %neg3A_828 : vector<16xf32>
      %add3A_830 = arith.constant 1.000000e+00 : f32
      %add3A_831 = vector.broadcast %add3A_830 : f32 to vector<16xf32>
      %add3A_832 = arith.addf %add3A_831, %exp3A_829 : vector<16xf32>
      %div3A_833 = arith.divf %add3A_825, %add3A_832 : vector<16xf32>
      %swap3A_834 = arith.index_cast %scan3A_729 : i32 to index
      %swap3A_835 = arith.constant 48 : index
      %swap3A_836 = tpu.vector_load %arg29[%swap3A_834, %swap3A_835] {strides = array<i32>} : memref<64x128xf32, #tpu.memory_space<vmem>>, vector<1x16xf32>,
      %swap3A_837 = vector.shape_cast %swap3A_836 : vector<1x16xf32> to vector<16xf32>
      %swap3A_838 = vector.shape_cast %div3A_833 : vector<16xf32> to vector<1x16xf32>
      tpu.vector_store %arg29[%swap3A_834, %swap3A_835], %swap3A_838 {strides = array<i32>} : memref<64x128xf32, #tpu.memory_space<vmem>>, vector<1x16xf32>,
      %get3A_839 = arith.index_cast %scan3A_729 : i32 to index
      %get3A_840 = arith.constant 64 : index
      %get3A_841 = tpu.vector_load %arg25[%get3A_839, %get3A_840] {strides = array<i32>} : memref<64x128xf32, #tpu.memory_space<vmem>>, vector<1x16xf32>,
      %get3A_842 = vector.shape_cast %get3A_841 : vector<1x16xf32> to vector<16xf32>
      %get3A_843 = arith.index_cast %scan3A_729 : i32 to index
      %get3A_844 = arith.constant 64 : index
      %get3A_845 = tpu.vector_load %arg26[%get3A_843, %get3A_844] {strides = array<i32>} : memref<64x128xf32, #tpu.memory_space<vmem>>, vector<1x16xf32>,
      %get3A_846 = vector.shape_cast %get3A_845 : vector<1x16xf32> to vector<16xf32>
      %add3A_847 = arith.addf %get3A_842, %get3A_846 : vector<16xf32>
      %get3A_848 = arith.index_cast %scan3A_729 : i32 to index
      %get3A_849 = arith.constant 64 : index
      %get3A_850 = tpu.vector_load %arg27[%get3A_848, %get3A_849] {strides = array<i32>} : memref<64x128xf32, #tpu.memory_space<vmem>>, vector<1x16xf32>,
      %get3A_851 = vector.shape_cast %get3A_850 : vector<1x16xf32> to vector<16xf32>
      %add3A_852 = arith.addf %add3A_847, %get3A_851 : vector<16xf32>
      %add3A_853 = arith.addf %add3A_852, %get3A_347 : vector<16xf32>
      %neg3A_854 = arith.constant 0.000000e+00 : f32
      %neg3A_855 = vector.broadcast %neg3A_854 : f32 to vector<16xf32>
      %neg3A_856 = arith.subf %neg3A_855, %add3A_853 : vector<16xf32>
      %exp3A_857 = math.exp %neg3A_856 : vector<16xf32>
      %add3A_858 = arith.constant 1.000000e+00 : f32
      %add3A_859 = vector.broadcast %add3A_858 : f32 to vector<16xf32>
      %add3A_860 = arith.addf %add3A_859, %exp3A_857 : vector<16xf32>
      %div3A_861 = arith.divf %add3A_853, %add3A_860 : vector<16xf32>
      %swap3A_862 = arith.index_cast %scan3A_729 : i32 to index
      %swap3A_863 = arith.constant 64 : index
      %swap3A_864 = tpu.vector_load %arg29[%swap3A_862, %swap3A_863] {strides = array<i32>} : memref<64x128xf32, #tpu.memory_space<vmem>>, vector<1x16xf32>,
      %swap3A_865 = vector.shape_cast %swap3A_864 : vector<1x16xf32> to vector<16xf32>
      %swap3A_866 = vector.shape_cast %div3A_861 : vector<16xf32> to vector<1x16xf32>
      tpu.vector_store %arg29[%swap3A_862, %swap3A_863], %swap3A_866 {strides = array<i32>} : memref<64x128xf32, #tpu.memory_space<vmem>>, vector<1x16xf32>,
      %get3A_867 = arith.index_cast %scan3A_729 : i32 to index
      %get3A_868 = arith.constant 80 : index
      %get3A_869 = tpu.vector_load %arg25[%get3A_867, %get3A_868] {strides = array<i32>} : memref<64x128xf32, #tpu.memory_space<vmem>>, vector<1x16xf32>,
      %get3A_870 = vector.shape_cast %get3A_869 : vector<1x16xf32> to vector<16xf32>
      %get3A_871 = arith.index_cast %scan3A_729 : i32 to index
      %get3A_872 = arith.constant 80 : index
      %get3A_873 = tpu.vector_load %arg26[%get3A_871, %get3A_872] {strides = array<i32>} : memref<64x128xf32, #tpu.memory_space<vmem>>, vector<1x16xf32>,
      %get3A_874 = vector.shape_cast %get3A_873 : vector<1x16xf32> to vector<16xf32>
      %add3A_875 = arith.addf %get3A_870, %get3A_874 : vector<16xf32>
      %get3A_876 = arith.index_cast %scan3A_729 : i32 to index
      %get3A_877 = arith.constant 80 : index
      %get3A_878 = tpu.vector_load %arg27[%get3A_876, %get3A_877] {strides = array<i32>} : memref<64x128xf32, #tpu.memory_space<vmem>>, vector<1x16xf32>,
      %get3A_879 = vector.shape_cast %get3A_878 : vector<1x16xf32> to vector<16xf32>
      %add3A_880 = arith.addf %add3A_875, %get3A_879 : vector<16xf32>
      %add3A_881 = arith.addf %add3A_880, %get3A_350 : vector<16xf32>
      %neg3A_882 = arith.constant 0.000000e+00 : f32
      %neg3A_883 = vector.broadcast %neg3A_882 : f32 to vector<16xf32>
      %neg3A_884 = arith.subf %neg3A_883, %add3A_881 : vector<16xf32>
      %exp3A_885 = math.exp %neg3A_884 : vector<16xf32>
      %add3A_886 = arith.constant 1.000000e+00 : f32
      %add3A_887 = vector.broadcast %add3A_886 : f32 to vector<16xf32>
      %add3A_888 = arith.addf %add3A_887, %exp3A_885 : vector<16xf32>
      %div3A_889 = arith.divf %add3A_881, %add3A_888 : vector<16xf32>
      %swap3A_890 = arith.index_cast %scan3A_729 : i32 to index
      %swap3A_891 = arith.constant 80 : index
      %swap3A_892 = tpu.vector_load %arg29[%swap3A_890, %swap3A_891] {strides = array<i32>} : memref<64x128xf32, #tpu.memory_space<vmem>>, vector<1x16xf32>,
      %swap3A_893 = vector.shape_cast %swap3A_892 : vector<1x16xf32> to vector<16xf32>
      %swap3A_894 = vector.shape_cast %div3A_889 : vector<16xf32> to vector<1x16xf32>
      tpu.vector_store %arg29[%swap3A_890, %swap3A_891], %swap3A_894 {strides = array<i32>} : memref<64x128xf32, #tpu.memory_space<vmem>>, vector<1x16xf32>,
      %get3A_895 = arith.index_cast %scan3A_729 : i32 to index
      %get3A_896 = arith.constant 96 : index
      %get3A_897 = tpu.vector_load %arg25[%get3A_895, %get3A_896] {strides = array<i32>} : memref<64x128xf32, #tpu.memory_space<vmem>>, vector<1x16xf32>,
      %get3A_898 = vector.shape_cast %get3A_897 : vector<1x16xf32> to vector<16xf32>
      %get3A_899 = arith.index_cast %scan3A_729 : i32 to index
      %get3A_900 = arith.constant 96 : index
      %get3A_901 = tpu.vector_load %arg26[%get3A_899, %get3A_900] {strides = array<i32>} : memref<64x128xf32, #tpu.memory_space<vmem>>, vector<1x16xf32>,
      %get3A_902 = vector.shape_cast %get3A_901 : vector<1x16xf32> to vector<16xf32>
      %add3A_903 = arith.addf %get3A_898, %get3A_902 : vector<16xf32>
      %get3A_904 = arith.index_cast %scan3A_729 : i32 to index
      %get3A_905 = arith.constant 96 : index
      %get3A_906 = tpu.vector_load %arg27[%get3A_904, %get3A_905] {strides = array<i32>} : memref<64x128xf32, #tpu.memory_space<vmem>>, vector<1x16xf32>,
      %get3A_907 = vector.shape_cast %get3A_906 : vector<1x16xf32> to vector<16xf32>
      %add3A_908 = arith.addf %add3A_903, %get3A_907 : vector<16xf32>
      %add3A_909 = arith.addf %add3A_908, %get3A_353 : vector<16xf32>
      %neg3A_910 = arith.constant 0.000000e+00 : f32
      %neg3A_911 = vector.broadcast %neg3A_910 : f32 to vector<16xf32>
      %neg3A_912 = arith.subf %neg3A_911, %add3A_909 : vector<16xf32>
      %exp3A_913 = math.exp %neg3A_912 : vector<16xf32>
      %add3A_914 = arith.constant 1.000000e+00 : f32
      %add3A_915 = vector.broadcast %add3A_914 : f32 to vector<16xf32>
      %add3A_916 = arith.addf %add3A_915, %exp3A_913 : vector<16xf32>
      %div3A_917 = arith.divf %add3A_909, %add3A_916 : vector<16xf32>
      %swap3A_918 = arith.index_cast %scan3A_729 : i32 to index
      %swap3A_919 = arith.constant 96 : index
      %swap3A_920 = tpu.vector_load %arg29[%swap3A_918, %swap3A_919] {strides = array<i32>} : memref<64x128xf32, #tpu.memory_space<vmem>>, vector<1x16xf32>,
      %swap3A_921 = vector.shape_cast %swap3A_920 : vector<1x16xf32> to vector<16xf32>
      %swap3A_922 = vector.shape_cast %div3A_917 : vector<16xf32> to vector<1x16xf32>
      tpu.vector_store %arg29[%swap3A_918, %swap3A_919], %swap3A_922 {strides = array<i32>} : memref<64x128xf32, #tpu.memory_space<vmem>>, vector<1x16xf32>,
      %get3A_923 = arith.index_cast %scan3A_729 : i32 to index
      %get3A_924 = arith.constant 112 : index
      %get3A_925 = tpu.vector_load %arg25[%get3A_923, %get3A_924] {strides = array<i32>} : memref<64x128xf32, #tpu.memory_space<vmem>>, vector<1x16xf32>,
      %get3A_926 = vector.shape_cast %get3A_925 : vector<1x16xf32> to vector<16xf32>
      %get3A_927 = arith.index_cast %scan3A_729 : i32 to index
      %get3A_928 = arith.constant 112 : index
      %get3A_929 = tpu.vector_load %arg26[%get3A_927, %get3A_928] {strides = array<i32>} : memref<64x128xf32, #tpu.memory_space<vmem>>, vector<1x16xf32>,
      %get3A_930 = vector.shape_cast %get3A_929 : vector<1x16xf32> to vector<16xf32>
      %add3A_931 = arith.addf %get3A_926, %get3A_930 : vector<16xf32>
      %get3A_932 = arith.index_cast %scan3A_729 : i32 to index
      %get3A_933 = arith.constant 112 : index
      %get3A_934 = tpu.vector_load %arg27[%get3A_932, %get3A_933] {strides = array<i32>} : memref<64x128xf32, #tpu.memory_space<vmem>>, vector<1x16xf32>,
      %get3A_935 = vector.shape_cast %get3A_934 : vector<1x16xf32> to vector<16xf32>
      %add3A_936 = arith.addf %add3A_931, %get3A_935 : vector<16xf32>
      %add3A_937 = arith.addf %add3A_936, %get3A_356 : vector<16xf32>
      %neg3A_938 = arith.constant 0.000000e+00 : f32
      %neg3A_939 = vector.broadcast %neg3A_938 : f32 to vector<16xf32>
      %neg3A_940 = arith.subf %neg3A_939, %add3A_937 : vector<16xf32>
      %exp3A_941 = math.exp %neg3A_940 : vector<16xf32>
      %add3A_942 = arith.constant 1.000000e+00 : f32
      %add3A_943 = vector.broadcast %add3A_942 : f32 to vector<16xf32>
      %add3A_944 = arith.addf %add3A_943, %exp3A_941 : vector<16xf32>
      %div3A_945 = arith.divf %add3A_937, %add3A_944 : vector<16xf32>
      %swap3A_946 = arith.index_cast %scan3A_729 : i32 to index
      %swap3A_947 = arith.constant 112 : index
      %swap3A_948 = tpu.vector_load %arg29[%swap3A_946, %swap3A_947] {strides = array<i32>} : memref<64x128xf32, #tpu.memory_space<vmem>>, vector<1x16xf32>,
      %swap3A_949 = vector.shape_cast %swap3A_948 : vector<1x16xf32> to vector<16xf32>
      %swap3A_950 = vector.shape_cast %div3A_945 : vector<16xf32> to vector<1x16xf32>
      tpu.vector_store %arg29[%swap3A_946, %swap3A_947], %swap3A_950 {strides = array<i32>} : memref<64x128xf32, #tpu.memory_space<vmem>>, vector<1x16xf32>,
    }
    %scan3A_714 = arith.constant 64 : i32
    %add3A_715 = arith.constant 448 : i32
    %add3A_716 = arith.addi %mul3A_2, %add3A_715 : i32
    %dma_start3A_717 = arith.constant 0 : i32
    %dma_start3A_718 = tpu.memref_slice %arg9[%add3A_716, %dma_start3A_717] : memref<16384x128xf32, #tpu.memory_space<hbm>> -> memref<64x128xf32, #tpu.memory_space<hbm>>
    %dma_start3A_719 = arith.constant 0 : i32
    %dma_start3A_720 = tpu.memref_slice %arg9[%add3A_716, %dma_start3A_719] : memref<16384x128xf32, #tpu.memory_space<hbm>> -> memref<64x128xf32, #tpu.memory_space<hbm>>
    tpu.enqueue_dma source(%arg29 : memref<64x128xf32, #tpu.memory_space<vmem>>) target(%dma_start3A_720 : memref<64x128xf32, #tpu.memory_space<hbm>>) target_semaphore(%arg38 : memref<!tpu.dma_semaphore, #tpu.memory_space<semaphore_mem>>)
    %dma_wait3A_721 = arith.constant 0 : i32
    %dma_wait3A_722 = tpu.memref_slice %arg9[%add3A_685, %dma_wait3A_721] : memref<16384x128xf32, #tpu.memory_space<hbm>> -> memref<64x128xf32, #tpu.memory_space<hbm>>
    %dma_wait3A_723 = arith.constant 0 : i32
    %dma_wait3A_724 = tpu.memref_slice %arg9[%add3A_685, %dma_wait3A_723] : memref<16384x128xf32, #tpu.memory_space<hbm>> -> memref<64x128xf32, #tpu.memory_space<hbm>>
    tpu.wait_dma2 semaphore(%arg37 : memref<!tpu.dma_semaphore, #tpu.memory_space<semaphore_mem>>) src(%arg28 : memref<64x128xf32, #tpu.memory_space<vmem>>) dst(%dma_wait3A_724 : memref<64x128xf32, #tpu.memory_space<hbm>>)
    %dma_wait3A_725 = arith.constant 0 : i32
    %dma_wait3A_726 = tpu.memref_slice %arg9[%add3A_716, %dma_wait3A_725] : memref<16384x128xf32, #tpu.memory_space<hbm>> -> memref<64x128xf32, #tpu.memory_space<hbm>>
    %dma_wait3A_727 = arith.constant 0 : i32
    %dma_wait3A_728 = tpu.memref_slice %arg9[%add3A_716, %dma_wait3A_727] : memref<16384x128xf32, #tpu.memory_space<hbm>> -> memref<64x128xf32, #tpu.memory_space<hbm>>
    tpu.wait_dma2 semaphore(%arg38 : memref<!tpu.dma_semaphore, #tpu.memory_space<semaphore_mem>>) src(%arg29 : memref<64x128xf32, #tpu.memory_space<vmem>>) dst(%dma_wait3A_728 : memref<64x128xf32, #tpu.memory_space<hbm>>)
    return
  }
}

</mosaic_0001>

<sc_bundles>
// kernel: _embed.3.cloned.1.call-start
scs
__scs_entry_jumppad:
0x0: {  	(pc) =	sbr.rel $0x88, $3  }
0x1: {  	(tag) =	ssettag $0x0;
	lr =	simm.s32 $0x1  }
0x2: {  	[smem:$0x3F9A] =	sst lr;
	_ =	strace $0xD0000000  }
0x3: {  	_ = 	snop  }
0x4: {  	_ = 	snop  }
0x5: {  	_ = 	snop  }
0x6: {  	_ = 	snop  }
0x7: {  	_ = 	snop  }
__scs_overlays_trampoline_lowered:
0x8: {  	[smem:$0x3FA9] =	sst s0  }
0x9: {  	[smem:$0x3FAA] =	sst s1  }
0xa: {  	[smem:$0x3FAB] =	sst s2  }
0xb: {  	[smem:$0x3FAC] =	sst s3  }
0xc: {  	[smem:$0x3FAD] =	sst s4  }
0xd: {  	[smem:$0x3FAE] =	sst s5  }
0xe: {  	[smem:$0x3FAF] =	sst s6  }
0xf: {  	[smem:$0x3FB0] =	sst s7  }
0x10: {  	[smem:$0x3FB1] =	sst s8  }
0x11: {  	[smem:$0x3FB2] =	sst s9;
	s0 =	simm.s32 @!p0 $0x0  }
0x12: {  	s1 =	sld [smem:$0x3F98];
	s0 =	simm.s32 @p0 $0x1  }
0x13: {  	[smem:$0x3FB3] =	sst s0;
	s0 =	simm.s32 @!p1 $0x0  }
0x14: {  	s2 =	sld [smem:$0x3F97];
	s0 =	simm.s32 @p1 $0x1  }
0x15: {  	[smem:$0x3FB4] =	sst s0;
	s0 =	simm.s32 @!p2 $0x0  }
0x16: {  	s3 =	sld [smem:$0x3FDB];
	s0 =	simm.s32 @p2 $0x1  }
0x17: {  	s4 =	simm.s32 $0x1BF5;
	[smem:$0x3FB6] =	sst s0  }
0x18: {  	s0 =	sld [smem:$0x3F99];
	_ =	swait.ge [sflag:s4], $0x0  }
0x19: {  	s7 =	sld [smem:$0x3F9A]  }
0x1a: {  	s8 =	sadd.s32 $0xFFFFE003, lr  }
0x1b: {  	s9 =	sadd.s32 $0xFFFFFEF7, lr;
	s5 =	simm.s32 $0xFFFFFFFF;
	p2 =	slt.u32 s8, $0xFFFFF086  }
0x1c: {  	p1 =	slt.u32 s9, $0xF7A;
	s5 =	simm.s32 @!p2 $0x0  }
0x1d: {  	s5 =	simm.s32 @p1 $0x1;
	p0 =	seq.s32 s7, s2  }
0x1e: {  	s7 =	smul.u32 @!p0 $0xF7A, s2;
	p2 =	seq.s32 @!p0 s5, $0x0  }
0x1f: {  	s9 =	smul.u32 $0xF7A, s1;
	s8 =	simm.s32 @!p0 $0x1BF5;
	p2 =	por !p2, p0  }
0x20: {  	[sflag:s8] =	ssyncset.s32 @!p0 $0xFFFFF086;
	s6 =	sadd.s32 @!p0 s3, s7;
	s7 =	simm.s32 @!p0 $0x108  }
0x21: {  	s3 =	sadd.s32 s3, s9;
	s6 =	sadd.s32 @!p0 $0x88, s6;
	s7 =	simm.s32 @p2 $0x1082  }
0x22: {  	[simem:s7], [sflag:s8] =	dma.local @!p0 [hbm:s6], $0xF7A  }
0x23: {  	s9 =	sor.u32 $0xD0000000, s2;
	s6 =	simm.s32 $0x108;
	_ =	swait.ge @!p0 [sflag:s8], $0x0  }
0x24: {  	s3 =	sadd.s32 $0x88, s3;
	s6 =	simm.s32 @!p1 $0x1082;
	[sflag:s4] =	ssyncset.s32 $0xFFFFF086  }
0x25: {  	[simem:s6], [sflag:s4] =	dma.local [hbm:s3], $0xF7A  }
0x26: {  	[smem:$0x3F9A] =	sst s1;
	(tag) =	ssettag s2;
	_ =	strace s9  }
0x27: {  	s1 =	sld [smem:$0x3FAA]  }
0x28: {  	s2 =	sld [smem:$0x3FAB]  }
0x29: {  	s4 =	sld [smem:$0x3FAD]  }
0x2a: {  	p0 =	seq.s32 s5, $0x0;
	s5 =	sld [smem:$0x3FAE]  }
0x2b: {  	s6 =	sld [smem:$0x3FAF]  }
0x2c: {  	s7 =	sld [smem:$0x3FB0]  }
0x2d: {  	s3 =	simm.s32 $0x108;
	s8 =	sld [smem:$0x3FB1]  }
0x2e: {  	s3 =	simm.s32 @!p0 $0x1082;
	s9 =	sld [smem:$0x3FB2]  }
0x2f: {  	lr =	sadd.s32 s0, s3;
	s0 =	sld [smem:$0x3FA9]  }
0x30: {  	s3 =	sld [smem:$0x3FAC]  }
0x31: {  	[smem:$0x3FB5] =	sst s10  }
0x32: {  	s10 =	sld [smem:$0x3FB3];
	_ =	sdelay $0x3  }
0x33: {  	p0 =	seq.s32 s10, $0x1;
	s10 =	sld [smem:$0x3FB5];
	_ =	sdelay $0x3  }
0x34: {  	[smem:$0x3FB5] =	sst s10  }
0x35: {  	s10 =	sld [smem:$0x3FB4];
	_ =	sdelay $0x3  }
0x36: {  	p1 =	seq.s32 s10, $0x1;
	s10 =	sld [smem:$0x3FB5];
	_ =	sdelay $0x3  }
0x37: {  	[smem:$0x3FB5] =	sst s10  }
0x38: {  	s10 =	sld [smem:$0x3FB6]  }
0x39: {  	_ = 	snop;
	(pc) =	sbr.ind lr, $3  }
0x3a: {  	_ = 	snop  }
0x3b: {  	_ = 	snop  }
0x3c: {  	p2 =	seq.s32 s10, $0x1;
	s10 =	sld [smem:$0x3FB5]  }
0x3d: {  	_ =	shalt  }
0x3e: {  	_ =	shalt  }
0x3f: {  	_ =	shalt  }
0x40: {  	_ =	shalt  }
0x41: {  	_ =	shalt  }
0x42: {  	_ =	shalt  }
0x43: {  	_ =	shalt  }
0x44: {  	_ =	shalt  }
0x45: {  	_ =	shalt  }
0x46: {  	_ =	shalt  }
0x47: {  	_ =	shalt  }
0x48: {  	_ =	shalt  }
0x49: {  	_ =	shalt  }
0x4a: {  	_ =	shalt  }
0x4b: {  	_ =	shalt  }
0x4c: {  	_ =	shalt  }
0x4d: {  	_ =	shalt  }
0x4e: {  	_ =	shalt  }
0x4f: {  	_ =	shalt  }
0x50: {  	_ =	shalt  }
0x51: {  	_ =	shalt  }
0x52: {  	_ =	shalt  }
0x53: {  	_ =	shalt  }
0x54: {  	_ =	shalt  }
0x55: {  	_ =	shalt  }
0x56: {  	_ =	shalt  }
0x57: {  	_ =	shalt  }
0x58: {  	_ =	shalt  }
0x59: {  	_ =	shalt  }
0x5a: {  	_ =	shalt  }
0x5b: {  	_ =	shalt  }
0x5c: {  	_ =	shalt  }
0x5d: {  	_ =	shalt  }
0x5e: {  	_ =	shalt  }
0x5f: {  	_ =	shalt  }
0x60: {  	_ =	shalt  }
0x61: {  	_ =	shalt  }
0x62: {  	_ =	shalt  }
0x63: {  	_ =	shalt  }
0x64: {  	_ =	shalt  }
0x65: {  	_ =	shalt  }
0x66: {  	_ =	shalt  }
0x67: {  	_ =	shalt  }
0x68: {  	_ =	shalt  }
0x69: {  	_ =	shalt  }
0x6a: {  	_ =	shalt  }
0x6b: {  	_ =	shalt  }
0x6c: {  	_ =	shalt  }
0x6d: {  	_ =	shalt  }
0x6e: {  	_ =	shalt  }
0x6f: {  	_ =	shalt  }
0x70: {  	_ =	shalt  }
0x71: {  	_ =	shalt  }
0x72: {  	_ =	shalt  }
0x73: {  	_ =	shalt  }
0x74: {  	_ =	shalt  }
0x75: {  	_ =	shalt  }
0x76: {  	_ =	shalt  }
0x77: {  	_ =	shalt  }
0x78: {  	_ =	shalt  }
0x79: {  	_ =	shalt  }
0x7a: {  	_ =	shalt  }
0x7b: {  	_ =	shalt  }
0x7c: {  	_ =	shalt  }
0x7d: {  	_ =	shalt  }
0x7e: {  	_ =	shalt  }
0x7f: {  	_ =	shalt  }
0x80: {  	_ =	shalt  }
0x81: {  	_ =	shalt  }
0x82: {  	_ =	shalt  }
0x83: {  	_ =	shalt  }
0x84: {  	_ =	shalt  }
0x85: {  	_ =	shalt  }
0x86: {  	_ =	shalt  }
0x87: {  	_ =	shalt  }
.Lfunc_end0:
.L_simem_size_0:
called_computation_lowered:
.L_overlay_start_0:
0x88: {  	s2 =	sld [smem:$0x3FD9]  }
0x89: {  	s3 =	sld [smem:$0x3FFE];
	_ =	sdelay $0x1  }
0x8a: {  	s1 =	srdreg.scid  }
0x8b: {  	s0 =	sand.u32 $0x1, s1  }
0x8c: {  	s18 =	sshll.u32 s0, $0xA;
	s2 =	sadd.s32 s3, s2  }
0x8d: {  	s2 =	sadd.s32 s2, s18  }
0x8e: {  	[smem:$0x3FC1] =	sst s2  }
0x8f: {  	_ = 	snop  }
0x90: {  	s2 =	sld [smem:$0x3FC9]  }
0x91: {  	s19 =	sld [smem:$0x3FC8]  }
0x92: {  	s4 =	sld [smem:$0x3FC7]  }
0x93: {  	s5 =	sld [smem:$0x3FC6]  }
0x94: {  	s6 =	sld [smem:$0x3FC5]  }
0x95: {  	s7 =	sld [smem:$0x3FC4]  }
0x96: {  	s8 =	sld [smem:$0x3FC3]  }
0x97: {  	s9 =	sld [smem:$0x3FD0];
	(tm) =	ssettm $0x1  }
0x98: {  	s10 =	sld [smem:$0x3FFB];
	_ =	sdelay $0x3  }
0x99: {  	_ =	strace s10  }
0x9a: {  	s10 =	sld [smem:$0x3FFC];
	_ =	sdelay $0x3  }
0x9b: {  	_ =	strace s10  }
0x9c: {  	s10 =	sld [smem:$0x3FFD];
	_ =	sdelay $0x3  }
0x9d: {  	_ =	strace s10  }
0x9e: {  	_ =	strace $0x8FFFFFFF  }
0x9f: {  	s20 =	sld [smem:$0x3FDB];
	_ =	sdelay $0x1  }
0xa0: {  	s11 =	simm.s32 $_scs_section_size  }
0xa1: {  	s12 =	simm.s32 $_size__tile_overlayer_lowered;
	s13 =	simm.s32 $_tile_overlayer_lowered  }
0xa2: {  	s23 =	simm.s32 $0x1BFF;
	s22 =	sshll.u32 s13, $0x1;
	s10 =	sadd.s32 s11, s20  }
0xa3: {  	s14 =	simm.s32 $0x0;
	s21 =	sshll.u32 s12, $0x1;
	s12 =	sadd.s32 s22, s10  }
0xa4: {  	[timem:s14], [sflag:s23] =	dma.local [hbm:s12], s21  }
0xa5: {  	_ =	swait.ge [sflag:s23], s21  }
0xa6: {  	s11 =	ssub.s32 $0x0, s21;
	[sflag:s23] =	ssyncset.done $0x0  }
0xa7: {  	[sflag:s23] =	ssyncadd.s32 s11;
	_ =	sdelay $0x1  }
0xa8: {  	s24 =	simm.s32 $0x1B8B  }
0xa9: {  	_ =	swait.ge [sflag:s24], $0x1  }
0xaa: {  	[sflag:s24] =	ssyncset.done $0x0  }
0xab: {  	s25 =	simm.s32 $0x1B8E;
	[sflag:s24] =	ssyncadd.s32 $0xFFFFFFFF  }
0xac: {  	s26 =	simm.s32 $execute0_lowered;
	[smem:$0x3FD2] =	sst s25  }
0xad: {  	s11 =	sshll.u32 s26, $0x1;
	_ =	strace $0x80000046;
	[dreg:$0x1] =	wrdreg $0xFFFFFFFF  }
0xae: {  	s28 =	simm.s32 $_size_execute0_lowered;
	s10 =	sadd.s32 s10, s11;
	[dreg:$0x0] =	wrdreg $0x0  }
0xaf: {  	s11 =	sshll.u32 s28, $0x1;
	[dreg:$0x2] =	wrdreg s10  }
0xb0: {  	[dreg:$0x3] =	wrdreg s11  }
0xb1: {  	[dreg:$0x4] =	wrdreg $0xC0  }
0xb2: {  	_ =	task [dreg:s14], $0x5FFFF  }
0xb3: {  	[dreg:$0x1] =	wrdreg $0xFFFFFFFF  }
0xb4: {  	[dreg:$0x0] =	wrdreg $0x60  }
0xb5: {  	[dreg:$0x2] =	wrdreg s2  }
0xb6: {  	[dreg:$0x3] =	wrdreg s19  }
0xb7: {  	[dreg:$0x4] =	wrdreg s4  }
0xb8: {  	[dreg:$0x5] =	wrdreg s5  }
0xb9: {  	[dreg:$0x6] =	wrdreg s6  }
0xba: {  	[dreg:$0x7] =	wrdreg s7  }
0xbb: {  	[dreg:$0x8] =	wrdreg s8  }
0xbc: {  	[dreg:$0x9] =	wrdreg s9  }
0xbd: {  	[dreg:$0xa] =	wrdreg $0x0  }
0xbe: {  	[dreg:$0xb] =	wrdreg $0x6480  }
0xbf: {  	[dreg:$0xc] =	wrdreg $0x9700  }
0xc0: {  	[dreg:$0xd] =	wrdreg $0x9  }
0xc1: {  	_ =	task.clear_ibuf [dreg:s14], $0xEFFFF;
	_ =	strace $0x90000046  }
0xc2: {  	s29 =	simm.s32 $0x9;
	_ =	strace $0x80000048  }
0xc3: {  	_ =	swait.ge [sflag:s29], $0x1  }
0xc4: {  	[sflag:s29] =	ssyncadd.s32 $0xFFFFFFFF  }
0xc5: {  	_ =	strace $0x90000048  }
0xc6: {  	_ =	sfence  }
0xc7: {  	s30 =	sld [smem:$0x0];
	_ =	sdelay $0x2  }
0xc8: {  	s31 =	sshll.u32 s1, $0xD;
	s1 =	sshrl.u32 s1, $0x2  }
0xc9: {  	s3 =	sand.u32 $0x4000, s31;
	s1 =	sadd.s32 s1, s30  }
0xca: {  	s0 =	sor.u32 s3, s0;
	s1 =	sshll.u32 s1, $0x11  }
0xcb: {  	s0 =	sor.u32 s1, s0  }
0xcc: {  	s0 =	sadd.s32 $0x8F2B, s0  }
0xcd: {  	[sflag:s0] =	ssyncadd.remote.s32 $0x1  }
0xce: {  	_ =	sfence.sel $0xFFFF  }
0xcf: {  	[dreg:$0x0] =	wrdreg $0xFFFFFFFF;
	(pc) =	sbr.abs _section_cstart, $3  }
0xd0: {  	[dreg:$0x1] =	wrdreg $0xFFFFFFFF  }
0xd1: {  	_ =	task.clear_ibuf [dreg:s14], $0x2FFFF;
	_ =	strace $0x9FFFFFFF  }
0xd2: {  	(tm) =	ssettm $0x7FFFFFFF  }
0xd3: {  	_ =	shalt  }
tec
execute0_lowered:
.L_overlay_start_1:
0x0: {  	(tag) =	ssettag $0x1  }
0x1: {  	s0 =	rddreg [dreg:$0x0]  }
0x2: {  	s1 =	rddreg [dreg:$0x1]  }
0x3: {  	s2 =	rddreg [dreg:$0x2]  }
0x4: {  	s3 =	rddreg [dreg:$0x7]  }
0x5: {  	s5 =	rddreg [dreg:$0x8]  }
0x6: {  	s6 =	rddreg [dreg:$0x9]  }
0x7: {  	s7 =	rddreg [dreg:$0xa]  }
0x8: {  	s4 =	srdreg.scid;
	s8 =	simm.s32 $0x0;
	s9 =	stileid.u32  }
0x9: {  	s28 =	simm.s32 $0x40;
	s21 =	simm.s32 $0x3;
	s30 =	simm.s32 $0x1AEB0  }
0xa: {  	s31 =	simm.s32 $0x4;
	s24 =	simm.s32 $0x7;
	s4 =	sand.u32 $0x1, s4  }
0xb: {  	[smem:$0x7FF] =	sst s8;
	s10 =	sshll.u32 s9, $0xA;
	s11 =	sshll.u32 s4, $0x9  }
0xc: {  	p0 =	sne.s32 s9, $0x0;
	s4 =	ssub.s32 $0x2, s4;
	s10 =	sor.u32 s11, s10  }
0xd: {  	_ =	strace $0x80000047;
	s25 =	sshrl.u32 s4, $0x1;
	s12 =	sshrl.u32 s10, $0x3  }
0xe: {  	s10 =	sshll.u32 s10, $0x4;
	s4 =	ssub.s32 s4, s25;
	s25 =	sshrl.u32 @!p0 s5, $0x3  }
0xf: {  	s0 =	sadd.s32 s0, s12;
	s10 =	sadd.s32 s3, s10;
	s26 =	sadd.s32 s1, s12  }
0x10: {  	s29 =	sadd.s32 s2, s12;
	s20 =	smax.u32 s4, $0x1;
	[dreg:$0xc] =	wrdreg s0  }
0x11: {  	s2 =	simm.s32 $0x5;
	s1 =	simm.s32 $0x6;
	[dreg:$0xd] =	wrdreg s26  }
0x12: {  	s3 =	simm.s32 $0x8;
	s4 =	simm.s32 $0x0;
	[dreg:$0xe] =	wrdreg s29  }
0x13: {  	s13 =	sadd.s32 $0x400, s10;
	s14 =	sadd.s32 $0x800, s10;
	s15 =	sadd.s32 $0xC00, s10  }
0x14: {  	s16 =	sadd.s32 $0x1000, s10;
	s17 =	sadd.s32 $0x1400, s10;
	s18 =	sadd.s32 $0x1800, s10  }
0x15: {  	s19 =	sadd.s32 $0x1C00, s10;
	s26 =	simm.s32 $0x1;
	s0 =	simm.s32 $0x1CEB0  }
.LBB2_1:
0x16: {  	s9 =	rddreg [dreg:$0xc];
	s22 =	simm.s32 $0x28B0  }
0x17: {  	[tilespmem:s22], [sflag:$0x1] =	stream.linear.gather [hbm4b:s9+s8], $0x200, $0x38;
	[tilespmem:$0x1EF30] =	vst v63  }
0x18: {  	s12 =	rddreg [dreg:$0xd];
	s23 =	simm.s32 $0x2AB0  }
0x19: {  	[tilespmem:s23], [sflag:$0x1] =	stream.linear.gather [hbm4b:s12+s8], $0x200, $0x38;
	[tilespmem:$0x1EF30] =	vst v63  }
0x1a: {  	s11 =	rddreg [dreg:$0xe];
	s29 =	simm.s32 $0x2CB0  }
0x1b: {  	[tilespmem:s29], [sflag:$0x1] =	stream.linear.gather [hbm4b:s11+s8], $0x200, $0x38;
	[tilespmem:$0x1EF30] =	vst v63  }
0x1c: {  	s12 =	rddreg [dreg:$0x6];
	s11 =	simm.s32 $0x1EEB0  }
0x1d: {  	[tilespmem:s11], [sflag:$0x1] =	stream.linear.gather [hbm4b:s12+s8], $0x80, $0x38;
	[tilespmem:$0x1EF30] =	vst v63  }
0x1e: {  	s9 =	simm.s32 @!p0 $0x1C02;
	s11 =	rddreg [dreg:$0x3]  }
0x1f: {  	[spmem:s25], [sflag:s9] =	dma.local @!p0 [hbm:s11], $0xC90  }
0x20: {  	s11 =	sshrl.u32 @!p0 s6, $0x3;
	s12 =	rddreg [dreg:$0x4]  }
0x21: {  	[spmem:s11], [sflag:s9] =	dma.local @!p0 [hbm:s12], $0x650  }
0x22: {  	s11 =	sshrl.u32 @!p0 s7, $0x3;
	s12 =	rddreg [dreg:$0x5]  }
0x23: {  	[spmem:s11], [sflag:s9] =	dma.local @!p0 [hbm:s12], $0x3E80  }
0x24: {  	_ =	swait.ge [sflag:s26], $0x200  }
0x25: {  	[sflag:s26] =	ssyncset.done $0x0  }
0x26: {  	[sflag:s26] =	ssyncadd.s32 $0xFFFFFE00  }
0x27: {  	_ =	swait.ge [sflag:s26], $0x200  }
0x28: {  	[sflag:s26] =	ssyncset.done $0x0  }
0x29: {  	[sflag:s26] =	ssyncadd.s32 $0xFFFFFE00  }
0x2a: {  	_ =	swait.ge [sflag:s26], $0x200  }
0x2b: {  	[sflag:s26] =	ssyncset.done $0x0  }
0x2c: {  	[sflag:s26] =	ssyncadd.s32 $0xFFFFFE00  }
0x2d: {  	_ =	swait.ge [sflag:s26], $0x80  }
0x2e: {  	[sflag:s26] =	ssyncset.done $0x0  }
0x2f: {  	[sflag:s26] =	ssyncadd.s32 $0xFFFFFF80  }
0x30: {  	v0 =	vld [tilespmem:$0x28B0]  }
0x31: {  	v1 =	vld [tilespmem:$0x28C0]  }
0x32: {  	v2 =	vld [tilespmem:$0x28D0]  }
0x33: {  	v3 =	vld [tilespmem:$0x28E0]  }
0x34: {  	v4 =	vld [tilespmem:$0x28F0]  }
0x35: {  	v5 =	vld [tilespmem:$0x2900]  }
0x36: {  	v6 =	vld [tilespmem:$0x2910];
	v0 =	vadd.s32 $0x64, v0  }
0x37: {  	v7 =	vld [tilespmem:$0x2920];
	[tilespmem:$0x28B0] =	vst v0;
	v0 =	vadd.s32 $0x64, v1  }
0x38: {  	v8 =	vld [tilespmem:$0x2A60];
	[tilespmem:$0x28C0] =	vst v0;
	v0 =	vadd.s32 $0x64, v2  }
0x39: {  	v1 =	vld [tilespmem:$0x2930];
	[tilespmem:$0x28D0] =	vst v0;
	v0 =	vadd.s32 $0x64, v3  }
0x3a: {  	v2 =	vld [tilespmem:$0x2940];
	[tilespmem:$0x28E0] =	vst v0;
	v0 =	vadd.s32 $0x64, v4  }
0x3b: {  	v3 =	vld [tilespmem:$0x2950];
	[tilespmem:$0x28F0] =	vst v0;
	v0 =	vadd.s32 $0x64, v5  }
0x3c: {  	v4 =	vld [tilespmem:$0x2960];
	[tilespmem:$0x2900] =	vst v0;
	v0 =	vadd.s32 $0x64, v6  }
0x3d: {  	v5 =	vld [tilespmem:$0x2970];
	[tilespmem:$0x2910] =	vst v0;
	v0 =	vadd.s32 $0x64, v7  }
0x3e: {  	v6 =	vld [tilespmem:$0x2980];
	[tilespmem:$0x2920] =	vst v0;
	v0 =	vadd.s32 $0x64, v1  }
0x3f: {  	v7 =	vld [tilespmem:$0x2990];
	[tilespmem:$0x2930] =	vst v0;
	v0 =	vadd.s32 $0x64, v2  }
0x40: {  	v1 =	vld [tilespmem:$0x29A0];
	[tilespmem:$0x2940] =	vst v0;
	v0 =	vadd.s32 $0x64, v3  }
0x41: {  	v2 =	vld [tilespmem:$0x29B0];
	[tilespmem:$0x2950] =	vst v0;
	v0 =	vadd.s32 $0x64, v4  }
0x42: {  	v3 =	vld [tilespmem:$0x29C0];
	[tilespmem:$0x2960] =	vst v0;
	v0 =	vadd.s32 $0x64, v5  }
0x43: {  	v4 =	vld [tilespmem:$0x29D0];
	[tilespmem:$0x2970] =	vst v0;
	v0 =	vadd.s32 $0x64, v6  }
0x44: {  	v5 =	vld [tilespmem:$0x29E0];
	[tilespmem:$0x2980] =	vst v0;
	v0 =	vadd.s32 $0x64, v7  }
0x45: {  	v6 =	vld [tilespmem:$0x29F0];
	[tilespmem:$0x2990] =	vst v0;
	v0 =	vadd.s32 $0x64, v1  }
0x46: {  	v7 =	vld [tilespmem:$0x2A00];
	[tilespmem:$0x29A0] =	vst v0;
	v0 =	vadd.s32 $0x64, v2  }
0x47: {  	v1 =	vld [tilespmem:$0x2A10];
	[tilespmem:$0x29B0] =	vst v0;
	v0 =	vadd.s32 $0x64, v3  }
0x48: {  	v2 =	vld [tilespmem:$0x2A20];
	[tilespmem:$0x29C0] =	vst v0;
	v0 =	vadd.s32 $0x64, v4  }
0x49: {  	v3 =	vld [tilespmem:$0x2A30];
	[tilespmem:$0x29D0] =	vst v0;
	v0 =	vadd.s32 $0x64, v5  }
0x4a: {  	v4 =	vld [tilespmem:$0x2A40];
	[tilespmem:$0x29E0] =	vst v0;
	v0 =	vadd.s32 $0x64, v6  }
0x4b: {  	v5 =	vld [tilespmem:$0x2A50];
	[tilespmem:$0x29F0] =	vst v0;
	v0 =	vadd.s32 $0x64, v7  }
0x4c: {  	v9 =	vld [tilespmem:$0x2AA0];
	[tilespmem:$0x2A00] =	vst v0;
	v0 =	vadd.s32 $0x64, v1  }
0x4d: {  	v7 =	vld [tilespmem:$0x2A70];
	[tilespmem:$0x2A10] =	vst v0;
	v0 =	vadd.s32 $0x64, v2  }
0x4e: {  	v6 =	vld [tilespmem:$0x1EEB0];
	[tilespmem:$0x2A20] =	vst v0;
	v0 =	vadd.s32 $0x64, v3  }
0x4f: {  	v1 =	vld [tilespmem:$0x2A80];
	[tilespmem:$0x2A30] =	vst v0;
	v0 =	vadd.s32 $0x64, v4  }
0x50: {  	v2 =	vld [tilespmem:$0x2A90];
	[tilespmem:$0x2A40] =	vst v0;
	v0 =	vadd.s32 $0x64, v5  }
0x51: {  	v3 =	vld [tilespmem:$0x1EED0];
	[tilespmem:$0x2A50] =	vst v0;
	v0 =	vadd.s32 $0x64, v8  }
0x52: {  	v4 =	vld [tilespmem:$0x1EEE0];
	[tilespmem:$0x2A60] =	vst v0;
	v0 =	vadd.s32 $0x64, v7  }
0x53: {  	v5 =	vld [tilespmem:$0x1EEC0];
	v7 =	vadd.s32 $0x64, v9;
	[tilespmem:$0x2A70] =	vst v0  }
0x54: {  	v0 =	vadd.s32 $0x64, v1;
	v1 =	vld [tilespmem:$0x1EEF0];
	[tilespmem:$0x2AA0] =	vst v7  }
0x55: {  	v7 =	vld [tilespmem:$0x1EF20];
	[tilespmem:$0x2A80] =	vst v0;
	v0 =	vadd.s32 $0x64, v2  }
0x56: {  	s9 =	simm.s32 @!p0 $0x2;
	v2 =	vld [tilespmem:$0x1EF00];
	[tilespmem:$0x2A90] =	vst v0  }
0x57: {  	v0 =	vld [tilespmem:$0x1EF10];
	_ =	swait.ge @!p0 [sflag:s9], $0xC90  }
0x58: {  	[sflag:s9] =	ssyncset.done @!p0 $0x0  }
0x59: {  	[sflag:s9] =	ssyncadd.s32 @!p0 $0xFFFFF370  }
0x5a: {  	_ =	swait.ge @!p0 [sflag:s9], $0x650  }
0x5b: {  	[sflag:s9] =	ssyncset.done @!p0 $0x0  }
0x5c: {  	[sflag:s9] =	ssyncadd.s32 @!p0 $0xFFFFF9B0  }
0x5d: {  	_ =	swait.ge @!p0 [sflag:s9], $0x3E80  }
0x5e: {  	[sflag:s9] =	ssyncset.done @!p0 $0x0  }
0x5f: {  	[sflag:s9] =	ssyncadd.s32 @!p0 $0xFFFFC180  }
0x60: {  	s12 =	simm.s32 $0x2EB0;
	[bflag:$0x0] =	sbarrier.arrive $0xFFFF  }
0x61: {  	[tilespmem:s12], [sflag:$0x3] =	stream.indirect.gather [spmem:s5], $0x80, s22, s28, $0xb8;
	[tilespmem:$0x1EF30] =	vst v63  }
0x62: {  	s22 =	simm.s32 $0x4EB0  }
0x63: {  	[tilespmem:s22], [sflag:$0x3] =	stream.indirect.gather [spmem:s6], $0x80, s23, s28, $0xb8;
	[tilespmem:$0x1EF30] =	vst v63  }
0x64: {  	s23 =	simm.s32 $0x6EB0  }
0x65: {  	[tilespmem:s23], [sflag:$0x3] =	stream.indirect.gather [spmem:s7], $0x80, s29, s28, $0xb8;
	[tilespmem:$0x1EF30] =	vst v63  }
0x66: {  	s11 =	simm.s32 $0x28F0;
	s12 =	simm.s32 $0x8EB0  }
0x67: {  	[tilespmem:s12], [sflag:$0x4] =	stream.indirect.gather [spmem:s5], $0x80, s11, s28, $0xb8;
	[tilespmem:$0x1EF30] =	vst v63  }
0x68: {  	s22 =	simm.s32 $0x2AF0;
	s23 =	simm.s32 $0xAEB0  }
0x69: {  	[tilespmem:s23], [sflag:$0x4] =	stream.indirect.gather [spmem:s6], $0x80, s22, s28, $0xb8;
	[tilespmem:$0x1EF30] =	vst v63  }
0x6a: {  	s11 =	simm.s32 $0x2CF0;
	s12 =	simm.s32 $0xCEB0  }
0x6b: {  	[tilespmem:s12], [sflag:$0x4] =	stream.indirect.gather [spmem:s7], $0x80, s11, s28, $0xb8;
	[tilespmem:$0x1EF30] =	vst v63  }
0x6c: {  	s22 =	simm.s32 $0x2930;
	s23 =	simm.s32 $0xEEB0  }
0x6d: {  	[tilespmem:s23], [sflag:$0x5] =	stream.indirect.gather [spmem:s5], $0x80, s22, s28, $0xb8;
	[tilespmem:$0x1EF30] =	vst v63  }
0x6e: {  	s11 =	simm.s32 $0x2B30;
	s12 =	simm.s32 $0x10EB0  }
0x6f: {  	[tilespmem:s12], [sflag:$0x5] =	stream.indirect.gather [spmem:s6], $0x80, s11, s28, $0xb8;
	[tilespmem:$0x1EF30] =	vst v63  }
0x70: {  	s22 =	simm.s32 $0x2D30;
	s23 =	simm.s32 $0x12EB0  }
0x71: {  	[tilespmem:s23], [sflag:$0x5] =	stream.indirect.gather [spmem:s7], $0x80, s22, s28, $0xb8;
	[tilespmem:$0x1EF30] =	vst v63  }
0x72: {  	_ =	swait.ge [sflag:s21], $0x2000  }
0x73: {  	[sflag:s21] =	ssyncset.done $0x0  }
0x74: {  	[sflag:s21] =	ssyncadd.s32 $0xFFFFE000  }
0x75: {  	_ =	swait.ge [sflag:s21], $0x2000  }
0x76: {  	[sflag:s21] =	ssyncset.done $0x0  }
0x77: {  	[sflag:s21] =	ssyncadd.s32 $0xFFFFE000  }
0x78: {  	_ =	swait.ge [sflag:s21], $0x2000  }
0x79: {  	[sflag:s21] =	ssyncset.done $0x0  }
0x7a: {  	s9 =	simm.s32 $0x0;
	[sflag:s21] =	ssyncadd.s32 $0xFFFFE000  }
0x7b: {  	v8 =	vld [tilespmem:s9+$0x2F20]  }
0x7c: {  	v9 =	vld [tilespmem:s9+$0x4F20];
	_ =	sdelay $0x1  }
0x7d: {  	v11 =	vld [tilespmem:s9+$0x6F20]  }
0x7e: {  	v10 =	vld [tilespmem:s9+$0x2EB0]  }
0x7f: {  	v12 =	vld [tilespmem:s9+$0x4EB0]  }
0x80: {  	v13 =	vld [tilespmem:s9+$0x2EC0];
	v8 =	vadd.f32 v9, v8  }
0x81: {  	v14 =	vld [tilespmem:s9+$0x4EC0]  }
0x82: {  	v15 =	vld [tilespmem:s9+$0x4ED0];
	v8 =	vadd.f32 v11, v8  }
0x83: {  	v16 =	vld [tilespmem:s9+$0x4EE0]  }
0x84: {  	v17 =	vld [tilespmem:s9+$0x2EF0];
	v8 =	vadd.f32 v8, v7  }
0x85: {  	v18 =	vld [tilespmem:s9+$0x4EF0]  }
0x86: {  	v20 =	vld [tilespmem:s9+$0x2F00];
	v19 =	vsub.f32 $0.0e+00, v8  }
0x87: {  	v21 =	vld [tilespmem:s9+$0x4F00]  }
0x88: {  	v22 =	vld [tilespmem:s9+$0x2F10];
	v19 =	vmul.f32 $1.442695020e+00, v19  }
0x89: {  	v23 =	vld [tilespmem:s9+$0x4F10]  }
0x8a: {  	v24 =	vld [tilespmem:s9+$0x6EC0];
	(erf) = vpow2.f32 v19  }
0x8b: {  	v25 =	vld [tilespmem:s9+$0x6ED0]  }
0x8c: {  	v26 =	vld [tilespmem:s9+$0x6EE0]  }
0x8d: {  	v9 =	vld [tilespmem:s9+$0x2ED0]  }
0x8e: {  	v11 =	vld [tilespmem:s9+$0x2EE0]  }
0x8f: {  	v19 =	vld [tilespmem:s9+$0x6EB0]  }
0x90: {  	s22 =	simm.s32 $0x80;
	v27 =	vld [tilespmem:s9+$0x6EF0]  }
0x91: {  	v30 =	vld [tilespmem:s22+$0x2F20]  }
0x92: {  	v31 =	vld [tilespmem:s22+$0x4F20];
	v10 =	vadd.f32 v12, v10;
	v13 =	vadd.f32 v14, v13  }
0x93: {  	v28 =	vld [tilespmem:s9+$0x6F00];
	v9 =	vadd.f32 v15, v9;
	v11 =	vadd.f32 v16, v11;
	v12 =	vpop (erf)  }
0x94: {  	v10 =	vadd.f32 v19, v10;
	v19 =	vld [tilespmem:s22+$0x6F20];
	v12 =	vadd.f32 $1.000000000e+00, v12  }
0x95: {  	v29 =	vld [tilespmem:s9+$0x6F10];
	v17 =	vadd.f32 v18, v17;
	v9 =	vadd.f32 v25, v9  }
0x96: {  	v32 =	vld [tilespmem:s22+$0x2EB0];
	v11 =	vadd.f32 v26, v11;
	v14 =	vadd.f32 v10, v6;
	(erf) = vrcp.f32 v12  }
0x97: {  	v33 =	vld [tilespmem:s22+$0x4EE0];
	v12 =	vadd.f32 v24, v13;
	v24 =	vadd.f32 v31, v30  }
0x98: {  	v36 =	vld [tilespmem:s22+$0x4EF0];
	v11 =	vadd.f32 v11, v4;
	v26 =	vsub.f32 $0.0e+00, v14  }
0x99: {  	v38 =	vld [tilespmem:s22+$0x2F00];
	v13 =	vadd.f32 v12, v5;
	v19 =	vadd.f32 v19, v24  }
0x9a: {  	v18 =	vld [tilespmem:s22+$0x4F00];
	v34 =	vsub.f32 $0.0e+00, v11;
	v12 =	vadd.f32 v9, v3  }
0x9b: {  	v15 =	vld [tilespmem:s22+$0x4EB0];
	v26 =	vmul.f32 $1.442695020e+00, v26;
	v30 =	vsub.f32 $0.0e+00, v13;
	v35 =	vadd.f32 v19, v7  }
0x9c: {  	v16 =	vld [tilespmem:s22+$0x4EC0];
	v31 =	vsub.f32 $0.0e+00, v12  }
0x9d: {  	v25 =	vld [tilespmem:s22+$0x2ED0];
	v34 =	vmul.f32 $1.442695020e+00, v34;
	v30 =	vmul.f32 $1.442695020e+00, v30;
	v37 =	vsub.f32 $0.0e+00, v35  }
0x9e: {  	v10 =	vld [tilespmem:s22+$0x2EC0];
	(erf) = vpow2.f32 v26;
	v31 =	vmul.f32 $1.442695020e+00, v31  }
0x9f: {  	v20 =	vadd.f32 v21, v20;
	v9 =	vld [tilespmem:s22+$0x4ED0];
	(erf) = vpow2.f32 v30;
	v21 =	vmul.f32 $1.442695020e+00, v37;
	v26 =	vpop (erf)  }
0xa0: {  	v24 =	vld [tilespmem:s22+$0x2EE0];
	(erf) = vpow2.f32 v31;
	v8 =	vmul.f32 v26, v8  }
0xa1: {  	v22 =	vadd.f32 v23, v22;
	v17 =	vadd.f32 v27, v17;
	v19 =	vld [tilespmem:s22+$0x2EF0];
	(erf) = vpow2.f32 v34  }
0xa2: {  	v26 =	vld [tilespmem:s22+$0x2F10];
	(erf) = vpow2.f32 v21;
	[tilespmem:s9+$0x1AF20] =	vst v8;
	v8 =	vadd.f32 v28, v20  }
0xa3: {  	v20 =	vadd.f32 v29, v22;
	v22 =	vadd.f32 v17, v1;
	v23 =	vld [tilespmem:s22+$0x4F10]  }
0xa4: {  	v17 =	vld [tilespmem:s22+$0x6EB0];
	v21 =	vadd.f32 v8, v2  }
0xa5: {  	v28 =	vld [tilespmem:s22+$0x6ED0];
	v20 =	vadd.f32 v20, v0;
	v27 =	vsub.f32 $0.0e+00, v22  }
0xa6: {  	v30 =	vld [tilespmem:s22+$0x6EE0];
	v29 =	vsub.f32 $0.0e+00, v21  }
0xa7: {  	v58 =	vadd.f32 v18, v38;
	v56 =	vpop (erf);
	v8 =	vld [tilespmem:s22+$0x6EC0];
	v31 =	vsub.f32 $0.0e+00, v20;
	v27 =	vmul.f32 $1.442695020e+00, v27  }
0xa8: {  	s23 =	simm.s32 $0x100;
	v15 =	vadd.f32 v15, v32;
	v10 =	vadd.f32 v16, v10;
	v55 =	vld [tilespmem:s22+$0x6EF0];
	v57 =	vpop (erf);
	v16 =	vmul.f32 $1.442695020e+00, v29  }
0xa9: {  	v9 =	vadd.f32 v9, v25;
	v40 =	vld [tilespmem:s23+$0x2F20];
	v31 =	vmul.f32 $1.442695020e+00, v31;
	(erf) = vpow2.f32 v27;
	v39 =	vpop (erf)  }
0xaa: {  	v33 =	vadd.f32 v33, v24;
	v59 =	vld [tilespmem:s23+$0x6F20];
	v37 =	vpop (erf);
	(erf) = vpow2.f32 v16;
	v16 =	vadd.f32 $1.000000000e+00, v56  }
0xab: {  	v19 =	vadd.f32 v36, v19;
	v27 =	vld [tilespmem:s22+$0x6F10];
	v24 =	vadd.f32 $1.000000000e+00, v57;
	v25 =	vpop (erf);
	(erf) = vpow2.f32 v31  }
0xac: {  	v8 =	vadd.f32 v8, v10;
	v31 =	vld [tilespmem:s23+$0x4F20];
	(erf) = vrcp.f32 v16;
	v16 =	vadd.f32 $1.000000000e+00, v25  }
0xad: {  	v29 =	vld [tilespmem:s22+$0x6F00];
	v15 =	vadd.f32 v17, v15;
	v10 =	vadd.f32 v23, v26;
	(erf) = vrcp.f32 v24  }
0xae: {  	v52 =	vld [tilespmem:s23+$0x4EE0];
	v24 =	vadd.f32 v8, v5;
	v8 =	vadd.f32 v30, v33;
	(erf) = vrcp.f32 v16  }
0xaf: {  	v43 =	vld [tilespmem:s23+$0x4EF0];
	v9 =	vadd.f32 v28, v9;
	v23 =	vadd.f32 v55, v19  }
0xb0: {  	v46 =	vld [tilespmem:s23+$0x2F00];
	v19 =	vadd.f32 v8, v4;
	v8 =	vadd.f32 v27, v10  }
0xb1: {  	v17 =	vld [tilespmem:s23+$0x2EB0];
	v10 =	vadd.f32 v23, v1;
	v23 =	vadd.f32 v31, v40  }
0xb2: {  	v28 =	vld [tilespmem:s23+$0x2ED0];
	v18 =	vadd.f32 v9, v3;
	v9 =	vadd.f32 v29, v58;
	v29 =	vpop (erf)  }
0xb3: {  	v57 =	vld [tilespmem:s23+$0x2F10];
	v25 =	vadd.f32 v15, v6;
	v23 =	vadd.f32 v59, v23;
	v30 =	vpop (erf)  }
0xb4: {  	v26 =	vld [tilespmem:s23+$0x4EC0];
	v41 =	vsub.f32 $0.0e+00, v18;
	v60 =	vpop (erf)  }
0xb5: {  	v55 =	vld [tilespmem:s23+$0x2EF0];
	v51 =	vsub.f32 $0.0e+00, v25;
	v9 =	vadd.f32 v9, v2;
	v54 =	vpop (erf)  }
0xb6: {  	v56 =	vld [tilespmem:s23+$0x4F00];
	v41 =	vmul.f32 $1.442695020e+00, v41;
	v53 =	vsub.f32 $0.0e+00, v24;
	v8 =	vadd.f32 v8, v0;
	v42 =	vpop (erf)  }
0xb7: {  	v15 =	vld [tilespmem:s23+$0x4EB0];
	v33 =	vmul.f32 $1.442695020e+00, v51;
	v44 =	vsub.f32 $0.0e+00, v19;
	v45 =	vadd.f32 v23, v7;
	v23 =	vpop (erf)  }
0xb8: {  	v16 =	vld [tilespmem:s23+$0x2EC0];
	v38 =	vmul.f32 $1.442695020e+00, v53;
	v47 =	vsub.f32 $0.0e+00, v10;
	v23 =	vmul.f32 v23, v35  }
0xb9: {  	v27 =	vld [tilespmem:s23+$0x4ED0];
	(erf) = vpow2.f32 v33;
	v44 =	vmul.f32 $1.442695020e+00, v44;
	v48 =	vsub.f32 $0.0e+00, v45  }
0xba: {  	v31 =	vld [tilespmem:s23+$0x2EE0];
	v49 =	vsub.f32 $0.0e+00, v9;
	v47 =	vmul.f32 $1.442695020e+00, v47;
	(erf) = vpow2.f32 v38;
	[tilespmem:s22+$0x1AF20] =	vst v23  }
0xbb: {  	(erf) = vpow2.f32 v41;
	v58 =	vmul.f32 $1.442695020e+00, v48;
	v59 =	vld [tilespmem:s23+$0x4F10]  }
0xbc: {  	v61 =	vmul.f32 $1.442695020e+00, v49;
	(erf) = vpow2.f32 v44;
	v23 =	vsub.f32 $0.0e+00, v8;
	v62 =	vld [tilespmem:s23+$0x6EB0]  }
0xbd: {  	v14 =	vmul.f32 v54, v14;
	(erf) = vpow2.f32 v58;
	v63 =	vld [tilespmem:s23+$0x6EC0]  }
0xbe: {  	v39 =	vadd.f32 $1.000000000e+00, v39;
	(erf) = vpow2.f32 v47;
	v49 =	vld [tilespmem:s23+$0x6ED0];
	v23 =	vmul.f32 $1.442695020e+00, v23  }
0xbf: {  	v13 =	vmul.f32 v42, v13;
	v50 =	vld [tilespmem:s23+$0x6EE0];
	[tilespmem:s9+$0x1AEB0] =	vst v14;
	v14 =	vadd.f32 $1.000000000e+00, v37;
	(erf) = vpow2.f32 v61  }
0xc0: {  	(erf) = vpow2.f32 v23  }
0xc1: {  	v53 =	vadd.f32 v43, v55;
	v23 =	vld [tilespmem:s23+$0x6EF0];
	[tilespmem:s9+$0x1AEC0] =	vst v13;
	v13 =	vadd.f32 v15, v17;
	(erf) = vrcp.f32 v39  }
0xc2: {  	v51 =	vpop (erf);
	v15 =	vadd.f32 v26, v16;
	v16 =	vadd.f32 $1.000000000e+00, v29  }
0xc3: {  	v30 =	vadd.f32 $1.000000000e+00, v30;
	v32 =	vadd.f32 $1.000000000e+00, v60;
	(erf) = vrcp.f32 v14;
	v14 =	vpop (erf)  }
0xc4: {  	v37 =	vadd.f32 $1.000000000e+00, v51;
	v17 =	vadd.f32 v27, v28;
	v26 =	vld [tilespmem:s23+$0x6F00];
	v28 =	vpop (erf)  }
0xc5: {  	s29 =	simm.s32 $0x180;
	v35 =	vadd.f32 v56, v46;
	v29 =	vadd.f32 v52, v31;
	v27 =	vld [tilespmem:s23+$0x6F10];
	v31 =	vpop (erf)  }
0xc6: {  	v52 =	vld [tilespmem:s29+$0x2F20];
	v13 =	vadd.f32 v62, v13;
	v15 =	vadd.f32 v63, v15;
	(erf) = vrcp.f32 v16;
	v16 =	vpop (erf)  }
0xc7: {  	v54 =	vld [tilespmem:s29+$0x4F20];
	v33 =	vadd.f32 v59, v57;
	v14 =	vadd.f32 $1.000000000e+00, v14;
	(erf) = vrcp.f32 v30;
	v30 =	vpop (erf)  }
0xc8: {  	v55 =	vld [tilespmem:s29+$0x2EB0];
	v36 =	vadd.f32 v49, v17;
	v17 =	vadd.f32 v15, v5;
	(erf) = vrcp.f32 v37;
	v37 =	vpop (erf)  }
0xc9: {  	v60 =	vld [tilespmem:s29+$0x6F20];
	v23 =	vadd.f32 v23, v53;
	(erf) = vrcp.f32 v14;
	v14 =	vadd.f32 $1.000000000e+00, v16;
	v41 =	vpop (erf)  }
0xca: {  	v61 =	vld [tilespmem:s29+$0x4EB0];
	v26 =	vadd.f32 v26, v35;
	v16 =	vadd.f32 v13, v6;
	(erf) = vrcp.f32 v32;
	v13 =	vpop (erf)  }
0xcb: {  	v62 =	vld [tilespmem:s29+$0x2EC0];
	(erf) = vrcp.f32 v14;
	v12 =	vmul.f32 v13, v12;
	v13 =	vadd.f32 v50, v29  }
0xcc: {  	v63 =	vld [tilespmem:s29+$0x4EC0];
	v57 =	vsub.f32 $0.0e+00, v17;
	v14 =	vadd.f32 v36, v3;
	v15 =	vpop (erf)  }
0xcd: {  	v11 =	vmul.f32 v15, v11;
	v15 =	vadd.f32 v13, v4;
	v13 =	vadd.f32 v27, v33  }
0xce: {  	v29 =	vld [tilespmem:s29+$0x2ED0];
	[tilespmem:s9+$0x1AED0] =	vst v12;
	v12 =	vadd.f32 v23, v1;
	v23 =	vsub.f32 $0.0e+00, v16  }
0xcf: {  	v33 =	vpop (erf);
	v35 =	vld [tilespmem:s29+$0x4ED0];
	[tilespmem:s9+$0x1AEE0] =	vst v11;
	v11 =	vadd.f32 v26, v2;
	v26 =	vadd.f32 v54, v52  }
0xd0: {  	v42 =	vadd.f32 v61, v55;
	v58 =	vsub.f32 $0.0e+00, v14;
	v36 =	vpop (erf)  }
0xd1: {  	v38 =	vadd.f32 v63, v62;
	v27 =	vld [tilespmem:s29+$0x2EE0];
	v34 =	vpop (erf);
	v59 =	vmul.f32 $1.442695020e+00, v23;
	v23 =	vadd.f32 v60, v26  }
0xd2: {  	v40 =	vmul.f32 $1.442695020e+00, v57;
	v46 =	vmul.f32 $1.442695020e+00, v58;
	v56 =	vld [tilespmem:s29+$0x4EE0];
	v50 =	vsub.f32 $0.0e+00, v15;
	v47 =	vpop (erf)  }
0xd3: {  	v22 =	vmul.f32 v33, v22;
	v13 =	vadd.f32 v13, v0;
	v48 =	vld [tilespmem:s29+$0x2EF0];
	v26 =	vpop (erf);
	v23 =	vadd.f32 v23, v7  }
0xd4: {  	v43 =	vld [tilespmem:s29+$0x4EF0];
	v51 =	vsub.f32 $0.0e+00, v12;
	v21 =	vmul.f32 v36, v21;
	v50 =	vmul.f32 $1.442695020e+00, v50;
	v60 =	vpop (erf)  }
0xd5: {  	v52 =	vld [tilespmem:s29+$0x2F00];
	(erf) = vpow2.f32 v59;
	v44 =	vmul.f32 v60, v45;
	v61 =	vsub.f32 $0.0e+00, v23  }
0xd6: {  	v32 =	vld [tilespmem:s29+$0x2F10];
	v53 =	vsub.f32 $0.0e+00, v11;
	v51 =	vmul.f32 $1.442695020e+00, v51;
	(erf) = vpow2.f32 v40  }
0xd7: {  	v35 =	vadd.f32 v35, v29;
	(erf) = vpow2.f32 v46;
	v45 =	vld [tilespmem:s29+$0x4F00];
	[tilespmem:s23+$0x1AF20] =	vst v44;
	v29 =	vmul.f32 $1.442695020e+00, v61  }
0xd8: {  	v62 =	vsub.f32 $0.0e+00, v13;
	v24 =	vmul.f32 v47, v24;
	(erf) = vpow2.f32 v50;
	v57 =	vld [tilespmem:s29+$0x6EB0]  }
0xd9: {  	v55 =	vadd.f32 $1.000000000e+00, v30;
	v53 =	vmul.f32 $1.442695020e+00, v53;
	(erf) = vpow2.f32 v29  }
0xda: {  	v37 =	vadd.f32 $1.000000000e+00, v37;
	v44 =	vmul.f32 $1.442695020e+00, v62;
	v63 =	vld [tilespmem:s29+$0x4F10];
	(erf) = vpow2.f32 v51  }
0xdb: {  	v58 =	vadd.f32 $1.000000000e+00, v28;
	v25 =	vmul.f32 v34, v25;
	v59 =	vld [tilespmem:s29+$0x6EC0];
	(erf) = vpow2.f32 v53  }
0xdc: {  	v39 =	vadd.f32 v56, v27;
	v60 =	vadd.f32 $1.000000000e+00, v31;
	v54 =	vld [tilespmem:s29+$0x6ED0];
	(erf) = vpow2.f32 v44  }
0xdd: {  	v27 =	vadd.f32 v43, v48;
	v61 =	vld [tilespmem:s29+$0x6EE0];
	[tilespmem:s22+$0x1AEB0] =	vst v25;
	(erf) = vrcp.f32 v58;
	v25 =	vadd.f32 v57, v42  }
0xde: {  	v29 =	vadd.f32 $1.000000000e+00, v41;
	v31 =	vld [tilespmem:s29+$0x6EF0];
	[tilespmem:s22+$0x1AEC0] =	vst v24;
	v28 =	vadd.f32 v45, v52;
	v24 =	vpop (erf);
	(erf) = vrcp.f32 v60  }
0xdf: {  	v62 =	vadd.f32 $1.000000000e+00, v24;
	v24 =	vpop (erf);
	v30 =	vadd.f32 v63, v32;
	v32 =	vld [tilespmem:s29+$0x6F00];
	[tilespmem:s9+$0x1AEF0] =	vst v22;
	(erf) = vrcp.f32 v55  }
0xe0: {  	v22 =	vadd.f32 v59, v38;
	v63 =	vadd.f32 $1.000000000e+00, v24;
	v24 =	vpop (erf);
	v34 =	vld [tilespmem:s29+$0x6F10];
	(erf) = vrcp.f32 v37  }
0xe1: {  	s11 =	simm.s32 $0x200;
	v35 =	vadd.f32 v54, v35;
	[tilespmem:s9+$0x1AF00] =	vst v21;
	v21 =	vadd.f32 v25, v6;
	(erf) = vrcp.f32 v62;
	v25 =	vpop (erf)  }
0xe2: {  	s12 =	simm.s32 $0xA00;
	v36 =	vadd.f32 v61, v39;
	v33 =	vld [tilespmem:s11+$0x2F20];
	v22 =	vadd.f32 v22, v5;
	v37 =	vpop (erf);
	(erf) = vrcp.f32 v63  }
.LBB2_2:
0xe3: {  	p1 =	sne.s32 s12, $0x7E00;
	v38 =	vld [tilespmem:s11+$0x4F20];
	v27 =	vadd.f32 v31, v27;
	v39 =	vadd.f32 $1.000000000e+00, v37;
	v37 =	vpop (erf);
	(erf) = vrcp.f32 v29  }
0xe4: {  	v35 =	vadd.f32 v35, v3;
	v20 =	vmul.f32 v26, v20;
	v29 =	vld [tilespmem:s11+$0x2EB0];
	v41 =	vadd.f32 v32, v28;
	v32 =	vpop (erf)  }
0xe5: {  	v36 =	vadd.f32 v36, v4;
	v26 =	vld [tilespmem:s11+$0x6F20];
	v30 =	vadd.f32 v34, v30;
	(erf) = vrcp.f32 v39;
	v31 =	vpop (erf)  }
0xe6: {  	v40 =	vmov v9;
	v39 =	vadd.f32 v27, v1;
	v34 =	vld [tilespmem:s11+$0x4EB0];
	v27 =	vadd.f32 v41, v2;
	v28 =	vpop (erf);
	[tilespmem:s9+$0x1AF10] =	vst v20;
	s9 =	smov.u32 s22;
	s22 =	smov.u32 s23;
	s23 =	smov.u32 s29  }
0xe7: {  	v20 =	vsub.f32 $0.0e+00, v21;
	s29 =	smov.u32 s11;
	v9 =	vld [tilespmem:s11+$0x2EC0];
	v30 =	vadd.f32 v30, v0;
	v18 =	vmul.f32 v28, v18;
	v28 =	vpop (erf)  }
0xe8: {  	v41 =	vld [tilespmem:s29+$0x4EC0];
	v33 =	vadd.f32 v38, v33;
	v38 =	vsub.f32 $0.0e+00, v22;
	v19 =	vmul.f32 v28, v19;
	v42 =	vpop (erf)  }
0xe9: {  	v43 =	vsub.f32 $0.0e+00, v35;
	v44 =	vsub.f32 $0.0e+00, v36;
	v20 =	vmul.f32 $1.442695020e+00, v20;
	v28 =	vld [tilespmem:s29+$0x2ED0];
	[tilespmem:s9+$0x1AED0] =	vst v18;
	v45 =	vpop (erf)  }
0xea: {  	v46 =	vld [tilespmem:s29+$0x4ED0];
	v54 =	vadd.f32 v26, v33;
	v33 =	vmul.f32 $1.442695020e+00, v38;
	v38 =	vsub.f32 $0.0e+00, v39;
	v47 =	vpop (erf);
	[tilespmem:s9+$0x1AEE0] =	vst v19  }
0xeb: {  	v43 =	vmul.f32 $1.442695020e+00, v43;
	v55 =	vsub.f32 $0.0e+00, v27;
	v34 =	vadd.f32 v34, v29;
	v29 =	vld [tilespmem:s29+$0x2EE0];
	v48 =	vpop (erf)  }
0xec: {  	v44 =	vmul.f32 $1.442695020e+00, v44;
	v51 =	vsub.f32 $0.0e+00, v30;
	v49 =	vld [tilespmem:s29+$0x4EE0];
	v50 =	vadd.f32 v54, v7;
	v26 =	vpop (erf)  }
0xed: {  	v53 =	vmul.f32 $1.442695020e+00, v55;
	v18 =	vmovc v14;
	v14 =	vmovc v35;
	v38 =	vmul.f32 $1.442695020e+00, v38;
	v41 =	vadd.f32 v41, v9;
	v52 =	vld [tilespmem:s29+$0x2EF0]  }
0xee: {  	v51 =	vmul.f32 $1.442695020e+00, v51;
	v35 =	vld [tilespmem:s29+$0x4EF0];
	v54 =	vsub.f32 $0.0e+00, v50;
	(erf) = vpow2.f32 v20;
	v19 =	vpop (erf)  }
0xef: {  	v46 =	vadd.f32 v46, v28;
	v28 =	vld [tilespmem:s29+$0x2F00];
	v55 =	vmul.f32 v19, v23;
	(erf) = vpow2.f32 v33;
	v19 =	vmovc v15;
	v15 =	vmovc v36  }
0xf0: {  	v24 =	vadd.f32 $1.000000000e+00, v24;
	v9 =	vmovc v11;
	v11 =	vmovc v27;
	v33 =	vld [tilespmem:s29+$0x4F00];
	v54 =	vmul.f32 $1.442695020e+00, v54;
	(erf) = vpow2.f32 v43  }
0xf1: {  	v25 =	vadd.f32 $1.000000000e+00, v25;
	v20 =	vmovc v8;
	v8 =	vmovc v13;
	v36 =	vadd.f32 v49, v29;
	v43 =	vld [tilespmem:s29+$0x2F10];
	[tilespmem:s23+$0x1AF20] =	vst v55;
	(erf) = vpow2.f32 v44  }
0xf2: {  	v37 =	vadd.f32 $1.000000000e+00, v37;
	v13 =	vmovc v30;
	v23 =	vmovc v50;
	v49 =	vadd.f32 $1.000000000e+00, v32;
	v44 =	vld [tilespmem:s29+$0x4F10];
	(erf) = vpow2.f32 v54  }
0xf3: {  	v29 =	vadd.f32 $1.000000000e+00, v31;
	v32 =	vld [tilespmem:s29+$0x6EB0];
	v27 =	vadd.f32 v35, v52;
	(erf) = vpow2.f32 v38  }
0xf4: {  	v30 =	vmul.f32 v47, v16;
	v16 =	vmov v21;
	v35 =	vld [tilespmem:s29+$0x6EC0];
	(erf) = vpow2.f32 v53  }
0xf5: {  	v21 =	vmul.f32 v48, v17;
	v17 =	vmovc v22;
	v38 =	vld [tilespmem:s29+$0x6ED0];
	v28 =	vadd.f32 v33, v28;
	(erf) = vpow2.f32 v51  }
0xf6: {  	v22 =	vmul.f32 v42, v10;
	v10 =	vmovc v12;
	v12 =	vmov v39;
	v47 =	vld [tilespmem:s29+$0x6EE0];
	[tilespmem:s22+$0x1AEB0] =	vst v30;
	(erf) = vrcp.f32 v24  }
.Ltmp0:
0xf7: {  	v31 =	vld [tilespmem:s29+$0x6EF0];
	v30 =	vadd.f32 v44, v43;
	v24 =	vpop (erf);
	[tilespmem:s22+$0x1AEC0] =	vst v21;
	(erf) = vrcp.f32 v25;
	v21 =	vmul.f32 v45, v40;
	(pc) =	sbr.rel @p1 .LBB2_2-.Ltmp0, $4  }
0xf8: {  	v40 =	vadd.f32 v32, v34;
	v32 =	vld [tilespmem:s29+$0x6F00];
	v33 =	vadd.f32 $1.000000000e+00, v24;
	v24 =	vpop (erf);
	(erf) = vrcp.f32 v37;
	[tilespmem:s9+$0x1AEF0] =	vst v22  }
0xf9: {  	v22 =	vadd.f32 v35, v41;
	v34 =	vld [tilespmem:s29+$0x6F10];
	v39 =	vadd.f32 $1.000000000e+00, v24;
	v24 =	vpop (erf);
	(erf) = vrcp.f32 v49;
	[tilespmem:s9+$0x1AF00] =	vst v21  }
0xfa: {  	s11 =	sshra.s32 s12, $0x2;
	v21 =	vadd.f32 v40, v6;
	v35 =	vadd.f32 v38, v46;
	(erf) = vrcp.f32 v33;
	v25 =	vpop (erf)  }
0xfb: {  	s12 =	sadd.s32 $0x200, s12;
	v33 =	vld [tilespmem:s11+$0x2F20];
	v22 =	vadd.f32 v22, v5;
	v36 =	vadd.f32 v47, v36;
	v37 =	vpop (erf);
	(erf) = vrcp.f32 v39  }
0xfc: {  	v20 =	vmul.f32 v26, v20  }
0xfd: {  	v38 =	vld [tilespmem:s11+$0x4F20];
	v40 =	vpop (erf);
	v26 =	vadd.f32 $1.000000000e+00, v37  }
0xfe: {  	v39 =	vld [tilespmem:s11+$0x2EB0];
	(erf) = vrcp.f32 v29;
	v42 =	vpop (erf)  }
0xff: {  	v41 =	vld [tilespmem:s11+$0x6F20];
	v37 =	vpop (erf);
	(erf) = vrcp.f32 v26  }
0x100: {  	v43 =	vld [tilespmem:s11+$0x4EB0];
	v27 =	vadd.f32 v31, v27;
	v24 =	vadd.f32 $1.000000000e+00, v24;
	[tilespmem:s9+$0x1AF10] =	vst v20;
	v20 =	vpop (erf)  }
0x101: {  	v25 =	vadd.f32 $1.000000000e+00, v25;
	v29 =	vadd.f32 v32, v28;
	v44 =	vld [tilespmem:s11+$0x2EC0];
	v18 =	vmul.f32 v20, v18;
	v20 =	vpop (erf)  }
0x102: {  	v62 =	vsub.f32 $0.0e+00, v22;
	v26 =	vadd.f32 v35, v3;
	v45 =	vld [tilespmem:s11+$0x4EC0];
	v19 =	vmul.f32 v20, v19  }
0x103: {  	v30 =	vadd.f32 v34, v30;
	v42 =	vadd.f32 $1.000000000e+00, v42;
	v46 =	vld [tilespmem:s11+$0x2ED0];
	v32 =	vpop (erf);
	[tilespmem:s22+$0x1AED0] =	vst v18  }
0x104: {  	v18 =	vadd.f32 v27, v1;
	v27 =	vadd.f32 v38, v33;
	v28 =	vpop (erf);
	v31 =	vld [tilespmem:s11+$0x4ED0];
	[tilespmem:s22+$0x1AEE0] =	vst v19  }
0x105: {  	v37 =	vadd.f32 $1.000000000e+00, v37;
	v48 =	vsub.f32 $0.0e+00, v26;
	v34 =	vpop (erf);
	v33 =	vld [tilespmem:s11+$0x2EE0]  }
0x106: {  	v39 =	vadd.f32 v43, v39;
	v61 =	vld [tilespmem:s11+$0x4EE0];
	v38 =	vadd.f32 v41, v27;
	v41 =	vpop (erf)  }
0x107: {  	v19 =	vadd.f32 v29, v2;
	v29 =	vsub.f32 $0.0e+00, v21;
	v47 =	vld [tilespmem:s11+$0x2EF0];
	v49 =	vpop (erf)  }
0x108: {  	v20 =	vadd.f32 v36, v4;
	v36 =	vmul.f32 $1.442695020e+00, v62;
	v54 =	vmul.f32 $1.442695020e+00, v48;
	v50 =	vld [tilespmem:s11+$0x4EF0];
	v63 =	vpop (erf)  }
0x109: {  	v27 =	vadd.f32 v30, v0;
	v52 =	vld [tilespmem:s11+$0x2F00];
	v30 =	vmul.f32 $1.442695020e+00, v29;
	v23 =	vmul.f32 v63, v23  }
0x10a: {  	v10 =	vmul.f32 v32, v10;
	v51 =	vsub.f32 $0.0e+00, v20;
	v29 =	vadd.f32 v38, v7;
	v38 =	vld [tilespmem:s11+$0x4F00]  }
0x10b: {  	v53 =	vsub.f32 $0.0e+00, v18;
	v16 =	vmul.f32 v34, v16;
	(erf) = vpow2.f32 v30;
	v30 =	vld [tilespmem:s11+$0x2F10];
	[tilespmem:s29+$0x1AF20] =	vst v23  }
0x10c: {  	v51 =	vmul.f32 $1.442695020e+00, v51;
	v17 =	vmul.f32 v41, v17;
	v55 =	vsub.f32 $0.0e+00, v29;
	v57 =	vld [tilespmem:s11+$0x4F10]  }
0x10d: {  	v62 =	vadd.f32 $1.000000000e+00, v40;
	v58 =	vmul.f32 $1.442695020e+00, v53;
	(erf) = vpow2.f32 v36;
	v59 =	vld [tilespmem:s11+$0x6EB0]  }
0x10e: {  	v56 =	vsub.f32 $0.0e+00, v19;
	(erf) = vpow2.f32 v54;
	v48 =	vmul.f32 $1.442695020e+00, v55;
	v60 =	vld [tilespmem:s11+$0x6EC0]  }
0x10f: {  	v23 =	vsub.f32 $0.0e+00, v27;
	v33 =	vadd.f32 v61, v33;
	(erf) = vpow2.f32 v51;
	v61 =	vld [tilespmem:s11+$0x6ED0]  }
0x110: {  	v44 =	vadd.f32 v45, v44;
	v36 =	vmul.f32 $1.442695020e+00, v56;
	v63 =	vld [tilespmem:s11+$0x6EE0];
	(erf) = vpow2.f32 v48  }
0x111: {  	v31 =	vadd.f32 v31, v46;
	[tilespmem:s23+$0x1AEB0] =	vst v16;
	v23 =	vmul.f32 $1.442695020e+00, v23;
	(erf) = vpow2.f32 v58  }
0x112: {  	v16 =	vadd.f32 v50, v47;
	v38 =	vadd.f32 v38, v52;
	v48 =	vld [tilespmem:s11+$0x6EF0];
	(erf) = vpow2.f32 v36  }
0x113: {  	[tilespmem:s23+$0x1AEC0] =	vst v17;
	v30 =	vadd.f32 v57, v30;
	(erf) = vpow2.f32 v23;
	v17 =	vadd.f32 v59, v39  }
0x114: {  	v23 =	vld [tilespmem:s11+$0x6F00];
	[tilespmem:s22+$0x1AEF0] =	vst v10;
	v10 =	vadd.f32 v60, v44;
	v31 =	vadd.f32 v61, v31;
	v50 =	vpop (erf);
	(erf) = vrcp.f32 v24  }
0x115: {  	v33 =	vadd.f32 v63, v33;
	v32 =	vadd.f32 $1.000000000e+00, v50;
	(erf) = vrcp.f32 v25;
	v25 =	vld [tilespmem:s11+$0x6F10]  }
0x116: {  	v17 =	vadd.f32 v17, v6;
	v10 =	vadd.f32 v10, v5  }
0x117: {  	v51 =	vpop (erf);
	v16 =	vadd.f32 v48, v16;
	v31 =	vadd.f32 v31, v3  }
0x118: {  	v24 =	vadd.f32 $1.000000000e+00, v51;
	v52 =	vpop (erf);
	(erf) = vrcp.f32 v62;
	v55 =	vsub.f32 $0.0e+00, v17  }
0x119: {  	v53 =	vpop (erf);
	(erf) = vrcp.f32 v42;
	v16 =	vadd.f32 v16, v1;
	v23 =	vadd.f32 v23, v38  }
0x11a: {  	(erf) = vrcp.f32 v32;
	v54 =	vpop (erf);
	v25 =	vadd.f32 v25, v30;
	v30 =	vsub.f32 $0.0e+00, v10  }
0x11b: {  	(erf) = vrcp.f32 v24;
	v32 =	vmul.f32 $1.442695020e+00, v55;
	v35 =	vadd.f32 $1.000000000e+00, v54  }
0x11c: {  	v24 =	vadd.f32 v33, v4;
	(erf) = vrcp.f32 v37;
	v56 =	vpop (erf);
	v30 =	vmul.f32 $1.442695020e+00, v30  }
0x11d: {  	v58 =	vsub.f32 $0.0e+00, v31;
	v62 =	vsub.f32 $0.0e+00, v16;
	v57 =	vpop (erf);
	(erf) = vrcp.f32 v35  }
0x11e: {  	v23 =	vadd.f32 v23, v2;
	v60 =	vsub.f32 $0.0e+00, v24;
	v59 =	vpop (erf);
	(erf) = vpow2.f32 v32  }
0x11f: {  	v36 =	vmul.f32 $1.442695020e+00, v58;
	v25 =	vadd.f32 v25, v0;
	v61 =	vpop (erf);
	(erf) = vpow2.f32 v30  }
0x120: {  	v63 =	vsub.f32 $0.0e+00, v23;
	v38 =	vmul.f32 $1.442695020e+00, v60;
	v30 =	vpop (erf)  }
0x121: {  	v40 =	vmul.f32 $1.442695020e+00, v62;
	v46 =	vsub.f32 $0.0e+00, v25;
	(erf) = vpow2.f32 v36;
	v45 =	vpop (erf)  }
0x122: {  	v41 =	vmul.f32 $1.442695020e+00, v63;
	(erf) = vpow2.f32 v38;
	v47 =	vpop (erf)  }
0x123: {  	v43 =	vmul.f32 $1.442695020e+00, v46;
	(erf) = vpow2.f32 v40;
	v48 =	vpop (erf)  }
0x124: {  	v39 =	vadd.f32 $1.000000000e+00, v52;
	(erf) = vpow2.f32 v41;
	v50 =	vpop (erf)  }
0x125: {  	v34 =	vadd.f32 $1.000000000e+00, v53;
	(erf) = vpow2.f32 v43;
	v51 =	vpop (erf)  }
0x126: {  	v9 =	vmul.f32 v28, v9;
	v33 =	vadd.f32 $1.000000000e+00, v56;
	v52 =	vpop (erf);
	(erf) = vrcp.f32 v39  }
0x127: {  	v8 =	vmul.f32 v49, v8;
	v35 =	vadd.f32 $1.000000000e+00, v57;
	v53 =	vpop (erf);
	(erf) = vrcp.f32 v34  }
0x128: {  	[tilespmem:s22+$0x1AF00] =	vst v9;
	v9 =	vmul.f32 v61, v14;
	v28 =	vadd.f32 $1.000000000e+00, v53;
	v54 =	vpop (erf);
	(erf) = vrcp.f32 v33  }
0x129: {  	[tilespmem:s22+$0x1AF10] =	vst v8;
	v8 =	vmul.f32 v30, v15;
	v55 =	vadd.f32 $1.000000000e+00, v54;
	(erf) = vrcp.f32 v35  }
0x12a: {  	[tilespmem:s23+$0x1AED0] =	vst v9;
	v9 =	vmul.f32 v52, v29;
	v14 =	vpop (erf);
	(erf) = vrcp.f32 v28  }
0x12b: {  	[tilespmem:s23+$0x1AEE0] =	vst v8;
	v15 =	vpop (erf);
	(erf) = vrcp.f32 v55  }
0x12c: {  	[tilespmem:s11+$0x1AF20] =	vst v9;
	v9 =	vmul.f32 v50, v22;
	v28 =	vadd.f32 $1.000000000e+00, v59;
	v29 =	vpop (erf)  }
0x12d: {  	v8 =	vmul.f32 v48, v21;
	v14 =	vadd.f32 $1.000000000e+00, v14;
	v21 =	vpop (erf)  }
0x12e: {  	v15 =	vadd.f32 $1.000000000e+00, v15;
	[tilespmem:s29+$0x1AEC0] =	vst v9;
	v9 =	vmul.f32 v47, v11;
	(erf) = vrcp.f32 v28;
	v22 =	vpop (erf)  }
0x12f: {  	[tilespmem:s29+$0x1AEB0] =	vst v8;
	v8 =	vmul.f32 v45, v12;
	v12 =	vpop (erf);
	(erf) = vrcp.f32 v14  }
0x130: {  	[tilespmem:s23+$0x1AF00] =	vst v9;
	v11 =	vpop (erf);
	(erf) = vrcp.f32 v15;
	v9 =	vmul.f32 v12, v26  }
0x131: {  	v28 =	vadd.f32 $1.000000000e+00, v29;
	[tilespmem:s23+$0x1AEF0] =	vst v8;
	v8 =	vmul.f32 v51, v13;
	v13 =	vpop (erf)  }
0x132: {  	v14 =	vadd.f32 $1.000000000e+00, v21;
	v12 =	vpop (erf)  }
0x133: {  	[tilespmem:s23+$0x1AF10] =	vst v8;
	v15 =	vadd.f32 $1.000000000e+00, v22;
	(erf) = vrcp.f32 v28;
	v8 =	vmul.f32 v11, v20;
	v11 =	vpop (erf)  }
0x134: {  	(erf) = vrcp.f32 v14;
	[tilespmem:s29+$0x1AED0] =	vst v9;
	v9 =	vpop (erf);
	v11 =	vmul.f32 v11, v17  }
0x135: {  	(erf) = vrcp.f32 v15;
	[tilespmem:s29+$0x1AEE0] =	vst v8;
	v8 =	vmul.f32 v9, v10  }
0x136: {  	v9 =	vmul.f32 v13, v18;
	[tilespmem:s11+$0x1AEB0] =	vst v11  }
0x137: {  	v10 =	vpop (erf);
	[tilespmem:s11+$0x1AEC0] =	vst v8;
	v8 =	vmul.f32 v12, v19  }
0x138: {  	[tilespmem:s29+$0x1AEF0] =	vst v9;
	v9 =	vmul.f32 v10, v27;
	v10 =	vpop (erf)  }
0x139: {  	[tilespmem:s29+$0x1AF00] =	vst v8;
	v8 =	vmul.f32 v10, v31;
	v10 =	vpop (erf)  }
0x13a: {  	[tilespmem:s29+$0x1AF10] =	vst v9;
	v9 =	vmul.f32 v10, v24;
	_ =	sdelay $0x1  }
0x13b: {  	v10 =	vpop (erf)  }
0x13c: {  	[tilespmem:s11+$0x1AED0] =	vst v8;
	v10 =	vmul.f32 v10, v16;
	v8 =	vpop (erf)  }
0x13d: {  	[tilespmem:s11+$0x1AEE0] =	vst v9;
	v9 =	vpop (erf);
	v8 =	vmul.f32 v8, v23  }
0x13e: {  	[tilespmem:s11+$0x1AEF0] =	vst v10;
	v9 =	vmul.f32 v9, v25  }
0x13f: {  	[tilespmem:s11+$0x1AF00] =	vst v8  }
0x140: {  	s12 =	simm.s32 $0x14EB0;
	[tilespmem:s11+$0x1AF10] =	vst v9;
	s11 =	simm.s32 $0x2970  }
0x141: {  	[tilespmem:s12], [sflag:$0x6] =	stream.indirect.gather [spmem:s5], $0x80, s11, s28, $0xb8;
	[tilespmem:$0x1EF30] =	vst v63  }
0x142: {  	s22 =	simm.s32 $0x2B70;
	s23 =	simm.s32 $0x16EB0  }
0x143: {  	[tilespmem:s23], [sflag:$0x6] =	stream.indirect.gather [spmem:s6], $0x80, s22, s28, $0xb8;
	[tilespmem:$0x1EF30] =	vst v63  }
0x144: {  	s12 =	simm.s32 $0x2D70;
	s22 =	simm.s32 $0x18EB0  }
0x145: {  	[tilespmem:s22], [sflag:$0x6] =	stream.indirect.gather [spmem:s7], $0x80, s12, s28, $0xb8;
	[tilespmem:$0x1EF30] =	vst v63  }
0x146: {  	s23 =	simm.s32 $0x0  }
0x147: {  	[hbm4b:s10+s23] =	stream.linear.scatter [tilespmem:s30], [sflag:$0x7], $0x2000, $0x38;
	[tilespmem:$0x1EF30] =	vst v63  }
0x148: {  	_ =	swait.ge [sflag:s31], $0x2000  }
0x149: {  	[sflag:s31] =	ssyncset.done $0x0  }
0x14a: {  	[sflag:s31] =	ssyncadd.s32 $0xFFFFE000  }
0x14b: {  	_ =	swait.ge [sflag:s31], $0x2000  }
0x14c: {  	[sflag:s31] =	ssyncset.done $0x0  }
0x14d: {  	[sflag:s31] =	ssyncadd.s32 $0xFFFFE000  }
0x14e: {  	_ =	swait.ge [sflag:s31], $0x2000  }
0x14f: {  	[sflag:s31] =	ssyncset.done $0x0  }
0x150: {  	s9 =	simm.s32 $0x0;
	[sflag:s31] =	ssyncadd.s32 $0xFFFFE000  }
0x151: {  	v8 =	vld [tilespmem:s9+$0x8F20]  }
0x152: {  	v9 =	vld [tilespmem:s9+$0xAF20];
	_ =	sdelay $0x1  }
0x153: {  	v11 =	vld [tilespmem:s9+$0xCF20]  }
0x154: {  	v10 =	vld [tilespmem:s9+$0x8EB0]  }
0x155: {  	v12 =	vld [tilespmem:s9+$0xAEB0]  }
0x156: {  	v13 =	vld [tilespmem:s9+$0x8EC0];
	v8 =	vadd.f32 v9, v8  }
0x157: {  	v14 =	vld [tilespmem:s9+$0xAEC0]  }
0x158: {  	v15 =	vld [tilespmem:s9+$0xAED0];
	v8 =	vadd.f32 v11, v8  }
0x159: {  	v16 =	vld [tilespmem:s9+$0xAEE0]  }
0x15a: {  	v17 =	vld [tilespmem:s9+$0x8EF0];
	v8 =	vadd.f32 v8, v7  }
0x15b: {  	v18 =	vld [tilespmem:s9+$0xAEF0]  }
0x15c: {  	v20 =	vld [tilespmem:s9+$0x8F00];
	v19 =	vsub.f32 $0.0e+00, v8  }
0x15d: {  	v21 =	vld [tilespmem:s9+$0xAF00]  }
0x15e: {  	v22 =	vld [tilespmem:s9+$0x8F10];
	v19 =	vmul.f32 $1.442695020e+00, v19  }
0x15f: {  	v23 =	vld [tilespmem:s9+$0xAF10]  }
0x160: {  	v24 =	vld [tilespmem:s9+$0xCEC0];
	(erf) = vpow2.f32 v19  }
0x161: {  	v25 =	vld [tilespmem:s9+$0xCED0]  }
0x162: {  	v26 =	vld [tilespmem:s9+$0xCEE0]  }
0x163: {  	v9 =	vld [tilespmem:s9+$0x8ED0]  }
0x164: {  	v11 =	vld [tilespmem:s9+$0x8EE0]  }
0x165: {  	v19 =	vld [tilespmem:s9+$0xCEB0]  }
0x166: {  	s22 =	simm.s32 $0x80;
	v27 =	vld [tilespmem:s9+$0xCEF0]  }
0x167: {  	v30 =	vld [tilespmem:s22+$0x8F20]  }
0x168: {  	v31 =	vld [tilespmem:s22+$0xAF20];
	v10 =	vadd.f32 v12, v10;
	v13 =	vadd.f32 v14, v13  }
0x169: {  	v28 =	vld [tilespmem:s9+$0xCF00];
	v9 =	vadd.f32 v15, v9;
	v11 =	vadd.f32 v16, v11;
	v12 =	vpop (erf)  }
0x16a: {  	v10 =	vadd.f32 v19, v10;
	v19 =	vld [tilespmem:s22+$0xCF20];
	v12 =	vadd.f32 $1.000000000e+00, v12  }
0x16b: {  	v29 =	vld [tilespmem:s9+$0xCF10];
	v17 =	vadd.f32 v18, v17;
	v9 =	vadd.f32 v25, v9  }
0x16c: {  	v56 =	vld [tilespmem:s22+$0x8EB0];
	v11 =	vadd.f32 v26, v11;
	v14 =	vadd.f32 v10, v6;
	(erf) = vrcp.f32 v12  }
0x16d: {  	v57 =	vld [tilespmem:s22+$0xAEE0];
	v12 =	vadd.f32 v24, v13;
	v24 =	vadd.f32 v31, v30  }
0x16e: {  	v60 =	vld [tilespmem:s22+$0xAEF0];
	v11 =	vadd.f32 v11, v4;
	v26 =	vsub.f32 $0.0e+00, v14  }
0x16f: {  	v62 =	vld [tilespmem:s22+$0x8F00];
	v13 =	vadd.f32 v12, v5;
	v19 =	vadd.f32 v19, v24  }
0x170: {  	v18 =	vld [tilespmem:s22+$0xAF00];
	v58 =	vsub.f32 $0.0e+00, v11;
	v12 =	vadd.f32 v9, v3  }
0x171: {  	v15 =	vld [tilespmem:s22+$0xAEB0];
	v26 =	vmul.f32 $1.442695020e+00, v26;
	v30 =	vsub.f32 $0.0e+00, v13;
	v59 =	vadd.f32 v19, v7  }
0x172: {  	v16 =	vld [tilespmem:s22+$0xAEC0];
	v31 =	vsub.f32 $0.0e+00, v12  }
0x173: {  	v25 =	vld [tilespmem:s22+$0x8ED0];
	v34 =	vmul.f32 $1.442695020e+00, v58;
	v30 =	vmul.f32 $1.442695020e+00, v30;
	v61 =	vsub.f32 $0.0e+00, v59  }
0x174: {  	v10 =	vld [tilespmem:s22+$0x8EC0];
	(erf) = vpow2.f32 v26;
	v31 =	vmul.f32 $1.442695020e+00, v31  }
0x175: {  	v20 =	vadd.f32 v21, v20;
	v9 =	vld [tilespmem:s22+$0xAED0];
	(erf) = vpow2.f32 v30;
	v21 =	vmul.f32 $1.442695020e+00, v61;
	v26 =	vpop (erf)  }
0x176: {  	v24 =	vld [tilespmem:s22+$0x8EE0];
	(erf) = vpow2.f32 v31;
	v8 =	vmul.f32 v26, v8  }
0x177: {  	v22 =	vadd.f32 v23, v22;
	v17 =	vadd.f32 v27, v17;
	v19 =	vld [tilespmem:s22+$0x8EF0];
	(erf) = vpow2.f32 v34  }
0x178: {  	v26 =	vld [tilespmem:s22+$0x8F10];
	(erf) = vpow2.f32 v21;
	[tilespmem:s9+$0x1CF20] =	vst v8;
	v8 =	vadd.f32 v28, v20  }
0x179: {  	v20 =	vadd.f32 v29, v22;
	v22 =	vadd.f32 v17, v1;
	v23 =	vld [tilespmem:s22+$0xAF10]  }
0x17a: {  	v17 =	vld [tilespmem:s22+$0xCEB0];
	v21 =	vadd.f32 v8, v2  }
0x17b: {  	v28 =	vld [tilespmem:s22+$0xCED0];
	v20 =	vadd.f32 v20, v0;
	v27 =	vsub.f32 $0.0e+00, v22  }
0x17c: {  	v30 =	vld [tilespmem:s22+$0xCEE0];
	v29 =	vsub.f32 $0.0e+00, v21  }
0x17d: {  	v47 =	vadd.f32 v18, v62;
	v44 =	vpop (erf);
	v8 =	vld [tilespmem:s22+$0xCEC0];
	v31 =	vsub.f32 $0.0e+00, v20;
	v27 =	vmul.f32 $1.442695020e+00, v27  }
0x17e: {  	s23 =	simm.s32 $0x100;
	v15 =	vadd.f32 v15, v56;
	v10 =	vadd.f32 v16, v10;
	v63 =	vld [tilespmem:s22+$0xCEF0];
	v45 =	vpop (erf);
	v16 =	vmul.f32 $1.442695020e+00, v29  }
0x17f: {  	v9 =	vadd.f32 v9, v25;
	v46 =	vld [tilespmem:s23+$0x8F20];
	v31 =	vmul.f32 $1.442695020e+00, v31;
	(erf) = vpow2.f32 v27;
	v39 =	vpop (erf)  }
0x180: {  	v33 =	vadd.f32 v57, v24;
	v48 =	vld [tilespmem:s23+$0xCF20];
	v37 =	vpop (erf);
	(erf) = vpow2.f32 v16;
	v16 =	vadd.f32 $1.000000000e+00, v44  }
0x181: {  	v19 =	vadd.f32 v60, v19;
	v27 =	vld [tilespmem:s22+$0xCF10];
	v24 =	vadd.f32 $1.000000000e+00, v45;
	v25 =	vpop (erf);
	(erf) = vpow2.f32 v31  }
0x182: {  	v8 =	vadd.f32 v8, v10;
	v31 =	vld [tilespmem:s23+$0xAF20];
	(erf) = vrcp.f32 v16;
	v16 =	vadd.f32 $1.000000000e+00, v25  }
0x183: {  	v29 =	vld [tilespmem:s22+$0xCF00];
	v15 =	vadd.f32 v17, v15;
	v10 =	vadd.f32 v23, v26;
	(erf) = vrcp.f32 v24  }
0x184: {  	v34 =	vld [tilespmem:s23+$0xAEE0];
	v24 =	vadd.f32 v8, v5;
	v8 =	vadd.f32 v30, v33;
	(erf) = vrcp.f32 v16  }
0x185: {  	v40 =	vld [tilespmem:s23+$0x8EF0];
	v9 =	vadd.f32 v28, v9;
	v23 =	vadd.f32 v63, v19  }
0x186: {  	v53 =	vld [tilespmem:s23+$0xAEF0];
	v19 =	vadd.f32 v8, v4;
	v8 =	vadd.f32 v27, v10  }
0x187: {  	v35 =	vld [tilespmem:s23+$0xAF00];
	v10 =	vadd.f32 v23, v1;
	v23 =	vadd.f32 v31, v46  }
0x188: {  	v57 =	vld [tilespmem:s23+$0x8F10];
	v18 =	vadd.f32 v9, v3;
	v9 =	vadd.f32 v29, v47;
	v29 =	vpop (erf)  }
0x189: {  	v17 =	vld [tilespmem:s23+$0x8EB0];
	v25 =	vadd.f32 v15, v6;
	v23 =	vadd.f32 v48, v23;
	v30 =	vpop (erf)  }
0x18a: {  	v28 =	vld [tilespmem:s23+$0x8ED0];
	v51 =	vsub.f32 $0.0e+00, v18;
	v32 =	vpop (erf)  }
0x18b: {  	v26 =	vld [tilespmem:s23+$0xAEC0];
	v49 =	vsub.f32 $0.0e+00, v25;
	v9 =	vadd.f32 v9, v2;
	v36 =	vpop (erf)  }
0x18c: {  	v15 =	vld [tilespmem:s23+$0xAEB0];
	v41 =	vmul.f32 $1.442695020e+00, v51;
	v50 =	vsub.f32 $0.0e+00, v24;
	v8 =	vadd.f32 v8, v0;
	v52 =	vpop (erf)  }
0x18d: {  	v16 =	vld [tilespmem:s23+$0x8EC0];
	v33 =	vmul.f32 $1.442695020e+00, v49;
	v54 =	vsub.f32 $0.0e+00, v19;
	v45 =	vadd.f32 v23, v7;
	v23 =	vpop (erf)  }
0x18e: {  	v27 =	vld [tilespmem:s23+$0xAED0];
	v38 =	vmul.f32 $1.442695020e+00, v50;
	v55 =	vsub.f32 $0.0e+00, v10;
	v23 =	vmul.f32 v23, v59  }
0x18f: {  	v31 =	vld [tilespmem:s23+$0x8EE0];
	(erf) = vpow2.f32 v33;
	v44 =	vmul.f32 $1.442695020e+00, v54;
	v56 =	vsub.f32 $0.0e+00, v45  }
0x190: {  	v46 =	vld [tilespmem:s23+$0x8F00];
	v58 =	vsub.f32 $0.0e+00, v9;
	v47 =	vmul.f32 $1.442695020e+00, v55;
	(erf) = vpow2.f32 v38;
	[tilespmem:s22+$0x1CF20] =	vst v23  }
0x191: {  	(erf) = vpow2.f32 v41;
	v59 =	vmul.f32 $1.442695020e+00, v56;
	v60 =	vld [tilespmem:s23+$0xAF10]  }
0x192: {  	v61 =	vmul.f32 $1.442695020e+00, v58;
	(erf) = vpow2.f32 v44;
	v23 =	vsub.f32 $0.0e+00, v8;
	v62 =	vld [tilespmem:s23+$0xCEB0]  }
0x193: {  	v14 =	vmul.f32 v36, v14;
	(erf) = vpow2.f32 v59;
	v63 =	vld [tilespmem:s23+$0xCEC0]  }
0x194: {  	v39 =	vadd.f32 $1.000000000e+00, v39;
	(erf) = vpow2.f32 v47;
	v49 =	vld [tilespmem:s23+$0xCED0];
	v23 =	vmul.f32 $1.442695020e+00, v23  }
0x195: {  	v13 =	vmul.f32 v52, v13;
	v50 =	vld [tilespmem:s23+$0xCEE0];
	[tilespmem:s9+$0x1CEB0] =	vst v14;
	v14 =	vadd.f32 $1.000000000e+00, v37;
	(erf) = vpow2.f32 v61  }
0x196: {  	(erf) = vpow2.f32 v23  }
0x197: {  	v53 =	vadd.f32 v53, v40;
	v23 =	vld [tilespmem:s23+$0xCEF0];
	[tilespmem:s9+$0x1CEC0] =	vst v13;
	v13 =	vadd.f32 v15, v17;
	(erf) = vrcp.f32 v39  }
0x198: {  	v51 =	vpop (erf);
	v15 =	vadd.f32 v26, v16;
	v16 =	vadd.f32 $1.000000000e+00, v29  }
0x199: {  	v30 =	vadd.f32 $1.000000000e+00, v30;
	v32 =	vadd.f32 $1.000000000e+00, v32;
	(erf) = vrcp.f32 v14;
	v14 =	vpop (erf)  }
0x19a: {  	v37 =	vadd.f32 $1.000000000e+00, v51;
	v17 =	vadd.f32 v27, v28;
	v28 =	vpop (erf)  }
0x19b: {  	v35 =	vadd.f32 v35, v46;
	v29 =	vadd.f32 v34, v31;
	v26 =	vld [tilespmem:s23+$0xCF00];
	v31 =	vpop (erf)  }
0x19c: {  	s29 =	simm.s32 $0x180;
	v27 =	vld [tilespmem:s23+$0xCF10];
	v13 =	vadd.f32 v62, v13;
	v15 =	vadd.f32 v63, v15;
	(erf) = vrcp.f32 v16;
	v16 =	vpop (erf)  }
0x19d: {  	v52 =	vld [tilespmem:s29+$0x8F20];
	v33 =	vadd.f32 v60, v57;
	v14 =	vadd.f32 $1.000000000e+00, v14;
	(erf) = vrcp.f32 v30;
	v30 =	vpop (erf)  }
0x19e: {  	v54 =	vld [tilespmem:s29+$0xAF20];
	v36 =	vadd.f32 v49, v17;
	v17 =	vadd.f32 v15, v5;
	(erf) = vrcp.f32 v37;
	v37 =	vpop (erf)  }
0x19f: {  	v55 =	vld [tilespmem:s29+$0x8EB0];
	v23 =	vadd.f32 v23, v53;
	(erf) = vrcp.f32 v14;
	v14 =	vadd.f32 $1.000000000e+00, v16;
	v41 =	vpop (erf)  }
0x1a0: {  	v59 =	vld [tilespmem:s29+$0xCF20];
	v16 =	vadd.f32 v13, v6;
	v26 =	vadd.f32 v26, v35;
	(erf) = vrcp.f32 v32;
	v13 =	vpop (erf)  }
0x1a1: {  	v60 =	vld [tilespmem:s29+$0xAEB0];
	(erf) = vrcp.f32 v14;
	v12 =	vmul.f32 v13, v12;
	v13 =	vadd.f32 v50, v29  }
0x1a2: {  	v61 =	vld [tilespmem:s29+$0xAEC0];
	v62 =	vsub.f32 $0.0e+00, v17;
	v14 =	vadd.f32 v36, v3;
	v15 =	vpop (erf)  }
0x1a3: {  	v32 =	vld [tilespmem:s29+$0x8EC0];
	v11 =	vmul.f32 v15, v11;
	v15 =	vadd.f32 v13, v4;
	v13 =	vadd.f32 v27, v33  }
0x1a4: {  	v29 =	vld [tilespmem:s29+$0x8ED0];
	[tilespmem:s9+$0x1CED0] =	vst v12;
	v12 =	vadd.f32 v23, v1;
	v23 =	vsub.f32 $0.0e+00, v16  }
0x1a5: {  	v33 =	vpop (erf);
	v35 =	vld [tilespmem:s29+$0xAED0];
	[tilespmem:s9+$0x1CEE0] =	vst v11;
	v11 =	vadd.f32 v26, v2;
	v26 =	vadd.f32 v54, v52  }
0x1a6: {  	v42 =	vadd.f32 v60, v55;
	v63 =	vsub.f32 $0.0e+00, v14;
	v36 =	vpop (erf)  }
0x1a7: {  	v40 =	vmul.f32 $1.442695020e+00, v62;
	v27 =	vld [tilespmem:s29+$0x8EE0];
	v34 =	vpop (erf);
	v56 =	vmul.f32 $1.442695020e+00, v23;
	v23 =	vadd.f32 v59, v26  }
0x1a8: {  	v38 =	vadd.f32 v61, v32;
	v46 =	vmul.f32 $1.442695020e+00, v63;
	v39 =	vld [tilespmem:s29+$0xAEE0];
	v57 =	vsub.f32 $0.0e+00, v15;
	v47 =	vpop (erf)  }
0x1a9: {  	v22 =	vmul.f32 v33, v22;
	v13 =	vadd.f32 v13, v0;
	v48 =	vld [tilespmem:s29+$0x8EF0];
	v26 =	vpop (erf);
	v23 =	vadd.f32 v23, v7  }
0x1aa: {  	v43 =	vld [tilespmem:s29+$0xAEF0];
	v58 =	vsub.f32 $0.0e+00, v12;
	v21 =	vmul.f32 v36, v21;
	v50 =	vmul.f32 $1.442695020e+00, v57;
	v59 =	vpop (erf)  }
0x1ab: {  	v52 =	vld [tilespmem:s29+$0x8F00];
	(erf) = vpow2.f32 v56;
	v44 =	vmul.f32 v59, v45;
	v61 =	vsub.f32 $0.0e+00, v23  }
0x1ac: {  	v32 =	vld [tilespmem:s29+$0x8F10];
	v60 =	vsub.f32 $0.0e+00, v11;
	v51 =	vmul.f32 $1.442695020e+00, v58;
	(erf) = vpow2.f32 v40  }
0x1ad: {  	v35 =	vadd.f32 v35, v29;
	(erf) = vpow2.f32 v46;
	v45 =	vld [tilespmem:s29+$0xAF00];
	[tilespmem:s23+$0x1CF20] =	vst v44;
	v29 =	vmul.f32 $1.442695020e+00, v61  }
0x1ae: {  	v62 =	vsub.f32 $0.0e+00, v13;
	v24 =	vmul.f32 v47, v24;
	(erf) = vpow2.f32 v50;
	v57 =	vld [tilespmem:s29+$0xCEB0]  }
0x1af: {  	v55 =	vadd.f32 $1.000000000e+00, v30;
	v53 =	vmul.f32 $1.442695020e+00, v60;
	(erf) = vpow2.f32 v29  }
0x1b0: {  	v37 =	vadd.f32 $1.000000000e+00, v37;
	v44 =	vmul.f32 $1.442695020e+00, v62;
	v63 =	vld [tilespmem:s29+$0xAF10];
	(erf) = vpow2.f32 v51  }
0x1b1: {  	v25 =	vmul.f32 v34, v25;
	v58 =	vadd.f32 $1.000000000e+00, v28;
	v59 =	vld [tilespmem:s29+$0xCEC0];
	(erf) = vpow2.f32 v53  }
0x1b2: {  	v60 =	vadd.f32 $1.000000000e+00, v31;
	v39 =	vadd.f32 v39, v27;
	v54 =	vld [tilespmem:s29+$0xCED0];
	(erf) = vpow2.f32 v44  }
0x1b3: {  	v27 =	vadd.f32 v43, v48;
	v61 =	vld [tilespmem:s29+$0xCEE0];
	[tilespmem:s22+$0x1CEB0] =	vst v25;
	(erf) = vrcp.f32 v58;
	v25 =	vadd.f32 v57, v42  }
0x1b4: {  	v29 =	vadd.f32 $1.000000000e+00, v41;
	v31 =	vld [tilespmem:s29+$0xCEF0];
	[tilespmem:s22+$0x1CEC0] =	vst v24;
	v28 =	vadd.f32 v45, v52;
	v24 =	vpop (erf);
	(erf) = vrcp.f32 v60  }
0x1b5: {  	v62 =	vadd.f32 $1.000000000e+00, v24;
	v24 =	vpop (erf);
	v30 =	vadd.f32 v63, v32;
	v32 =	vld [tilespmem:s29+$0xCF00];
	[tilespmem:s9+$0x1CEF0] =	vst v22;
	(erf) = vrcp.f32 v55  }
0x1b6: {  	v22 =	vadd.f32 v59, v38;
	v63 =	vadd.f32 $1.000000000e+00, v24;
	v24 =	vpop (erf);
	v34 =	vld [tilespmem:s29+$0xCF10];
	(erf) = vrcp.f32 v37  }
0x1b7: {  	s11 =	simm.s32 $0x200;
	v35 =	vadd.f32 v54, v35;
	[tilespmem:s9+$0x1CF00] =	vst v21;
	v21 =	vadd.f32 v25, v6;
	(erf) = vrcp.f32 v62;
	v25 =	vpop (erf)  }
0x1b8: {  	s12 =	simm.s32 $0xA00;
	v36 =	vadd.f32 v61, v39;
	v33 =	vld [tilespmem:s11+$0x8F20];
	v22 =	vadd.f32 v22, v5;
	v37 =	vpop (erf);
	(erf) = vrcp.f32 v63  }
.LBB2_4:
0x1b9: {  	p1 =	sne.s32 s12, $0x7E00;
	v38 =	vld [tilespmem:s11+$0xAF20];
	v27 =	vadd.f32 v31, v27;
	v39 =	vadd.f32 $1.000000000e+00, v37;
	v37 =	vpop (erf);
	(erf) = vrcp.f32 v29  }
0x1ba: {  	v35 =	vadd.f32 v35, v3;
	v20 =	vmul.f32 v26, v20;
	v29 =	vld [tilespmem:s11+$0x8EB0];
	v41 =	vadd.f32 v32, v28;
	v32 =	vpop (erf)  }
0x1bb: {  	v36 =	vadd.f32 v36, v4;
	v26 =	vld [tilespmem:s11+$0xCF20];
	v30 =	vadd.f32 v34, v30;
	(erf) = vrcp.f32 v39;
	v31 =	vpop (erf)  }
0x1bc: {  	v40 =	vmov v9;
	v39 =	vadd.f32 v27, v1;
	v34 =	vld [tilespmem:s11+$0xAEB0];
	v27 =	vadd.f32 v41, v2;
	v28 =	vpop (erf);
	[tilespmem:s9+$0x1CF10] =	vst v20;
	s9 =	smov.u32 s22;
	s22 =	smov.u32 s23;
	s23 =	smov.u32 s29  }
0x1bd: {  	v20 =	vsub.f32 $0.0e+00, v21;
	s29 =	smov.u32 s11;
	v9 =	vld [tilespmem:s11+$0x8EC0];
	v30 =	vadd.f32 v30, v0;
	v18 =	vmul.f32 v28, v18;
	v28 =	vpop (erf)  }
0x1be: {  	v41 =	vld [tilespmem:s29+$0xAEC0];
	v33 =	vadd.f32 v38, v33;
	v38 =	vsub.f32 $0.0e+00, v22;
	v19 =	vmul.f32 v28, v19;
	v42 =	vpop (erf)  }
0x1bf: {  	v43 =	vsub.f32 $0.0e+00, v35;
	v44 =	vsub.f32 $0.0e+00, v36;
	v20 =	vmul.f32 $1.442695020e+00, v20;
	v28 =	vld [tilespmem:s29+$0x8ED0];
	[tilespmem:s9+$0x1CED0] =	vst v18;
	v45 =	vpop (erf)  }
0x1c0: {  	v46 =	vld [tilespmem:s29+$0xAED0];
	v54 =	vadd.f32 v26, v33;
	v33 =	vmul.f32 $1.442695020e+00, v38;
	v38 =	vsub.f32 $0.0e+00, v39;
	v47 =	vpop (erf);
	[tilespmem:s9+$0x1CEE0] =	vst v19  }
0x1c1: {  	v43 =	vmul.f32 $1.442695020e+00, v43;
	v55 =	vsub.f32 $0.0e+00, v27;
	v34 =	vadd.f32 v34, v29;
	v29 =	vld [tilespmem:s29+$0x8EE0];
	v48 =	vpop (erf)  }
0x1c2: {  	v44 =	vmul.f32 $1.442695020e+00, v44;
	v51 =	vsub.f32 $0.0e+00, v30;
	v49 =	vld [tilespmem:s29+$0xAEE0];
	v50 =	vadd.f32 v54, v7;
	v26 =	vpop (erf)  }
0x1c3: {  	v53 =	vmul.f32 $1.442695020e+00, v55;
	v18 =	vmovc v14;
	v14 =	vmovc v35;
	v38 =	vmul.f32 $1.442695020e+00, v38;
	v41 =	vadd.f32 v41, v9;
	v52 =	vld [tilespmem:s29+$0x8EF0]  }
0x1c4: {  	v51 =	vmul.f32 $1.442695020e+00, v51;
	v35 =	vld [tilespmem:s29+$0xAEF0];
	v54 =	vsub.f32 $0.0e+00, v50;
	(erf) = vpow2.f32 v20;
	v19 =	vpop (erf)  }
0x1c5: {  	v46 =	vadd.f32 v46, v28;
	v28 =	vld [tilespmem:s29+$0x8F00];
	v55 =	vmul.f32 v19, v23;
	(erf) = vpow2.f32 v33;
	v19 =	vmovc v15;
	v15 =	vmovc v36  }
0x1c6: {  	v24 =	vadd.f32 $1.000000000e+00, v24;
	v9 =	vmovc v11;
	v11 =	vmovc v27;
	v33 =	vld [tilespmem:s29+$0xAF00];
	v54 =	vmul.f32 $1.442695020e+00, v54;
	(erf) = vpow2.f32 v43  }
0x1c7: {  	v25 =	vadd.f32 $1.000000000e+00, v25;
	v20 =	vmovc v8;
	v8 =	vmovc v13;
	v36 =	vadd.f32 v49, v29;
	v43 =	vld [tilespmem:s29+$0x8F10];
	[tilespmem:s23+$0x1CF20] =	vst v55;
	(erf) = vpow2.f32 v44  }
0x1c8: {  	v37 =	vadd.f32 $1.000000000e+00, v37;
	v13 =	vmovc v30;
	v23 =	vmovc v50;
	v49 =	vadd.f32 $1.000000000e+00, v32;
	v44 =	vld [tilespmem:s29+$0xAF10];
	(erf) = vpow2.f32 v54  }
0x1c9: {  	v29 =	vadd.f32 $1.000000000e+00, v31;
	v32 =	vld [tilespmem:s29+$0xCEB0];
	v27 =	vadd.f32 v35, v52;
	(erf) = vpow2.f32 v38  }
0x1ca: {  	v30 =	vmul.f32 v47, v16;
	v16 =	vmov v21;
	v35 =	vld [tilespmem:s29+$0xCEC0];
	(erf) = vpow2.f32 v53  }
0x1cb: {  	v21 =	vmul.f32 v48, v17;
	v17 =	vmovc v22;
	v38 =	vld [tilespmem:s29+$0xCED0];
	v28 =	vadd.f32 v33, v28;
	(erf) = vpow2.f32 v51  }
0x1cc: {  	v22 =	vmul.f32 v42, v10;
	v10 =	vmovc v12;
	v12 =	vmov v39;
	v47 =	vld [tilespmem:s29+$0xCEE0];
	[tilespmem:s22+$0x1CEB0] =	vst v30;
	(erf) = vrcp.f32 v24  }
.Ltmp1:
0x1cd: {  	v31 =	vld [tilespmem:s29+$0xCEF0];
	v30 =	vadd.f32 v44, v43;
	v24 =	vpop (erf);
	[tilespmem:s22+$0x1CEC0] =	vst v21;
	(erf) = vrcp.f32 v25;
	v21 =	vmul.f32 v45, v40;
	(pc) =	sbr.rel @p1 .LBB2_4-.Ltmp1, $4  }
0x1ce: {  	v40 =	vadd.f32 v32, v34;
	v32 =	vld [tilespmem:s29+$0xCF00];
	v33 =	vadd.f32 $1.000000000e+00, v24;
	v24 =	vpop (erf);
	(erf) = vrcp.f32 v37;
	[tilespmem:s9+$0x1CEF0] =	vst v22  }
0x1cf: {  	v22 =	vadd.f32 v35, v41;
	v34 =	vld [tilespmem:s29+$0xCF10];
	v39 =	vadd.f32 $1.000000000e+00, v24;
	v24 =	vpop (erf);
	(erf) = vrcp.f32 v49;
	[tilespmem:s9+$0x1CF00] =	vst v21  }
0x1d0: {  	s11 =	sshra.s32 s12, $0x2;
	v21 =	vadd.f32 v40, v6;
	v35 =	vadd.f32 v38, v46;
	(erf) = vrcp.f32 v33;
	v25 =	vpop (erf)  }
0x1d1: {  	s12 =	sadd.s32 $0x200, s12;
	v33 =	vld [tilespmem:s11+$0x8F20];
	v22 =	vadd.f32 v22, v5;
	v36 =	vadd.f32 v47, v36;
	v37 =	vpop (erf);
	(erf) = vrcp.f32 v39  }
0x1d2: {  	v20 =	vmul.f32 v26, v20  }
0x1d3: {  	v38 =	vld [tilespmem:s11+$0xAF20];
	v40 =	vpop (erf);
	v26 =	vadd.f32 $1.000000000e+00, v37  }
0x1d4: {  	v39 =	vld [tilespmem:s11+$0x8EB0];
	(erf) = vrcp.f32 v29;
	v42 =	vpop (erf)  }
0x1d5: {  	v41 =	vld [tilespmem:s11+$0xCF20];
	v37 =	vpop (erf);
	(erf) = vrcp.f32 v26  }
0x1d6: {  	v43 =	vld [tilespmem:s11+$0xAEB0];
	v27 =	vadd.f32 v31, v27;
	v24 =	vadd.f32 $1.000000000e+00, v24;
	[tilespmem:s9+$0x1CF10] =	vst v20;
	v20 =	vpop (erf)  }
0x1d7: {  	v25 =	vadd.f32 $1.000000000e+00, v25;
	v29 =	vadd.f32 v32, v28;
	v44 =	vld [tilespmem:s11+$0x8EC0];
	v18 =	vmul.f32 v20, v18;
	v20 =	vpop (erf)  }
0x1d8: {  	v62 =	vsub.f32 $0.0e+00, v22;
	v26 =	vadd.f32 v35, v3;
	v45 =	vld [tilespmem:s11+$0xAEC0];
	v19 =	vmul.f32 v20, v19  }
0x1d9: {  	v30 =	vadd.f32 v34, v30;
	v42 =	vadd.f32 $1.000000000e+00, v42;
	v46 =	vld [tilespmem:s11+$0x8ED0];
	v32 =	vpop (erf);
	[tilespmem:s22+$0x1CED0] =	vst v18  }
0x1da: {  	v18 =	vadd.f32 v27, v1;
	v27 =	vadd.f32 v38, v33;
	v28 =	vpop (erf);
	v31 =	vld [tilespmem:s11+$0xAED0];
	[tilespmem:s22+$0x1CEE0] =	vst v19  }
0x1db: {  	v37 =	vadd.f32 $1.000000000e+00, v37;
	v48 =	vsub.f32 $0.0e+00, v26;
	v34 =	vpop (erf);
	v33 =	vld [tilespmem:s11+$0x8EE0]  }
0x1dc: {  	v39 =	vadd.f32 v43, v39;
	v61 =	vld [tilespmem:s11+$0xAEE0];
	v38 =	vadd.f32 v41, v27;
	v41 =	vpop (erf)  }
0x1dd: {  	v19 =	vadd.f32 v29, v2;
	v29 =	vsub.f32 $0.0e+00, v21;
	v47 =	vld [tilespmem:s11+$0x8EF0];
	v49 =	vpop (erf)  }
0x1de: {  	v20 =	vadd.f32 v36, v4;
	v36 =	vmul.f32 $1.442695020e+00, v62;
	v54 =	vmul.f32 $1.442695020e+00, v48;
	v50 =	vld [tilespmem:s11+$0xAEF0];
	v63 =	vpop (erf)  }
0x1df: {  	v27 =	vadd.f32 v30, v0;
	v52 =	vld [tilespmem:s11+$0x8F00];
	v30 =	vmul.f32 $1.442695020e+00, v29;
	v23 =	vmul.f32 v63, v23  }
0x1e0: {  	v10 =	vmul.f32 v32, v10;
	v51 =	vsub.f32 $0.0e+00, v20;
	v29 =	vadd.f32 v38, v7;
	v38 =	vld [tilespmem:s11+$0xAF00]  }
0x1e1: {  	v53 =	vsub.f32 $0.0e+00, v18;
	v16 =	vmul.f32 v34, v16;
	(erf) = vpow2.f32 v30;
	v30 =	vld [tilespmem:s11+$0x8F10];
	[tilespmem:s29+$0x1CF20] =	vst v23  }
0x1e2: {  	v51 =	vmul.f32 $1.442695020e+00, v51;
	v17 =	vmul.f32 v41, v17;
	v55 =	vsub.f32 $0.0e+00, v29;
	v57 =	vld [tilespmem:s11+$0xAF10]  }
0x1e3: {  	v62 =	vadd.f32 $1.000000000e+00, v40;
	v58 =	vmul.f32 $1.442695020e+00, v53;
	(erf) = vpow2.f32 v36;
	v59 =	vld [tilespmem:s11+$0xCEB0]  }
0x1e4: {  	v56 =	vsub.f32 $0.0e+00, v19;
	(erf) = vpow2.f32 v54;
	v48 =	vmul.f32 $1.442695020e+00, v55;
	v60 =	vld [tilespmem:s11+$0xCEC0]  }
0x1e5: {  	v23 =	vsub.f32 $0.0e+00, v27;
	v33 =	vadd.f32 v61, v33;
	(erf) = vpow2.f32 v51;
	v61 =	vld [tilespmem:s11+$0xCED0]  }
0x1e6: {  	v44 =	vadd.f32 v45, v44;
	v36 =	vmul.f32 $1.442695020e+00, v56;
	v63 =	vld [tilespmem:s11+$0xCEE0];
	(erf) = vpow2.f32 v48  }
0x1e7: {  	v31 =	vadd.f32 v31, v46;
	[tilespmem:s23+$0x1CEB0] =	vst v16;
	v23 =	vmul.f32 $1.442695020e+00, v23;
	(erf) = vpow2.f32 v58  }
0x1e8: {  	v16 =	vadd.f32 v50, v47;
	v38 =	vadd.f32 v38, v52;
	v48 =	vld [tilespmem:s11+$0xCEF0];
	(erf) = vpow2.f32 v36  }
0x1e9: {  	[tilespmem:s23+$0x1CEC0] =	vst v17;
	v30 =	vadd.f32 v57, v30;
	(erf) = vpow2.f32 v23;
	v17 =	vadd.f32 v59, v39  }
0x1ea: {  	v23 =	vld [tilespmem:s11+$0xCF00];
	[tilespmem:s22+$0x1CEF0] =	vst v10;
	v10 =	vadd.f32 v60, v44;
	v31 =	vadd.f32 v61, v31;
	v50 =	vpop (erf);
	(erf) = vrcp.f32 v24  }
0x1eb: {  	v33 =	vadd.f32 v63, v33;
	v32 =	vadd.f32 $1.000000000e+00, v50;
	(erf) = vrcp.f32 v25;
	v25 =	vld [tilespmem:s11+$0xCF10]  }
0x1ec: {  	v17 =	vadd.f32 v17, v6;
	v10 =	vadd.f32 v10, v5  }
0x1ed: {  	v51 =	vpop (erf);
	v16 =	vadd.f32 v48, v16;
	v31 =	vadd.f32 v31, v3  }
0x1ee: {  	v24 =	vadd.f32 $1.000000000e+00, v51;
	v52 =	vpop (erf);
	(erf) = vrcp.f32 v62;
	v55 =	vsub.f32 $0.0e+00, v17  }
0x1ef: {  	v53 =	vpop (erf);
	(erf) = vrcp.f32 v42;
	v16 =	vadd.f32 v16, v1;
	v23 =	vadd.f32 v23, v38  }
0x1f0: {  	(erf) = vrcp.f32 v32;
	v54 =	vpop (erf);
	v25 =	vadd.f32 v25, v30;
	v30 =	vsub.f32 $0.0e+00, v10  }
0x1f1: {  	(erf) = vrcp.f32 v24;
	v32 =	vmul.f32 $1.442695020e+00, v55;
	v35 =	vadd.f32 $1.000000000e+00, v54  }
0x1f2: {  	v24 =	vadd.f32 v33, v4;
	(erf) = vrcp.f32 v37;
	v56 =	vpop (erf);
	v30 =	vmul.f32 $1.442695020e+00, v30  }
0x1f3: {  	v58 =	vsub.f32 $0.0e+00, v31;
	v62 =	vsub.f32 $0.0e+00, v16;
	v57 =	vpop (erf);
	(erf) = vrcp.f32 v35  }
0x1f4: {  	v23 =	vadd.f32 v23, v2;
	v60 =	vsub.f32 $0.0e+00, v24;
	v59 =	vpop (erf);
	(erf) = vpow2.f32 v32  }
0x1f5: {  	v36 =	vmul.f32 $1.442695020e+00, v58;
	v25 =	vadd.f32 v25, v0;
	v61 =	vpop (erf);
	(erf) = vpow2.f32 v30  }
0x1f6: {  	v63 =	vsub.f32 $0.0e+00, v23;
	v38 =	vmul.f32 $1.442695020e+00, v60;
	v30 =	vpop (erf)  }
0x1f7: {  	v40 =	vmul.f32 $1.442695020e+00, v62;
	v46 =	vsub.f32 $0.0e+00, v25;
	(erf) = vpow2.f32 v36;
	v45 =	vpop (erf)  }
0x1f8: {  	v41 =	vmul.f32 $1.442695020e+00, v63;
	(erf) = vpow2.f32 v38;
	v47 =	vpop (erf)  }
0x1f9: {  	v43 =	vmul.f32 $1.442695020e+00, v46;
	(erf) = vpow2.f32 v40;
	v48 =	vpop (erf)  }
0x1fa: {  	v39 =	vadd.f32 $1.000000000e+00, v52;
	(erf) = vpow2.f32 v41;
	v50 =	vpop (erf)  }
0x1fb: {  	v34 =	vadd.f32 $1.000000000e+00, v53;
	(erf) = vpow2.f32 v43;
	v51 =	vpop (erf)  }
0x1fc: {  	v9 =	vmul.f32 v28, v9;
	v33 =	vadd.f32 $1.000000000e+00, v56;
	v52 =	vpop (erf);
	(erf) = vrcp.f32 v39  }
0x1fd: {  	v8 =	vmul.f32 v49, v8;
	v35 =	vadd.f32 $1.000000000e+00, v57;
	v53 =	vpop (erf);
	(erf) = vrcp.f32 v34  }
0x1fe: {  	[tilespmem:s22+$0x1CF00] =	vst v9;
	v9 =	vmul.f32 v61, v14;
	v28 =	vadd.f32 $1.000000000e+00, v53;
	v54 =	vpop (erf);
	(erf) = vrcp.f32 v33  }
0x1ff: {  	[tilespmem:s22+$0x1CF10] =	vst v8;
	v8 =	vmul.f32 v30, v15;
	v55 =	vadd.f32 $1.000000000e+00, v54;
	(erf) = vrcp.f32 v35  }
0x200: {  	[tilespmem:s23+$0x1CED0] =	vst v9;
	v9 =	vmul.f32 v52, v29;
	v14 =	vpop (erf);
	(erf) = vrcp.f32 v28  }
0x201: {  	[tilespmem:s23+$0x1CEE0] =	vst v8;
	v15 =	vpop (erf);
	(erf) = vrcp.f32 v55  }
0x202: {  	[tilespmem:s11+$0x1CF20] =	vst v9;
	v9 =	vmul.f32 v50, v22;
	v28 =	vadd.f32 $1.000000000e+00, v59;
	v29 =	vpop (erf)  }
0x203: {  	v8 =	vmul.f32 v48, v21;
	v14 =	vadd.f32 $1.000000000e+00, v14;
	v21 =	vpop (erf)  }
0x204: {  	v15 =	vadd.f32 $1.000000000e+00, v15;
	[tilespmem:s29+$0x1CEC0] =	vst v9;
	v9 =	vmul.f32 v47, v11;
	(erf) = vrcp.f32 v28;
	v22 =	vpop (erf)  }
0x205: {  	[tilespmem:s29+$0x1CEB0] =	vst v8;
	v8 =	vmul.f32 v45, v12;
	v12 =	vpop (erf);
	(erf) = vrcp.f32 v14  }
0x206: {  	[tilespmem:s23+$0x1CF00] =	vst v9;
	v11 =	vpop (erf);
	(erf) = vrcp.f32 v15;
	v9 =	vmul.f32 v12, v26  }
0x207: {  	v28 =	vadd.f32 $1.000000000e+00, v29;
	[tilespmem:s23+$0x1CEF0] =	vst v8;
	v8 =	vmul.f32 v51, v13;
	v13 =	vpop (erf)  }
0x208: {  	v14 =	vadd.f32 $1.000000000e+00, v21;
	v12 =	vpop (erf)  }
0x209: {  	[tilespmem:s23+$0x1CF10] =	vst v8;
	v15 =	vadd.f32 $1.000000000e+00, v22;
	(erf) = vrcp.f32 v28;
	v8 =	vmul.f32 v11, v20;
	v11 =	vpop (erf)  }
0x20a: {  	(erf) = vrcp.f32 v14;
	[tilespmem:s29+$0x1CED0] =	vst v9;
	v9 =	vpop (erf);
	v11 =	vmul.f32 v11, v17  }
0x20b: {  	(erf) = vrcp.f32 v15;
	[tilespmem:s29+$0x1CEE0] =	vst v8;
	v8 =	vmul.f32 v9, v10  }
0x20c: {  	v9 =	vmul.f32 v13, v18;
	[tilespmem:s11+$0x1CEB0] =	vst v11  }
0x20d: {  	v10 =	vpop (erf);
	[tilespmem:s11+$0x1CEC0] =	vst v8;
	v8 =	vmul.f32 v12, v19  }
0x20e: {  	[tilespmem:s29+$0x1CEF0] =	vst v9;
	v9 =	vmul.f32 v10, v27;
	v10 =	vpop (erf)  }
0x20f: {  	[tilespmem:s29+$0x1CF00] =	vst v8;
	v8 =	vmul.f32 v10, v31;
	v10 =	vpop (erf)  }
0x210: {  	[tilespmem:s29+$0x1CF10] =	vst v9;
	v9 =	vmul.f32 v10, v24;
	_ =	sdelay $0x1  }
0x211: {  	v10 =	vpop (erf)  }
0x212: {  	[tilespmem:s11+$0x1CED0] =	vst v8;
	v10 =	vmul.f32 v10, v16;
	v8 =	vpop (erf)  }
0x213: {  	[tilespmem:s11+$0x1CEE0] =	vst v9;
	v9 =	vpop (erf);
	v8 =	vmul.f32 v8, v23  }
0x214: {  	[tilespmem:s11+$0x1CEF0] =	vst v10;
	v9 =	vmul.f32 v9, v25  }
0x215: {  	[tilespmem:s11+$0x1CF00] =	vst v8  }
0x216: {  	s12 =	simm.s32 $0x29B0;
	[tilespmem:s11+$0x1CF10] =	vst v9;
	s11 =	simm.s32 $0x2EB0  }
0x217: {  	[tilespmem:s11], [sflag:$0x3] =	stream.indirect.gather [spmem:s5], $0x80, s12, s28, $0xb8;
	[tilespmem:$0x1EF30] =	vst v63  }
0x218: {  	s22 =	simm.s32 $0x4EB0;
	s23 =	simm.s32 $0x2BB0  }
0x219: {  	[tilespmem:s22], [sflag:$0x3] =	stream.indirect.gather [spmem:s6], $0x80, s23, s28, $0xb8;
	[tilespmem:$0x1EF30] =	vst v63  }
0x21a: {  	s12 =	simm.s32 $0x6EB0;
	s22 =	simm.s32 $0x2DB0  }
0x21b: {  	[tilespmem:s12], [sflag:$0x3] =	stream.indirect.gather [spmem:s7], $0x80, s22, s28, $0xb8;
	[tilespmem:$0x1EF30] =	vst v63  }
0x21c: {  	s23 =	simm.s32 $0x0  }
0x21d: {  	[hbm4b:s13+s23] =	stream.linear.scatter [tilespmem:s0], [sflag:$0x8], $0x2000, $0x38;
	[tilespmem:$0x1EF30] =	vst v63  }
0x21e: {  	_ =	swait.ge [sflag:s2], $0x2000  }
0x21f: {  	[sflag:s2] =	ssyncset.done $0x0  }
0x220: {  	[sflag:s2] =	ssyncadd.s32 $0xFFFFE000  }
0x221: {  	_ =	swait.ge [sflag:s2], $0x2000  }
0x222: {  	[sflag:s2] =	ssyncset.done $0x0  }
0x223: {  	[sflag:s2] =	ssyncadd.s32 $0xFFFFE000  }
0x224: {  	_ =	swait.ge [sflag:s2], $0x2000  }
0x225: {  	[sflag:s2] =	ssyncset.done $0x0  }
0x226: {  	[sflag:s2] =	ssyncadd.s32 $0xFFFFE000  }
0x227: {  	_ =	swait.ge [sflag:s24], $0x2000  }
0x228: {  	[sflag:s24] =	ssyncset.done $0x0  }
0x229: {  	s9 =	simm.s32 $0x0;
	[sflag:s24] =	ssyncadd.s32 $0xFFFFE000  }
0x22a: {  	v8 =	vld [tilespmem:s9+$0xEF20]  }
0x22b: {  	v9 =	vld [tilespmem:s9+$0x10F20];
	_ =	sdelay $0x1  }
0x22c: {  	v11 =	vld [tilespmem:s9+$0x12F20]  }
0x22d: {  	v10 =	vld [tilespmem:s9+$0xEEB0]  }
0x22e: {  	v12 =	vld [tilespmem:s9+$0x10EB0]  }
0x22f: {  	v13 =	vld [tilespmem:s9+$0xEEC0];
	v8 =	vadd.f32 v9, v8  }
0x230: {  	v14 =	vld [tilespmem:s9+$0x10EC0]  }
0x231: {  	v15 =	vld [tilespmem:s9+$0x10ED0];
	v8 =	vadd.f32 v11, v8  }
0x232: {  	v16 =	vld [tilespmem:s9+$0x10EE0]  }
0x233: {  	v17 =	vld [tilespmem:s9+$0xEEF0];
	v8 =	vadd.f32 v8, v7  }
0x234: {  	v18 =	vld [tilespmem:s9+$0x10EF0]  }
0x235: {  	v20 =	vld [tilespmem:s9+$0xEF00];
	v19 =	vsub.f32 $0.0e+00, v8  }
0x236: {  	v21 =	vld [tilespmem:s9+$0x10F00]  }
0x237: {  	v22 =	vld [tilespmem:s9+$0xEF10];
	v19 =	vmul.f32 $1.442695020e+00, v19  }
0x238: {  	v23 =	vld [tilespmem:s9+$0x10F10]  }
0x239: {  	v24 =	vld [tilespmem:s9+$0x12EC0];
	(erf) = vpow2.f32 v19  }
0x23a: {  	v25 =	vld [tilespmem:s9+$0x12ED0]  }
0x23b: {  	v26 =	vld [tilespmem:s9+$0x12EE0]  }
0x23c: {  	v9 =	vld [tilespmem:s9+$0xEED0]  }
0x23d: {  	v11 =	vld [tilespmem:s9+$0xEEE0]  }
0x23e: {  	v19 =	vld [tilespmem:s9+$0x12EB0]  }
0x23f: {  	s22 =	simm.s32 $0x80;
	v27 =	vld [tilespmem:s9+$0x12EF0]  }
0x240: {  	v30 =	vld [tilespmem:s22+$0xEF20]  }
0x241: {  	v31 =	vld [tilespmem:s22+$0x10F20];
	v10 =	vadd.f32 v12, v10;
	v13 =	vadd.f32 v14, v13  }
0x242: {  	v28 =	vld [tilespmem:s9+$0x12F00];
	v9 =	vadd.f32 v15, v9;
	v11 =	vadd.f32 v16, v11;
	v12 =	vpop (erf)  }
0x243: {  	v10 =	vadd.f32 v19, v10;
	v19 =	vld [tilespmem:s22+$0x12F20];
	v12 =	vadd.f32 $1.000000000e+00, v12  }
0x244: {  	v29 =	vld [tilespmem:s9+$0x12F10];
	v17 =	vadd.f32 v18, v17;
	v9 =	vadd.f32 v25, v9  }
0x245: {  	v56 =	vld [tilespmem:s22+$0xEEB0];
	v11 =	vadd.f32 v26, v11;
	v14 =	vadd.f32 v10, v6;
	(erf) = vrcp.f32 v12  }
0x246: {  	v57 =	vld [tilespmem:s22+$0x10EE0];
	v12 =	vadd.f32 v24, v13;
	v24 =	vadd.f32 v31, v30  }
0x247: {  	v60 =	vld [tilespmem:s22+$0x10EF0];
	v11 =	vadd.f32 v11, v4;
	v26 =	vsub.f32 $0.0e+00, v14  }
0x248: {  	v62 =	vld [tilespmem:s22+$0xEF00];
	v13 =	vadd.f32 v12, v5;
	v19 =	vadd.f32 v19, v24  }
0x249: {  	v18 =	vld [tilespmem:s22+$0x10F00];
	v58 =	vsub.f32 $0.0e+00, v11;
	v12 =	vadd.f32 v9, v3  }
0x24a: {  	v15 =	vld [tilespmem:s22+$0x10EB0];
	v26 =	vmul.f32 $1.442695020e+00, v26;
	v30 =	vsub.f32 $0.0e+00, v13;
	v59 =	vadd.f32 v19, v7  }
0x24b: {  	v16 =	vld [tilespmem:s22+$0x10EC0];
	v31 =	vsub.f32 $0.0e+00, v12  }
0x24c: {  	v25 =	vld [tilespmem:s22+$0xEED0];
	v34 =	vmul.f32 $1.442695020e+00, v58;
	v30 =	vmul.f32 $1.442695020e+00, v30;
	v61 =	vsub.f32 $0.0e+00, v59  }
0x24d: {  	v10 =	vld [tilespmem:s22+$0xEEC0];
	(erf) = vpow2.f32 v26;
	v31 =	vmul.f32 $1.442695020e+00, v31  }
0x24e: {  	v20 =	vadd.f32 v21, v20;
	v9 =	vld [tilespmem:s22+$0x10ED0];
	(erf) = vpow2.f32 v30;
	v21 =	vmul.f32 $1.442695020e+00, v61;
	v26 =	vpop (erf)  }
0x24f: {  	v24 =	vld [tilespmem:s22+$0xEEE0];
	(erf) = vpow2.f32 v31;
	v8 =	vmul.f32 v26, v8  }
0x250: {  	v22 =	vadd.f32 v23, v22;
	v17 =	vadd.f32 v27, v17;
	v19 =	vld [tilespmem:s22+$0xEEF0];
	(erf) = vpow2.f32 v34  }
0x251: {  	v26 =	vld [tilespmem:s22+$0xEF10];
	(erf) = vpow2.f32 v21;
	[tilespmem:s9+$0x1AF20] =	vst v8;
	v8 =	vadd.f32 v28, v20  }
0x252: {  	v20 =	vadd.f32 v29, v22;
	v22 =	vadd.f32 v17, v1;
	v23 =	vld [tilespmem:s22+$0x10F10]  }
0x253: {  	v17 =	vld [tilespmem:s22+$0x12EB0];
	v21 =	vadd.f32 v8, v2  }
0x254: {  	v28 =	vld [tilespmem:s22+$0x12ED0];
	v20 =	vadd.f32 v20, v0;
	v27 =	vsub.f32 $0.0e+00, v22  }
0x255: {  	v30 =	vld [tilespmem:s22+$0x12EE0];
	v29 =	vsub.f32 $0.0e+00, v21  }
0x256: {  	v47 =	vadd.f32 v18, v62;
	v44 =	vpop (erf);
	v8 =	vld [tilespmem:s22+$0x12EC0];
	v31 =	vsub.f32 $0.0e+00, v20;
	v27 =	vmul.f32 $1.442695020e+00, v27  }
0x257: {  	s23 =	simm.s32 $0x100;
	v15 =	vadd.f32 v15, v56;
	v10 =	vadd.f32 v16, v10;
	v63 =	vld [tilespmem:s22+$0x12EF0];
	v45 =	vpop (erf);
	v16 =	vmul.f32 $1.442695020e+00, v29  }
0x258: {  	v9 =	vadd.f32 v9, v25;
	v46 =	vld [tilespmem:s23+$0xEF20];
	v31 =	vmul.f32 $1.442695020e+00, v31;
	(erf) = vpow2.f32 v27;
	v39 =	vpop (erf)  }
0x259: {  	v33 =	vadd.f32 v57, v24;
	v48 =	vld [tilespmem:s23+$0x12F20];
	v37 =	vpop (erf);
	(erf) = vpow2.f32 v16;
	v16 =	vadd.f32 $1.000000000e+00, v44  }
0x25a: {  	v19 =	vadd.f32 v60, v19;
	v27 =	vld [tilespmem:s22+$0x12F10];
	v24 =	vadd.f32 $1.000000000e+00, v45;
	v25 =	vpop (erf);
	(erf) = vpow2.f32 v31  }
0x25b: {  	v8 =	vadd.f32 v8, v10;
	v31 =	vld [tilespmem:s23+$0x10F20];
	(erf) = vrcp.f32 v16;
	v16 =	vadd.f32 $1.000000000e+00, v25  }
0x25c: {  	v29 =	vld [tilespmem:s22+$0x12F00];
	v15 =	vadd.f32 v17, v15;
	v10 =	vadd.f32 v23, v26;
	(erf) = vrcp.f32 v24  }
0x25d: {  	v34 =	vld [tilespmem:s23+$0x10EE0];
	v24 =	vadd.f32 v8, v5;
	v8 =	vadd.f32 v30, v33;
	(erf) = vrcp.f32 v16  }
0x25e: {  	v40 =	vld [tilespmem:s23+$0xEEF0];
	v9 =	vadd.f32 v28, v9;
	v23 =	vadd.f32 v63, v19  }
0x25f: {  	v53 =	vld [tilespmem:s23+$0x10EF0];
	v19 =	vadd.f32 v8, v4;
	v8 =	vadd.f32 v27, v10  }
0x260: {  	v35 =	vld [tilespmem:s23+$0x10F00];
	v10 =	vadd.f32 v23, v1;
	v23 =	vadd.f32 v31, v46  }
0x261: {  	v57 =	vld [tilespmem:s23+$0xEF10];
	v18 =	vadd.f32 v9, v3;
	v9 =	vadd.f32 v29, v47;
	v29 =	vpop (erf)  }
0x262: {  	v17 =	vld [tilespmem:s23+$0xEEB0];
	v25 =	vadd.f32 v15, v6;
	v23 =	vadd.f32 v48, v23;
	v30 =	vpop (erf)  }
0x263: {  	v28 =	vld [tilespmem:s23+$0xEED0];
	v51 =	vsub.f32 $0.0e+00, v18;
	v32 =	vpop (erf)  }
0x264: {  	v26 =	vld [tilespmem:s23+$0x10EC0];
	v49 =	vsub.f32 $0.0e+00, v25;
	v9 =	vadd.f32 v9, v2;
	v36 =	vpop (erf)  }
0x265: {  	v15 =	vld [tilespmem:s23+$0x10EB0];
	v41 =	vmul.f32 $1.442695020e+00, v51;
	v50 =	vsub.f32 $0.0e+00, v24;
	v8 =	vadd.f32 v8, v0;
	v52 =	vpop (erf)  }
0x266: {  	v16 =	vld [tilespmem:s23+$0xEEC0];
	v33 =	vmul.f32 $1.442695020e+00, v49;
	v54 =	vsub.f32 $0.0e+00, v19;
	v45 =	vadd.f32 v23, v7;
	v23 =	vpop (erf)  }
0x267: {  	v27 =	vld [tilespmem:s23+$0x10ED0];
	v38 =	vmul.f32 $1.442695020e+00, v50;
	v55 =	vsub.f32 $0.0e+00, v10;
	v23 =	vmul.f32 v23, v59  }
0x268: {  	v31 =	vld [tilespmem:s23+$0xEEE0];
	(erf) = vpow2.f32 v33;
	v44 =	vmul.f32 $1.442695020e+00, v54;
	v56 =	vsub.f32 $0.0e+00, v45  }
0x269: {  	v46 =	vld [tilespmem:s23+$0xEF00];
	v58 =	vsub.f32 $0.0e+00, v9;
	v47 =	vmul.f32 $1.442695020e+00, v55;
	(erf) = vpow2.f32 v38;
	[tilespmem:s22+$0x1AF20] =	vst v23  }
0x26a: {  	(erf) = vpow2.f32 v41;
	v59 =	vmul.f32 $1.442695020e+00, v56;
	v60 =	vld [tilespmem:s23+$0x10F10]  }
0x26b: {  	v61 =	vmul.f32 $1.442695020e+00, v58;
	(erf) = vpow2.f32 v44;
	v23 =	vsub.f32 $0.0e+00, v8;
	v62 =	vld [tilespmem:s23+$0x12EB0]  }
0x26c: {  	v14 =	vmul.f32 v36, v14;
	(erf) = vpow2.f32 v59;
	v63 =	vld [tilespmem:s23+$0x12EC0]  }
0x26d: {  	v39 =	vadd.f32 $1.000000000e+00, v39;
	(erf) = vpow2.f32 v47;
	v49 =	vld [tilespmem:s23+$0x12ED0];
	v23 =	vmul.f32 $1.442695020e+00, v23  }
0x26e: {  	v13 =	vmul.f32 v52, v13;
	v50 =	vld [tilespmem:s23+$0x12EE0];
	[tilespmem:s9+$0x1AEB0] =	vst v14;
	v14 =	vadd.f32 $1.000000000e+00, v37;
	(erf) = vpow2.f32 v61  }
0x26f: {  	(erf) = vpow2.f32 v23  }
0x270: {  	v53 =	vadd.f32 v53, v40;
	v23 =	vld [tilespmem:s23+$0x12EF0];
	[tilespmem:s9+$0x1AEC0] =	vst v13;
	v13 =	vadd.f32 v15, v17;
	(erf) = vrcp.f32 v39  }
0x271: {  	v51 =	vpop (erf);
	v15 =	vadd.f32 v26, v16;
	v16 =	vadd.f32 $1.000000000e+00, v29  }
0x272: {  	v30 =	vadd.f32 $1.000000000e+00, v30;
	v32 =	vadd.f32 $1.000000000e+00, v32;
	(erf) = vrcp.f32 v14;
	v14 =	vpop (erf)  }
0x273: {  	v37 =	vadd.f32 $1.000000000e+00, v51;
	v17 =	vadd.f32 v27, v28;
	v28 =	vpop (erf)  }
0x274: {  	v35 =	vadd.f32 v35, v46;
	v29 =	vadd.f32 v34, v31;
	v26 =	vld [tilespmem:s23+$0x12F00];
	v31 =	vpop (erf)  }
0x275: {  	s29 =	simm.s32 $0x180;
	v27 =	vld [tilespmem:s23+$0x12F10];
	v13 =	vadd.f32 v62, v13;
	v15 =	vadd.f32 v63, v15;
	(erf) = vrcp.f32 v16;
	v16 =	vpop (erf)  }
0x276: {  	v52 =	vld [tilespmem:s29+$0xEF20];
	v33 =	vadd.f32 v60, v57;
	v14 =	vadd.f32 $1.000000000e+00, v14;
	(erf) = vrcp.f32 v30;
	v30 =	vpop (erf)  }
0x277: {  	v54 =	vld [tilespmem:s29+$0x10F20];
	v36 =	vadd.f32 v49, v17;
	v17 =	vadd.f32 v15, v5;
	(erf) = vrcp.f32 v37;
	v37 =	vpop (erf)  }
0x278: {  	v55 =	vld [tilespmem:s29+$0xEEB0];
	v23 =	vadd.f32 v23, v53;
	(erf) = vrcp.f32 v14;
	v14 =	vadd.f32 $1.000000000e+00, v16;
	v41 =	vpop (erf)  }
0x279: {  	v59 =	vld [tilespmem:s29+$0x12F20];
	v16 =	vadd.f32 v13, v6;
	v26 =	vadd.f32 v26, v35;
	(erf) = vrcp.f32 v32;
	v13 =	vpop (erf)  }
0x27a: {  	v60 =	vld [tilespmem:s29+$0x10EB0];
	(erf) = vrcp.f32 v14;
	v12 =	vmul.f32 v13, v12;
	v13 =	vadd.f32 v50, v29  }
0x27b: {  	v61 =	vld [tilespmem:s29+$0x10EC0];
	v62 =	vsub.f32 $0.0e+00, v17;
	v14 =	vadd.f32 v36, v3;
	v15 =	vpop (erf)  }
0x27c: {  	v32 =	vld [tilespmem:s29+$0xEEC0];
	v11 =	vmul.f32 v15, v11;
	v15 =	vadd.f32 v13, v4;
	v13 =	vadd.f32 v27, v33  }
0x27d: {  	v29 =	vld [tilespmem:s29+$0xEED0];
	[tilespmem:s9+$0x1AED0] =	vst v12;
	v12 =	vadd.f32 v23, v1;
	v23 =	vsub.f32 $0.0e+00, v16  }
0x27e: {  	v33 =	vpop (erf);
	v35 =	vld [tilespmem:s29+$0x10ED0];
	[tilespmem:s9+$0x1AEE0] =	vst v11;
	v11 =	vadd.f32 v26, v2;
	v26 =	vadd.f32 v54, v52  }
0x27f: {  	v42 =	vadd.f32 v60, v55;
	v63 =	vsub.f32 $0.0e+00, v14;
	v36 =	vpop (erf)  }
0x280: {  	v40 =	vmul.f32 $1.442695020e+00, v62;
	v27 =	vld [tilespmem:s29+$0xEEE0];
	v34 =	vpop (erf);
	v56 =	vmul.f32 $1.442695020e+00, v23;
	v23 =	vadd.f32 v59, v26  }
0x281: {  	v38 =	vadd.f32 v61, v32;
	v46 =	vmul.f32 $1.442695020e+00, v63;
	v39 =	vld [tilespmem:s29+$0x10EE0];
	v57 =	vsub.f32 $0.0e+00, v15;
	v47 =	vpop (erf)  }
0x282: {  	v22 =	vmul.f32 v33, v22;
	v13 =	vadd.f32 v13, v0;
	v48 =	vld [tilespmem:s29+$0xEEF0];
	v26 =	vpop (erf);
	v23 =	vadd.f32 v23, v7  }
0x283: {  	v43 =	vld [tilespmem:s29+$0x10EF0];
	v58 =	vsub.f32 $0.0e+00, v12;
	v21 =	vmul.f32 v36, v21;
	v50 =	vmul.f32 $1.442695020e+00, v57;
	v59 =	vpop (erf)  }
0x284: {  	v52 =	vld [tilespmem:s29+$0xEF00];
	(erf) = vpow2.f32 v56;
	v44 =	vmul.f32 v59, v45;
	v61 =	vsub.f32 $0.0e+00, v23  }
0x285: {  	v32 =	vld [tilespmem:s29+$0xEF10];
	v60 =	vsub.f32 $0.0e+00, v11;
	v51 =	vmul.f32 $1.442695020e+00, v58;
	(erf) = vpow2.f32 v40  }
0x286: {  	v35 =	vadd.f32 v35, v29;
	(erf) = vpow2.f32 v46;
	v45 =	vld [tilespmem:s29+$0x10F00];
	[tilespmem:s23+$0x1AF20] =	vst v44;
	v29 =	vmul.f32 $1.442695020e+00, v61  }
0x287: {  	v62 =	vsub.f32 $0.0e+00, v13;
	v24 =	vmul.f32 v47, v24;
	(erf) = vpow2.f32 v50;
	v57 =	vld [tilespmem:s29+$0x12EB0]  }
0x288: {  	v55 =	vadd.f32 $1.000000000e+00, v30;
	v53 =	vmul.f32 $1.442695020e+00, v60;
	(erf) = vpow2.f32 v29  }
0x289: {  	v37 =	vadd.f32 $1.000000000e+00, v37;
	v44 =	vmul.f32 $1.442695020e+00, v62;
	v63 =	vld [tilespmem:s29+$0x10F10];
	(erf) = vpow2.f32 v51  }
0x28a: {  	v25 =	vmul.f32 v34, v25;
	v58 =	vadd.f32 $1.000000000e+00, v28;
	v59 =	vld [tilespmem:s29+$0x12EC0];
	(erf) = vpow2.f32 v53  }
0x28b: {  	v60 =	vadd.f32 $1.000000000e+00, v31;
	v39 =	vadd.f32 v39, v27;
	v54 =	vld [tilespmem:s29+$0x12ED0];
	(erf) = vpow2.f32 v44  }
0x28c: {  	v27 =	vadd.f32 v43, v48;
	v61 =	vld [tilespmem:s29+$0x12EE0];
	[tilespmem:s22+$0x1AEB0] =	vst v25;
	(erf) = vrcp.f32 v58;
	v25 =	vadd.f32 v57, v42  }
0x28d: {  	v29 =	vadd.f32 $1.000000000e+00, v41;
	v31 =	vld [tilespmem:s29+$0x12EF0];
	[tilespmem:s22+$0x1AEC0] =	vst v24;
	v28 =	vadd.f32 v45, v52;
	v24 =	vpop (erf);
	(erf) = vrcp.f32 v60  }
0x28e: {  	v62 =	vadd.f32 $1.000000000e+00, v24;
	v24 =	vpop (erf);
	v30 =	vadd.f32 v63, v32;
	v32 =	vld [tilespmem:s29+$0x12F00];
	[tilespmem:s9+$0x1AEF0] =	vst v22;
	(erf) = vrcp.f32 v55  }
0x28f: {  	v22 =	vadd.f32 v59, v38;
	v63 =	vadd.f32 $1.000000000e+00, v24;
	v24 =	vpop (erf);
	v34 =	vld [tilespmem:s29+$0x12F10];
	(erf) = vrcp.f32 v37  }
0x290: {  	s11 =	simm.s32 $0x200;
	v35 =	vadd.f32 v54, v35;
	[tilespmem:s9+$0x1AF00] =	vst v21;
	v21 =	vadd.f32 v25, v6;
	(erf) = vrcp.f32 v62;
	v25 =	vpop (erf)  }
0x291: {  	s12 =	simm.s32 $0xA00;
	v36 =	vadd.f32 v61, v39;
	v33 =	vld [tilespmem:s11+$0xEF20];
	v22 =	vadd.f32 v22, v5;
	v37 =	vpop (erf);
	(erf) = vrcp.f32 v63  }
.LBB2_6:
0x292: {  	p1 =	sne.s32 s12, $0x7E00;
	v38 =	vld [tilespmem:s11+$0x10F20];
	v27 =	vadd.f32 v31, v27;
	v39 =	vadd.f32 $1.000000000e+00, v37;
	v37 =	vpop (erf);
	(erf) = vrcp.f32 v29  }
0x293: {  	v35 =	vadd.f32 v35, v3;
	v20 =	vmul.f32 v26, v20;
	v29 =	vld [tilespmem:s11+$0xEEB0];
	v41 =	vadd.f32 v32, v28;
	v32 =	vpop (erf)  }
0x294: {  	v36 =	vadd.f32 v36, v4;
	v26 =	vld [tilespmem:s11+$0x12F20];
	v30 =	vadd.f32 v34, v30;
	(erf) = vrcp.f32 v39;
	v31 =	vpop (erf)  }
0x295: {  	v40 =	vmov v9;
	v39 =	vadd.f32 v27, v1;
	v34 =	vld [tilespmem:s11+$0x10EB0];
	v27 =	vadd.f32 v41, v2;
	v28 =	vpop (erf);
	[tilespmem:s9+$0x1AF10] =	vst v20;
	s9 =	smov.u32 s22;
	s22 =	smov.u32 s23;
	s23 =	smov.u32 s29  }
0x296: {  	v20 =	vsub.f32 $0.0e+00, v21;
	s29 =	smov.u32 s11;
	v9 =	vld [tilespmem:s11+$0xEEC0];
	v30 =	vadd.f32 v30, v0;
	v18 =	vmul.f32 v28, v18;
	v28 =	vpop (erf)  }
0x297: {  	v41 =	vld [tilespmem:s29+$0x10EC0];
	v33 =	vadd.f32 v38, v33;
	v38 =	vsub.f32 $0.0e+00, v22;
	v19 =	vmul.f32 v28, v19;
	v42 =	vpop (erf)  }
0x298: {  	v43 =	vsub.f32 $0.0e+00, v35;
	v44 =	vsub.f32 $0.0e+00, v36;
	v20 =	vmul.f32 $1.442695020e+00, v20;
	v28 =	vld [tilespmem:s29+$0xEED0];
	[tilespmem:s9+$0x1AED0] =	vst v18;
	v45 =	vpop (erf)  }
0x299: {  	v46 =	vld [tilespmem:s29+$0x10ED0];
	v54 =	vadd.f32 v26, v33;
	v33 =	vmul.f32 $1.442695020e+00, v38;
	v38 =	vsub.f32 $0.0e+00, v39;
	v47 =	vpop (erf);
	[tilespmem:s9+$0x1AEE0] =	vst v19  }
0x29a: {  	v43 =	vmul.f32 $1.442695020e+00, v43;
	v55 =	vsub.f32 $0.0e+00, v27;
	v34 =	vadd.f32 v34, v29;
	v29 =	vld [tilespmem:s29+$0xEEE0];
	v48 =	vpop (erf)  }
0x29b: {  	v44 =	vmul.f32 $1.442695020e+00, v44;
	v51 =	vsub.f32 $0.0e+00, v30;
	v49 =	vld [tilespmem:s29+$0x10EE0];
	v50 =	vadd.f32 v54, v7;
	v26 =	vpop (erf)  }
0x29c: {  	v53 =	vmul.f32 $1.442695020e+00, v55;
	v18 =	vmovc v14;
	v14 =	vmovc v35;
	v38 =	vmul.f32 $1.442695020e+00, v38;
	v41 =	vadd.f32 v41, v9;
	v52 =	vld [tilespmem:s29+$0xEEF0]  }
0x29d: {  	v51 =	vmul.f32 $1.442695020e+00, v51;
	v35 =	vld [tilespmem:s29+$0x10EF0];
	v54 =	vsub.f32 $0.0e+00, v50;
	(erf) = vpow2.f32 v20;
	v19 =	vpop (erf)  }
0x29e: {  	v46 =	vadd.f32 v46, v28;
	v28 =	vld [tilespmem:s29+$0xEF00];
	v55 =	vmul.f32 v19, v23;
	(erf) = vpow2.f32 v33;
	v19 =	vmovc v15;
	v15 =	vmovc v36  }
0x29f: {  	v24 =	vadd.f32 $1.000000000e+00, v24;
	v9 =	vmovc v11;
	v11 =	vmovc v27;
	v33 =	vld [tilespmem:s29+$0x10F00];
	v54 =	vmul.f32 $1.442695020e+00, v54;
	(erf) = vpow2.f32 v43  }
0x2a0: {  	v25 =	vadd.f32 $1.000000000e+00, v25;
	v20 =	vmovc v8;
	v8 =	vmovc v13;
	v36 =	vadd.f32 v49, v29;
	v43 =	vld [tilespmem:s29+$0xEF10];
	[tilespmem:s23+$0x1AF20] =	vst v55;
	(erf) = vpow2.f32 v44  }
0x2a1: {  	v37 =	vadd.f32 $1.000000000e+00, v37;
	v13 =	vmovc v30;
	v23 =	vmovc v50;
	v49 =	vadd.f32 $1.000000000e+00, v32;
	v44 =	vld [tilespmem:s29+$0x10F10];
	(erf) = vpow2.f32 v54  }
0x2a2: {  	v29 =	vadd.f32 $1.000000000e+00, v31;
	v32 =	vld [tilespmem:s29+$0x12EB0];
	v27 =	vadd.f32 v35, v52;
	(erf) = vpow2.f32 v38  }
0x2a3: {  	v30 =	vmul.f32 v47, v16;
	v16 =	vmov v21;
	v35 =	vld [tilespmem:s29+$0x12EC0];
	(erf) = vpow2.f32 v53  }
0x2a4: {  	v21 =	vmul.f32 v48, v17;
	v17 =	vmovc v22;
	v38 =	vld [tilespmem:s29+$0x12ED0];
	v28 =	vadd.f32 v33, v28;
	(erf) = vpow2.f32 v51  }
0x2a5: {  	v22 =	vmul.f32 v42, v10;
	v10 =	vmovc v12;
	v12 =	vmov v39;
	v47 =	vld [tilespmem:s29+$0x12EE0];
	[tilespmem:s22+$0x1AEB0] =	vst v30;
	(erf) = vrcp.f32 v24  }
.Ltmp2:
0x2a6: {  	v31 =	vld [tilespmem:s29+$0x12EF0];
	v30 =	vadd.f32 v44, v43;
	v24 =	vpop (erf);
	[tilespmem:s22+$0x1AEC0] =	vst v21;
	(erf) = vrcp.f32 v25;
	v21 =	vmul.f32 v45, v40;
	(pc) =	sbr.rel @p1 .LBB2_6-.Ltmp2, $4  }
0x2a7: {  	v40 =	vadd.f32 v32, v34;
	v32 =	vld [tilespmem:s29+$0x12F00];
	v33 =	vadd.f32 $1.000000000e+00, v24;
	v24 =	vpop (erf);
	(erf) = vrcp.f32 v37;
	[tilespmem:s9+$0x1AEF0] =	vst v22  }
0x2a8: {  	v22 =	vadd.f32 v35, v41;
	v34 =	vld [tilespmem:s29+$0x12F10];
	v39 =	vadd.f32 $1.000000000e+00, v24;
	v24 =	vpop (erf);
	(erf) = vrcp.f32 v49;
	[tilespmem:s9+$0x1AF00] =	vst v21  }
0x2a9: {  	s11 =	sshra.s32 s12, $0x2;
	v21 =	vadd.f32 v40, v6;
	v35 =	vadd.f32 v38, v46;
	(erf) = vrcp.f32 v33;
	v25 =	vpop (erf)  }
0x2aa: {  	s12 =	sadd.s32 $0x200, s12;
	v33 =	vld [tilespmem:s11+$0xEF20];
	v22 =	vadd.f32 v22, v5;
	v36 =	vadd.f32 v47, v36;
	v37 =	vpop (erf);
	(erf) = vrcp.f32 v39  }
0x2ab: {  	v20 =	vmul.f32 v26, v20  }
0x2ac: {  	v38 =	vld [tilespmem:s11+$0x10F20];
	v40 =	vpop (erf);
	v26 =	vadd.f32 $1.000000000e+00, v37  }
0x2ad: {  	v39 =	vld [tilespmem:s11+$0xEEB0];
	(erf) = vrcp.f32 v29;
	v42 =	vpop (erf)  }
0x2ae: {  	v41 =	vld [tilespmem:s11+$0x12F20];
	v37 =	vpop (erf);
	(erf) = vrcp.f32 v26  }
0x2af: {  	v43 =	vld [tilespmem:s11+$0x10EB0];
	v27 =	vadd.f32 v31, v27;
	v24 =	vadd.f32 $1.000000000e+00, v24;
	[tilespmem:s9+$0x1AF10] =	vst v20;
	v20 =	vpop (erf)  }
0x2b0: {  	v25 =	vadd.f32 $1.000000000e+00, v25;
	v29 =	vadd.f32 v32, v28;
	v44 =	vld [tilespmem:s11+$0xEEC0];
	v18 =	vmul.f32 v20, v18;
	v20 =	vpop (erf)  }
0x2b1: {  	v62 =	vsub.f32 $0.0e+00, v22;
	v26 =	vadd.f32 v35, v3;
	v45 =	vld [tilespmem:s11+$0x10EC0];
	v19 =	vmul.f32 v20, v19  }
0x2b2: {  	v30 =	vadd.f32 v34, v30;
	v42 =	vadd.f32 $1.000000000e+00, v42;
	v46 =	vld [tilespmem:s11+$0xEED0];
	v32 =	vpop (erf);
	[tilespmem:s22+$0x1AED0] =	vst v18  }
0x2b3: {  	v18 =	vadd.f32 v27, v1;
	v27 =	vadd.f32 v38, v33;
	v28 =	vpop (erf);
	v31 =	vld [tilespmem:s11+$0x10ED0];
	[tilespmem:s22+$0x1AEE0] =	vst v19  }
0x2b4: {  	v37 =	vadd.f32 $1.000000000e+00, v37;
	v48 =	vsub.f32 $0.0e+00, v26;
	v34 =	vpop (erf);
	v33 =	vld [tilespmem:s11+$0xEEE0]  }
0x2b5: {  	v39 =	vadd.f32 v43, v39;
	v61 =	vld [tilespmem:s11+$0x10EE0];
	v38 =	vadd.f32 v41, v27;
	v41 =	vpop (erf)  }
0x2b6: {  	v19 =	vadd.f32 v29, v2;
	v29 =	vsub.f32 $0.0e+00, v21;
	v47 =	vld [tilespmem:s11+$0xEEF0];
	v49 =	vpop (erf)  }
0x2b7: {  	v20 =	vadd.f32 v36, v4;
	v36 =	vmul.f32 $1.442695020e+00, v62;
	v54 =	vmul.f32 $1.442695020e+00, v48;
	v50 =	vld [tilespmem:s11+$0x10EF0];
	v63 =	vpop (erf)  }
0x2b8: {  	v27 =	vadd.f32 v30, v0;
	v52 =	vld [tilespmem:s11+$0xEF00];
	v30 =	vmul.f32 $1.442695020e+00, v29;
	v23 =	vmul.f32 v63, v23  }
0x2b9: {  	v10 =	vmul.f32 v32, v10;
	v51 =	vsub.f32 $0.0e+00, v20;
	v29 =	vadd.f32 v38, v7;
	v38 =	vld [tilespmem:s11+$0x10F00]  }
0x2ba: {  	v53 =	vsub.f32 $0.0e+00, v18;
	v16 =	vmul.f32 v34, v16;
	(erf) = vpow2.f32 v30;
	v30 =	vld [tilespmem:s11+$0xEF10];
	[tilespmem:s29+$0x1AF20] =	vst v23  }
0x2bb: {  	v51 =	vmul.f32 $1.442695020e+00, v51;
	v17 =	vmul.f32 v41, v17;
	v55 =	vsub.f32 $0.0e+00, v29;
	v57 =	vld [tilespmem:s11+$0x10F10]  }
0x2bc: {  	v62 =	vadd.f32 $1.000000000e+00, v40;
	v58 =	vmul.f32 $1.442695020e+00, v53;
	(erf) = vpow2.f32 v36;
	v59 =	vld [tilespmem:s11+$0x12EB0]  }
0x2bd: {  	v56 =	vsub.f32 $0.0e+00, v19;
	(erf) = vpow2.f32 v54;
	v48 =	vmul.f32 $1.442695020e+00, v55;
	v60 =	vld [tilespmem:s11+$0x12EC0]  }
0x2be: {  	v23 =	vsub.f32 $0.0e+00, v27;
	v33 =	vadd.f32 v61, v33;
	(erf) = vpow2.f32 v51;
	v61 =	vld [tilespmem:s11+$0x12ED0]  }
0x2bf: {  	v44 =	vadd.f32 v45, v44;
	v36 =	vmul.f32 $1.442695020e+00, v56;
	v63 =	vld [tilespmem:s11+$0x12EE0];
	(erf) = vpow2.f32 v48  }
0x2c0: {  	v31 =	vadd.f32 v31, v46;
	[tilespmem:s23+$0x1AEB0] =	vst v16;
	v23 =	vmul.f32 $1.442695020e+00, v23;
	(erf) = vpow2.f32 v58  }
0x2c1: {  	v16 =	vadd.f32 v50, v47;
	v38 =	vadd.f32 v38, v52;
	v48 =	vld [tilespmem:s11+$0x12EF0];
	(erf) = vpow2.f32 v36  }
0x2c2: {  	[tilespmem:s23+$0x1AEC0] =	vst v17;
	v30 =	vadd.f32 v57, v30;
	(erf) = vpow2.f32 v23;
	v17 =	vadd.f32 v59, v39  }
0x2c3: {  	v23 =	vld [tilespmem:s11+$0x12F00];
	[tilespmem:s22+$0x1AEF0] =	vst v10;
	v10 =	vadd.f32 v60, v44;
	v31 =	vadd.f32 v61, v31;
	v50 =	vpop (erf);
	(erf) = vrcp.f32 v24  }
0x2c4: {  	v33 =	vadd.f32 v63, v33;
	v32 =	vadd.f32 $1.000000000e+00, v50;
	(erf) = vrcp.f32 v25;
	v25 =	vld [tilespmem:s11+$0x12F10]  }
0x2c5: {  	v17 =	vadd.f32 v17, v6;
	v10 =	vadd.f32 v10, v5  }
0x2c6: {  	v51 =	vpop (erf);
	v16 =	vadd.f32 v48, v16;
	v31 =	vadd.f32 v31, v3  }
0x2c7: {  	v24 =	vadd.f32 $1.000000000e+00, v51;
	v52 =	vpop (erf);
	(erf) = vrcp.f32 v62;
	v55 =	vsub.f32 $0.0e+00, v17  }
0x2c8: {  	v53 =	vpop (erf);
	(erf) = vrcp.f32 v42;
	v16 =	vadd.f32 v16, v1;
	v23 =	vadd.f32 v23, v38  }
0x2c9: {  	(erf) = vrcp.f32 v32;
	v54 =	vpop (erf);
	v25 =	vadd.f32 v25, v30;
	v30 =	vsub.f32 $0.0e+00, v10  }
0x2ca: {  	(erf) = vrcp.f32 v24;
	v32 =	vmul.f32 $1.442695020e+00, v55;
	v35 =	vadd.f32 $1.000000000e+00, v54  }
0x2cb: {  	v24 =	vadd.f32 v33, v4;
	(erf) = vrcp.f32 v37;
	v56 =	vpop (erf);
	v30 =	vmul.f32 $1.442695020e+00, v30  }
0x2cc: {  	v58 =	vsub.f32 $0.0e+00, v31;
	v62 =	vsub.f32 $0.0e+00, v16;
	v57 =	vpop (erf);
	(erf) = vrcp.f32 v35  }
0x2cd: {  	v23 =	vadd.f32 v23, v2;
	v60 =	vsub.f32 $0.0e+00, v24;
	v59 =	vpop (erf);
	(erf) = vpow2.f32 v32  }
0x2ce: {  	v36 =	vmul.f32 $1.442695020e+00, v58;
	v25 =	vadd.f32 v25, v0;
	v61 =	vpop (erf);
	(erf) = vpow2.f32 v30  }
0x2cf: {  	v63 =	vsub.f32 $0.0e+00, v23;
	v38 =	vmul.f32 $1.442695020e+00, v60;
	v30 =	vpop (erf)  }
0x2d0: {  	v40 =	vmul.f32 $1.442695020e+00, v62;
	v46 =	vsub.f32 $0.0e+00, v25;
	(erf) = vpow2.f32 v36;
	v45 =	vpop (erf)  }
0x2d1: {  	v41 =	vmul.f32 $1.442695020e+00, v63;
	(erf) = vpow2.f32 v38;
	v47 =	vpop (erf)  }
0x2d2: {  	v43 =	vmul.f32 $1.442695020e+00, v46;
	(erf) = vpow2.f32 v40;
	v48 =	vpop (erf)  }
0x2d3: {  	v39 =	vadd.f32 $1.000000000e+00, v52;
	(erf) = vpow2.f32 v41;
	v50 =	vpop (erf)  }
0x2d4: {  	v34 =	vadd.f32 $1.000000000e+00, v53;
	(erf) = vpow2.f32 v43;
	v51 =	vpop (erf)  }
0x2d5: {  	v9 =	vmul.f32 v28, v9;
	v33 =	vadd.f32 $1.000000000e+00, v56;
	v52 =	vpop (erf);
	(erf) = vrcp.f32 v39  }
0x2d6: {  	v8 =	vmul.f32 v49, v8;
	v35 =	vadd.f32 $1.000000000e+00, v57;
	v53 =	vpop (erf);
	(erf) = vrcp.f32 v34  }
0x2d7: {  	[tilespmem:s22+$0x1AF00] =	vst v9;
	v9 =	vmul.f32 v61, v14;
	v28 =	vadd.f32 $1.000000000e+00, v53;
	v54 =	vpop (erf);
	(erf) = vrcp.f32 v33  }
0x2d8: {  	[tilespmem:s22+$0x1AF10] =	vst v8;
	v8 =	vmul.f32 v30, v15;
	v55 =	vadd.f32 $1.000000000e+00, v54;
	(erf) = vrcp.f32 v35  }
0x2d9: {  	[tilespmem:s23+$0x1AED0] =	vst v9;
	v9 =	vmul.f32 v52, v29;
	v14 =	vpop (erf);
	(erf) = vrcp.f32 v28  }
0x2da: {  	[tilespmem:s23+$0x1AEE0] =	vst v8;
	v15 =	vpop (erf);
	(erf) = vrcp.f32 v55  }
0x2db: {  	[tilespmem:s11+$0x1AF20] =	vst v9;
	v9 =	vmul.f32 v50, v22;
	v28 =	vadd.f32 $1.000000000e+00, v59;
	v29 =	vpop (erf)  }
0x2dc: {  	v8 =	vmul.f32 v48, v21;
	v14 =	vadd.f32 $1.000000000e+00, v14;
	v21 =	vpop (erf)  }
0x2dd: {  	v15 =	vadd.f32 $1.000000000e+00, v15;
	[tilespmem:s29+$0x1AEC0] =	vst v9;
	v9 =	vmul.f32 v47, v11;
	(erf) = vrcp.f32 v28;
	v22 =	vpop (erf)  }
0x2de: {  	[tilespmem:s29+$0x1AEB0] =	vst v8;
	v8 =	vmul.f32 v45, v12;
	v12 =	vpop (erf);
	(erf) = vrcp.f32 v14  }
0x2df: {  	[tilespmem:s23+$0x1AF00] =	vst v9;
	v11 =	vpop (erf);
	(erf) = vrcp.f32 v15;
	v9 =	vmul.f32 v12, v26  }
0x2e0: {  	v28 =	vadd.f32 $1.000000000e+00, v29;
	[tilespmem:s23+$0x1AEF0] =	vst v8;
	v8 =	vmul.f32 v51, v13;
	v13 =	vpop (erf)  }
0x2e1: {  	v14 =	vadd.f32 $1.000000000e+00, v21;
	v12 =	vpop (erf)  }
0x2e2: {  	[tilespmem:s23+$0x1AF10] =	vst v8;
	v15 =	vadd.f32 $1.000000000e+00, v22;
	(erf) = vrcp.f32 v28;
	v8 =	vmul.f32 v11, v20;
	v11 =	vpop (erf)  }
0x2e3: {  	(erf) = vrcp.f32 v14;
	[tilespmem:s29+$0x1AED0] =	vst v9;
	v9 =	vpop (erf);
	v11 =	vmul.f32 v11, v17  }
0x2e4: {  	(erf) = vrcp.f32 v15;
	[tilespmem:s29+$0x1AEE0] =	vst v8;
	v8 =	vmul.f32 v9, v10  }
0x2e5: {  	v9 =	vmul.f32 v13, v18;
	[tilespmem:s11+$0x1AEB0] =	vst v11  }
0x2e6: {  	v10 =	vpop (erf);
	[tilespmem:s11+$0x1AEC0] =	vst v8;
	v8 =	vmul.f32 v12, v19  }
0x2e7: {  	[tilespmem:s29+$0x1AEF0] =	vst v9;
	v9 =	vmul.f32 v10, v27;
	v10 =	vpop (erf)  }
0x2e8: {  	[tilespmem:s29+$0x1AF00] =	vst v8;
	v8 =	vmul.f32 v10, v31;
	v10 =	vpop (erf)  }
0x2e9: {  	[tilespmem:s29+$0x1AF10] =	vst v9;
	v9 =	vmul.f32 v10, v24;
	_ =	sdelay $0x1  }
0x2ea: {  	v10 =	vpop (erf)  }
0x2eb: {  	[tilespmem:s11+$0x1AED0] =	vst v8;
	v10 =	vmul.f32 v10, v16;
	v8 =	vpop (erf)  }
0x2ec: {  	[tilespmem:s11+$0x1AEE0] =	vst v9;
	v9 =	vpop (erf);
	v8 =	vmul.f32 v8, v23  }
0x2ed: {  	[tilespmem:s11+$0x1AEF0] =	vst v10;
	v9 =	vmul.f32 v9, v25  }
0x2ee: {  	[tilespmem:s11+$0x1AF00] =	vst v8  }
0x2ef: {  	s12 =	simm.s32 $0x29F0;
	[tilespmem:s11+$0x1AF10] =	vst v9;
	s11 =	simm.s32 $0x8EB0  }
0x2f0: {  	[tilespmem:s11], [sflag:$0x4] =	stream.indirect.gather [spmem:s5], $0x80, s12, s28, $0xb8;
	[tilespmem:$0x1EF30] =	vst v63  }
0x2f1: {  	s22 =	simm.s32 $0xAEB0;
	s23 =	simm.s32 $0x2BF0  }
0x2f2: {  	[tilespmem:s22], [sflag:$0x4] =	stream.indirect.gather [spmem:s6], $0x80, s23, s28, $0xb8;
	[tilespmem:$0x1EF30] =	vst v63  }
0x2f3: {  	s12 =	simm.s32 $0xCEB0;
	s22 =	simm.s32 $0x2DF0  }
0x2f4: {  	[tilespmem:s12], [sflag:$0x4] =	stream.indirect.gather [spmem:s7], $0x80, s22, s28, $0xb8;
	[tilespmem:$0x1EF30] =	vst v63  }
0x2f5: {  	s23 =	simm.s32 $0x0  }
0x2f6: {  	[hbm4b:s14+s23] =	stream.linear.scatter [tilespmem:s30], [sflag:$0x7], $0x2000, $0x38;
	[tilespmem:$0x1EF30] =	vst v63  }
0x2f7: {  	_ =	swait.ge [sflag:s1], $0x2000  }
0x2f8: {  	[sflag:s1] =	ssyncset.done $0x0  }
0x2f9: {  	[sflag:s1] =	ssyncadd.s32 $0xFFFFE000  }
0x2fa: {  	_ =	swait.ge [sflag:s1], $0x2000  }
0x2fb: {  	[sflag:s1] =	ssyncset.done $0x0  }
0x2fc: {  	[sflag:s1] =	ssyncadd.s32 $0xFFFFE000  }
0x2fd: {  	_ =	swait.ge [sflag:s1], $0x2000  }
0x2fe: {  	[sflag:s1] =	ssyncset.done $0x0  }
0x2ff: {  	[sflag:s1] =	ssyncadd.s32 $0xFFFFE000  }
0x300: {  	_ =	swait.ge [sflag:s3], $0x2000  }
0x301: {  	[sflag:s3] =	ssyncset.done $0x0  }
0x302: {  	s9 =	simm.s32 $0x0;
	[sflag:s3] =	ssyncadd.s32 $0xFFFFE000  }
0x303: {  	v8 =	vld [tilespmem:s9+$0x14F20]  }
0x304: {  	v9 =	vld [tilespmem:s9+$0x16F20];
	_ =	sdelay $0x1  }
0x305: {  	v11 =	vld [tilespmem:s9+$0x18F20]  }
0x306: {  	v10 =	vld [tilespmem:s9+$0x14EB0]  }
0x307: {  	v12 =	vld [tilespmem:s9+$0x16EB0]  }
0x308: {  	v13 =	vld [tilespmem:s9+$0x14EC0];
	v8 =	vadd.f32 v9, v8  }
0x309: {  	v14 =	vld [tilespmem:s9+$0x16EC0]  }
0x30a: {  	v15 =	vld [tilespmem:s9+$0x16ED0];
	v8 =	vadd.f32 v11, v8  }
0x30b: {  	v16 =	vld [tilespmem:s9+$0x16EE0]  }
0x30c: {  	v17 =	vld [tilespmem:s9+$0x14EF0];
	v8 =	vadd.f32 v8, v7  }
0x30d: {  	v18 =	vld [tilespmem:s9+$0x16EF0]  }
0x30e: {  	v20 =	vld [tilespmem:s9+$0x14F00];
	v19 =	vsub.f32 $0.0e+00, v8  }
0x30f: {  	v21 =	vld [tilespmem:s9+$0x16F00]  }
0x310: {  	v22 =	vld [tilespmem:s9+$0x14F10];
	v19 =	vmul.f32 $1.442695020e+00, v19  }
0x311: {  	v23 =	vld [tilespmem:s9+$0x16F10]  }
0x312: {  	v24 =	vld [tilespmem:s9+$0x18EC0];
	(erf) = vpow2.f32 v19  }
0x313: {  	v25 =	vld [tilespmem:s9+$0x18ED0]  }
0x314: {  	v26 =	vld [tilespmem:s9+$0x18EE0]  }
0x315: {  	v9 =	vld [tilespmem:s9+$0x14ED0]  }
0x316: {  	v11 =	vld [tilespmem:s9+$0x14EE0]  }
0x317: {  	v19 =	vld [tilespmem:s9+$0x18EB0]  }
0x318: {  	s22 =	simm.s32 $0x80;
	v27 =	vld [tilespmem:s9+$0x18EF0]  }
0x319: {  	v30 =	vld [tilespmem:s22+$0x14F20]  }
0x31a: {  	v31 =	vld [tilespmem:s22+$0x16F20];
	v10 =	vadd.f32 v12, v10;
	v13 =	vadd.f32 v14, v13  }
0x31b: {  	v28 =	vld [tilespmem:s9+$0x18F00];
	v9 =	vadd.f32 v15, v9;
	v11 =	vadd.f32 v16, v11;
	v12 =	vpop (erf)  }
0x31c: {  	v10 =	vadd.f32 v19, v10;
	v19 =	vld [tilespmem:s22+$0x18F20];
	v12 =	vadd.f32 $1.000000000e+00, v12  }
0x31d: {  	v29 =	vld [tilespmem:s9+$0x18F10];
	v17 =	vadd.f32 v18, v17;
	v9 =	vadd.f32 v25, v9  }
0x31e: {  	v56 =	vld [tilespmem:s22+$0x14EB0];
	v11 =	vadd.f32 v26, v11;
	v14 =	vadd.f32 v10, v6;
	(erf) = vrcp.f32 v12  }
0x31f: {  	v57 =	vld [tilespmem:s22+$0x16EE0];
	v12 =	vadd.f32 v24, v13;
	v24 =	vadd.f32 v31, v30  }
0x320: {  	v60 =	vld [tilespmem:s22+$0x16EF0];
	v11 =	vadd.f32 v11, v4;
	v26 =	vsub.f32 $0.0e+00, v14  }
0x321: {  	v62 =	vld [tilespmem:s22+$0x14F00];
	v13 =	vadd.f32 v12, v5;
	v19 =	vadd.f32 v19, v24  }
0x322: {  	v18 =	vld [tilespmem:s22+$0x16F00];
	v58 =	vsub.f32 $0.0e+00, v11;
	v12 =	vadd.f32 v9, v3  }
0x323: {  	v15 =	vld [tilespmem:s22+$0x16EB0];
	v26 =	vmul.f32 $1.442695020e+00, v26;
	v30 =	vsub.f32 $0.0e+00, v13;
	v59 =	vadd.f32 v19, v7  }
0x324: {  	v16 =	vld [tilespmem:s22+$0x16EC0];
	v31 =	vsub.f32 $0.0e+00, v12  }
0x325: {  	v25 =	vld [tilespmem:s22+$0x14ED0];
	v34 =	vmul.f32 $1.442695020e+00, v58;
	v30 =	vmul.f32 $1.442695020e+00, v30;
	v61 =	vsub.f32 $0.0e+00, v59  }
0x326: {  	v10 =	vld [tilespmem:s22+$0x14EC0];
	(erf) = vpow2.f32 v26;
	v31 =	vmul.f32 $1.442695020e+00, v31  }
0x327: {  	v20 =	vadd.f32 v21, v20;
	v9 =	vld [tilespmem:s22+$0x16ED0];
	(erf) = vpow2.f32 v30;
	v21 =	vmul.f32 $1.442695020e+00, v61;
	v26 =	vpop (erf)  }
0x328: {  	v24 =	vld [tilespmem:s22+$0x14EE0];
	(erf) = vpow2.f32 v31;
	v8 =	vmul.f32 v26, v8  }
0x329: {  	v22 =	vadd.f32 v23, v22;
	v17 =	vadd.f32 v27, v17;
	v19 =	vld [tilespmem:s22+$0x14EF0];
	(erf) = vpow2.f32 v34  }
0x32a: {  	v26 =	vld [tilespmem:s22+$0x14F10];
	(erf) = vpow2.f32 v21;
	[tilespmem:s9+$0x1CF20] =	vst v8;
	v8 =	vadd.f32 v28, v20  }
0x32b: {  	v20 =	vadd.f32 v29, v22;
	v22 =	vadd.f32 v17, v1;
	v23 =	vld [tilespmem:s22+$0x16F10]  }
0x32c: {  	v17 =	vld [tilespmem:s22+$0x18EB0];
	v21 =	vadd.f32 v8, v2  }
0x32d: {  	v28 =	vld [tilespmem:s22+$0x18ED0];
	v20 =	vadd.f32 v20, v0;
	v27 =	vsub.f32 $0.0e+00, v22  }
0x32e: {  	v30 =	vld [tilespmem:s22+$0x18EE0];
	v29 =	vsub.f32 $0.0e+00, v21  }
0x32f: {  	v47 =	vadd.f32 v18, v62;
	v44 =	vpop (erf);
	v8 =	vld [tilespmem:s22+$0x18EC0];
	v31 =	vsub.f32 $0.0e+00, v20;
	v27 =	vmul.f32 $1.442695020e+00, v27  }
0x330: {  	s23 =	simm.s32 $0x100;
	v15 =	vadd.f32 v15, v56;
	v10 =	vadd.f32 v16, v10;
	v63 =	vld [tilespmem:s22+$0x18EF0];
	v45 =	vpop (erf);
	v16 =	vmul.f32 $1.442695020e+00, v29  }
0x331: {  	v9 =	vadd.f32 v9, v25;
	v46 =	vld [tilespmem:s23+$0x14F20];
	v31 =	vmul.f32 $1.442695020e+00, v31;
	(erf) = vpow2.f32 v27;
	v39 =	vpop (erf)  }
0x332: {  	v33 =	vadd.f32 v57, v24;
	v48 =	vld [tilespmem:s23+$0x18F20];
	v37 =	vpop (erf);
	(erf) = vpow2.f32 v16;
	v16 =	vadd.f32 $1.000000000e+00, v44  }
0x333: {  	v19 =	vadd.f32 v60, v19;
	v27 =	vld [tilespmem:s22+$0x18F10];
	v24 =	vadd.f32 $1.000000000e+00, v45;
	v25 =	vpop (erf);
	(erf) = vpow2.f32 v31  }
0x334: {  	v8 =	vadd.f32 v8, v10;
	v31 =	vld [tilespmem:s23+$0x16F20];
	(erf) = vrcp.f32 v16;
	v16 =	vadd.f32 $1.000000000e+00, v25  }
0x335: {  	v29 =	vld [tilespmem:s22+$0x18F00];
	v15 =	vadd.f32 v17, v15;
	v10 =	vadd.f32 v23, v26;
	(erf) = vrcp.f32 v24  }
0x336: {  	v34 =	vld [tilespmem:s23+$0x16EE0];
	v24 =	vadd.f32 v8, v5;
	v8 =	vadd.f32 v30, v33;
	(erf) = vrcp.f32 v16  }
0x337: {  	v40 =	vld [tilespmem:s23+$0x14EF0];
	v9 =	vadd.f32 v28, v9;
	v23 =	vadd.f32 v63, v19  }
0x338: {  	v53 =	vld [tilespmem:s23+$0x16EF0];
	v19 =	vadd.f32 v8, v4;
	v8 =	vadd.f32 v27, v10  }
0x339: {  	v35 =	vld [tilespmem:s23+$0x16F00];
	v10 =	vadd.f32 v23, v1;
	v23 =	vadd.f32 v31, v46  }
0x33a: {  	v57 =	vld [tilespmem:s23+$0x14F10];
	v18 =	vadd.f32 v9, v3;
	v9 =	vadd.f32 v29, v47;
	v29 =	vpop (erf)  }
0x33b: {  	v17 =	vld [tilespmem:s23+$0x14EB0];
	v25 =	vadd.f32 v15, v6;
	v23 =	vadd.f32 v48, v23;
	v30 =	vpop (erf)  }
0x33c: {  	v28 =	vld [tilespmem:s23+$0x14ED0];
	v51 =	vsub.f32 $0.0e+00, v18;
	v32 =	vpop (erf)  }
0x33d: {  	v26 =	vld [tilespmem:s23+$0x16EC0];
	v49 =	vsub.f32 $0.0e+00, v25;
	v9 =	vadd.f32 v9, v2;
	v36 =	vpop (erf)  }
0x33e: {  	v15 =	vld [tilespmem:s23+$0x16EB0];
	v41 =	vmul.f32 $1.442695020e+00, v51;
	v50 =	vsub.f32 $0.0e+00, v24;
	v8 =	vadd.f32 v8, v0;
	v52 =	vpop (erf)  }
0x33f: {  	v16 =	vld [tilespmem:s23+$0x14EC0];
	v33 =	vmul.f32 $1.442695020e+00, v49;
	v54 =	vsub.f32 $0.0e+00, v19;
	v45 =	vadd.f32 v23, v7;
	v23 =	vpop (erf)  }
0x340: {  	v27 =	vld [tilespmem:s23+$0x16ED0];
	v38 =	vmul.f32 $1.442695020e+00, v50;
	v55 =	vsub.f32 $0.0e+00, v10;
	v23 =	vmul.f32 v23, v59  }
0x341: {  	v31 =	vld [tilespmem:s23+$0x14EE0];
	(erf) = vpow2.f32 v33;
	v44 =	vmul.f32 $1.442695020e+00, v54;
	v56 =	vsub.f32 $0.0e+00, v45  }
0x342: {  	v46 =	vld [tilespmem:s23+$0x14F00];
	v58 =	vsub.f32 $0.0e+00, v9;
	v47 =	vmul.f32 $1.442695020e+00, v55;
	(erf) = vpow2.f32 v38;
	[tilespmem:s22+$0x1CF20] =	vst v23  }
0x343: {  	(erf) = vpow2.f32 v41;
	v59 =	vmul.f32 $1.442695020e+00, v56;
	v60 =	vld [tilespmem:s23+$0x16F10]  }
0x344: {  	v61 =	vmul.f32 $1.442695020e+00, v58;
	(erf) = vpow2.f32 v44;
	v23 =	vsub.f32 $0.0e+00, v8;
	v62 =	vld [tilespmem:s23+$0x18EB0]  }
0x345: {  	v14 =	vmul.f32 v36, v14;
	(erf) = vpow2.f32 v59;
	v63 =	vld [tilespmem:s23+$0x18EC0]  }
0x346: {  	v39 =	vadd.f32 $1.000000000e+00, v39;
	(erf) = vpow2.f32 v47;
	v49 =	vld [tilespmem:s23+$0x18ED0];
	v23 =	vmul.f32 $1.442695020e+00, v23  }
0x347: {  	v13 =	vmul.f32 v52, v13;
	v50 =	vld [tilespmem:s23+$0x18EE0];
	[tilespmem:s9+$0x1CEB0] =	vst v14;
	v14 =	vadd.f32 $1.000000000e+00, v37;
	(erf) = vpow2.f32 v61  }
0x348: {  	(erf) = vpow2.f32 v23  }
0x349: {  	v53 =	vadd.f32 v53, v40;
	v23 =	vld [tilespmem:s23+$0x18EF0];
	[tilespmem:s9+$0x1CEC0] =	vst v13;
	v13 =	vadd.f32 v15, v17;
	(erf) = vrcp.f32 v39  }
0x34a: {  	v51 =	vpop (erf);
	v15 =	vadd.f32 v26, v16;
	v16 =	vadd.f32 $1.000000000e+00, v29  }
0x34b: {  	v30 =	vadd.f32 $1.000000000e+00, v30;
	v32 =	vadd.f32 $1.000000000e+00, v32;
	(erf) = vrcp.f32 v14;
	v14 =	vpop (erf)  }
0x34c: {  	v37 =	vadd.f32 $1.000000000e+00, v51;
	v17 =	vadd.f32 v27, v28;
	v28 =	vpop (erf)  }
0x34d: {  	v35 =	vadd.f32 v35, v46;
	v29 =	vadd.f32 v34, v31;
	v26 =	vld [tilespmem:s23+$0x18F00];
	v31 =	vpop (erf)  }
0x34e: {  	s29 =	simm.s32 $0x180;
	v27 =	vld [tilespmem:s23+$0x18F10];
	v13 =	vadd.f32 v62, v13;
	v15 =	vadd.f32 v63, v15;
	(erf) = vrcp.f32 v16;
	v16 =	vpop (erf)  }
0x34f: {  	v52 =	vld [tilespmem:s29+$0x14F20];
	v33 =	vadd.f32 v60, v57;
	v14 =	vadd.f32 $1.000000000e+00, v14;
	(erf) = vrcp.f32 v30;
	v30 =	vpop (erf)  }
0x350: {  	v54 =	vld [tilespmem:s29+$0x16F20];
	v36 =	vadd.f32 v49, v17;
	v17 =	vadd.f32 v15, v5;
	(erf) = vrcp.f32 v37;
	v37 =	vpop (erf)  }
0x351: {  	v55 =	vld [tilespmem:s29+$0x14EB0];
	v23 =	vadd.f32 v23, v53;
	(erf) = vrcp.f32 v14;
	v14 =	vadd.f32 $1.000000000e+00, v16;
	v41 =	vpop (erf)  }
0x352: {  	v59 =	vld [tilespmem:s29+$0x18F20];
	v16 =	vadd.f32 v13, v6;
	v26 =	vadd.f32 v26, v35;
	(erf) = vrcp.f32 v32;
	v13 =	vpop (erf)  }
0x353: {  	v60 =	vld [tilespmem:s29+$0x16EB0];
	(erf) = vrcp.f32 v14;
	v12 =	vmul.f32 v13, v12;
	v13 =	vadd.f32 v50, v29  }
0x354: {  	v61 =	vld [tilespmem:s29+$0x16EC0];
	v62 =	vsub.f32 $0.0e+00, v17;
	v14 =	vadd.f32 v36, v3;
	v15 =	vpop (erf)  }
0x355: {  	v32 =	vld [tilespmem:s29+$0x14EC0];
	v11 =	vmul.f32 v15, v11;
	v15 =	vadd.f32 v13, v4;
	v13 =	vadd.f32 v27, v33  }
0x356: {  	v29 =	vld [tilespmem:s29+$0x14ED0];
	[tilespmem:s9+$0x1CED0] =	vst v12;
	v12 =	vadd.f32 v23, v1;
	v23 =	vsub.f32 $0.0e+00, v16  }
0x357: {  	v33 =	vpop (erf);
	v35 =	vld [tilespmem:s29+$0x16ED0];
	[tilespmem:s9+$0x1CEE0] =	vst v11;
	v11 =	vadd.f32 v26, v2;
	v26 =	vadd.f32 v54, v52  }
0x358: {  	v42 =	vadd.f32 v60, v55;
	v63 =	vsub.f32 $0.0e+00, v14;
	v36 =	vpop (erf)  }
0x359: {  	v40 =	vmul.f32 $1.442695020e+00, v62;
	v27 =	vld [tilespmem:s29+$0x14EE0];
	v34 =	vpop (erf);
	v56 =	vmul.f32 $1.442695020e+00, v23;
	v23 =	vadd.f32 v59, v26  }
0x35a: {  	v38 =	vadd.f32 v61, v32;
	v46 =	vmul.f32 $1.442695020e+00, v63;
	v39 =	vld [tilespmem:s29+$0x16EE0];
	v57 =	vsub.f32 $0.0e+00, v15;
	v47 =	vpop (erf)  }
0x35b: {  	v22 =	vmul.f32 v33, v22;
	v13 =	vadd.f32 v13, v0;
	v48 =	vld [tilespmem:s29+$0x14EF0];
	v26 =	vpop (erf);
	v23 =	vadd.f32 v23, v7  }
0x35c: {  	v43 =	vld [tilespmem:s29+$0x16EF0];
	v58 =	vsub.f32 $0.0e+00, v12;
	v21 =	vmul.f32 v36, v21;
	v50 =	vmul.f32 $1.442695020e+00, v57;
	v59 =	vpop (erf)  }
0x35d: {  	v52 =	vld [tilespmem:s29+$0x14F00];
	(erf) = vpow2.f32 v56;
	v44 =	vmul.f32 v59, v45;
	v61 =	vsub.f32 $0.0e+00, v23  }
0x35e: {  	v32 =	vld [tilespmem:s29+$0x14F10];
	v60 =	vsub.f32 $0.0e+00, v11;
	v51 =	vmul.f32 $1.442695020e+00, v58;
	(erf) = vpow2.f32 v40  }
0x35f: {  	v35 =	vadd.f32 v35, v29;
	(erf) = vpow2.f32 v46;
	v45 =	vld [tilespmem:s29+$0x16F00];
	[tilespmem:s23+$0x1CF20] =	vst v44;
	v29 =	vmul.f32 $1.442695020e+00, v61  }
0x360: {  	v62 =	vsub.f32 $0.0e+00, v13;
	v24 =	vmul.f32 v47, v24;
	(erf) = vpow2.f32 v50;
	v57 =	vld [tilespmem:s29+$0x18EB0]  }
0x361: {  	v55 =	vadd.f32 $1.000000000e+00, v30;
	v53 =	vmul.f32 $1.442695020e+00, v60;
	(erf) = vpow2.f32 v29  }
0x362: {  	v37 =	vadd.f32 $1.000000000e+00, v37;
	v44 =	vmul.f32 $1.442695020e+00, v62;
	v63 =	vld [tilespmem:s29+$0x16F10];
	(erf) = vpow2.f32 v51  }
0x363: {  	v25 =	vmul.f32 v34, v25;
	v58 =	vadd.f32 $1.000000000e+00, v28;
	v59 =	vld [tilespmem:s29+$0x18EC0];
	(erf) = vpow2.f32 v53  }
0x364: {  	v60 =	vadd.f32 $1.000000000e+00, v31;
	v39 =	vadd.f32 v39, v27;
	v54 =	vld [tilespmem:s29+$0x18ED0];
	(erf) = vpow2.f32 v44  }
0x365: {  	v27 =	vadd.f32 v43, v48;
	v61 =	vld [tilespmem:s29+$0x18EE0];
	[tilespmem:s22+$0x1CEB0] =	vst v25;
	(erf) = vrcp.f32 v58;
	v25 =	vadd.f32 v57, v42  }
0x366: {  	v29 =	vadd.f32 $1.000000000e+00, v41;
	v31 =	vld [tilespmem:s29+$0x18EF0];
	[tilespmem:s22+$0x1CEC0] =	vst v24;
	v28 =	vadd.f32 v45, v52;
	v24 =	vpop (erf);
	(erf) = vrcp.f32 v60  }
0x367: {  	v62 =	vadd.f32 $1.000000000e+00, v24;
	v24 =	vpop (erf);
	v30 =	vadd.f32 v63, v32;
	v32 =	vld [tilespmem:s29+$0x18F00];
	[tilespmem:s9+$0x1CEF0] =	vst v22;
	(erf) = vrcp.f32 v55  }
0x368: {  	v22 =	vadd.f32 v59, v38;
	v63 =	vadd.f32 $1.000000000e+00, v24;
	v24 =	vpop (erf);
	v34 =	vld [tilespmem:s29+$0x18F10];
	(erf) = vrcp.f32 v37  }
0x369: {  	s11 =	simm.s32 $0x200;
	v35 =	vadd.f32 v54, v35;
	[tilespmem:s9+$0x1CF00] =	vst v21;
	v21 =	vadd.f32 v25, v6;
	(erf) = vrcp.f32 v62;
	v25 =	vpop (erf)  }
0x36a: {  	s12 =	simm.s32 $0xA00;
	v36 =	vadd.f32 v61, v39;
	v33 =	vld [tilespmem:s11+$0x14F20];
	v22 =	vadd.f32 v22, v5;
	v37 =	vpop (erf);
	(erf) = vrcp.f32 v63  }
.LBB2_8:
0x36b: {  	p1 =	sne.s32 s12, $0x7E00;
	v38 =	vld [tilespmem:s11+$0x16F20];
	v27 =	vadd.f32 v31, v27;
	v39 =	vadd.f32 $1.000000000e+00, v37;
	v37 =	vpop (erf);
	(erf) = vrcp.f32 v29  }
0x36c: {  	v35 =	vadd.f32 v35, v3;
	v20 =	vmul.f32 v26, v20;
	v29 =	vld [tilespmem:s11+$0x14EB0];
	v41 =	vadd.f32 v32, v28;
	v32 =	vpop (erf)  }
0x36d: {  	v36 =	vadd.f32 v36, v4;
	v26 =	vld [tilespmem:s11+$0x18F20];
	v30 =	vadd.f32 v34, v30;
	(erf) = vrcp.f32 v39;
	v31 =	vpop (erf)  }
0x36e: {  	v40 =	vmov v9;
	v39 =	vadd.f32 v27, v1;
	v34 =	vld [tilespmem:s11+$0x16EB0];
	v27 =	vadd.f32 v41, v2;
	v28 =	vpop (erf);
	[tilespmem:s9+$0x1CF10] =	vst v20;
	s9 =	smov.u32 s22;
	s22 =	smov.u32 s23;
	s23 =	smov.u32 s29  }
0x36f: {  	v20 =	vsub.f32 $0.0e+00, v21;
	s29 =	smov.u32 s11;
	v9 =	vld [tilespmem:s11+$0x14EC0];
	v30 =	vadd.f32 v30, v0;
	v18 =	vmul.f32 v28, v18;
	v28 =	vpop (erf)  }
0x370: {  	v41 =	vld [tilespmem:s29+$0x16EC0];
	v33 =	vadd.f32 v38, v33;
	v38 =	vsub.f32 $0.0e+00, v22;
	v19 =	vmul.f32 v28, v19;
	v42 =	vpop (erf)  }
0x371: {  	v43 =	vsub.f32 $0.0e+00, v35;
	v44 =	vsub.f32 $0.0e+00, v36;
	v20 =	vmul.f32 $1.442695020e+00, v20;
	v28 =	vld [tilespmem:s29+$0x14ED0];
	[tilespmem:s9+$0x1CED0] =	vst v18;
	v45 =	vpop (erf)  }
0x372: {  	v46 =	vld [tilespmem:s29+$0x16ED0];
	v54 =	vadd.f32 v26, v33;
	v33 =	vmul.f32 $1.442695020e+00, v38;
	v38 =	vsub.f32 $0.0e+00, v39;
	v47 =	vpop (erf);
	[tilespmem:s9+$0x1CEE0] =	vst v19  }
0x373: {  	v43 =	vmul.f32 $1.442695020e+00, v43;
	v55 =	vsub.f32 $0.0e+00, v27;
	v34 =	vadd.f32 v34, v29;
	v29 =	vld [tilespmem:s29+$0x14EE0];
	v48 =	vpop (erf)  }
0x374: {  	v44 =	vmul.f32 $1.442695020e+00, v44;
	v51 =	vsub.f32 $0.0e+00, v30;
	v49 =	vld [tilespmem:s29+$0x16EE0];
	v50 =	vadd.f32 v54, v7;
	v26 =	vpop (erf)  }
0x375: {  	v53 =	vmul.f32 $1.442695020e+00, v55;
	v18 =	vmovc v14;
	v14 =	vmovc v35;
	v38 =	vmul.f32 $1.442695020e+00, v38;
	v41 =	vadd.f32 v41, v9;
	v52 =	vld [tilespmem:s29+$0x14EF0]  }
0x376: {  	v51 =	vmul.f32 $1.442695020e+00, v51;
	v35 =	vld [tilespmem:s29+$0x16EF0];
	v54 =	vsub.f32 $0.0e+00, v50;
	(erf) = vpow2.f32 v20;
	v19 =	vpop (erf)  }
0x377: {  	v46 =	vadd.f32 v46, v28;
	v28 =	vld [tilespmem:s29+$0x14F00];
	v55 =	vmul.f32 v19, v23;
	(erf) = vpow2.f32 v33;
	v19 =	vmovc v15;
	v15 =	vmovc v36  }
0x378: {  	v24 =	vadd.f32 $1.000000000e+00, v24;
	v9 =	vmovc v11;
	v11 =	vmovc v27;
	v33 =	vld [tilespmem:s29+$0x16F00];
	v54 =	vmul.f32 $1.442695020e+00, v54;
	(erf) = vpow2.f32 v43  }
0x379: {  	v25 =	vadd.f32 $1.000000000e+00, v25;
	v20 =	vmovc v8;
	v8 =	vmovc v13;
	v36 =	vadd.f32 v49, v29;
	v43 =	vld [tilespmem:s29+$0x14F10];
	[tilespmem:s23+$0x1CF20] =	vst v55;
	(erf) = vpow2.f32 v44  }
0x37a: {  	v37 =	vadd.f32 $1.000000000e+00, v37;
	v13 =	vmovc v30;
	v23 =	vmovc v50;
	v49 =	vadd.f32 $1.000000000e+00, v32;
	v44 =	vld [tilespmem:s29+$0x16F10];
	(erf) = vpow2.f32 v54  }
0x37b: {  	v29 =	vadd.f32 $1.000000000e+00, v31;
	v32 =	vld [tilespmem:s29+$0x18EB0];
	v27 =	vadd.f32 v35, v52;
	(erf) = vpow2.f32 v38  }
0x37c: {  	v30 =	vmul.f32 v47, v16;
	v16 =	vmov v21;
	v35 =	vld [tilespmem:s29+$0x18EC0];
	(erf) = vpow2.f32 v53  }
0x37d: {  	v21 =	vmul.f32 v48, v17;
	v17 =	vmovc v22;
	v38 =	vld [tilespmem:s29+$0x18ED0];
	v28 =	vadd.f32 v33, v28;
	(erf) = vpow2.f32 v51  }
0x37e: {  	v22 =	vmul.f32 v42, v10;
	v10 =	vmovc v12;
	v12 =	vmov v39;
	v47 =	vld [tilespmem:s29+$0x18EE0];
	[tilespmem:s22+$0x1CEB0] =	vst v30;
	(erf) = vrcp.f32 v24  }
.Ltmp3:
0x37f: {  	v31 =	vld [tilespmem:s29+$0x18EF0];
	v30 =	vadd.f32 v44, v43;
	v24 =	vpop (erf);
	[tilespmem:s22+$0x1CEC0] =	vst v21;
	(erf) = vrcp.f32 v25;
	v21 =	vmul.f32 v45, v40;
	(pc) =	sbr.rel @p1 .LBB2_8-.Ltmp3, $4  }
0x380: {  	v40 =	vadd.f32 v32, v34;
	v32 =	vld [tilespmem:s29+$0x18F00];
	v33 =	vadd.f32 $1.000000000e+00, v24;
	v24 =	vpop (erf);
	(erf) = vrcp.f32 v37;
	[tilespmem:s9+$0x1CEF0] =	vst v22  }
0x381: {  	v22 =	vadd.f32 v35, v41;
	v34 =	vld [tilespmem:s29+$0x18F10];
	v39 =	vadd.f32 $1.000000000e+00, v24;
	v24 =	vpop (erf);
	(erf) = vrcp.f32 v49;
	[tilespmem:s9+$0x1CF00] =	vst v21  }
0x382: {  	s11 =	sshra.s32 s12, $0x2;
	v21 =	vadd.f32 v40, v6;
	v35 =	vadd.f32 v38, v46;
	(erf) = vrcp.f32 v33;
	v25 =	vpop (erf)  }
0x383: {  	s12 =	sadd.s32 $0x200, s12;
	v33 =	vld [tilespmem:s11+$0x14F20];
	v22 =	vadd.f32 v22, v5;
	v36 =	vadd.f32 v47, v36;
	v37 =	vpop (erf);
	(erf) = vrcp.f32 v39  }
0x384: {  	v20 =	vmul.f32 v26, v20  }
0x385: {  	v38 =	vld [tilespmem:s11+$0x16F20];
	v40 =	vpop (erf);
	v26 =	vadd.f32 $1.000000000e+00, v37  }
0x386: {  	v39 =	vld [tilespmem:s11+$0x14EB0];
	(erf) = vrcp.f32 v29;
	v42 =	vpop (erf)  }
0x387: {  	v41 =	vld [tilespmem:s11+$0x18F20];
	v37 =	vpop (erf);
	(erf) = vrcp.f32 v26  }
0x388: {  	v43 =	vld [tilespmem:s11+$0x16EB0];
	v27 =	vadd.f32 v31, v27;
	v24 =	vadd.f32 $1.000000000e+00, v24;
	[tilespmem:s9+$0x1CF10] =	vst v20;
	v20 =	vpop (erf)  }
0x389: {  	v25 =	vadd.f32 $1.000000000e+00, v25;
	v29 =	vadd.f32 v32, v28;
	v44 =	vld [tilespmem:s11+$0x14EC0];
	v18 =	vmul.f32 v20, v18;
	v20 =	vpop (erf)  }
0x38a: {  	v62 =	vsub.f32 $0.0e+00, v22;
	v26 =	vadd.f32 v35, v3;
	v45 =	vld [tilespmem:s11+$0x16EC0];
	v19 =	vmul.f32 v20, v19  }
0x38b: {  	v30 =	vadd.f32 v34, v30;
	v42 =	vadd.f32 $1.000000000e+00, v42;
	v46 =	vld [tilespmem:s11+$0x14ED0];
	v32 =	vpop (erf);
	[tilespmem:s22+$0x1CED0] =	vst v18  }
0x38c: {  	v18 =	vadd.f32 v27, v1;
	v27 =	vadd.f32 v38, v33;
	v28 =	vpop (erf);
	v31 =	vld [tilespmem:s11+$0x16ED0];
	[tilespmem:s22+$0x1CEE0] =	vst v19  }
0x38d: {  	v37 =	vadd.f32 $1.000000000e+00, v37;
	v48 =	vsub.f32 $0.0e+00, v26;
	v34 =	vpop (erf);
	v33 =	vld [tilespmem:s11+$0x14EE0]  }
0x38e: {  	v39 =	vadd.f32 v43, v39;
	v61 =	vld [tilespmem:s11+$0x16EE0];
	v38 =	vadd.f32 v41, v27;
	v41 =	vpop (erf)  }
0x38f: {  	v19 =	vadd.f32 v29, v2;
	v29 =	vsub.f32 $0.0e+00, v21;
	v47 =	vld [tilespmem:s11+$0x14EF0];
	v49 =	vpop (erf)  }
0x390: {  	v20 =	vadd.f32 v36, v4;
	v36 =	vmul.f32 $1.442695020e+00, v62;
	v54 =	vmul.f32 $1.442695020e+00, v48;
	v50 =	vld [tilespmem:s11+$0x16EF0];
	v63 =	vpop (erf)  }
0x391: {  	v27 =	vadd.f32 v30, v0;
	v52 =	vld [tilespmem:s11+$0x14F00];
	v30 =	vmul.f32 $1.442695020e+00, v29;
	v23 =	vmul.f32 v63, v23  }
0x392: {  	v10 =	vmul.f32 v32, v10;
	v51 =	vsub.f32 $0.0e+00, v20;
	v29 =	vadd.f32 v38, v7;
	v38 =	vld [tilespmem:s11+$0x16F00]  }
0x393: {  	v53 =	vsub.f32 $0.0e+00, v18;
	v16 =	vmul.f32 v34, v16;
	(erf) = vpow2.f32 v30;
	v30 =	vld [tilespmem:s11+$0x14F10];
	[tilespmem:s29+$0x1CF20] =	vst v23  }
0x394: {  	v51 =	vmul.f32 $1.442695020e+00, v51;
	v17 =	vmul.f32 v41, v17;
	v55 =	vsub.f32 $0.0e+00, v29;
	v57 =	vld [tilespmem:s11+$0x16F10]  }
0x395: {  	v62 =	vadd.f32 $1.000000000e+00, v40;
	v58 =	vmul.f32 $1.442695020e+00, v53;
	(erf) = vpow2.f32 v36;
	v59 =	vld [tilespmem:s11+$0x18EB0]  }
0x396: {  	v56 =	vsub.f32 $0.0e+00, v19;
	(erf) = vpow2.f32 v54;
	v48 =	vmul.f32 $1.442695020e+00, v55;
	v60 =	vld [tilespmem:s11+$0x18EC0]  }
0x397: {  	v23 =	vsub.f32 $0.0e+00, v27;
	v33 =	vadd.f32 v61, v33;
	(erf) = vpow2.f32 v51;
	v61 =	vld [tilespmem:s11+$0x18ED0]  }
0x398: {  	v44 =	vadd.f32 v45, v44;
	v36 =	vmul.f32 $1.442695020e+00, v56;
	v63 =	vld [tilespmem:s11+$0x18EE0];
	(erf) = vpow2.f32 v48  }
0x399: {  	v31 =	vadd.f32 v31, v46;
	[tilespmem:s23+$0x1CEB0] =	vst v16;
	v23 =	vmul.f32 $1.442695020e+00, v23;
	(erf) = vpow2.f32 v58  }
0x39a: {  	v16 =	vadd.f32 v50, v47;
	v38 =	vadd.f32 v38, v52;
	v48 =	vld [tilespmem:s11+$0x18EF0];
	(erf) = vpow2.f32 v36  }
0x39b: {  	[tilespmem:s23+$0x1CEC0] =	vst v17;
	v30 =	vadd.f32 v57, v30;
	(erf) = vpow2.f32 v23;
	v17 =	vadd.f32 v59, v39  }
0x39c: {  	v23 =	vld [tilespmem:s11+$0x18F00];
	[tilespmem:s22+$0x1CEF0] =	vst v10;
	v10 =	vadd.f32 v60, v44;
	v31 =	vadd.f32 v61, v31;
	v50 =	vpop (erf);
	(erf) = vrcp.f32 v24  }
0x39d: {  	v33 =	vadd.f32 v63, v33;
	v32 =	vadd.f32 $1.000000000e+00, v50;
	(erf) = vrcp.f32 v25;
	v25 =	vld [tilespmem:s11+$0x18F10]  }
0x39e: {  	v17 =	vadd.f32 v17, v6;
	v10 =	vadd.f32 v10, v5  }
0x39f: {  	v51 =	vpop (erf);
	v16 =	vadd.f32 v48, v16;
	v31 =	vadd.f32 v31, v3  }
0x3a0: {  	v24 =	vadd.f32 $1.000000000e+00, v51;
	v52 =	vpop (erf);
	(erf) = vrcp.f32 v62;
	v55 =	vsub.f32 $0.0e+00, v17  }
0x3a1: {  	v53 =	vpop (erf);
	(erf) = vrcp.f32 v42;
	v16 =	vadd.f32 v16, v1;
	v23 =	vadd.f32 v23, v38  }
0x3a2: {  	(erf) = vrcp.f32 v32;
	v54 =	vpop (erf);
	v25 =	vadd.f32 v25, v30;
	v30 =	vsub.f32 $0.0e+00, v10  }
0x3a3: {  	(erf) = vrcp.f32 v24;
	v32 =	vmul.f32 $1.442695020e+00, v55;
	v35 =	vadd.f32 $1.000000000e+00, v54  }
0x3a4: {  	v24 =	vadd.f32 v33, v4;
	(erf) = vrcp.f32 v37;
	v56 =	vpop (erf);
	v30 =	vmul.f32 $1.442695020e+00, v30  }
0x3a5: {  	v58 =	vsub.f32 $0.0e+00, v31;
	v62 =	vsub.f32 $0.0e+00, v16;
	v57 =	vpop (erf);
	(erf) = vrcp.f32 v35  }
0x3a6: {  	v23 =	vadd.f32 v23, v2;
	v60 =	vsub.f32 $0.0e+00, v24;
	v59 =	vpop (erf);
	(erf) = vpow2.f32 v32  }
0x3a7: {  	v36 =	vmul.f32 $1.442695020e+00, v58;
	v25 =	vadd.f32 v25, v0;
	v61 =	vpop (erf);
	(erf) = vpow2.f32 v30  }
0x3a8: {  	v63 =	vsub.f32 $0.0e+00, v23;
	v38 =	vmul.f32 $1.442695020e+00, v60;
	v30 =	vpop (erf)  }
0x3a9: {  	v40 =	vmul.f32 $1.442695020e+00, v62;
	v46 =	vsub.f32 $0.0e+00, v25;
	(erf) = vpow2.f32 v36;
	v45 =	vpop (erf)  }
0x3aa: {  	v41 =	vmul.f32 $1.442695020e+00, v63;
	(erf) = vpow2.f32 v38;
	v47 =	vpop (erf)  }
0x3ab: {  	v43 =	vmul.f32 $1.442695020e+00, v46;
	(erf) = vpow2.f32 v40;
	v48 =	vpop (erf)  }
0x3ac: {  	v39 =	vadd.f32 $1.000000000e+00, v52;
	(erf) = vpow2.f32 v41;
	v50 =	vpop (erf)  }
0x3ad: {  	v34 =	vadd.f32 $1.000000000e+00, v53;
	(erf) = vpow2.f32 v43;
	v51 =	vpop (erf)  }
0x3ae: {  	v9 =	vmul.f32 v28, v9;
	v33 =	vadd.f32 $1.000000000e+00, v56;
	v52 =	vpop (erf);
	(erf) = vrcp.f32 v39  }
0x3af: {  	v8 =	vmul.f32 v49, v8;
	v35 =	vadd.f32 $1.000000000e+00, v57;
	v53 =	vpop (erf);
	(erf) = vrcp.f32 v34  }
0x3b0: {  	[tilespmem:s22+$0x1CF00] =	vst v9;
	v9 =	vmul.f32 v61, v14;
	v28 =	vadd.f32 $1.000000000e+00, v53;
	v54 =	vpop (erf);
	(erf) = vrcp.f32 v33  }
0x3b1: {  	[tilespmem:s22+$0x1CF10] =	vst v8;
	v8 =	vmul.f32 v30, v15;
	v55 =	vadd.f32 $1.000000000e+00, v54;
	(erf) = vrcp.f32 v35  }
0x3b2: {  	[tilespmem:s23+$0x1CED0] =	vst v9;
	v9 =	vmul.f32 v52, v29;
	v14 =	vpop (erf);
	(erf) = vrcp.f32 v28  }
0x3b3: {  	[tilespmem:s23+$0x1CEE0] =	vst v8;
	v15 =	vpop (erf);
	(erf) = vrcp.f32 v55  }
0x3b4: {  	[tilespmem:s11+$0x1CF20] =	vst v9;
	v9 =	vmul.f32 v50, v22;
	v28 =	vadd.f32 $1.000000000e+00, v59;
	v29 =	vpop (erf)  }
0x3b5: {  	v8 =	vmul.f32 v48, v21;
	v14 =	vadd.f32 $1.000000000e+00, v14;
	v21 =	vpop (erf)  }
0x3b6: {  	v15 =	vadd.f32 $1.000000000e+00, v15;
	[tilespmem:s29+$0x1CEC0] =	vst v9;
	v9 =	vmul.f32 v47, v11;
	(erf) = vrcp.f32 v28;
	v22 =	vpop (erf)  }
0x3b7: {  	[tilespmem:s29+$0x1CEB0] =	vst v8;
	v8 =	vmul.f32 v45, v12;
	v12 =	vpop (erf);
	(erf) = vrcp.f32 v14  }
0x3b8: {  	[tilespmem:s23+$0x1CF00] =	vst v9;
	v11 =	vpop (erf);
	(erf) = vrcp.f32 v15;
	v9 =	vmul.f32 v12, v26  }
0x3b9: {  	v28 =	vadd.f32 $1.000000000e+00, v29;
	[tilespmem:s23+$0x1CEF0] =	vst v8;
	v8 =	vmul.f32 v51, v13;
	v13 =	vpop (erf)  }
0x3ba: {  	v14 =	vadd.f32 $1.000000000e+00, v21;
	v12 =	vpop (erf)  }
0x3bb: {  	[tilespmem:s23+$0x1CF10] =	vst v8;
	v15 =	vadd.f32 $1.000000000e+00, v22;
	(erf) = vrcp.f32 v28;
	v8 =	vmul.f32 v11, v20;
	v11 =	vpop (erf)  }
0x3bc: {  	(erf) = vrcp.f32 v14;
	[tilespmem:s29+$0x1CED0] =	vst v9;
	v9 =	vpop (erf);
	v11 =	vmul.f32 v11, v17  }
0x3bd: {  	(erf) = vrcp.f32 v15;
	[tilespmem:s29+$0x1CEE0] =	vst v8;
	v8 =	vmul.f32 v9, v10  }
0x3be: {  	v9 =	vmul.f32 v13, v18;
	[tilespmem:s11+$0x1CEB0] =	vst v11  }
0x3bf: {  	v10 =	vpop (erf);
	[tilespmem:s11+$0x1CEC0] =	vst v8;
	v8 =	vmul.f32 v12, v19  }
0x3c0: {  	[tilespmem:s29+$0x1CEF0] =	vst v9;
	v9 =	vmul.f32 v10, v27;
	v10 =	vpop (erf)  }
0x3c1: {  	[tilespmem:s29+$0x1CF00] =	vst v8;
	v8 =	vmul.f32 v10, v31;
	v10 =	vpop (erf)  }
0x3c2: {  	[tilespmem:s29+$0x1CF10] =	vst v9;
	v9 =	vmul.f32 v10, v24;
	_ =	sdelay $0x1  }
0x3c3: {  	v10 =	vpop (erf)  }
0x3c4: {  	[tilespmem:s11+$0x1CED0] =	vst v8;
	v10 =	vmul.f32 v10, v16;
	v8 =	vpop (erf)  }
0x3c5: {  	[tilespmem:s11+$0x1CEE0] =	vst v9;
	v9 =	vpop (erf);
	v8 =	vmul.f32 v8, v23  }
0x3c6: {  	[tilespmem:s11+$0x1CEF0] =	vst v10;
	v9 =	vmul.f32 v9, v25  }
0x3c7: {  	[tilespmem:s11+$0x1CF00] =	vst v8  }
0x3c8: {  	s12 =	simm.s32 $0x2A30;
	[tilespmem:s11+$0x1CF10] =	vst v9;
	s11 =	simm.s32 $0xEEB0  }
0x3c9: {  	[tilespmem:s11], [sflag:$0x5] =	stream.indirect.gather [spmem:s5], $0x80, s12, s28, $0xb8;
	[tilespmem:$0x1EF30] =	vst v63  }
0x3ca: {  	s22 =	simm.s32 $0x10EB0;
	s23 =	simm.s32 $0x2C30  }
0x3cb: {  	[tilespmem:s22], [sflag:$0x5] =	stream.indirect.gather [spmem:s6], $0x80, s23, s28, $0xb8;
	[tilespmem:$0x1EF30] =	vst v63  }
0x3cc: {  	s12 =	simm.s32 $0x12EB0;
	s22 =	simm.s32 $0x2E30  }
0x3cd: {  	[tilespmem:s12], [sflag:$0x5] =	stream.indirect.gather [spmem:s7], $0x80, s22, s28, $0xb8;
	[tilespmem:$0x1EF30] =	vst v63  }
0x3ce: {  	s23 =	simm.s32 $0x0  }
0x3cf: {  	[hbm4b:s15+s23] =	stream.linear.scatter [tilespmem:s0], [sflag:$0x8], $0x2000, $0x38;
	[tilespmem:$0x1EF30] =	vst v63  }
0x3d0: {  	_ =	swait.ge [sflag:s21], $0x2000  }
0x3d1: {  	[sflag:s21] =	ssyncset.done $0x0  }
0x3d2: {  	[sflag:s21] =	ssyncadd.s32 $0xFFFFE000  }
0x3d3: {  	_ =	swait.ge [sflag:s21], $0x2000  }
0x3d4: {  	[sflag:s21] =	ssyncset.done $0x0  }
0x3d5: {  	[sflag:s21] =	ssyncadd.s32 $0xFFFFE000  }
0x3d6: {  	_ =	swait.ge [sflag:s21], $0x2000  }
0x3d7: {  	[sflag:s21] =	ssyncset.done $0x0  }
0x3d8: {  	[sflag:s21] =	ssyncadd.s32 $0xFFFFE000  }
0x3d9: {  	_ =	swait.ge [sflag:s24], $0x2000  }
0x3da: {  	[sflag:s24] =	ssyncset.done $0x0  }
0x3db: {  	s9 =	simm.s32 $0x0;
	[sflag:s24] =	ssyncadd.s32 $0xFFFFE000  }
0x3dc: {  	v8 =	vld [tilespmem:s9+$0x2F20]  }
0x3dd: {  	v9 =	vld [tilespmem:s9+$0x4F20];
	_ =	sdelay $0x1  }
0x3de: {  	v11 =	vld [tilespmem:s9+$0x6F20]  }
0x3df: {  	v10 =	vld [tilespmem:s9+$0x2EB0]  }
0x3e0: {  	v12 =	vld [tilespmem:s9+$0x4EB0]  }
0x3e1: {  	v13 =	vld [tilespmem:s9+$0x2EC0];
	v8 =	vadd.f32 v9, v8  }
0x3e2: {  	v14 =	vld [tilespmem:s9+$0x4EC0]  }
0x3e3: {  	v15 =	vld [tilespmem:s9+$0x4ED0];
	v8 =	vadd.f32 v11, v8  }
0x3e4: {  	v16 =	vld [tilespmem:s9+$0x4EE0]  }
0x3e5: {  	v17 =	vld [tilespmem:s9+$0x2EF0];
	v8 =	vadd.f32 v8, v7  }
0x3e6: {  	v18 =	vld [tilespmem:s9+$0x4EF0]  }
0x3e7: {  	v20 =	vld [tilespmem:s9+$0x2F00];
	v19 =	vsub.f32 $0.0e+00, v8  }
0x3e8: {  	v21 =	vld [tilespmem:s9+$0x4F00]  }
0x3e9: {  	v22 =	vld [tilespmem:s9+$0x2F10];
	v19 =	vmul.f32 $1.442695020e+00, v19  }
0x3ea: {  	v23 =	vld [tilespmem:s9+$0x4F10]  }
0x3eb: {  	v24 =	vld [tilespmem:s9+$0x6EC0];
	(erf) = vpow2.f32 v19  }
0x3ec: {  	v25 =	vld [tilespmem:s9+$0x6ED0]  }
0x3ed: {  	v26 =	vld [tilespmem:s9+$0x6EE0]  }
0x3ee: {  	v9 =	vld [tilespmem:s9+$0x2ED0]  }
0x3ef: {  	v11 =	vld [tilespmem:s9+$0x2EE0]  }
0x3f0: {  	v19 =	vld [tilespmem:s9+$0x6EB0]  }
0x3f1: {  	s22 =	simm.s32 $0x80;
	v27 =	vld [tilespmem:s9+$0x6EF0]  }
0x3f2: {  	v30 =	vld [tilespmem:s22+$0x2F20]  }
0x3f3: {  	v31 =	vld [tilespmem:s22+$0x4F20];
	v10 =	vadd.f32 v12, v10;
	v13 =	vadd.f32 v14, v13  }
0x3f4: {  	v28 =	vld [tilespmem:s9+$0x6F00];
	v9 =	vadd.f32 v15, v9;
	v11 =	vadd.f32 v16, v11;
	v12 =	vpop (erf)  }
0x3f5: {  	v10 =	vadd.f32 v19, v10;
	v19 =	vld [tilespmem:s22+$0x6F20];
	v12 =	vadd.f32 $1.000000000e+00, v12  }
0x3f6: {  	v29 =	vld [tilespmem:s9+$0x6F10];
	v17 =	vadd.f32 v18, v17;
	v9 =	vadd.f32 v25, v9  }
0x3f7: {  	v56 =	vld [tilespmem:s22+$0x2EB0];
	v11 =	vadd.f32 v26, v11;
	v14 =	vadd.f32 v10, v6;
	(erf) = vrcp.f32 v12  }
0x3f8: {  	v57 =	vld [tilespmem:s22+$0x4EE0];
	v12 =	vadd.f32 v24, v13;
	v24 =	vadd.f32 v31, v30  }
0x3f9: {  	v60 =	vld [tilespmem:s22+$0x4EF0];
	v11 =	vadd.f32 v11, v4;
	v26 =	vsub.f32 $0.0e+00, v14  }
0x3fa: {  	v62 =	vld [tilespmem:s22+$0x2F00];
	v13 =	vadd.f32 v12, v5;
	v19 =	vadd.f32 v19, v24  }
0x3fb: {  	v18 =	vld [tilespmem:s22+$0x4F00];
	v58 =	vsub.f32 $0.0e+00, v11;
	v12 =	vadd.f32 v9, v3  }
0x3fc: {  	v15 =	vld [tilespmem:s22+$0x4EB0];
	v26 =	vmul.f32 $1.442695020e+00, v26;
	v30 =	vsub.f32 $0.0e+00, v13;
	v59 =	vadd.f32 v19, v7  }
0x3fd: {  	v16 =	vld [tilespmem:s22+$0x4EC0];
	v31 =	vsub.f32 $0.0e+00, v12  }
0x3fe: {  	v25 =	vld [tilespmem:s22+$0x2ED0];
	v34 =	vmul.f32 $1.442695020e+00, v58;
	v30 =	vmul.f32 $1.442695020e+00, v30;
	v61 =	vsub.f32 $0.0e+00, v59  }
0x3ff: {  	v10 =	vld [tilespmem:s22+$0x2EC0];
	(erf) = vpow2.f32 v26;
	v31 =	vmul.f32 $1.442695020e+00, v31  }
0x400: {  	v20 =	vadd.f32 v21, v20;
	v9 =	vld [tilespmem:s22+$0x4ED0];
	(erf) = vpow2.f32 v30;
	v21 =	vmul.f32 $1.442695020e+00, v61;
	v26 =	vpop (erf)  }
0x401: {  	v24 =	vld [tilespmem:s22+$0x2EE0];
	(erf) = vpow2.f32 v31;
	v8 =	vmul.f32 v26, v8  }
0x402: {  	v22 =	vadd.f32 v23, v22;
	v17 =	vadd.f32 v27, v17;
	v19 =	vld [tilespmem:s22+$0x2EF0];
	(erf) = vpow2.f32 v34  }
0x403: {  	v26 =	vld [tilespmem:s22+$0x2F10];
	(erf) = vpow2.f32 v21;
	[tilespmem:s9+$0x1AF20] =	vst v8;
	v8 =	vadd.f32 v28, v20  }
0x404: {  	v20 =	vadd.f32 v29, v22;
	v22 =	vadd.f32 v17, v1;
	v23 =	vld [tilespmem:s22+$0x4F10]  }
0x405: {  	v17 =	vld [tilespmem:s22+$0x6EB0];
	v21 =	vadd.f32 v8, v2  }
0x406: {  	v28 =	vld [tilespmem:s22+$0x6ED0];
	v20 =	vadd.f32 v20, v0;
	v27 =	vsub.f32 $0.0e+00, v22  }
0x407: {  	v30 =	vld [tilespmem:s22+$0x6EE0];
	v29 =	vsub.f32 $0.0e+00, v21  }
0x408: {  	v47 =	vadd.f32 v18, v62;
	v44 =	vpop (erf);
	v8 =	vld [tilespmem:s22+$0x6EC0];
	v31 =	vsub.f32 $0.0e+00, v20;
	v27 =	vmul.f32 $1.442695020e+00, v27  }
0x409: {  	s23 =	simm.s32 $0x100;
	v15 =	vadd.f32 v15, v56;
	v10 =	vadd.f32 v16, v10;
	v63 =	vld [tilespmem:s22+$0x6EF0];
	v45 =	vpop (erf);
	v16 =	vmul.f32 $1.442695020e+00, v29  }
0x40a: {  	v9 =	vadd.f32 v9, v25;
	v46 =	vld [tilespmem:s23+$0x2F20];
	v31 =	vmul.f32 $1.442695020e+00, v31;
	(erf) = vpow2.f32 v27;
	v39 =	vpop (erf)  }
0x40b: {  	v33 =	vadd.f32 v57, v24;
	v48 =	vld [tilespmem:s23+$0x6F20];
	v37 =	vpop (erf);
	(erf) = vpow2.f32 v16;
	v16 =	vadd.f32 $1.000000000e+00, v44  }
0x40c: {  	v19 =	vadd.f32 v60, v19;
	v27 =	vld [tilespmem:s22+$0x6F10];
	v24 =	vadd.f32 $1.000000000e+00, v45;
	v25 =	vpop (erf);
	(erf) = vpow2.f32 v31  }
0x40d: {  	v8 =	vadd.f32 v8, v10;
	v31 =	vld [tilespmem:s23+$0x4F20];
	(erf) = vrcp.f32 v16;
	v16 =	vadd.f32 $1.000000000e+00, v25  }
0x40e: {  	v29 =	vld [tilespmem:s22+$0x6F00];
	v15 =	vadd.f32 v17, v15;
	v10 =	vadd.f32 v23, v26;
	(erf) = vrcp.f32 v24  }
0x40f: {  	v34 =	vld [tilespmem:s23+$0x4EE0];
	v24 =	vadd.f32 v8, v5;
	v8 =	vadd.f32 v30, v33;
	(erf) = vrcp.f32 v16  }
0x410: {  	v40 =	vld [tilespmem:s23+$0x2EF0];
	v9 =	vadd.f32 v28, v9;
	v23 =	vadd.f32 v63, v19  }
0x411: {  	v53 =	vld [tilespmem:s23+$0x4EF0];
	v19 =	vadd.f32 v8, v4;
	v8 =	vadd.f32 v27, v10  }
0x412: {  	v35 =	vld [tilespmem:s23+$0x4F00];
	v10 =	vadd.f32 v23, v1;
	v23 =	vadd.f32 v31, v46  }
0x413: {  	v57 =	vld [tilespmem:s23+$0x2F10];
	v18 =	vadd.f32 v9, v3;
	v9 =	vadd.f32 v29, v47;
	v29 =	vpop (erf)  }
0x414: {  	v17 =	vld [tilespmem:s23+$0x2EB0];
	v25 =	vadd.f32 v15, v6;
	v23 =	vadd.f32 v48, v23;
	v30 =	vpop (erf)  }
0x415: {  	v28 =	vld [tilespmem:s23+$0x2ED0];
	v51 =	vsub.f32 $0.0e+00, v18;
	v32 =	vpop (erf)  }
0x416: {  	v26 =	vld [tilespmem:s23+$0x4EC0];
	v49 =	vsub.f32 $0.0e+00, v25;
	v9 =	vadd.f32 v9, v2;
	v36 =	vpop (erf)  }
0x417: {  	v15 =	vld [tilespmem:s23+$0x4EB0];
	v41 =	vmul.f32 $1.442695020e+00, v51;
	v50 =	vsub.f32 $0.0e+00, v24;
	v8 =	vadd.f32 v8, v0;
	v52 =	vpop (erf)  }
0x418: {  	v16 =	vld [tilespmem:s23+$0x2EC0];
	v33 =	vmul.f32 $1.442695020e+00, v49;
	v54 =	vsub.f32 $0.0e+00, v19;
	v45 =	vadd.f32 v23, v7;
	v23 =	vpop (erf)  }
0x419: {  	v27 =	vld [tilespmem:s23+$0x4ED0];
	v38 =	vmul.f32 $1.442695020e+00, v50;
	v55 =	vsub.f32 $0.0e+00, v10;
	v23 =	vmul.f32 v23, v59  }
0x41a: {  	v31 =	vld [tilespmem:s23+$0x2EE0];
	(erf) = vpow2.f32 v33;
	v44 =	vmul.f32 $1.442695020e+00, v54;
	v56 =	vsub.f32 $0.0e+00, v45  }
0x41b: {  	v46 =	vld [tilespmem:s23+$0x2F00];
	v58 =	vsub.f32 $0.0e+00, v9;
	v47 =	vmul.f32 $1.442695020e+00, v55;
	(erf) = vpow2.f32 v38;
	[tilespmem:s22+$0x1AF20] =	vst v23  }
0x41c: {  	(erf) = vpow2.f32 v41;
	v59 =	vmul.f32 $1.442695020e+00, v56;
	v60 =	vld [tilespmem:s23+$0x4F10]  }
0x41d: {  	v61 =	vmul.f32 $1.442695020e+00, v58;
	(erf) = vpow2.f32 v44;
	v23 =	vsub.f32 $0.0e+00, v8;
	v62 =	vld [tilespmem:s23+$0x6EB0]  }
0x41e: {  	v14 =	vmul.f32 v36, v14;
	(erf) = vpow2.f32 v59;
	v63 =	vld [tilespmem:s23+$0x6EC0]  }
0x41f: {  	v39 =	vadd.f32 $1.000000000e+00, v39;
	(erf) = vpow2.f32 v47;
	v49 =	vld [tilespmem:s23+$0x6ED0];
	v23 =	vmul.f32 $1.442695020e+00, v23  }
0x420: {  	v13 =	vmul.f32 v52, v13;
	v50 =	vld [tilespmem:s23+$0x6EE0];
	[tilespmem:s9+$0x1AEB0] =	vst v14;
	v14 =	vadd.f32 $1.000000000e+00, v37;
	(erf) = vpow2.f32 v61  }
0x421: {  	(erf) = vpow2.f32 v23  }
0x422: {  	v53 =	vadd.f32 v53, v40;
	v23 =	vld [tilespmem:s23+$0x6EF0];
	[tilespmem:s9+$0x1AEC0] =	vst v13;
	v13 =	vadd.f32 v15, v17;
	(erf) = vrcp.f32 v39  }
0x423: {  	v51 =	vpop (erf);
	v15 =	vadd.f32 v26, v16;
	v16 =	vadd.f32 $1.000000000e+00, v29  }
0x424: {  	v30 =	vadd.f32 $1.000000000e+00, v30;
	v32 =	vadd.f32 $1.000000000e+00, v32;
	(erf) = vrcp.f32 v14;
	v14 =	vpop (erf)  }
0x425: {  	v37 =	vadd.f32 $1.000000000e+00, v51;
	v17 =	vadd.f32 v27, v28;
	v28 =	vpop (erf)  }
0x426: {  	v35 =	vadd.f32 v35, v46;
	v29 =	vadd.f32 v34, v31;
	v26 =	vld [tilespmem:s23+$0x6F00];
	v31 =	vpop (erf)  }
0x427: {  	s29 =	simm.s32 $0x180;
	v27 =	vld [tilespmem:s23+$0x6F10];
	v13 =	vadd.f32 v62, v13;
	v15 =	vadd.f32 v63, v15;
	(erf) = vrcp.f32 v16;
	v16 =	vpop (erf)  }
0x428: {  	v52 =	vld [tilespmem:s29+$0x2F20];
	v33 =	vadd.f32 v60, v57;
	v14 =	vadd.f32 $1.000000000e+00, v14;
	(erf) = vrcp.f32 v30;
	v30 =	vpop (erf)  }
0x429: {  	v54 =	vld [tilespmem:s29+$0x4F20];
	v36 =	vadd.f32 v49, v17;
	v17 =	vadd.f32 v15, v5;
	(erf) = vrcp.f32 v37;
	v37 =	vpop (erf)  }
0x42a: {  	v55 =	vld [tilespmem:s29+$0x2EB0];
	v23 =	vadd.f32 v23, v53;
	(erf) = vrcp.f32 v14;
	v14 =	vadd.f32 $1.000000000e+00, v16;
	v41 =	vpop (erf)  }
0x42b: {  	v59 =	vld [tilespmem:s29+$0x6F20];
	v16 =	vadd.f32 v13, v6;
	v26 =	vadd.f32 v26, v35;
	(erf) = vrcp.f32 v32;
	v13 =	vpop (erf)  }
0x42c: {  	v60 =	vld [tilespmem:s29+$0x4EB0];
	(erf) = vrcp.f32 v14;
	v12 =	vmul.f32 v13, v12;
	v13 =	vadd.f32 v50, v29  }
0x42d: {  	v61 =	vld [tilespmem:s29+$0x4EC0];
	v62 =	vsub.f32 $0.0e+00, v17;
	v14 =	vadd.f32 v36, v3;
	v15 =	vpop (erf)  }
0x42e: {  	v32 =	vld [tilespmem:s29+$0x2EC0];
	v11 =	vmul.f32 v15, v11;
	v15 =	vadd.f32 v13, v4;
	v13 =	vadd.f32 v27, v33  }
0x42f: {  	v29 =	vld [tilespmem:s29+$0x2ED0];
	[tilespmem:s9+$0x1AED0] =	vst v12;
	v12 =	vadd.f32 v23, v1;
	v23 =	vsub.f32 $0.0e+00, v16  }
0x430: {  	v33 =	vpop (erf);
	v35 =	vld [tilespmem:s29+$0x4ED0];
	[tilespmem:s9+$0x1AEE0] =	vst v11;
	v11 =	vadd.f32 v26, v2;
	v26 =	vadd.f32 v54, v52  }
0x431: {  	v42 =	vadd.f32 v60, v55;
	v63 =	vsub.f32 $0.0e+00, v14;
	v36 =	vpop (erf)  }
0x432: {  	v40 =	vmul.f32 $1.442695020e+00, v62;
	v27 =	vld [tilespmem:s29+$0x2EE0];
	v34 =	vpop (erf);
	v56 =	vmul.f32 $1.442695020e+00, v23;
	v23 =	vadd.f32 v59, v26  }
0x433: {  	v38 =	vadd.f32 v61, v32;
	v46 =	vmul.f32 $1.442695020e+00, v63;
	v39 =	vld [tilespmem:s29+$0x4EE0];
	v57 =	vsub.f32 $0.0e+00, v15;
	v47 =	vpop (erf)  }
0x434: {  	v22 =	vmul.f32 v33, v22;
	v13 =	vadd.f32 v13, v0;
	v48 =	vld [tilespmem:s29+$0x2EF0];
	v26 =	vpop (erf);
	v23 =	vadd.f32 v23, v7  }
0x435: {  	v43 =	vld [tilespmem:s29+$0x4EF0];
	v58 =	vsub.f32 $0.0e+00, v12;
	v21 =	vmul.f32 v36, v21;
	v50 =	vmul.f32 $1.442695020e+00, v57;
	v59 =	vpop (erf)  }
0x436: {  	v52 =	vld [tilespmem:s29+$0x2F00];
	(erf) = vpow2.f32 v56;
	v44 =	vmul.f32 v59, v45;
	v61 =	vsub.f32 $0.0e+00, v23  }
0x437: {  	v32 =	vld [tilespmem:s29+$0x2F10];
	v60 =	vsub.f32 $0.0e+00, v11;
	v51 =	vmul.f32 $1.442695020e+00, v58;
	(erf) = vpow2.f32 v40  }
0x438: {  	v35 =	vadd.f32 v35, v29;
	(erf) = vpow2.f32 v46;
	v45 =	vld [tilespmem:s29+$0x4F00];
	[tilespmem:s23+$0x1AF20] =	vst v44;
	v29 =	vmul.f32 $1.442695020e+00, v61  }
0x439: {  	v62 =	vsub.f32 $0.0e+00, v13;
	v24 =	vmul.f32 v47, v24;
	(erf) = vpow2.f32 v50;
	v57 =	vld [tilespmem:s29+$0x6EB0]  }
0x43a: {  	v55 =	vadd.f32 $1.000000000e+00, v30;
	v53 =	vmul.f32 $1.442695020e+00, v60;
	(erf) = vpow2.f32 v29  }
0x43b: {  	v37 =	vadd.f32 $1.000000000e+00, v37;
	v44 =	vmul.f32 $1.442695020e+00, v62;
	v63 =	vld [tilespmem:s29+$0x4F10];
	(erf) = vpow2.f32 v51  }
0x43c: {  	v25 =	vmul.f32 v34, v25;
	v58 =	vadd.f32 $1.000000000e+00, v28;
	v59 =	vld [tilespmem:s29+$0x6EC0];
	(erf) = vpow2.f32 v53  }
0x43d: {  	v60 =	vadd.f32 $1.000000000e+00, v31;
	v39 =	vadd.f32 v39, v27;
	v54 =	vld [tilespmem:s29+$0x6ED0];
	(erf) = vpow2.f32 v44  }
0x43e: {  	v27 =	vadd.f32 v43, v48;
	v61 =	vld [tilespmem:s29+$0x6EE0];
	[tilespmem:s22+$0x1AEB0] =	vst v25;
	(erf) = vrcp.f32 v58;
	v25 =	vadd.f32 v57, v42  }
0x43f: {  	v29 =	vadd.f32 $1.000000000e+00, v41;
	v31 =	vld [tilespmem:s29+$0x6EF0];
	[tilespmem:s22+$0x1AEC0] =	vst v24;
	v28 =	vadd.f32 v45, v52;
	v24 =	vpop (erf);
	(erf) = vrcp.f32 v60  }
0x440: {  	v62 =	vadd.f32 $1.000000000e+00, v24;
	v24 =	vpop (erf);
	v30 =	vadd.f32 v63, v32;
	v32 =	vld [tilespmem:s29+$0x6F00];
	[tilespmem:s9+$0x1AEF0] =	vst v22;
	(erf) = vrcp.f32 v55  }
0x441: {  	v22 =	vadd.f32 v59, v38;
	v63 =	vadd.f32 $1.000000000e+00, v24;
	v24 =	vpop (erf);
	v34 =	vld [tilespmem:s29+$0x6F10];
	(erf) = vrcp.f32 v37  }
0x442: {  	s11 =	simm.s32 $0x200;
	v35 =	vadd.f32 v54, v35;
	[tilespmem:s9+$0x1AF00] =	vst v21;
	v21 =	vadd.f32 v25, v6;
	(erf) = vrcp.f32 v62;
	v25 =	vpop (erf)  }
0x443: {  	s12 =	simm.s32 $0xA00;
	v36 =	vadd.f32 v61, v39;
	v33 =	vld [tilespmem:s11+$0x2F20];
	v22 =	vadd.f32 v22, v5;
	v37 =	vpop (erf);
	(erf) = vrcp.f32 v63  }
.LBB2_10:
0x444: {  	p1 =	sne.s32 s12, $0x7E00;
	v38 =	vld [tilespmem:s11+$0x4F20];
	v27 =	vadd.f32 v31, v27;
	v39 =	vadd.f32 $1.000000000e+00, v37;
	v37 =	vpop (erf);
	(erf) = vrcp.f32 v29  }
0x445: {  	v35 =	vadd.f32 v35, v3;
	v20 =	vmul.f32 v26, v20;
	v29 =	vld [tilespmem:s11+$0x2EB0];
	v41 =	vadd.f32 v32, v28;
	v32 =	vpop (erf)  }
0x446: {  	v36 =	vadd.f32 v36, v4;
	v26 =	vld [tilespmem:s11+$0x6F20];
	v30 =	vadd.f32 v34, v30;
	(erf) = vrcp.f32 v39;
	v31 =	vpop (erf)  }
0x447: {  	v40 =	vmov v9;
	v39 =	vadd.f32 v27, v1;
	v34 =	vld [tilespmem:s11+$0x4EB0];
	v27 =	vadd.f32 v41, v2;
	v28 =	vpop (erf);
	[tilespmem:s9+$0x1AF10] =	vst v20;
	s9 =	smov.u32 s22;
	s22 =	smov.u32 s23;
	s23 =	smov.u32 s29  }
0x448: {  	v20 =	vsub.f32 $0.0e+00, v21;
	s29 =	smov.u32 s11;
	v9 =	vld [tilespmem:s11+$0x2EC0];
	v30 =	vadd.f32 v30, v0;
	v18 =	vmul.f32 v28, v18;
	v28 =	vpop (erf)  }
0x449: {  	v41 =	vld [tilespmem:s29+$0x4EC0];
	v33 =	vadd.f32 v38, v33;
	v38 =	vsub.f32 $0.0e+00, v22;
	v19 =	vmul.f32 v28, v19;
	v42 =	vpop (erf)  }
0x44a: {  	v43 =	vsub.f32 $0.0e+00, v35;
	v44 =	vsub.f32 $0.0e+00, v36;
	v20 =	vmul.f32 $1.442695020e+00, v20;
	v28 =	vld [tilespmem:s29+$0x2ED0];
	[tilespmem:s9+$0x1AED0] =	vst v18;
	v45 =	vpop (erf)  }
0x44b: {  	v46 =	vld [tilespmem:s29+$0x4ED0];
	v54 =	vadd.f32 v26, v33;
	v33 =	vmul.f32 $1.442695020e+00, v38;
	v38 =	vsub.f32 $0.0e+00, v39;
	v47 =	vpop (erf);
	[tilespmem:s9+$0x1AEE0] =	vst v19  }
0x44c: {  	v43 =	vmul.f32 $1.442695020e+00, v43;
	v55 =	vsub.f32 $0.0e+00, v27;
	v34 =	vadd.f32 v34, v29;
	v29 =	vld [tilespmem:s29+$0x2EE0];
	v48 =	vpop (erf)  }
0x44d: {  	v44 =	vmul.f32 $1.442695020e+00, v44;
	v51 =	vsub.f32 $0.0e+00, v30;
	v49 =	vld [tilespmem:s29+$0x4EE0];
	v50 =	vadd.f32 v54, v7;
	v26 =	vpop (erf)  }
0x44e: {  	v53 =	vmul.f32 $1.442695020e+00, v55;
	v18 =	vmovc v14;
	v14 =	vmovc v35;
	v38 =	vmul.f32 $1.442695020e+00, v38;
	v41 =	vadd.f32 v41, v9;
	v52 =	vld [tilespmem:s29+$0x2EF0]  }
0x44f: {  	v51 =	vmul.f32 $1.442695020e+00, v51;
	v35 =	vld [tilespmem:s29+$0x4EF0];
	v54 =	vsub.f32 $0.0e+00, v50;
	(erf) = vpow2.f32 v20;
	v19 =	vpop (erf)  }
0x450: {  	v46 =	vadd.f32 v46, v28;
	v28 =	vld [tilespmem:s29+$0x2F00];
	v55 =	vmul.f32 v19, v23;
	(erf) = vpow2.f32 v33;
	v19 =	vmovc v15;
	v15 =	vmovc v36  }
0x451: {  	v24 =	vadd.f32 $1.000000000e+00, v24;
	v9 =	vmovc v11;
	v11 =	vmovc v27;
	v33 =	vld [tilespmem:s29+$0x4F00];
	v54 =	vmul.f32 $1.442695020e+00, v54;
	(erf) = vpow2.f32 v43  }
0x452: {  	v25 =	vadd.f32 $1.000000000e+00, v25;
	v20 =	vmovc v8;
	v8 =	vmovc v13;
	v36 =	vadd.f32 v49, v29;
	v43 =	vld [tilespmem:s29+$0x2F10];
	[tilespmem:s23+$0x1AF20] =	vst v55;
	(erf) = vpow2.f32 v44  }
0x453: {  	v37 =	vadd.f32 $1.000000000e+00, v37;
	v13 =	vmovc v30;
	v23 =	vmovc v50;
	v49 =	vadd.f32 $1.000000000e+00, v32;
	v44 =	vld [tilespmem:s29+$0x4F10];
	(erf) = vpow2.f32 v54  }
0x454: {  	v29 =	vadd.f32 $1.000000000e+00, v31;
	v32 =	vld [tilespmem:s29+$0x6EB0];
	v27 =	vadd.f32 v35, v52;
	(erf) = vpow2.f32 v38  }
0x455: {  	v30 =	vmul.f32 v47, v16;
	v16 =	vmov v21;
	v35 =	vld [tilespmem:s29+$0x6EC0];
	(erf) = vpow2.f32 v53  }
0x456: {  	v21 =	vmul.f32 v48, v17;
	v17 =	vmovc v22;
	v38 =	vld [tilespmem:s29+$0x6ED0];
	v28 =	vadd.f32 v33, v28;
	(erf) = vpow2.f32 v51  }
0x457: {  	v22 =	vmul.f32 v42, v10;
	v10 =	vmovc v12;
	v12 =	vmov v39;
	v47 =	vld [tilespmem:s29+$0x6EE0];
	[tilespmem:s22+$0x1AEB0] =	vst v30;
	(erf) = vrcp.f32 v24  }
.Ltmp4:
0x458: {  	v31 =	vld [tilespmem:s29+$0x6EF0];
	v30 =	vadd.f32 v44, v43;
	v24 =	vpop (erf);
	[tilespmem:s22+$0x1AEC0] =	vst v21;
	(erf) = vrcp.f32 v25;
	v21 =	vmul.f32 v45, v40;
	(pc) =	sbr.rel @p1 .LBB2_10-.Ltmp4, $4  }
0x459: {  	v40 =	vadd.f32 v32, v34;
	v32 =	vld [tilespmem:s29+$0x6F00];
	v33 =	vadd.f32 $1.000000000e+00, v24;
	v24 =	vpop (erf);
	(erf) = vrcp.f32 v37;
	[tilespmem:s9+$0x1AEF0] =	vst v22  }
0x45a: {  	v22 =	vadd.f32 v35, v41;
	v34 =	vld [tilespmem:s29+$0x6F10];
	v39 =	vadd.f32 $1.000000000e+00, v24;
	v24 =	vpop (erf);
	(erf) = vrcp.f32 v49;
	[tilespmem:s9+$0x1AF00] =	vst v21  }
0x45b: {  	s11 =	sshra.s32 s12, $0x2;
	v21 =	vadd.f32 v40, v6;
	v35 =	vadd.f32 v38, v46;
	(erf) = vrcp.f32 v33;
	v25 =	vpop (erf)  }
0x45c: {  	s12 =	sadd.s32 $0x200, s12;
	v33 =	vld [tilespmem:s11+$0x2F20];
	v22 =	vadd.f32 v22, v5;
	v36 =	vadd.f32 v47, v36;
	v37 =	vpop (erf);
	(erf) = vrcp.f32 v39  }
0x45d: {  	v20 =	vmul.f32 v26, v20  }
0x45e: {  	v38 =	vld [tilespmem:s11+$0x4F20];
	v40 =	vpop (erf);
	v26 =	vadd.f32 $1.000000000e+00, v37  }
0x45f: {  	v39 =	vld [tilespmem:s11+$0x2EB0];
	(erf) = vrcp.f32 v29;
	v42 =	vpop (erf)  }
0x460: {  	v41 =	vld [tilespmem:s11+$0x6F20];
	v37 =	vpop (erf);
	(erf) = vrcp.f32 v26  }
0x461: {  	v43 =	vld [tilespmem:s11+$0x4EB0];
	v27 =	vadd.f32 v31, v27;
	v24 =	vadd.f32 $1.000000000e+00, v24;
	[tilespmem:s9+$0x1AF10] =	vst v20;
	v20 =	vpop (erf)  }
0x462: {  	v25 =	vadd.f32 $1.000000000e+00, v25;
	v29 =	vadd.f32 v32, v28;
	v44 =	vld [tilespmem:s11+$0x2EC0];
	v18 =	vmul.f32 v20, v18;
	v20 =	vpop (erf)  }
0x463: {  	v62 =	vsub.f32 $0.0e+00, v22;
	v26 =	vadd.f32 v35, v3;
	v45 =	vld [tilespmem:s11+$0x4EC0];
	v19 =	vmul.f32 v20, v19  }
0x464: {  	v30 =	vadd.f32 v34, v30;
	v42 =	vadd.f32 $1.000000000e+00, v42;
	v46 =	vld [tilespmem:s11+$0x2ED0];
	v32 =	vpop (erf);
	[tilespmem:s22+$0x1AED0] =	vst v18  }
0x465: {  	v18 =	vadd.f32 v27, v1;
	v27 =	vadd.f32 v38, v33;
	v28 =	vpop (erf);
	v31 =	vld [tilespmem:s11+$0x4ED0];
	[tilespmem:s22+$0x1AEE0] =	vst v19  }
0x466: {  	v37 =	vadd.f32 $1.000000000e+00, v37;
	v48 =	vsub.f32 $0.0e+00, v26;
	v34 =	vpop (erf);
	v33 =	vld [tilespmem:s11+$0x2EE0]  }
0x467: {  	v39 =	vadd.f32 v43, v39;
	v61 =	vld [tilespmem:s11+$0x4EE0];
	v38 =	vadd.f32 v41, v27;
	v41 =	vpop (erf)  }
0x468: {  	v19 =	vadd.f32 v29, v2;
	v29 =	vsub.f32 $0.0e+00, v21;
	v47 =	vld [tilespmem:s11+$0x2EF0];
	v49 =	vpop (erf)  }
0x469: {  	v20 =	vadd.f32 v36, v4;
	v36 =	vmul.f32 $1.442695020e+00, v62;
	v54 =	vmul.f32 $1.442695020e+00, v48;
	v50 =	vld [tilespmem:s11+$0x4EF0];
	v63 =	vpop (erf)  }
0x46a: {  	v27 =	vadd.f32 v30, v0;
	v52 =	vld [tilespmem:s11+$0x2F00];
	v30 =	vmul.f32 $1.442695020e+00, v29;
	v23 =	vmul.f32 v63, v23  }
0x46b: {  	v10 =	vmul.f32 v32, v10;
	v51 =	vsub.f32 $0.0e+00, v20;
	v29 =	vadd.f32 v38, v7;
	v38 =	vld [tilespmem:s11+$0x4F00]  }
0x46c: {  	v53 =	vsub.f32 $0.0e+00, v18;
	v16 =	vmul.f32 v34, v16;
	(erf) = vpow2.f32 v30;
	v30 =	vld [tilespmem:s11+$0x2F10];
	[tilespmem:s29+$0x1AF20] =	vst v23  }
0x46d: {  	v51 =	vmul.f32 $1.442695020e+00, v51;
	v17 =	vmul.f32 v41, v17;
	v55 =	vsub.f32 $0.0e+00, v29;
	v57 =	vld [tilespmem:s11+$0x4F10]  }
0x46e: {  	v62 =	vadd.f32 $1.000000000e+00, v40;
	v58 =	vmul.f32 $1.442695020e+00, v53;
	(erf) = vpow2.f32 v36;
	v59 =	vld [tilespmem:s11+$0x6EB0]  }
0x46f: {  	v56 =	vsub.f32 $0.0e+00, v19;
	(erf) = vpow2.f32 v54;
	v48 =	vmul.f32 $1.442695020e+00, v55;
	v60 =	vld [tilespmem:s11+$0x6EC0]  }
0x470: {  	v23 =	vsub.f32 $0.0e+00, v27;
	v33 =	vadd.f32 v61, v33;
	(erf) = vpow2.f32 v51;
	v61 =	vld [tilespmem:s11+$0x6ED0]  }
0x471: {  	v44 =	vadd.f32 v45, v44;
	v36 =	vmul.f32 $1.442695020e+00, v56;
	v63 =	vld [tilespmem:s11+$0x6EE0];
	(erf) = vpow2.f32 v48  }
0x472: {  	v31 =	vadd.f32 v31, v46;
	[tilespmem:s23+$0x1AEB0] =	vst v16;
	v23 =	vmul.f32 $1.442695020e+00, v23;
	(erf) = vpow2.f32 v58  }
0x473: {  	v16 =	vadd.f32 v50, v47;
	v38 =	vadd.f32 v38, v52;
	v48 =	vld [tilespmem:s11+$0x6EF0];
	(erf) = vpow2.f32 v36  }
0x474: {  	[tilespmem:s23+$0x1AEC0] =	vst v17;
	v30 =	vadd.f32 v57, v30;
	(erf) = vpow2.f32 v23;
	v17 =	vadd.f32 v59, v39  }
0x475: {  	v23 =	vld [tilespmem:s11+$0x6F00];
	[tilespmem:s22+$0x1AEF0] =	vst v10;
	v10 =	vadd.f32 v60, v44;
	v31 =	vadd.f32 v61, v31;
	v50 =	vpop (erf);
	(erf) = vrcp.f32 v24  }
0x476: {  	v33 =	vadd.f32 v63, v33;
	v32 =	vadd.f32 $1.000000000e+00, v50;
	(erf) = vrcp.f32 v25;
	v25 =	vld [tilespmem:s11+$0x6F10]  }
0x477: {  	v17 =	vadd.f32 v17, v6;
	v10 =	vadd.f32 v10, v5  }
0x478: {  	v51 =	vpop (erf);
	v16 =	vadd.f32 v48, v16;
	v31 =	vadd.f32 v31, v3  }
0x479: {  	v24 =	vadd.f32 $1.000000000e+00, v51;
	v52 =	vpop (erf);
	(erf) = vrcp.f32 v62;
	v55 =	vsub.f32 $0.0e+00, v17  }
0x47a: {  	v53 =	vpop (erf);
	(erf) = vrcp.f32 v42;
	v16 =	vadd.f32 v16, v1;
	v23 =	vadd.f32 v23, v38  }
0x47b: {  	(erf) = vrcp.f32 v32;
	v54 =	vpop (erf);
	v25 =	vadd.f32 v25, v30;
	v30 =	vsub.f32 $0.0e+00, v10  }
0x47c: {  	(erf) = vrcp.f32 v24;
	v32 =	vmul.f32 $1.442695020e+00, v55;
	v35 =	vadd.f32 $1.000000000e+00, v54  }
0x47d: {  	v24 =	vadd.f32 v33, v4;
	(erf) = vrcp.f32 v37;
	v56 =	vpop (erf);
	v30 =	vmul.f32 $1.442695020e+00, v30  }
0x47e: {  	v58 =	vsub.f32 $0.0e+00, v31;
	v62 =	vsub.f32 $0.0e+00, v16;
	v57 =	vpop (erf);
	(erf) = vrcp.f32 v35  }
0x47f: {  	v23 =	vadd.f32 v23, v2;
	v60 =	vsub.f32 $0.0e+00, v24;
	v59 =	vpop (erf);
	(erf) = vpow2.f32 v32  }
0x480: {  	v36 =	vmul.f32 $1.442695020e+00, v58;
	v25 =	vadd.f32 v25, v0;
	v61 =	vpop (erf);
	(erf) = vpow2.f32 v30  }
0x481: {  	v63 =	vsub.f32 $0.0e+00, v23;
	v38 =	vmul.f32 $1.442695020e+00, v60;
	v30 =	vpop (erf)  }
0x482: {  	v40 =	vmul.f32 $1.442695020e+00, v62;
	v46 =	vsub.f32 $0.0e+00, v25;
	(erf) = vpow2.f32 v36;
	v45 =	vpop (erf)  }
0x483: {  	v41 =	vmul.f32 $1.442695020e+00, v63;
	(erf) = vpow2.f32 v38;
	v47 =	vpop (erf)  }
0x484: {  	v43 =	vmul.f32 $1.442695020e+00, v46;
	(erf) = vpow2.f32 v40;
	v48 =	vpop (erf)  }
0x485: {  	v39 =	vadd.f32 $1.000000000e+00, v52;
	(erf) = vpow2.f32 v41;
	v50 =	vpop (erf)  }
0x486: {  	v34 =	vadd.f32 $1.000000000e+00, v53;
	(erf) = vpow2.f32 v43;
	v51 =	vpop (erf)  }
0x487: {  	v9 =	vmul.f32 v28, v9;
	v33 =	vadd.f32 $1.000000000e+00, v56;
	v52 =	vpop (erf);
	(erf) = vrcp.f32 v39  }
0x488: {  	v8 =	vmul.f32 v49, v8;
	v35 =	vadd.f32 $1.000000000e+00, v57;
	v53 =	vpop (erf);
	(erf) = vrcp.f32 v34  }
0x489: {  	[tilespmem:s22+$0x1AF00] =	vst v9;
	v9 =	vmul.f32 v61, v14;
	v28 =	vadd.f32 $1.000000000e+00, v53;
	v54 =	vpop (erf);
	(erf) = vrcp.f32 v33  }
0x48a: {  	[tilespmem:s22+$0x1AF10] =	vst v8;
	v8 =	vmul.f32 v30, v15;
	v55 =	vadd.f32 $1.000000000e+00, v54;
	(erf) = vrcp.f32 v35  }
0x48b: {  	[tilespmem:s23+$0x1AED0] =	vst v9;
	v9 =	vmul.f32 v52, v29;
	v14 =	vpop (erf);
	(erf) = vrcp.f32 v28  }
0x48c: {  	[tilespmem:s23+$0x1AEE0] =	vst v8;
	v15 =	vpop (erf);
	(erf) = vrcp.f32 v55  }
0x48d: {  	[tilespmem:s11+$0x1AF20] =	vst v9;
	v9 =	vmul.f32 v50, v22;
	v28 =	vadd.f32 $1.000000000e+00, v59;
	v29 =	vpop (erf)  }
0x48e: {  	v8 =	vmul.f32 v48, v21;
	v14 =	vadd.f32 $1.000000000e+00, v14;
	v21 =	vpop (erf)  }
0x48f: {  	v15 =	vadd.f32 $1.000000000e+00, v15;
	[tilespmem:s29+$0x1AEC0] =	vst v9;
	v9 =	vmul.f32 v47, v11;
	(erf) = vrcp.f32 v28;
	v22 =	vpop (erf)  }
0x490: {  	[tilespmem:s29+$0x1AEB0] =	vst v8;
	v8 =	vmul.f32 v45, v12;
	v12 =	vpop (erf);
	(erf) = vrcp.f32 v14  }
0x491: {  	[tilespmem:s23+$0x1AF00] =	vst v9;
	v11 =	vpop (erf);
	(erf) = vrcp.f32 v15;
	v9 =	vmul.f32 v12, v26  }
0x492: {  	v28 =	vadd.f32 $1.000000000e+00, v29;
	[tilespmem:s23+$0x1AEF0] =	vst v8;
	v8 =	vmul.f32 v51, v13;
	v13 =	vpop (erf)  }
0x493: {  	v14 =	vadd.f32 $1.000000000e+00, v21;
	v12 =	vpop (erf)  }
0x494: {  	[tilespmem:s23+$0x1AF10] =	vst v8;
	v15 =	vadd.f32 $1.000000000e+00, v22;
	(erf) = vrcp.f32 v28;
	v8 =	vmul.f32 v11, v20;
	v11 =	vpop (erf)  }
0x495: {  	(erf) = vrcp.f32 v14;
	[tilespmem:s29+$0x1AED0] =	vst v9;
	v9 =	vpop (erf);
	v11 =	vmul.f32 v11, v17  }
0x496: {  	(erf) = vrcp.f32 v15;
	[tilespmem:s29+$0x1AEE0] =	vst v8;
	v8 =	vmul.f32 v9, v10  }
0x497: {  	v9 =	vmul.f32 v13, v18;
	[tilespmem:s11+$0x1AEB0] =	vst v11  }
0x498: {  	v10 =	vpop (erf);
	[tilespmem:s11+$0x1AEC0] =	vst v8;
	v8 =	vmul.f32 v12, v19  }
0x499: {  	[tilespmem:s29+$0x1AEF0] =	vst v9;
	v9 =	vmul.f32 v10, v27;
	v10 =	vpop (erf)  }
0x49a: {  	[tilespmem:s29+$0x1AF00] =	vst v8;
	v8 =	vmul.f32 v10, v31;
	v10 =	vpop (erf)  }
0x49b: {  	[tilespmem:s29+$0x1AF10] =	vst v9;
	v9 =	vmul.f32 v10, v24;
	_ =	sdelay $0x1  }
0x49c: {  	v10 =	vpop (erf)  }
0x49d: {  	[tilespmem:s11+$0x1AED0] =	vst v8;
	v10 =	vmul.f32 v10, v16;
	v8 =	vpop (erf)  }
0x49e: {  	[tilespmem:s11+$0x1AEE0] =	vst v9;
	v9 =	vpop (erf);
	v8 =	vmul.f32 v8, v23  }
0x49f: {  	[tilespmem:s11+$0x1AEF0] =	vst v10;
	v9 =	vmul.f32 v9, v25  }
0x4a0: {  	[tilespmem:s11+$0x1AF00] =	vst v8  }
0x4a1: {  	s12 =	simm.s32 $0x2A70;
	[tilespmem:s11+$0x1AF10] =	vst v9;
	s11 =	simm.s32 $0x14EB0  }
0x4a2: {  	[tilespmem:s11], [sflag:$0x6] =	stream.indirect.gather [spmem:s5], $0x80, s12, s28, $0xb8;
	[tilespmem:$0x1EF30] =	vst v63  }
0x4a3: {  	s22 =	simm.s32 $0x16EB0;
	s23 =	simm.s32 $0x2C70  }
0x4a4: {  	[tilespmem:s22], [sflag:$0x6] =	stream.indirect.gather [spmem:s6], $0x80, s23, s28, $0xb8;
	[tilespmem:$0x1EF30] =	vst v63  }
0x4a5: {  	s12 =	simm.s32 $0x18EB0;
	s22 =	simm.s32 $0x2E70  }
0x4a6: {  	[tilespmem:s12], [sflag:$0x6] =	stream.indirect.gather [spmem:s7], $0x80, s22, s28, $0xb8;
	[tilespmem:$0x1EF30] =	vst v63  }
0x4a7: {  	s23 =	simm.s32 $0x0  }
0x4a8: {  	[hbm4b:s16+s23] =	stream.linear.scatter [tilespmem:s30], [sflag:$0x7], $0x2000, $0x38;
	[tilespmem:$0x1EF30] =	vst v63  }
0x4a9: {  	_ =	swait.ge [sflag:s31], $0x2000  }
0x4aa: {  	[sflag:s31] =	ssyncset.done $0x0  }
0x4ab: {  	[sflag:s31] =	ssyncadd.s32 $0xFFFFE000  }
0x4ac: {  	_ =	swait.ge [sflag:s31], $0x2000  }
0x4ad: {  	[sflag:s31] =	ssyncset.done $0x0  }
0x4ae: {  	[sflag:s31] =	ssyncadd.s32 $0xFFFFE000  }
0x4af: {  	_ =	swait.ge [sflag:s31], $0x2000  }
0x4b0: {  	[sflag:s31] =	ssyncset.done $0x0  }
0x4b1: {  	[sflag:s31] =	ssyncadd.s32 $0xFFFFE000  }
0x4b2: {  	_ =	swait.ge [sflag:s3], $0x2000  }
0x4b3: {  	[sflag:s3] =	ssyncset.done $0x0  }
0x4b4: {  	s9 =	simm.s32 $0x0;
	[sflag:s3] =	ssyncadd.s32 $0xFFFFE000  }
0x4b5: {  	v8 =	vld [tilespmem:s9+$0x8F20]  }
0x4b6: {  	v9 =	vld [tilespmem:s9+$0xAF20];
	_ =	sdelay $0x1  }
0x4b7: {  	v11 =	vld [tilespmem:s9+$0xCF20]  }
0x4b8: {  	v10 =	vld [tilespmem:s9+$0x8EB0]  }
0x4b9: {  	v12 =	vld [tilespmem:s9+$0xAEB0]  }
0x4ba: {  	v13 =	vld [tilespmem:s9+$0x8EC0];
	v8 =	vadd.f32 v9, v8  }
0x4bb: {  	v14 =	vld [tilespmem:s9+$0xAEC0]  }
0x4bc: {  	v15 =	vld [tilespmem:s9+$0xAED0];
	v8 =	vadd.f32 v11, v8  }
0x4bd: {  	v16 =	vld [tilespmem:s9+$0xAEE0]  }
0x4be: {  	v17 =	vld [tilespmem:s9+$0x8EF0];
	v8 =	vadd.f32 v8, v7  }
0x4bf: {  	v18 =	vld [tilespmem:s9+$0xAEF0]  }
0x4c0: {  	v20 =	vld [tilespmem:s9+$0x8F00];
	v19 =	vsub.f32 $0.0e+00, v8  }
0x4c1: {  	v21 =	vld [tilespmem:s9+$0xAF00]  }
0x4c2: {  	v22 =	vld [tilespmem:s9+$0x8F10];
	v19 =	vmul.f32 $1.442695020e+00, v19  }
0x4c3: {  	v23 =	vld [tilespmem:s9+$0xAF10]  }
0x4c4: {  	v24 =	vld [tilespmem:s9+$0xCEC0];
	(erf) = vpow2.f32 v19  }
0x4c5: {  	v25 =	vld [tilespmem:s9+$0xCED0]  }
0x4c6: {  	v26 =	vld [tilespmem:s9+$0xCEE0]  }
0x4c7: {  	v9 =	vld [tilespmem:s9+$0x8ED0]  }
0x4c8: {  	v11 =	vld [tilespmem:s9+$0x8EE0]  }
0x4c9: {  	v19 =	vld [tilespmem:s9+$0xCEB0]  }
0x4ca: {  	s22 =	simm.s32 $0x80;
	v27 =	vld [tilespmem:s9+$0xCEF0]  }
0x4cb: {  	v30 =	vld [tilespmem:s22+$0x8F20]  }
0x4cc: {  	v31 =	vld [tilespmem:s22+$0xAF20];
	v10 =	vadd.f32 v12, v10;
	v13 =	vadd.f32 v14, v13  }
0x4cd: {  	v28 =	vld [tilespmem:s9+$0xCF00];
	v9 =	vadd.f32 v15, v9;
	v11 =	vadd.f32 v16, v11;
	v12 =	vpop (erf)  }
0x4ce: {  	v10 =	vadd.f32 v19, v10;
	v19 =	vld [tilespmem:s22+$0xCF20];
	v12 =	vadd.f32 $1.000000000e+00, v12  }
0x4cf: {  	v29 =	vld [tilespmem:s9+$0xCF10];
	v17 =	vadd.f32 v18, v17;
	v9 =	vadd.f32 v25, v9  }
0x4d0: {  	v56 =	vld [tilespmem:s22+$0x8EB0];
	v11 =	vadd.f32 v26, v11;
	v14 =	vadd.f32 v10, v6;
	(erf) = vrcp.f32 v12  }
0x4d1: {  	v57 =	vld [tilespmem:s22+$0xAEE0];
	v12 =	vadd.f32 v24, v13;
	v24 =	vadd.f32 v31, v30  }
0x4d2: {  	v60 =	vld [tilespmem:s22+$0xAEF0];
	v11 =	vadd.f32 v11, v4;
	v26 =	vsub.f32 $0.0e+00, v14  }
0x4d3: {  	v62 =	vld [tilespmem:s22+$0x8F00];
	v13 =	vadd.f32 v12, v5;
	v19 =	vadd.f32 v19, v24  }
0x4d4: {  	v18 =	vld [tilespmem:s22+$0xAF00];
	v58 =	vsub.f32 $0.0e+00, v11;
	v12 =	vadd.f32 v9, v3  }
0x4d5: {  	v15 =	vld [tilespmem:s22+$0xAEB0];
	v26 =	vmul.f32 $1.442695020e+00, v26;
	v30 =	vsub.f32 $0.0e+00, v13;
	v59 =	vadd.f32 v19, v7  }
0x4d6: {  	v16 =	vld [tilespmem:s22+$0xAEC0];
	v31 =	vsub.f32 $0.0e+00, v12  }
0x4d7: {  	v25 =	vld [tilespmem:s22+$0x8ED0];
	v34 =	vmul.f32 $1.442695020e+00, v58;
	v30 =	vmul.f32 $1.442695020e+00, v30;
	v61 =	vsub.f32 $0.0e+00, v59  }
0x4d8: {  	v10 =	vld [tilespmem:s22+$0x8EC0];
	(erf) = vpow2.f32 v26;
	v31 =	vmul.f32 $1.442695020e+00, v31  }
0x4d9: {  	v20 =	vadd.f32 v21, v20;
	v9 =	vld [tilespmem:s22+$0xAED0];
	(erf) = vpow2.f32 v30;
	v21 =	vmul.f32 $1.442695020e+00, v61;
	v26 =	vpop (erf)  }
0x4da: {  	v24 =	vld [tilespmem:s22+$0x8EE0];
	(erf) = vpow2.f32 v31;
	v8 =	vmul.f32 v26, v8  }
0x4db: {  	v22 =	vadd.f32 v23, v22;
	v17 =	vadd.f32 v27, v17;
	v19 =	vld [tilespmem:s22+$0x8EF0];
	(erf) = vpow2.f32 v34  }
0x4dc: {  	v26 =	vld [tilespmem:s22+$0x8F10];
	(erf) = vpow2.f32 v21;
	[tilespmem:s9+$0x1CF20] =	vst v8;
	v8 =	vadd.f32 v28, v20  }
0x4dd: {  	v20 =	vadd.f32 v29, v22;
	v22 =	vadd.f32 v17, v1;
	v23 =	vld [tilespmem:s22+$0xAF10]  }
0x4de: {  	v17 =	vld [tilespmem:s22+$0xCEB0];
	v21 =	vadd.f32 v8, v2  }
0x4df: {  	v28 =	vld [tilespmem:s22+$0xCED0];
	v20 =	vadd.f32 v20, v0;
	v27 =	vsub.f32 $0.0e+00, v22  }
0x4e0: {  	v30 =	vld [tilespmem:s22+$0xCEE0];
	v29 =	vsub.f32 $0.0e+00, v21  }
0x4e1: {  	v47 =	vadd.f32 v18, v62;
	v44 =	vpop (erf);
	v8 =	vld [tilespmem:s22+$0xCEC0];
	v31 =	vsub.f32 $0.0e+00, v20;
	v27 =	vmul.f32 $1.442695020e+00, v27  }
0x4e2: {  	s23 =	simm.s32 $0x100;
	v15 =	vadd.f32 v15, v56;
	v10 =	vadd.f32 v16, v10;
	v63 =	vld [tilespmem:s22+$0xCEF0];
	v45 =	vpop (erf);
	v16 =	vmul.f32 $1.442695020e+00, v29  }
0x4e3: {  	v9 =	vadd.f32 v9, v25;
	v46 =	vld [tilespmem:s23+$0x8F20];
	v31 =	vmul.f32 $1.442695020e+00, v31;
	(erf) = vpow2.f32 v27;
	v39 =	vpop (erf)  }
0x4e4: {  	v33 =	vadd.f32 v57, v24;
	v48 =	vld [tilespmem:s23+$0xCF20];
	v37 =	vpop (erf);
	(erf) = vpow2.f32 v16;
	v16 =	vadd.f32 $1.000000000e+00, v44  }
0x4e5: {  	v19 =	vadd.f32 v60, v19;
	v27 =	vld [tilespmem:s22+$0xCF10];
	v24 =	vadd.f32 $1.000000000e+00, v45;
	v25 =	vpop (erf);
	(erf) = vpow2.f32 v31  }
0x4e6: {  	v8 =	vadd.f32 v8, v10;
	v31 =	vld [tilespmem:s23+$0xAF20];
	(erf) = vrcp.f32 v16;
	v16 =	vadd.f32 $1.000000000e+00, v25  }
0x4e7: {  	v29 =	vld [tilespmem:s22+$0xCF00];
	v15 =	vadd.f32 v17, v15;
	v10 =	vadd.f32 v23, v26;
	(erf) = vrcp.f32 v24  }
0x4e8: {  	v34 =	vld [tilespmem:s23+$0xAEE0];
	v24 =	vadd.f32 v8, v5;
	v8 =	vadd.f32 v30, v33;
	(erf) = vrcp.f32 v16  }
0x4e9: {  	v40 =	vld [tilespmem:s23+$0x8EF0];
	v9 =	vadd.f32 v28, v9;
	v23 =	vadd.f32 v63, v19  }
0x4ea: {  	v53 =	vld [tilespmem:s23+$0xAEF0];
	v19 =	vadd.f32 v8, v4;
	v8 =	vadd.f32 v27, v10  }
0x4eb: {  	v35 =	vld [tilespmem:s23+$0xAF00];
	v10 =	vadd.f32 v23, v1;
	v23 =	vadd.f32 v31, v46  }
0x4ec: {  	v57 =	vld [tilespmem:s23+$0x8F10];
	v18 =	vadd.f32 v9, v3;
	v9 =	vadd.f32 v29, v47;
	v29 =	vpop (erf)  }
0x4ed: {  	v17 =	vld [tilespmem:s23+$0x8EB0];
	v25 =	vadd.f32 v15, v6;
	v23 =	vadd.f32 v48, v23;
	v30 =	vpop (erf)  }
0x4ee: {  	v28 =	vld [tilespmem:s23+$0x8ED0];
	v51 =	vsub.f32 $0.0e+00, v18;
	v32 =	vpop (erf)  }
0x4ef: {  	v26 =	vld [tilespmem:s23+$0xAEC0];
	v49 =	vsub.f32 $0.0e+00, v25;
	v9 =	vadd.f32 v9, v2;
	v36 =	vpop (erf)  }
0x4f0: {  	v15 =	vld [tilespmem:s23+$0xAEB0];
	v41 =	vmul.f32 $1.442695020e+00, v51;
	v50 =	vsub.f32 $0.0e+00, v24;
	v8 =	vadd.f32 v8, v0;
	v52 =	vpop (erf)  }
0x4f1: {  	v16 =	vld [tilespmem:s23+$0x8EC0];
	v33 =	vmul.f32 $1.442695020e+00, v49;
	v54 =	vsub.f32 $0.0e+00, v19;
	v45 =	vadd.f32 v23, v7;
	v23 =	vpop (erf)  }
0x4f2: {  	v27 =	vld [tilespmem:s23+$0xAED0];
	v38 =	vmul.f32 $1.442695020e+00, v50;
	v55 =	vsub.f32 $0.0e+00, v10;
	v23 =	vmul.f32 v23, v59  }
0x4f3: {  	v31 =	vld [tilespmem:s23+$0x8EE0];
	(erf) = vpow2.f32 v33;
	v44 =	vmul.f32 $1.442695020e+00, v54;
	v56 =	vsub.f32 $0.0e+00, v45  }
0x4f4: {  	v46 =	vld [tilespmem:s23+$0x8F00];
	v58 =	vsub.f32 $0.0e+00, v9;
	v47 =	vmul.f32 $1.442695020e+00, v55;
	(erf) = vpow2.f32 v38;
	[tilespmem:s22+$0x1CF20] =	vst v23  }
0x4f5: {  	(erf) = vpow2.f32 v41;
	v59 =	vmul.f32 $1.442695020e+00, v56;
	v60 =	vld [tilespmem:s23+$0xAF10]  }
0x4f6: {  	v61 =	vmul.f32 $1.442695020e+00, v58;
	(erf) = vpow2.f32 v44;
	v23 =	vsub.f32 $0.0e+00, v8;
	v62 =	vld [tilespmem:s23+$0xCEB0]  }
0x4f7: {  	v14 =	vmul.f32 v36, v14;
	(erf) = vpow2.f32 v59;
	v63 =	vld [tilespmem:s23+$0xCEC0]  }
0x4f8: {  	v39 =	vadd.f32 $1.000000000e+00, v39;
	(erf) = vpow2.f32 v47;
	v49 =	vld [tilespmem:s23+$0xCED0];
	v23 =	vmul.f32 $1.442695020e+00, v23  }
0x4f9: {  	v13 =	vmul.f32 v52, v13;
	v50 =	vld [tilespmem:s23+$0xCEE0];
	[tilespmem:s9+$0x1CEB0] =	vst v14;
	v14 =	vadd.f32 $1.000000000e+00, v37;
	(erf) = vpow2.f32 v61  }
0x4fa: {  	(erf) = vpow2.f32 v23  }
0x4fb: {  	v53 =	vadd.f32 v53, v40;
	v23 =	vld [tilespmem:s23+$0xCEF0];
	[tilespmem:s9+$0x1CEC0] =	vst v13;
	v13 =	vadd.f32 v15, v17;
	(erf) = vrcp.f32 v39  }
0x4fc: {  	v51 =	vpop (erf);
	v15 =	vadd.f32 v26, v16;
	v16 =	vadd.f32 $1.000000000e+00, v29  }
0x4fd: {  	v30 =	vadd.f32 $1.000000000e+00, v30;
	v32 =	vadd.f32 $1.000000000e+00, v32;
	(erf) = vrcp.f32 v14;
	v14 =	vpop (erf)  }
0x4fe: {  	v37 =	vadd.f32 $1.000000000e+00, v51;
	v17 =	vadd.f32 v27, v28;
	v28 =	vpop (erf)  }
0x4ff: {  	v35 =	vadd.f32 v35, v46;
	v29 =	vadd.f32 v34, v31;
	v26 =	vld [tilespmem:s23+$0xCF00];
	v31 =	vpop (erf)  }
0x500: {  	s29 =	simm.s32 $0x180;
	v27 =	vld [tilespmem:s23+$0xCF10];
	v13 =	vadd.f32 v62, v13;
	v15 =	vadd.f32 v63, v15;
	(erf) = vrcp.f32 v16;
	v16 =	vpop (erf)  }
0x501: {  	v52 =	vld [tilespmem:s29+$0x8F20];
	v33 =	vadd.f32 v60, v57;
	v14 =	vadd.f32 $1.000000000e+00, v14;
	(erf) = vrcp.f32 v30;
	v30 =	vpop (erf)  }
0x502: {  	v54 =	vld [tilespmem:s29+$0xAF20];
	v36 =	vadd.f32 v49, v17;
	v17 =	vadd.f32 v15, v5;
	(erf) = vrcp.f32 v37;
	v37 =	vpop (erf)  }
0x503: {  	v55 =	vld [tilespmem:s29+$0x8EB0];
	v23 =	vadd.f32 v23, v53;
	(erf) = vrcp.f32 v14;
	v14 =	vadd.f32 $1.000000000e+00, v16;
	v41 =	vpop (erf)  }
0x504: {  	v59 =	vld [tilespmem:s29+$0xCF20];
	v16 =	vadd.f32 v13, v6;
	v26 =	vadd.f32 v26, v35;
	(erf) = vrcp.f32 v32;
	v13 =	vpop (erf)  }
0x505: {  	v60 =	vld [tilespmem:s29+$0xAEB0];
	(erf) = vrcp.f32 v14;
	v12 =	vmul.f32 v13, v12;
	v13 =	vadd.f32 v50, v29  }
0x506: {  	v61 =	vld [tilespmem:s29+$0xAEC0];
	v62 =	vsub.f32 $0.0e+00, v17;
	v14 =	vadd.f32 v36, v3;
	v15 =	vpop (erf)  }
0x507: {  	v32 =	vld [tilespmem:s29+$0x8EC0];
	v11 =	vmul.f32 v15, v11;
	v15 =	vadd.f32 v13, v4;
	v13 =	vadd.f32 v27, v33  }
0x508: {  	v29 =	vld [tilespmem:s29+$0x8ED0];
	[tilespmem:s9+$0x1CED0] =	vst v12;
	v12 =	vadd.f32 v23, v1;
	v23 =	vsub.f32 $0.0e+00, v16  }
0x509: {  	v33 =	vpop (erf);
	v35 =	vld [tilespmem:s29+$0xAED0];
	[tilespmem:s9+$0x1CEE0] =	vst v11;
	v11 =	vadd.f32 v26, v2;
	v26 =	vadd.f32 v54, v52  }
0x50a: {  	v42 =	vadd.f32 v60, v55;
	v63 =	vsub.f32 $0.0e+00, v14;
	v36 =	vpop (erf)  }
0x50b: {  	v40 =	vmul.f32 $1.442695020e+00, v62;
	v27 =	vld [tilespmem:s29+$0x8EE0];
	v34 =	vpop (erf);
	v56 =	vmul.f32 $1.442695020e+00, v23;
	v23 =	vadd.f32 v59, v26  }
0x50c: {  	v38 =	vadd.f32 v61, v32;
	v46 =	vmul.f32 $1.442695020e+00, v63;
	v39 =	vld [tilespmem:s29+$0xAEE0];
	v57 =	vsub.f32 $0.0e+00, v15;
	v47 =	vpop (erf)  }
0x50d: {  	v22 =	vmul.f32 v33, v22;
	v13 =	vadd.f32 v13, v0;
	v48 =	vld [tilespmem:s29+$0x8EF0];
	v26 =	vpop (erf);
	v23 =	vadd.f32 v23, v7  }
0x50e: {  	v43 =	vld [tilespmem:s29+$0xAEF0];
	v58 =	vsub.f32 $0.0e+00, v12;
	v21 =	vmul.f32 v36, v21;
	v50 =	vmul.f32 $1.442695020e+00, v57;
	v59 =	vpop (erf)  }
0x50f: {  	v52 =	vld [tilespmem:s29+$0x8F00];
	(erf) = vpow2.f32 v56;
	v44 =	vmul.f32 v59, v45;
	v61 =	vsub.f32 $0.0e+00, v23  }
0x510: {  	v32 =	vld [tilespmem:s29+$0x8F10];
	v60 =	vsub.f32 $0.0e+00, v11;
	v51 =	vmul.f32 $1.442695020e+00, v58;
	(erf) = vpow2.f32 v40  }
0x511: {  	v35 =	vadd.f32 v35, v29;
	(erf) = vpow2.f32 v46;
	v45 =	vld [tilespmem:s29+$0xAF00];
	[tilespmem:s23+$0x1CF20] =	vst v44;
	v29 =	vmul.f32 $1.442695020e+00, v61  }
0x512: {  	v62 =	vsub.f32 $0.0e+00, v13;
	v24 =	vmul.f32 v47, v24;
	(erf) = vpow2.f32 v50;
	v57 =	vld [tilespmem:s29+$0xCEB0]  }
0x513: {  	v55 =	vadd.f32 $1.000000000e+00, v30;
	v53 =	vmul.f32 $1.442695020e+00, v60;
	(erf) = vpow2.f32 v29  }
0x514: {  	v37 =	vadd.f32 $1.000000000e+00, v37;
	v44 =	vmul.f32 $1.442695020e+00, v62;
	v63 =	vld [tilespmem:s29+$0xAF10];
	(erf) = vpow2.f32 v51  }
0x515: {  	v25 =	vmul.f32 v34, v25;
	v58 =	vadd.f32 $1.000000000e+00, v28;
	v59 =	vld [tilespmem:s29+$0xCEC0];
	(erf) = vpow2.f32 v53  }
0x516: {  	v60 =	vadd.f32 $1.000000000e+00, v31;
	v39 =	vadd.f32 v39, v27;
	v54 =	vld [tilespmem:s29+$0xCED0];
	(erf) = vpow2.f32 v44  }
0x517: {  	v27 =	vadd.f32 v43, v48;
	v61 =	vld [tilespmem:s29+$0xCEE0];
	[tilespmem:s22+$0x1CEB0] =	vst v25;
	(erf) = vrcp.f32 v58;
	v25 =	vadd.f32 v57, v42  }
0x518: {  	v29 =	vadd.f32 $1.000000000e+00, v41;
	v31 =	vld [tilespmem:s29+$0xCEF0];
	[tilespmem:s22+$0x1CEC0] =	vst v24;
	v28 =	vadd.f32 v45, v52;
	v24 =	vpop (erf);
	(erf) = vrcp.f32 v60  }
0x519: {  	v62 =	vadd.f32 $1.000000000e+00, v24;
	v24 =	vpop (erf);
	v30 =	vadd.f32 v63, v32;
	v32 =	vld [tilespmem:s29+$0xCF00];
	[tilespmem:s9+$0x1CEF0] =	vst v22;
	(erf) = vrcp.f32 v55  }
0x51a: {  	v22 =	vadd.f32 v59, v38;
	v63 =	vadd.f32 $1.000000000e+00, v24;
	v24 =	vpop (erf);
	v34 =	vld [tilespmem:s29+$0xCF10];
	(erf) = vrcp.f32 v37  }
0x51b: {  	s11 =	simm.s32 $0x200;
	v35 =	vadd.f32 v54, v35;
	[tilespmem:s9+$0x1CF00] =	vst v21;
	v21 =	vadd.f32 v25, v6;
	(erf) = vrcp.f32 v62;
	v25 =	vpop (erf)  }
0x51c: {  	s12 =	simm.s32 $0xA00;
	v36 =	vadd.f32 v61, v39;
	v33 =	vld [tilespmem:s11+$0x8F20];
	v22 =	vadd.f32 v22, v5;
	v37 =	vpop (erf);
	(erf) = vrcp.f32 v63  }
.LBB2_12:
0x51d: {  	p1 =	sne.s32 s12, $0x7E00;
	v38 =	vld [tilespmem:s11+$0xAF20];
	v27 =	vadd.f32 v31, v27;
	v39 =	vadd.f32 $1.000000000e+00, v37;
	v37 =	vpop (erf);
	(erf) = vrcp.f32 v29  }
0x51e: {  	v35 =	vadd.f32 v35, v3;
	v20 =	vmul.f32 v26, v20;
	v29 =	vld [tilespmem:s11+$0x8EB0];
	v41 =	vadd.f32 v32, v28;
	v32 =	vpop (erf)  }
0x51f: {  	v36 =	vadd.f32 v36, v4;
	v26 =	vld [tilespmem:s11+$0xCF20];
	v30 =	vadd.f32 v34, v30;
	(erf) = vrcp.f32 v39;
	v31 =	vpop (erf)  }
0x520: {  	v40 =	vmov v9;
	v39 =	vadd.f32 v27, v1;
	v34 =	vld [tilespmem:s11+$0xAEB0];
	v27 =	vadd.f32 v41, v2;
	v28 =	vpop (erf);
	[tilespmem:s9+$0x1CF10] =	vst v20;
	s9 =	smov.u32 s22;
	s22 =	smov.u32 s23;
	s23 =	smov.u32 s29  }
0x521: {  	v20 =	vsub.f32 $0.0e+00, v21;
	s29 =	smov.u32 s11;
	v9 =	vld [tilespmem:s11+$0x8EC0];
	v30 =	vadd.f32 v30, v0;
	v18 =	vmul.f32 v28, v18;
	v28 =	vpop (erf)  }
0x522: {  	v41 =	vld [tilespmem:s29+$0xAEC0];
	v33 =	vadd.f32 v38, v33;
	v38 =	vsub.f32 $0.0e+00, v22;
	v19 =	vmul.f32 v28, v19;
	v42 =	vpop (erf)  }
0x523: {  	v43 =	vsub.f32 $0.0e+00, v35;
	v44 =	vsub.f32 $0.0e+00, v36;
	v20 =	vmul.f32 $1.442695020e+00, v20;
	v28 =	vld [tilespmem:s29+$0x8ED0];
	[tilespmem:s9+$0x1CED0] =	vst v18;
	v45 =	vpop (erf)  }
0x524: {  	v46 =	vld [tilespmem:s29+$0xAED0];
	v54 =	vadd.f32 v26, v33;
	v33 =	vmul.f32 $1.442695020e+00, v38;
	v38 =	vsub.f32 $0.0e+00, v39;
	v47 =	vpop (erf);
	[tilespmem:s9+$0x1CEE0] =	vst v19  }
0x525: {  	v43 =	vmul.f32 $1.442695020e+00, v43;
	v55 =	vsub.f32 $0.0e+00, v27;
	v34 =	vadd.f32 v34, v29;
	v29 =	vld [tilespmem:s29+$0x8EE0];
	v48 =	vpop (erf)  }
0x526: {  	v44 =	vmul.f32 $1.442695020e+00, v44;
	v51 =	vsub.f32 $0.0e+00, v30;
	v49 =	vld [tilespmem:s29+$0xAEE0];
	v50 =	vadd.f32 v54, v7;
	v26 =	vpop (erf)  }
0x527: {  	v53 =	vmul.f32 $1.442695020e+00, v55;
	v18 =	vmovc v14;
	v14 =	vmovc v35;
	v38 =	vmul.f32 $1.442695020e+00, v38;
	v41 =	vadd.f32 v41, v9;
	v52 =	vld [tilespmem:s29+$0x8EF0]  }
0x528: {  	v51 =	vmul.f32 $1.442695020e+00, v51;
	v35 =	vld [tilespmem:s29+$0xAEF0];
	v54 =	vsub.f32 $0.0e+00, v50;
	(erf) = vpow2.f32 v20;
	v19 =	vpop (erf)  }
0x529: {  	v46 =	vadd.f32 v46, v28;
	v28 =	vld [tilespmem:s29+$0x8F00];
	v55 =	vmul.f32 v19, v23;
	(erf) = vpow2.f32 v33;
	v19 =	vmovc v15;
	v15 =	vmovc v36  }
0x52a: {  	v24 =	vadd.f32 $1.000000000e+00, v24;
	v9 =	vmovc v11;
	v11 =	vmovc v27;
	v33 =	vld [tilespmem:s29+$0xAF00];
	v54 =	vmul.f32 $1.442695020e+00, v54;
	(erf) = vpow2.f32 v43  }
0x52b: {  	v25 =	vadd.f32 $1.000000000e+00, v25;
	v20 =	vmovc v8;
	v8 =	vmovc v13;
	v36 =	vadd.f32 v49, v29;
	v43 =	vld [tilespmem:s29+$0x8F10];
	[tilespmem:s23+$0x1CF20] =	vst v55;
	(erf) = vpow2.f32 v44  }
0x52c: {  	v37 =	vadd.f32 $1.000000000e+00, v37;
	v13 =	vmovc v30;
	v23 =	vmovc v50;
	v49 =	vadd.f32 $1.000000000e+00, v32;
	v44 =	vld [tilespmem:s29+$0xAF10];
	(erf) = vpow2.f32 v54  }
0x52d: {  	v29 =	vadd.f32 $1.000000000e+00, v31;
	v32 =	vld [tilespmem:s29+$0xCEB0];
	v27 =	vadd.f32 v35, v52;
	(erf) = vpow2.f32 v38  }
0x52e: {  	v30 =	vmul.f32 v47, v16;
	v16 =	vmov v21;
	v35 =	vld [tilespmem:s29+$0xCEC0];
	(erf) = vpow2.f32 v53  }
0x52f: {  	v21 =	vmul.f32 v48, v17;
	v17 =	vmovc v22;
	v38 =	vld [tilespmem:s29+$0xCED0];
	v28 =	vadd.f32 v33, v28;
	(erf) = vpow2.f32 v51  }
0x530: {  	v22 =	vmul.f32 v42, v10;
	v10 =	vmovc v12;
	v12 =	vmov v39;
	v47 =	vld [tilespmem:s29+$0xCEE0];
	[tilespmem:s22+$0x1CEB0] =	vst v30;
	(erf) = vrcp.f32 v24  }
.Ltmp5:
0x531: {  	v31 =	vld [tilespmem:s29+$0xCEF0];
	v30 =	vadd.f32 v44, v43;
	v24 =	vpop (erf);
	[tilespmem:s22+$0x1CEC0] =	vst v21;
	(erf) = vrcp.f32 v25;
	v21 =	vmul.f32 v45, v40;
	(pc) =	sbr.rel @p1 .LBB2_12-.Ltmp5, $4  }
0x532: {  	v40 =	vadd.f32 v32, v34;
	v32 =	vld [tilespmem:s29+$0xCF00];
	v33 =	vadd.f32 $1.000000000e+00, v24;
	v24 =	vpop (erf);
	(erf) = vrcp.f32 v37;
	[tilespmem:s9+$0x1CEF0] =	vst v22  }
0x533: {  	v22 =	vadd.f32 v35, v41;
	v34 =	vld [tilespmem:s29+$0xCF10];
	v39 =	vadd.f32 $1.000000000e+00, v24;
	v24 =	vpop (erf);
	(erf) = vrcp.f32 v49;
	[tilespmem:s9+$0x1CF00] =	vst v21  }
0x534: {  	s11 =	sshra.s32 s12, $0x2;
	v21 =	vadd.f32 v40, v6;
	v35 =	vadd.f32 v38, v46;
	(erf) = vrcp.f32 v33;
	v25 =	vpop (erf)  }
0x535: {  	s12 =	sadd.s32 $0x200, s12;
	v33 =	vld [tilespmem:s11+$0x8F20];
	v22 =	vadd.f32 v22, v5;
	v36 =	vadd.f32 v47, v36;
	v37 =	vpop (erf);
	(erf) = vrcp.f32 v39  }
0x536: {  	v20 =	vmul.f32 v26, v20  }
0x537: {  	v38 =	vld [tilespmem:s11+$0xAF20];
	v40 =	vpop (erf);
	v26 =	vadd.f32 $1.000000000e+00, v37  }
0x538: {  	v39 =	vld [tilespmem:s11+$0x8EB0];
	(erf) = vrcp.f32 v29;
	v42 =	vpop (erf)  }
0x539: {  	v41 =	vld [tilespmem:s11+$0xCF20];
	v37 =	vpop (erf);
	(erf) = vrcp.f32 v26  }
0x53a: {  	v43 =	vld [tilespmem:s11+$0xAEB0];
	v27 =	vadd.f32 v31, v27;
	v24 =	vadd.f32 $1.000000000e+00, v24;
	[tilespmem:s9+$0x1CF10] =	vst v20;
	v20 =	vpop (erf)  }
0x53b: {  	v25 =	vadd.f32 $1.000000000e+00, v25;
	v29 =	vadd.f32 v32, v28;
	v44 =	vld [tilespmem:s11+$0x8EC0];
	v18 =	vmul.f32 v20, v18;
	v20 =	vpop (erf)  }
0x53c: {  	v62 =	vsub.f32 $0.0e+00, v22;
	v26 =	vadd.f32 v35, v3;
	v45 =	vld [tilespmem:s11+$0xAEC0];
	v19 =	vmul.f32 v20, v19  }
0x53d: {  	v30 =	vadd.f32 v34, v30;
	v42 =	vadd.f32 $1.000000000e+00, v42;
	v46 =	vld [tilespmem:s11+$0x8ED0];
	v32 =	vpop (erf);
	[tilespmem:s22+$0x1CED0] =	vst v18  }
0x53e: {  	v18 =	vadd.f32 v27, v1;
	v27 =	vadd.f32 v38, v33;
	v28 =	vpop (erf);
	v31 =	vld [tilespmem:s11+$0xAED0];
	[tilespmem:s22+$0x1CEE0] =	vst v19  }
0x53f: {  	v37 =	vadd.f32 $1.000000000e+00, v37;
	v48 =	vsub.f32 $0.0e+00, v26;
	v34 =	vpop (erf);
	v33 =	vld [tilespmem:s11+$0x8EE0]  }
0x540: {  	v39 =	vadd.f32 v43, v39;
	v61 =	vld [tilespmem:s11+$0xAEE0];
	v38 =	vadd.f32 v41, v27;
	v41 =	vpop (erf)  }
0x541: {  	v19 =	vadd.f32 v29, v2;
	v29 =	vsub.f32 $0.0e+00, v21;
	v47 =	vld [tilespmem:s11+$0x8EF0];
	v49 =	vpop (erf)  }
0x542: {  	v20 =	vadd.f32 v36, v4;
	v36 =	vmul.f32 $1.442695020e+00, v62;
	v54 =	vmul.f32 $1.442695020e+00, v48;
	v50 =	vld [tilespmem:s11+$0xAEF0];
	v63 =	vpop (erf)  }
0x543: {  	v27 =	vadd.f32 v30, v0;
	v52 =	vld [tilespmem:s11+$0x8F00];
	v30 =	vmul.f32 $1.442695020e+00, v29;
	v23 =	vmul.f32 v63, v23  }
0x544: {  	v10 =	vmul.f32 v32, v10;
	v51 =	vsub.f32 $0.0e+00, v20;
	v29 =	vadd.f32 v38, v7;
	v38 =	vld [tilespmem:s11+$0xAF00]  }
0x545: {  	v53 =	vsub.f32 $0.0e+00, v18;
	v16 =	vmul.f32 v34, v16;
	(erf) = vpow2.f32 v30;
	v30 =	vld [tilespmem:s11+$0x8F10];
	[tilespmem:s29+$0x1CF20] =	vst v23  }
0x546: {  	v51 =	vmul.f32 $1.442695020e+00, v51;
	v17 =	vmul.f32 v41, v17;
	v55 =	vsub.f32 $0.0e+00, v29;
	v57 =	vld [tilespmem:s11+$0xAF10]  }
0x547: {  	v62 =	vadd.f32 $1.000000000e+00, v40;
	v58 =	vmul.f32 $1.442695020e+00, v53;
	(erf) = vpow2.f32 v36;
	v59 =	vld [tilespmem:s11+$0xCEB0]  }
0x548: {  	v56 =	vsub.f32 $0.0e+00, v19;
	(erf) = vpow2.f32 v54;
	v48 =	vmul.f32 $1.442695020e+00, v55;
	v60 =	vld [tilespmem:s11+$0xCEC0]  }
0x549: {  	v23 =	vsub.f32 $0.0e+00, v27;
	v33 =	vadd.f32 v61, v33;
	(erf) = vpow2.f32 v51;
	v61 =	vld [tilespmem:s11+$0xCED0]  }
0x54a: {  	v44 =	vadd.f32 v45, v44;
	v36 =	vmul.f32 $1.442695020e+00, v56;
	v63 =	vld [tilespmem:s11+$0xCEE0];
	(erf) = vpow2.f32 v48  }
0x54b: {  	v31 =	vadd.f32 v31, v46;
	[tilespmem:s23+$0x1CEB0] =	vst v16;
	v23 =	vmul.f32 $1.442695020e+00, v23;
	(erf) = vpow2.f32 v58  }
0x54c: {  	v16 =	vadd.f32 v50, v47;
	v38 =	vadd.f32 v38, v52;
	v48 =	vld [tilespmem:s11+$0xCEF0];
	(erf) = vpow2.f32 v36  }
0x54d: {  	[tilespmem:s23+$0x1CEC0] =	vst v17;
	v30 =	vadd.f32 v57, v30;
	(erf) = vpow2.f32 v23;
	v17 =	vadd.f32 v59, v39  }
0x54e: {  	v23 =	vld [tilespmem:s11+$0xCF00];
	[tilespmem:s22+$0x1CEF0] =	vst v10;
	v10 =	vadd.f32 v60, v44;
	v31 =	vadd.f32 v61, v31;
	v50 =	vpop (erf);
	(erf) = vrcp.f32 v24  }
0x54f: {  	v33 =	vadd.f32 v63, v33;
	v32 =	vadd.f32 $1.000000000e+00, v50;
	(erf) = vrcp.f32 v25;
	v25 =	vld [tilespmem:s11+$0xCF10]  }
0x550: {  	v17 =	vadd.f32 v17, v6;
	v10 =	vadd.f32 v10, v5  }
0x551: {  	v51 =	vpop (erf);
	v16 =	vadd.f32 v48, v16;
	v31 =	vadd.f32 v31, v3  }
0x552: {  	v24 =	vadd.f32 $1.000000000e+00, v51;
	v52 =	vpop (erf);
	(erf) = vrcp.f32 v62;
	v55 =	vsub.f32 $0.0e+00, v17  }
0x553: {  	v53 =	vpop (erf);
	(erf) = vrcp.f32 v42;
	v16 =	vadd.f32 v16, v1;
	v23 =	vadd.f32 v23, v38  }
0x554: {  	(erf) = vrcp.f32 v32;
	v54 =	vpop (erf);
	v25 =	vadd.f32 v25, v30;
	v30 =	vsub.f32 $0.0e+00, v10  }
0x555: {  	(erf) = vrcp.f32 v24;
	v32 =	vmul.f32 $1.442695020e+00, v55;
	v35 =	vadd.f32 $1.000000000e+00, v54  }
0x556: {  	v24 =	vadd.f32 v33, v4;
	(erf) = vrcp.f32 v37;
	v56 =	vpop (erf);
	v30 =	vmul.f32 $1.442695020e+00, v30  }
0x557: {  	v58 =	vsub.f32 $0.0e+00, v31;
	v62 =	vsub.f32 $0.0e+00, v16;
	v57 =	vpop (erf);
	(erf) = vrcp.f32 v35  }
0x558: {  	v23 =	vadd.f32 v23, v2;
	v60 =	vsub.f32 $0.0e+00, v24;
	v59 =	vpop (erf);
	(erf) = vpow2.f32 v32  }
0x559: {  	v36 =	vmul.f32 $1.442695020e+00, v58;
	v25 =	vadd.f32 v25, v0;
	v61 =	vpop (erf);
	(erf) = vpow2.f32 v30  }
0x55a: {  	v63 =	vsub.f32 $0.0e+00, v23;
	v38 =	vmul.f32 $1.442695020e+00, v60;
	v30 =	vpop (erf)  }
0x55b: {  	v40 =	vmul.f32 $1.442695020e+00, v62;
	v46 =	vsub.f32 $0.0e+00, v25;
	(erf) = vpow2.f32 v36;
	v45 =	vpop (erf)  }
0x55c: {  	v41 =	vmul.f32 $1.442695020e+00, v63;
	(erf) = vpow2.f32 v38;
	v47 =	vpop (erf)  }
0x55d: {  	v43 =	vmul.f32 $1.442695020e+00, v46;
	(erf) = vpow2.f32 v40;
	v48 =	vpop (erf)  }
0x55e: {  	v39 =	vadd.f32 $1.000000000e+00, v52;
	(erf) = vpow2.f32 v41;
	v50 =	vpop (erf)  }
0x55f: {  	v34 =	vadd.f32 $1.000000000e+00, v53;
	(erf) = vpow2.f32 v43;
	v51 =	vpop (erf)  }
0x560: {  	v9 =	vmul.f32 v28, v9;
	v33 =	vadd.f32 $1.000000000e+00, v56;
	v52 =	vpop (erf);
	(erf) = vrcp.f32 v39  }
0x561: {  	v8 =	vmul.f32 v49, v8;
	v35 =	vadd.f32 $1.000000000e+00, v57;
	v53 =	vpop (erf);
	(erf) = vrcp.f32 v34  }
0x562: {  	[tilespmem:s22+$0x1CF00] =	vst v9;
	v9 =	vmul.f32 v61, v14;
	v28 =	vadd.f32 $1.000000000e+00, v53;
	v54 =	vpop (erf);
	(erf) = vrcp.f32 v33  }
0x563: {  	[tilespmem:s22+$0x1CF10] =	vst v8;
	v8 =	vmul.f32 v30, v15;
	v55 =	vadd.f32 $1.000000000e+00, v54;
	(erf) = vrcp.f32 v35  }
0x564: {  	[tilespmem:s23+$0x1CED0] =	vst v9;
	v9 =	vmul.f32 v52, v29;
	v14 =	vpop (erf);
	(erf) = vrcp.f32 v28  }
0x565: {  	[tilespmem:s23+$0x1CEE0] =	vst v8;
	v15 =	vpop (erf);
	(erf) = vrcp.f32 v55  }
0x566: {  	[tilespmem:s11+$0x1CF20] =	vst v9;
	v9 =	vmul.f32 v50, v22;
	v28 =	vadd.f32 $1.000000000e+00, v59;
	v29 =	vpop (erf)  }
0x567: {  	v8 =	vmul.f32 v48, v21;
	v14 =	vadd.f32 $1.000000000e+00, v14;
	v21 =	vpop (erf)  }
0x568: {  	v15 =	vadd.f32 $1.000000000e+00, v15;
	[tilespmem:s29+$0x1CEC0] =	vst v9;
	v9 =	vmul.f32 v47, v11;
	(erf) = vrcp.f32 v28;
	v22 =	vpop (erf)  }
0x569: {  	[tilespmem:s29+$0x1CEB0] =	vst v8;
	v8 =	vmul.f32 v45, v12;
	v12 =	vpop (erf);
	(erf) = vrcp.f32 v14  }
0x56a: {  	[tilespmem:s23+$0x1CF00] =	vst v9;
	v11 =	vpop (erf);
	(erf) = vrcp.f32 v15;
	v9 =	vmul.f32 v12, v26  }
0x56b: {  	v28 =	vadd.f32 $1.000000000e+00, v29;
	[tilespmem:s23+$0x1CEF0] =	vst v8;
	v8 =	vmul.f32 v51, v13;
	v13 =	vpop (erf)  }
0x56c: {  	v14 =	vadd.f32 $1.000000000e+00, v21;
	v12 =	vpop (erf)  }
0x56d: {  	[tilespmem:s23+$0x1CF10] =	vst v8;
	v15 =	vadd.f32 $1.000000000e+00, v22;
	(erf) = vrcp.f32 v28;
	v8 =	vmul.f32 v11, v20;
	v11 =	vpop (erf)  }
0x56e: {  	(erf) = vrcp.f32 v14;
	[tilespmem:s29+$0x1CED0] =	vst v9;
	v9 =	vpop (erf);
	v11 =	vmul.f32 v11, v17  }
0x56f: {  	(erf) = vrcp.f32 v15;
	[tilespmem:s29+$0x1CEE0] =	vst v8;
	v8 =	vmul.f32 v9, v10  }
0x570: {  	v9 =	vmul.f32 v13, v18;
	[tilespmem:s11+$0x1CEB0] =	vst v11  }
0x571: {  	v10 =	vpop (erf);
	[tilespmem:s11+$0x1CEC0] =	vst v8;
	v8 =	vmul.f32 v12, v19  }
0x572: {  	[tilespmem:s29+$0x1CEF0] =	vst v9;
	v9 =	vmul.f32 v10, v27;
	v10 =	vpop (erf)  }
0x573: {  	[tilespmem:s29+$0x1CF00] =	vst v8;
	v8 =	vmul.f32 v10, v31;
	v10 =	vpop (erf)  }
0x574: {  	[tilespmem:s29+$0x1CF10] =	vst v9;
	v9 =	vmul.f32 v10, v24;
	_ =	sdelay $0x1  }
0x575: {  	v10 =	vpop (erf)  }
0x576: {  	[tilespmem:s11+$0x1CED0] =	vst v8;
	v10 =	vmul.f32 v10, v16;
	v8 =	vpop (erf)  }
0x577: {  	[tilespmem:s11+$0x1CEE0] =	vst v9;
	v9 =	vpop (erf);
	v8 =	vmul.f32 v8, v23  }
0x578: {  	[tilespmem:s11+$0x1CEF0] =	vst v10;
	v9 =	vmul.f32 v9, v25  }
0x579: {  	[tilespmem:s11+$0x1CF00] =	vst v8  }
0x57a: {  	s23 =	simm.s32 $0x0;
	[tilespmem:s11+$0x1CF10] =	vst v9  }
0x57b: {  	[hbm4b:s17+s23] =	stream.linear.scatter [tilespmem:s0], [sflag:$0x8], $0x2000, $0x38;
	[tilespmem:$0x1EF30] =	vst v63  }
0x57c: {  	_ =	swait.ge [sflag:s2], $0x2000  }
0x57d: {  	[sflag:s2] =	ssyncset.done $0x0  }
0x57e: {  	[sflag:s2] =	ssyncadd.s32 $0xFFFFE000  }
0x57f: {  	_ =	swait.ge [sflag:s2], $0x2000  }
0x580: {  	[sflag:s2] =	ssyncset.done $0x0  }
0x581: {  	[sflag:s2] =	ssyncadd.s32 $0xFFFFE000  }
0x582: {  	_ =	swait.ge [sflag:s2], $0x2000  }
0x583: {  	[sflag:s2] =	ssyncset.done $0x0  }
0x584: {  	[sflag:s2] =	ssyncadd.s32 $0xFFFFE000  }
0x585: {  	_ =	swait.ge [sflag:s24], $0x2000  }
0x586: {  	[sflag:s24] =	ssyncset.done $0x0  }
0x587: {  	s9 =	simm.s32 $0x0;
	[sflag:s24] =	ssyncadd.s32 $0xFFFFE000  }
0x588: {  	v8 =	vld [tilespmem:s9+$0xEF20]  }
0x589: {  	v9 =	vld [tilespmem:s9+$0x10F20];
	_ =	sdelay $0x1  }
0x58a: {  	v11 =	vld [tilespmem:s9+$0x12F20]  }
0x58b: {  	v10 =	vld [tilespmem:s9+$0xEEB0]  }
0x58c: {  	v12 =	vld [tilespmem:s9+$0x10EB0]  }
0x58d: {  	v13 =	vld [tilespmem:s9+$0xEEC0];
	v8 =	vadd.f32 v9, v8  }
0x58e: {  	v14 =	vld [tilespmem:s9+$0x10EC0]  }
0x58f: {  	v15 =	vld [tilespmem:s9+$0x10ED0];
	v8 =	vadd.f32 v11, v8  }
0x590: {  	v16 =	vld [tilespmem:s9+$0x10EE0]  }
0x591: {  	v17 =	vld [tilespmem:s9+$0xEEF0];
	v8 =	vadd.f32 v8, v7  }
0x592: {  	v18 =	vld [tilespmem:s9+$0x10EF0]  }
0x593: {  	v20 =	vld [tilespmem:s9+$0xEF00];
	v19 =	vsub.f32 $0.0e+00, v8  }
0x594: {  	v21 =	vld [tilespmem:s9+$0x10F00]  }
0x595: {  	v22 =	vld [tilespmem:s9+$0xEF10];
	v19 =	vmul.f32 $1.442695020e+00, v19  }
0x596: {  	v23 =	vld [tilespmem:s9+$0x10F10]  }
0x597: {  	v24 =	vld [tilespmem:s9+$0x12EC0];
	(erf) = vpow2.f32 v19  }
0x598: {  	v25 =	vld [tilespmem:s9+$0x12ED0]  }
0x599: {  	v26 =	vld [tilespmem:s9+$0x12EE0]  }
0x59a: {  	v9 =	vld [tilespmem:s9+$0xEED0]  }
0x59b: {  	v11 =	vld [tilespmem:s9+$0xEEE0]  }
0x59c: {  	v19 =	vld [tilespmem:s9+$0x12EB0]  }
0x59d: {  	s22 =	simm.s32 $0x80;
	v27 =	vld [tilespmem:s9+$0x12EF0]  }
0x59e: {  	v30 =	vld [tilespmem:s22+$0xEF20]  }
0x59f: {  	v31 =	vld [tilespmem:s22+$0x10F20];
	v10 =	vadd.f32 v12, v10;
	v13 =	vadd.f32 v14, v13  }
0x5a0: {  	v28 =	vld [tilespmem:s9+$0x12F00];
	v9 =	vadd.f32 v15, v9;
	v11 =	vadd.f32 v16, v11;
	v12 =	vpop (erf)  }
0x5a1: {  	v10 =	vadd.f32 v19, v10;
	v19 =	vld [tilespmem:s22+$0x12F20];
	v12 =	vadd.f32 $1.000000000e+00, v12  }
0x5a2: {  	v29 =	vld [tilespmem:s9+$0x12F10];
	v17 =	vadd.f32 v18, v17;
	v9 =	vadd.f32 v25, v9  }
0x5a3: {  	v56 =	vld [tilespmem:s22+$0xEEB0];
	v11 =	vadd.f32 v26, v11;
	v14 =	vadd.f32 v10, v6;
	(erf) = vrcp.f32 v12  }
0x5a4: {  	v57 =	vld [tilespmem:s22+$0x10EE0];
	v12 =	vadd.f32 v24, v13;
	v24 =	vadd.f32 v31, v30  }
0x5a5: {  	v60 =	vld [tilespmem:s22+$0x10EF0];
	v11 =	vadd.f32 v11, v4;
	v26 =	vsub.f32 $0.0e+00, v14  }
0x5a6: {  	v62 =	vld [tilespmem:s22+$0xEF00];
	v13 =	vadd.f32 v12, v5;
	v19 =	vadd.f32 v19, v24  }
0x5a7: {  	v18 =	vld [tilespmem:s22+$0x10F00];
	v58 =	vsub.f32 $0.0e+00, v11;
	v12 =	vadd.f32 v9, v3  }
0x5a8: {  	v15 =	vld [tilespmem:s22+$0x10EB0];
	v26 =	vmul.f32 $1.442695020e+00, v26;
	v30 =	vsub.f32 $0.0e+00, v13;
	v59 =	vadd.f32 v19, v7  }
0x5a9: {  	v16 =	vld [tilespmem:s22+$0x10EC0];
	v31 =	vsub.f32 $0.0e+00, v12  }
0x5aa: {  	v25 =	vld [tilespmem:s22+$0xEED0];
	v34 =	vmul.f32 $1.442695020e+00, v58;
	v30 =	vmul.f32 $1.442695020e+00, v30;
	v61 =	vsub.f32 $0.0e+00, v59  }
0x5ab: {  	v10 =	vld [tilespmem:s22+$0xEEC0];
	(erf) = vpow2.f32 v26;
	v31 =	vmul.f32 $1.442695020e+00, v31  }
0x5ac: {  	v20 =	vadd.f32 v21, v20;
	v9 =	vld [tilespmem:s22+$0x10ED0];
	(erf) = vpow2.f32 v30;
	v21 =	vmul.f32 $1.442695020e+00, v61;
	v26 =	vpop (erf)  }
0x5ad: {  	v24 =	vld [tilespmem:s22+$0xEEE0];
	(erf) = vpow2.f32 v31;
	v8 =	vmul.f32 v26, v8  }
0x5ae: {  	v22 =	vadd.f32 v23, v22;
	v17 =	vadd.f32 v27, v17;
	v19 =	vld [tilespmem:s22+$0xEEF0];
	(erf) = vpow2.f32 v34  }
0x5af: {  	v26 =	vld [tilespmem:s22+$0xEF10];
	(erf) = vpow2.f32 v21;
	[tilespmem:s9+$0x1AF20] =	vst v8;
	v8 =	vadd.f32 v28, v20  }
0x5b0: {  	v20 =	vadd.f32 v29, v22;
	v22 =	vadd.f32 v17, v1;
	v23 =	vld [tilespmem:s22+$0x10F10]  }
0x5b1: {  	v17 =	vld [tilespmem:s22+$0x12EB0];
	v21 =	vadd.f32 v8, v2  }
0x5b2: {  	v28 =	vld [tilespmem:s22+$0x12ED0];
	v20 =	vadd.f32 v20, v0;
	v27 =	vsub.f32 $0.0e+00, v22  }
0x5b3: {  	v30 =	vld [tilespmem:s22+$0x12EE0];
	v29 =	vsub.f32 $0.0e+00, v21  }
0x5b4: {  	v47 =	vadd.f32 v18, v62;
	v44 =	vpop (erf);
	v8 =	vld [tilespmem:s22+$0x12EC0];
	v31 =	vsub.f32 $0.0e+00, v20;
	v27 =	vmul.f32 $1.442695020e+00, v27  }
0x5b5: {  	s23 =	simm.s32 $0x100;
	v15 =	vadd.f32 v15, v56;
	v10 =	vadd.f32 v16, v10;
	v63 =	vld [tilespmem:s22+$0x12EF0];
	v45 =	vpop (erf);
	v16 =	vmul.f32 $1.442695020e+00, v29  }
0x5b6: {  	v9 =	vadd.f32 v9, v25;
	v46 =	vld [tilespmem:s23+$0xEF20];
	v31 =	vmul.f32 $1.442695020e+00, v31;
	(erf) = vpow2.f32 v27;
	v39 =	vpop (erf)  }
0x5b7: {  	v33 =	vadd.f32 v57, v24;
	v48 =	vld [tilespmem:s23+$0x12F20];
	v37 =	vpop (erf);
	(erf) = vpow2.f32 v16;
	v16 =	vadd.f32 $1.000000000e+00, v44  }
0x5b8: {  	v19 =	vadd.f32 v60, v19;
	v27 =	vld [tilespmem:s22+$0x12F10];
	v24 =	vadd.f32 $1.000000000e+00, v45;
	v25 =	vpop (erf);
	(erf) = vpow2.f32 v31  }
0x5b9: {  	v8 =	vadd.f32 v8, v10;
	v31 =	vld [tilespmem:s23+$0x10F20];
	(erf) = vrcp.f32 v16;
	v16 =	vadd.f32 $1.000000000e+00, v25  }
0x5ba: {  	v29 =	vld [tilespmem:s22+$0x12F00];
	v15 =	vadd.f32 v17, v15;
	v10 =	vadd.f32 v23, v26;
	(erf) = vrcp.f32 v24  }
0x5bb: {  	v34 =	vld [tilespmem:s23+$0x10EE0];
	v24 =	vadd.f32 v8, v5;
	v8 =	vadd.f32 v30, v33;
	(erf) = vrcp.f32 v16  }
0x5bc: {  	v40 =	vld [tilespmem:s23+$0xEEF0];
	v9 =	vadd.f32 v28, v9;
	v23 =	vadd.f32 v63, v19  }
0x5bd: {  	v53 =	vld [tilespmem:s23+$0x10EF0];
	v19 =	vadd.f32 v8, v4;
	v8 =	vadd.f32 v27, v10  }
0x5be: {  	v35 =	vld [tilespmem:s23+$0x10F00];
	v10 =	vadd.f32 v23, v1;
	v23 =	vadd.f32 v31, v46  }
0x5bf: {  	v57 =	vld [tilespmem:s23+$0xEF10];
	v18 =	vadd.f32 v9, v3;
	v9 =	vadd.f32 v29, v47;
	v29 =	vpop (erf)  }
0x5c0: {  	v17 =	vld [tilespmem:s23+$0xEEB0];
	v25 =	vadd.f32 v15, v6;
	v23 =	vadd.f32 v48, v23;
	v30 =	vpop (erf)  }
0x5c1: {  	v28 =	vld [tilespmem:s23+$0xEED0];
	v51 =	vsub.f32 $0.0e+00, v18;
	v32 =	vpop (erf)  }
0x5c2: {  	v26 =	vld [tilespmem:s23+$0x10EC0];
	v49 =	vsub.f32 $0.0e+00, v25;
	v9 =	vadd.f32 v9, v2;
	v36 =	vpop (erf)  }
0x5c3: {  	v15 =	vld [tilespmem:s23+$0x10EB0];
	v41 =	vmul.f32 $1.442695020e+00, v51;
	v50 =	vsub.f32 $0.0e+00, v24;
	v8 =	vadd.f32 v8, v0;
	v52 =	vpop (erf)  }
0x5c4: {  	v16 =	vld [tilespmem:s23+$0xEEC0];
	v33 =	vmul.f32 $1.442695020e+00, v49;
	v54 =	vsub.f32 $0.0e+00, v19;
	v45 =	vadd.f32 v23, v7;
	v23 =	vpop (erf)  }
0x5c5: {  	v27 =	vld [tilespmem:s23+$0x10ED0];
	v38 =	vmul.f32 $1.442695020e+00, v50;
	v55 =	vsub.f32 $0.0e+00, v10;
	v23 =	vmul.f32 v23, v59  }
0x5c6: {  	v31 =	vld [tilespmem:s23+$0xEEE0];
	(erf) = vpow2.f32 v33;
	v44 =	vmul.f32 $1.442695020e+00, v54;
	v56 =	vsub.f32 $0.0e+00, v45  }
0x5c7: {  	v46 =	vld [tilespmem:s23+$0xEF00];
	v58 =	vsub.f32 $0.0e+00, v9;
	v47 =	vmul.f32 $1.442695020e+00, v55;
	(erf) = vpow2.f32 v38;
	[tilespmem:s22+$0x1AF20] =	vst v23  }
0x5c8: {  	(erf) = vpow2.f32 v41;
	v59 =	vmul.f32 $1.442695020e+00, v56;
	v60 =	vld [tilespmem:s23+$0x10F10]  }
0x5c9: {  	v61 =	vmul.f32 $1.442695020e+00, v58;
	(erf) = vpow2.f32 v44;
	v23 =	vsub.f32 $0.0e+00, v8;
	v62 =	vld [tilespmem:s23+$0x12EB0]  }
0x5ca: {  	v14 =	vmul.f32 v36, v14;
	(erf) = vpow2.f32 v59;
	v63 =	vld [tilespmem:s23+$0x12EC0]  }
0x5cb: {  	v39 =	vadd.f32 $1.000000000e+00, v39;
	(erf) = vpow2.f32 v47;
	v49 =	vld [tilespmem:s23+$0x12ED0];
	v23 =	vmul.f32 $1.442695020e+00, v23  }
0x5cc: {  	v13 =	vmul.f32 v52, v13;
	v50 =	vld [tilespmem:s23+$0x12EE0];
	[tilespmem:s9+$0x1AEB0] =	vst v14;
	v14 =	vadd.f32 $1.000000000e+00, v37;
	(erf) = vpow2.f32 v61  }
0x5cd: {  	(erf) = vpow2.f32 v23  }
0x5ce: {  	v53 =	vadd.f32 v53, v40;
	v23 =	vld [tilespmem:s23+$0x12EF0];
	[tilespmem:s9+$0x1AEC0] =	vst v13;
	v13 =	vadd.f32 v15, v17;
	(erf) = vrcp.f32 v39  }
0x5cf: {  	v51 =	vpop (erf);
	v15 =	vadd.f32 v26, v16;
	v16 =	vadd.f32 $1.000000000e+00, v29  }
0x5d0: {  	v30 =	vadd.f32 $1.000000000e+00, v30;
	v32 =	vadd.f32 $1.000000000e+00, v32;
	(erf) = vrcp.f32 v14;
	v14 =	vpop (erf)  }
0x5d1: {  	v37 =	vadd.f32 $1.000000000e+00, v51;
	v17 =	vadd.f32 v27, v28;
	v28 =	vpop (erf)  }
0x5d2: {  	v35 =	vadd.f32 v35, v46;
	v29 =	vadd.f32 v34, v31;
	v26 =	vld [tilespmem:s23+$0x12F00];
	v31 =	vpop (erf)  }
0x5d3: {  	s29 =	simm.s32 $0x180;
	v27 =	vld [tilespmem:s23+$0x12F10];
	v13 =	vadd.f32 v62, v13;
	v15 =	vadd.f32 v63, v15;
	(erf) = vrcp.f32 v16;
	v16 =	vpop (erf)  }
0x5d4: {  	v52 =	vld [tilespmem:s29+$0xEF20];
	v33 =	vadd.f32 v60, v57;
	v14 =	vadd.f32 $1.000000000e+00, v14;
	(erf) = vrcp.f32 v30;
	v30 =	vpop (erf)  }
0x5d5: {  	v54 =	vld [tilespmem:s29+$0x10F20];
	v36 =	vadd.f32 v49, v17;
	v17 =	vadd.f32 v15, v5;
	(erf) = vrcp.f32 v37;
	v37 =	vpop (erf)  }
0x5d6: {  	v55 =	vld [tilespmem:s29+$0xEEB0];
	v23 =	vadd.f32 v23, v53;
	(erf) = vrcp.f32 v14;
	v14 =	vadd.f32 $1.000000000e+00, v16;
	v41 =	vpop (erf)  }
0x5d7: {  	v59 =	vld [tilespmem:s29+$0x12F20];
	v16 =	vadd.f32 v13, v6;
	v26 =	vadd.f32 v26, v35;
	(erf) = vrcp.f32 v32;
	v13 =	vpop (erf)  }
0x5d8: {  	v60 =	vld [tilespmem:s29+$0x10EB0];
	(erf) = vrcp.f32 v14;
	v12 =	vmul.f32 v13, v12;
	v13 =	vadd.f32 v50, v29  }
0x5d9: {  	v61 =	vld [tilespmem:s29+$0x10EC0];
	v62 =	vsub.f32 $0.0e+00, v17;
	v14 =	vadd.f32 v36, v3;
	v15 =	vpop (erf)  }
0x5da: {  	v32 =	vld [tilespmem:s29+$0xEEC0];
	v11 =	vmul.f32 v15, v11;
	v15 =	vadd.f32 v13, v4;
	v13 =	vadd.f32 v27, v33  }
0x5db: {  	v29 =	vld [tilespmem:s29+$0xEED0];
	[tilespmem:s9+$0x1AED0] =	vst v12;
	v12 =	vadd.f32 v23, v1;
	v23 =	vsub.f32 $0.0e+00, v16  }
0x5dc: {  	v33 =	vpop (erf);
	v35 =	vld [tilespmem:s29+$0x10ED0];
	[tilespmem:s9+$0x1AEE0] =	vst v11;
	v11 =	vadd.f32 v26, v2;
	v26 =	vadd.f32 v54, v52  }
0x5dd: {  	v42 =	vadd.f32 v60, v55;
	v63 =	vsub.f32 $0.0e+00, v14;
	v36 =	vpop (erf)  }
0x5de: {  	v40 =	vmul.f32 $1.442695020e+00, v62;
	v27 =	vld [tilespmem:s29+$0xEEE0];
	v34 =	vpop (erf);
	v56 =	vmul.f32 $1.442695020e+00, v23;
	v23 =	vadd.f32 v59, v26  }
0x5df: {  	v38 =	vadd.f32 v61, v32;
	v46 =	vmul.f32 $1.442695020e+00, v63;
	v39 =	vld [tilespmem:s29+$0x10EE0];
	v57 =	vsub.f32 $0.0e+00, v15;
	v47 =	vpop (erf)  }
0x5e0: {  	v22 =	vmul.f32 v33, v22;
	v13 =	vadd.f32 v13, v0;
	v48 =	vld [tilespmem:s29+$0xEEF0];
	v26 =	vpop (erf);
	v23 =	vadd.f32 v23, v7  }
0x5e1: {  	v43 =	vld [tilespmem:s29+$0x10EF0];
	v58 =	vsub.f32 $0.0e+00, v12;
	v21 =	vmul.f32 v36, v21;
	v50 =	vmul.f32 $1.442695020e+00, v57;
	v59 =	vpop (erf)  }
0x5e2: {  	v52 =	vld [tilespmem:s29+$0xEF00];
	(erf) = vpow2.f32 v56;
	v44 =	vmul.f32 v59, v45;
	v61 =	vsub.f32 $0.0e+00, v23  }
0x5e3: {  	v32 =	vld [tilespmem:s29+$0xEF10];
	v60 =	vsub.f32 $0.0e+00, v11;
	v51 =	vmul.f32 $1.442695020e+00, v58;
	(erf) = vpow2.f32 v40  }
0x5e4: {  	v35 =	vadd.f32 v35, v29;
	(erf) = vpow2.f32 v46;
	v45 =	vld [tilespmem:s29+$0x10F00];
	[tilespmem:s23+$0x1AF20] =	vst v44;
	v29 =	vmul.f32 $1.442695020e+00, v61  }
0x5e5: {  	v62 =	vsub.f32 $0.0e+00, v13;
	v24 =	vmul.f32 v47, v24;
	(erf) = vpow2.f32 v50;
	v57 =	vld [tilespmem:s29+$0x12EB0]  }
0x5e6: {  	v55 =	vadd.f32 $1.000000000e+00, v30;
	v53 =	vmul.f32 $1.442695020e+00, v60;
	(erf) = vpow2.f32 v29  }
0x5e7: {  	v37 =	vadd.f32 $1.000000000e+00, v37;
	v44 =	vmul.f32 $1.442695020e+00, v62;
	v63 =	vld [tilespmem:s29+$0x10F10];
	(erf) = vpow2.f32 v51  }
0x5e8: {  	v25 =	vmul.f32 v34, v25;
	v58 =	vadd.f32 $1.000000000e+00, v28;
	v59 =	vld [tilespmem:s29+$0x12EC0];
	(erf) = vpow2.f32 v53  }
0x5e9: {  	v60 =	vadd.f32 $1.000000000e+00, v31;
	v39 =	vadd.f32 v39, v27;
	v54 =	vld [tilespmem:s29+$0x12ED0];
	(erf) = vpow2.f32 v44  }
0x5ea: {  	v27 =	vadd.f32 v43, v48;
	v61 =	vld [tilespmem:s29+$0x12EE0];
	[tilespmem:s22+$0x1AEB0] =	vst v25;
	(erf) = vrcp.f32 v58;
	v25 =	vadd.f32 v57, v42  }
0x5eb: {  	v29 =	vadd.f32 $1.000000000e+00, v41;
	v31 =	vld [tilespmem:s29+$0x12EF0];
	[tilespmem:s22+$0x1AEC0] =	vst v24;
	v28 =	vadd.f32 v45, v52;
	v24 =	vpop (erf);
	(erf) = vrcp.f32 v60  }
0x5ec: {  	v62 =	vadd.f32 $1.000000000e+00, v24;
	v24 =	vpop (erf);
	v30 =	vadd.f32 v63, v32;
	v32 =	vld [tilespmem:s29+$0x12F00];
	[tilespmem:s9+$0x1AEF0] =	vst v22;
	(erf) = vrcp.f32 v55  }
0x5ed: {  	v22 =	vadd.f32 v59, v38;
	v63 =	vadd.f32 $1.000000000e+00, v24;
	v24 =	vpop (erf);
	v34 =	vld [tilespmem:s29+$0x12F10];
	(erf) = vrcp.f32 v37  }
0x5ee: {  	s11 =	simm.s32 $0x200;
	v35 =	vadd.f32 v54, v35;
	[tilespmem:s9+$0x1AF00] =	vst v21;
	v21 =	vadd.f32 v25, v6;
	(erf) = vrcp.f32 v62;
	v25 =	vpop (erf)  }
0x5ef: {  	s12 =	simm.s32 $0xA00;
	v36 =	vadd.f32 v61, v39;
	v33 =	vld [tilespmem:s11+$0xEF20];
	v22 =	vadd.f32 v22, v5;
	v37 =	vpop (erf);
	(erf) = vrcp.f32 v63  }
.LBB2_14:
0x5f0: {  	p1 =	sne.s32 s12, $0x7E00;
	v38 =	vld [tilespmem:s11+$0x10F20];
	v27 =	vadd.f32 v31, v27;
	v39 =	vadd.f32 $1.000000000e+00, v37;
	v37 =	vpop (erf);
	(erf) = vrcp.f32 v29  }
0x5f1: {  	v35 =	vadd.f32 v35, v3;
	v20 =	vmul.f32 v26, v20;
	v29 =	vld [tilespmem:s11+$0xEEB0];
	v41 =	vadd.f32 v32, v28;
	v32 =	vpop (erf)  }
0x5f2: {  	v36 =	vadd.f32 v36, v4;
	v26 =	vld [tilespmem:s11+$0x12F20];
	v30 =	vadd.f32 v34, v30;
	(erf) = vrcp.f32 v39;
	v31 =	vpop (erf)  }
0x5f3: {  	v40 =	vmov v9;
	v39 =	vadd.f32 v27, v1;
	v34 =	vld [tilespmem:s11+$0x10EB0];
	v27 =	vadd.f32 v41, v2;
	v28 =	vpop (erf);
	[tilespmem:s9+$0x1AF10] =	vst v20;
	s9 =	smov.u32 s22;
	s22 =	smov.u32 s23;
	s23 =	smov.u32 s29  }
0x5f4: {  	v20 =	vsub.f32 $0.0e+00, v21;
	s29 =	smov.u32 s11;
	v9 =	vld [tilespmem:s11+$0xEEC0];
	v30 =	vadd.f32 v30, v0;
	v18 =	vmul.f32 v28, v18;
	v28 =	vpop (erf)  }
0x5f5: {  	v41 =	vld [tilespmem:s29+$0x10EC0];
	v33 =	vadd.f32 v38, v33;
	v38 =	vsub.f32 $0.0e+00, v22;
	v19 =	vmul.f32 v28, v19;
	v42 =	vpop (erf)  }
0x5f6: {  	v43 =	vsub.f32 $0.0e+00, v35;
	v44 =	vsub.f32 $0.0e+00, v36;
	v20 =	vmul.f32 $1.442695020e+00, v20;
	v28 =	vld [tilespmem:s29+$0xEED0];
	[tilespmem:s9+$0x1AED0] =	vst v18;
	v45 =	vpop (erf)  }
0x5f7: {  	v46 =	vld [tilespmem:s29+$0x10ED0];
	v54 =	vadd.f32 v26, v33;
	v33 =	vmul.f32 $1.442695020e+00, v38;
	v38 =	vsub.f32 $0.0e+00, v39;
	v47 =	vpop (erf);
	[tilespmem:s9+$0x1AEE0] =	vst v19  }
0x5f8: {  	v43 =	vmul.f32 $1.442695020e+00, v43;
	v55 =	vsub.f32 $0.0e+00, v27;
	v34 =	vadd.f32 v34, v29;
	v29 =	vld [tilespmem:s29+$0xEEE0];
	v48 =	vpop (erf)  }
0x5f9: {  	v44 =	vmul.f32 $1.442695020e+00, v44;
	v51 =	vsub.f32 $0.0e+00, v30;
	v49 =	vld [tilespmem:s29+$0x10EE0];
	v50 =	vadd.f32 v54, v7;
	v26 =	vpop (erf)  }
0x5fa: {  	v53 =	vmul.f32 $1.442695020e+00, v55;
	v18 =	vmovc v14;
	v14 =	vmovc v35;
	v38 =	vmul.f32 $1.442695020e+00, v38;
	v41 =	vadd.f32 v41, v9;
	v52 =	vld [tilespmem:s29+$0xEEF0]  }
0x5fb: {  	v51 =	vmul.f32 $1.442695020e+00, v51;
	v35 =	vld [tilespmem:s29+$0x10EF0];
	v54 =	vsub.f32 $0.0e+00, v50;
	(erf) = vpow2.f32 v20;
	v19 =	vpop (erf)  }
0x5fc: {  	v46 =	vadd.f32 v46, v28;
	v28 =	vld [tilespmem:s29+$0xEF00];
	v55 =	vmul.f32 v19, v23;
	(erf) = vpow2.f32 v33;
	v19 =	vmovc v15;
	v15 =	vmovc v36  }
0x5fd: {  	v24 =	vadd.f32 $1.000000000e+00, v24;
	v9 =	vmovc v11;
	v11 =	vmovc v27;
	v33 =	vld [tilespmem:s29+$0x10F00];
	v54 =	vmul.f32 $1.442695020e+00, v54;
	(erf) = vpow2.f32 v43  }
0x5fe: {  	v25 =	vadd.f32 $1.000000000e+00, v25;
	v20 =	vmovc v8;
	v8 =	vmovc v13;
	v36 =	vadd.f32 v49, v29;
	v43 =	vld [tilespmem:s29+$0xEF10];
	[tilespmem:s23+$0x1AF20] =	vst v55;
	(erf) = vpow2.f32 v44  }
0x5ff: {  	v37 =	vadd.f32 $1.000000000e+00, v37;
	v13 =	vmovc v30;
	v23 =	vmovc v50;
	v49 =	vadd.f32 $1.000000000e+00, v32;
	v44 =	vld [tilespmem:s29+$0x10F10];
	(erf) = vpow2.f32 v54  }
0x600: {  	v29 =	vadd.f32 $1.000000000e+00, v31;
	v32 =	vld [tilespmem:s29+$0x12EB0];
	v27 =	vadd.f32 v35, v52;
	(erf) = vpow2.f32 v38  }
0x601: {  	v30 =	vmul.f32 v47, v16;
	v16 =	vmov v21;
	v35 =	vld [tilespmem:s29+$0x12EC0];
	(erf) = vpow2.f32 v53  }
0x602: {  	v21 =	vmul.f32 v48, v17;
	v17 =	vmovc v22;
	v38 =	vld [tilespmem:s29+$0x12ED0];
	v28 =	vadd.f32 v33, v28;
	(erf) = vpow2.f32 v51  }
0x603: {  	v22 =	vmul.f32 v42, v10;
	v10 =	vmovc v12;
	v12 =	vmov v39;
	v47 =	vld [tilespmem:s29+$0x12EE0];
	[tilespmem:s22+$0x1AEB0] =	vst v30;
	(erf) = vrcp.f32 v24  }
.Ltmp6:
0x604: {  	v31 =	vld [tilespmem:s29+$0x12EF0];
	v30 =	vadd.f32 v44, v43;
	v24 =	vpop (erf);
	[tilespmem:s22+$0x1AEC0] =	vst v21;
	(erf) = vrcp.f32 v25;
	v21 =	vmul.f32 v45, v40;
	(pc) =	sbr.rel @p1 .LBB2_14-.Ltmp6, $4  }
0x605: {  	v40 =	vadd.f32 v32, v34;
	v32 =	vld [tilespmem:s29+$0x12F00];
	v33 =	vadd.f32 $1.000000000e+00, v24;
	v24 =	vpop (erf);
	(erf) = vrcp.f32 v37;
	[tilespmem:s9+$0x1AEF0] =	vst v22  }
0x606: {  	v22 =	vadd.f32 v35, v41;
	v34 =	vld [tilespmem:s29+$0x12F10];
	v39 =	vadd.f32 $1.000000000e+00, v24;
	v24 =	vpop (erf);
	(erf) = vrcp.f32 v49;
	[tilespmem:s9+$0x1AF00] =	vst v21  }
0x607: {  	s11 =	sshra.s32 s12, $0x2;
	v21 =	vadd.f32 v40, v6;
	v35 =	vadd.f32 v38, v46;
	(erf) = vrcp.f32 v33;
	v25 =	vpop (erf)  }
0x608: {  	s12 =	sadd.s32 $0x200, s12;
	v33 =	vld [tilespmem:s11+$0xEF20];
	v22 =	vadd.f32 v22, v5;
	v36 =	vadd.f32 v47, v36;
	v37 =	vpop (erf);
	(erf) = vrcp.f32 v39  }
0x609: {  	v20 =	vmul.f32 v26, v20  }
0x60a: {  	v38 =	vld [tilespmem:s11+$0x10F20];
	v40 =	vpop (erf);
	v26 =	vadd.f32 $1.000000000e+00, v37  }
0x60b: {  	v39 =	vld [tilespmem:s11+$0xEEB0];
	(erf) = vrcp.f32 v29;
	v42 =	vpop (erf)  }
0x60c: {  	v41 =	vld [tilespmem:s11+$0x12F20];
	v37 =	vpop (erf);
	(erf) = vrcp.f32 v26  }
0x60d: {  	v43 =	vld [tilespmem:s11+$0x10EB0];
	v27 =	vadd.f32 v31, v27;
	v24 =	vadd.f32 $1.000000000e+00, v24;
	[tilespmem:s9+$0x1AF10] =	vst v20;
	v20 =	vpop (erf)  }
0x60e: {  	v25 =	vadd.f32 $1.000000000e+00, v25;
	v29 =	vadd.f32 v32, v28;
	v44 =	vld [tilespmem:s11+$0xEEC0];
	v18 =	vmul.f32 v20, v18;
	v20 =	vpop (erf)  }
0x60f: {  	v62 =	vsub.f32 $0.0e+00, v22;
	v26 =	vadd.f32 v35, v3;
	v45 =	vld [tilespmem:s11+$0x10EC0];
	v19 =	vmul.f32 v20, v19  }
0x610: {  	v30 =	vadd.f32 v34, v30;
	v42 =	vadd.f32 $1.000000000e+00, v42;
	v46 =	vld [tilespmem:s11+$0xEED0];
	v32 =	vpop (erf);
	[tilespmem:s22+$0x1AED0] =	vst v18  }
0x611: {  	v18 =	vadd.f32 v27, v1;
	v27 =	vadd.f32 v38, v33;
	v28 =	vpop (erf);
	v31 =	vld [tilespmem:s11+$0x10ED0];
	[tilespmem:s22+$0x1AEE0] =	vst v19  }
0x612: {  	v37 =	vadd.f32 $1.000000000e+00, v37;
	v48 =	vsub.f32 $0.0e+00, v26;
	v34 =	vpop (erf);
	v33 =	vld [tilespmem:s11+$0xEEE0]  }
0x613: {  	v39 =	vadd.f32 v43, v39;
	v61 =	vld [tilespmem:s11+$0x10EE0];
	v38 =	vadd.f32 v41, v27;
	v41 =	vpop (erf)  }
0x614: {  	v19 =	vadd.f32 v29, v2;
	v29 =	vsub.f32 $0.0e+00, v21;
	v47 =	vld [tilespmem:s11+$0xEEF0];
	v49 =	vpop (erf)  }
0x615: {  	v20 =	vadd.f32 v36, v4;
	v36 =	vmul.f32 $1.442695020e+00, v62;
	v54 =	vmul.f32 $1.442695020e+00, v48;
	v50 =	vld [tilespmem:s11+$0x10EF0];
	v63 =	vpop (erf)  }
0x616: {  	v27 =	vadd.f32 v30, v0;
	v52 =	vld [tilespmem:s11+$0xEF00];
	v30 =	vmul.f32 $1.442695020e+00, v29;
	v23 =	vmul.f32 v63, v23  }
0x617: {  	v10 =	vmul.f32 v32, v10;
	v51 =	vsub.f32 $0.0e+00, v20;
	v29 =	vadd.f32 v38, v7;
	v38 =	vld [tilespmem:s11+$0x10F00]  }
0x618: {  	v53 =	vsub.f32 $0.0e+00, v18;
	v16 =	vmul.f32 v34, v16;
	(erf) = vpow2.f32 v30;
	v30 =	vld [tilespmem:s11+$0xEF10];
	[tilespmem:s29+$0x1AF20] =	vst v23  }
0x619: {  	v51 =	vmul.f32 $1.442695020e+00, v51;
	v17 =	vmul.f32 v41, v17;
	v55 =	vsub.f32 $0.0e+00, v29;
	v57 =	vld [tilespmem:s11+$0x10F10]  }
0x61a: {  	v62 =	vadd.f32 $1.000000000e+00, v40;
	v58 =	vmul.f32 $1.442695020e+00, v53;
	(erf) = vpow2.f32 v36;
	v59 =	vld [tilespmem:s11+$0x12EB0]  }
0x61b: {  	v56 =	vsub.f32 $0.0e+00, v19;
	(erf) = vpow2.f32 v54;
	v48 =	vmul.f32 $1.442695020e+00, v55;
	v60 =	vld [tilespmem:s11+$0x12EC0]  }
0x61c: {  	v23 =	vsub.f32 $0.0e+00, v27;
	v33 =	vadd.f32 v61, v33;
	(erf) = vpow2.f32 v51;
	v61 =	vld [tilespmem:s11+$0x12ED0]  }
0x61d: {  	v44 =	vadd.f32 v45, v44;
	v36 =	vmul.f32 $1.442695020e+00, v56;
	v63 =	vld [tilespmem:s11+$0x12EE0];
	(erf) = vpow2.f32 v48  }
0x61e: {  	v31 =	vadd.f32 v31, v46;
	[tilespmem:s23+$0x1AEB0] =	vst v16;
	v23 =	vmul.f32 $1.442695020e+00, v23;
	(erf) = vpow2.f32 v58  }
0x61f: {  	v16 =	vadd.f32 v50, v47;
	v38 =	vadd.f32 v38, v52;
	v48 =	vld [tilespmem:s11+$0x12EF0];
	(erf) = vpow2.f32 v36  }
0x620: {  	[tilespmem:s23+$0x1AEC0] =	vst v17;
	v30 =	vadd.f32 v57, v30;
	(erf) = vpow2.f32 v23;
	v17 =	vadd.f32 v59, v39  }
0x621: {  	v23 =	vld [tilespmem:s11+$0x12F00];
	[tilespmem:s22+$0x1AEF0] =	vst v10;
	v10 =	vadd.f32 v60, v44;
	v31 =	vadd.f32 v61, v31;
	v50 =	vpop (erf);
	(erf) = vrcp.f32 v24  }
0x622: {  	v33 =	vadd.f32 v63, v33;
	v32 =	vadd.f32 $1.000000000e+00, v50;
	(erf) = vrcp.f32 v25;
	v25 =	vld [tilespmem:s11+$0x12F10]  }
0x623: {  	v17 =	vadd.f32 v17, v6;
	v10 =	vadd.f32 v10, v5  }
0x624: {  	v51 =	vpop (erf);
	v16 =	vadd.f32 v48, v16;
	v31 =	vadd.f32 v31, v3  }
0x625: {  	v24 =	vadd.f32 $1.000000000e+00, v51;
	v52 =	vpop (erf);
	(erf) = vrcp.f32 v62;
	v55 =	vsub.f32 $0.0e+00, v17  }
0x626: {  	v53 =	vpop (erf);
	(erf) = vrcp.f32 v42;
	v16 =	vadd.f32 v16, v1;
	v23 =	vadd.f32 v23, v38  }
0x627: {  	(erf) = vrcp.f32 v32;
	v54 =	vpop (erf);
	v25 =	vadd.f32 v25, v30;
	v30 =	vsub.f32 $0.0e+00, v10  }
0x628: {  	(erf) = vrcp.f32 v24;
	v32 =	vmul.f32 $1.442695020e+00, v55;
	v35 =	vadd.f32 $1.000000000e+00, v54  }
0x629: {  	v24 =	vadd.f32 v33, v4;
	(erf) = vrcp.f32 v37;
	v56 =	vpop (erf);
	v30 =	vmul.f32 $1.442695020e+00, v30  }
0x62a: {  	v58 =	vsub.f32 $0.0e+00, v31;
	v62 =	vsub.f32 $0.0e+00, v16;
	v57 =	vpop (erf);
	(erf) = vrcp.f32 v35  }
0x62b: {  	v23 =	vadd.f32 v23, v2;
	v60 =	vsub.f32 $0.0e+00, v24;
	v59 =	vpop (erf);
	(erf) = vpow2.f32 v32  }
0x62c: {  	v36 =	vmul.f32 $1.442695020e+00, v58;
	v25 =	vadd.f32 v25, v0;
	v61 =	vpop (erf);
	(erf) = vpow2.f32 v30  }
0x62d: {  	v63 =	vsub.f32 $0.0e+00, v23;
	v38 =	vmul.f32 $1.442695020e+00, v60;
	v30 =	vpop (erf)  }
0x62e: {  	v40 =	vmul.f32 $1.442695020e+00, v62;
	v46 =	vsub.f32 $0.0e+00, v25;
	(erf) = vpow2.f32 v36;
	v45 =	vpop (erf)  }
0x62f: {  	v41 =	vmul.f32 $1.442695020e+00, v63;
	(erf) = vpow2.f32 v38;
	v47 =	vpop (erf)  }
0x630: {  	v43 =	vmul.f32 $1.442695020e+00, v46;
	(erf) = vpow2.f32 v40;
	v48 =	vpop (erf)  }
0x631: {  	v39 =	vadd.f32 $1.000000000e+00, v52;
	(erf) = vpow2.f32 v41;
	v50 =	vpop (erf)  }
0x632: {  	v34 =	vadd.f32 $1.000000000e+00, v53;
	(erf) = vpow2.f32 v43;
	v51 =	vpop (erf)  }
0x633: {  	v9 =	vmul.f32 v28, v9;
	v33 =	vadd.f32 $1.000000000e+00, v56;
	v52 =	vpop (erf);
	(erf) = vrcp.f32 v39  }
0x634: {  	v8 =	vmul.f32 v49, v8;
	v35 =	vadd.f32 $1.000000000e+00, v57;
	v53 =	vpop (erf);
	(erf) = vrcp.f32 v34  }
0x635: {  	[tilespmem:s22+$0x1AF00] =	vst v9;
	v9 =	vmul.f32 v61, v14;
	v28 =	vadd.f32 $1.000000000e+00, v53;
	v54 =	vpop (erf);
	(erf) = vrcp.f32 v33  }
0x636: {  	[tilespmem:s22+$0x1AF10] =	vst v8;
	v8 =	vmul.f32 v30, v15;
	v55 =	vadd.f32 $1.000000000e+00, v54;
	(erf) = vrcp.f32 v35  }
0x637: {  	[tilespmem:s23+$0x1AED0] =	vst v9;
	v9 =	vmul.f32 v52, v29;
	v14 =	vpop (erf);
	(erf) = vrcp.f32 v28  }
0x638: {  	[tilespmem:s23+$0x1AEE0] =	vst v8;
	v15 =	vpop (erf);
	(erf) = vrcp.f32 v55  }
0x639: {  	[tilespmem:s11+$0x1AF20] =	vst v9;
	v9 =	vmul.f32 v50, v22;
	v28 =	vadd.f32 $1.000000000e+00, v59;
	v29 =	vpop (erf)  }
0x63a: {  	v8 =	vmul.f32 v48, v21;
	v14 =	vadd.f32 $1.000000000e+00, v14;
	v21 =	vpop (erf)  }
0x63b: {  	v15 =	vadd.f32 $1.000000000e+00, v15;
	[tilespmem:s29+$0x1AEC0] =	vst v9;
	v9 =	vmul.f32 v47, v11;
	(erf) = vrcp.f32 v28;
	v22 =	vpop (erf)  }
0x63c: {  	[tilespmem:s29+$0x1AEB0] =	vst v8;
	v8 =	vmul.f32 v45, v12;
	v12 =	vpop (erf);
	(erf) = vrcp.f32 v14  }
0x63d: {  	[tilespmem:s23+$0x1AF00] =	vst v9;
	v11 =	vpop (erf);
	(erf) = vrcp.f32 v15;
	v9 =	vmul.f32 v12, v26  }
0x63e: {  	v28 =	vadd.f32 $1.000000000e+00, v29;
	[tilespmem:s23+$0x1AEF0] =	vst v8;
	v8 =	vmul.f32 v51, v13;
	v13 =	vpop (erf)  }
0x63f: {  	v14 =	vadd.f32 $1.000000000e+00, v21;
	v12 =	vpop (erf)  }
0x640: {  	[tilespmem:s23+$0x1AF10] =	vst v8;
	v15 =	vadd.f32 $1.000000000e+00, v22;
	(erf) = vrcp.f32 v28;
	v8 =	vmul.f32 v11, v20;
	v11 =	vpop (erf)  }
0x641: {  	(erf) = vrcp.f32 v14;
	[tilespmem:s29+$0x1AED0] =	vst v9;
	v9 =	vpop (erf);
	v11 =	vmul.f32 v11, v17  }
0x642: {  	(erf) = vrcp.f32 v15;
	[tilespmem:s29+$0x1AEE0] =	vst v8;
	v8 =	vmul.f32 v9, v10  }
0x643: {  	v9 =	vmul.f32 v13, v18;
	[tilespmem:s11+$0x1AEB0] =	vst v11  }
0x644: {  	v10 =	vpop (erf);
	[tilespmem:s11+$0x1AEC0] =	vst v8;
	v8 =	vmul.f32 v12, v19  }
0x645: {  	[tilespmem:s29+$0x1AEF0] =	vst v9;
	v9 =	vmul.f32 v10, v27;
	v10 =	vpop (erf)  }
0x646: {  	[tilespmem:s29+$0x1AF00] =	vst v8;
	v8 =	vmul.f32 v10, v31;
	v10 =	vpop (erf)  }
0x647: {  	[tilespmem:s29+$0x1AF10] =	vst v9;
	v9 =	vmul.f32 v10, v24;
	_ =	sdelay $0x1  }
0x648: {  	v10 =	vpop (erf)  }
0x649: {  	[tilespmem:s11+$0x1AED0] =	vst v8;
	v10 =	vmul.f32 v10, v16;
	v8 =	vpop (erf)  }
0x64a: {  	[tilespmem:s11+$0x1AEE0] =	vst v9;
	v9 =	vpop (erf);
	v8 =	vmul.f32 v8, v23  }
0x64b: {  	[tilespmem:s11+$0x1AEF0] =	vst v10;
	v9 =	vmul.f32 v9, v25  }
0x64c: {  	[tilespmem:s11+$0x1AF00] =	vst v8  }
0x64d: {  	s23 =	simm.s32 $0x0;
	[tilespmem:s11+$0x1AF10] =	vst v9  }
0x64e: {  	[hbm4b:s18+s23] =	stream.linear.scatter [tilespmem:s30], [sflag:$0x7], $0x2000, $0x38;
	[tilespmem:$0x1EF30] =	vst v63  }
0x64f: {  	_ =	swait.ge [sflag:s1], $0x2000  }
0x650: {  	[sflag:s1] =	ssyncset.done $0x0  }
0x651: {  	[sflag:s1] =	ssyncadd.s32 $0xFFFFE000  }
0x652: {  	_ =	swait.ge [sflag:s1], $0x2000  }
0x653: {  	[sflag:s1] =	ssyncset.done $0x0  }
0x654: {  	[sflag:s1] =	ssyncadd.s32 $0xFFFFE000  }
0x655: {  	_ =	swait.ge [sflag:s1], $0x2000  }
0x656: {  	[sflag:s1] =	ssyncset.done $0x0  }
0x657: {  	[sflag:s1] =	ssyncadd.s32 $0xFFFFE000  }
0x658: {  	_ =	swait.ge [sflag:s3], $0x2000  }
0x659: {  	[sflag:s3] =	ssyncset.done $0x0  }
0x65a: {  	s9 =	simm.s32 $0x0;
	[sflag:s3] =	ssyncadd.s32 $0xFFFFE000  }
0x65b: {  	v8 =	vld [tilespmem:s9+$0x14F20]  }
0x65c: {  	v9 =	vld [tilespmem:s9+$0x16F20];
	_ =	sdelay $0x1  }
0x65d: {  	v11 =	vld [tilespmem:s9+$0x18F20]  }
0x65e: {  	v10 =	vld [tilespmem:s9+$0x14EB0]  }
0x65f: {  	v12 =	vld [tilespmem:s9+$0x16EB0]  }
0x660: {  	v13 =	vld [tilespmem:s9+$0x14EC0];
	v8 =	vadd.f32 v9, v8  }
0x661: {  	v14 =	vld [tilespmem:s9+$0x16EC0]  }
0x662: {  	v15 =	vld [tilespmem:s9+$0x16ED0];
	v8 =	vadd.f32 v11, v8  }
0x663: {  	v16 =	vld [tilespmem:s9+$0x16EE0]  }
0x664: {  	v17 =	vld [tilespmem:s9+$0x14EF0];
	v8 =	vadd.f32 v8, v7  }
0x665: {  	v18 =	vld [tilespmem:s9+$0x16EF0]  }
0x666: {  	v20 =	vld [tilespmem:s9+$0x14F00];
	v19 =	vsub.f32 $0.0e+00, v8  }
0x667: {  	v21 =	vld [tilespmem:s9+$0x16F00]  }
0x668: {  	v22 =	vld [tilespmem:s9+$0x14F10];
	v19 =	vmul.f32 $1.442695020e+00, v19  }
0x669: {  	v23 =	vld [tilespmem:s9+$0x16F10]  }
0x66a: {  	v24 =	vld [tilespmem:s9+$0x18EC0];
	(erf) = vpow2.f32 v19  }
0x66b: {  	v25 =	vld [tilespmem:s9+$0x18ED0]  }
0x66c: {  	v26 =	vld [tilespmem:s9+$0x18EE0]  }
0x66d: {  	v9 =	vld [tilespmem:s9+$0x14ED0]  }
0x66e: {  	v11 =	vld [tilespmem:s9+$0x14EE0]  }
0x66f: {  	v19 =	vld [tilespmem:s9+$0x18EB0]  }
0x670: {  	s22 =	simm.s32 $0x80;
	v27 =	vld [tilespmem:s9+$0x18EF0]  }
0x671: {  	v30 =	vld [tilespmem:s22+$0x14F20]  }
0x672: {  	v31 =	vld [tilespmem:s22+$0x16F20];
	v10 =	vadd.f32 v12, v10;
	v13 =	vadd.f32 v14, v13  }
0x673: {  	v28 =	vld [tilespmem:s9+$0x18F00];
	v9 =	vadd.f32 v15, v9;
	v11 =	vadd.f32 v16, v11;
	v12 =	vpop (erf)  }
0x674: {  	v10 =	vadd.f32 v19, v10;
	v19 =	vld [tilespmem:s22+$0x18F20];
	v12 =	vadd.f32 $1.000000000e+00, v12  }
0x675: {  	v29 =	vld [tilespmem:s9+$0x18F10];
	v17 =	vadd.f32 v18, v17;
	v9 =	vadd.f32 v25, v9  }
0x676: {  	v56 =	vld [tilespmem:s22+$0x14EB0];
	v11 =	vadd.f32 v26, v11;
	v14 =	vadd.f32 v10, v6;
	(erf) = vrcp.f32 v12  }
0x677: {  	v57 =	vld [tilespmem:s22+$0x16EE0];
	v12 =	vadd.f32 v24, v13;
	v24 =	vadd.f32 v31, v30  }
0x678: {  	v60 =	vld [tilespmem:s22+$0x16EF0];
	v11 =	vadd.f32 v11, v4;
	v26 =	vsub.f32 $0.0e+00, v14  }
0x679: {  	v62 =	vld [tilespmem:s22+$0x14F00];
	v13 =	vadd.f32 v12, v5;
	v19 =	vadd.f32 v19, v24  }
0x67a: {  	v18 =	vld [tilespmem:s22+$0x16F00];
	v58 =	vsub.f32 $0.0e+00, v11;
	v12 =	vadd.f32 v9, v3  }
0x67b: {  	v15 =	vld [tilespmem:s22+$0x16EB0];
	v26 =	vmul.f32 $1.442695020e+00, v26;
	v30 =	vsub.f32 $0.0e+00, v13;
	v59 =	vadd.f32 v19, v7  }
0x67c: {  	v16 =	vld [tilespmem:s22+$0x16EC0];
	v31 =	vsub.f32 $0.0e+00, v12  }
0x67d: {  	v25 =	vld [tilespmem:s22+$0x14ED0];
	v34 =	vmul.f32 $1.442695020e+00, v58;
	v30 =	vmul.f32 $1.442695020e+00, v30;
	v61 =	vsub.f32 $0.0e+00, v59  }
0x67e: {  	v10 =	vld [tilespmem:s22+$0x14EC0];
	(erf) = vpow2.f32 v26;
	v31 =	vmul.f32 $1.442695020e+00, v31  }
0x67f: {  	v20 =	vadd.f32 v21, v20;
	v9 =	vld [tilespmem:s22+$0x16ED0];
	(erf) = vpow2.f32 v30;
	v21 =	vmul.f32 $1.442695020e+00, v61;
	v26 =	vpop (erf)  }
0x680: {  	v24 =	vld [tilespmem:s22+$0x14EE0];
	(erf) = vpow2.f32 v31;
	v8 =	vmul.f32 v26, v8  }
0x681: {  	v22 =	vadd.f32 v23, v22;
	v17 =	vadd.f32 v27, v17;
	v19 =	vld [tilespmem:s22+$0x14EF0];
	(erf) = vpow2.f32 v34  }
0x682: {  	v26 =	vld [tilespmem:s22+$0x14F10];
	(erf) = vpow2.f32 v21;
	[tilespmem:s9+$0x1CF20] =	vst v8;
	v8 =	vadd.f32 v28, v20  }
0x683: {  	v20 =	vadd.f32 v29, v22;
	v22 =	vadd.f32 v17, v1;
	v23 =	vld [tilespmem:s22+$0x16F10]  }
0x684: {  	v17 =	vld [tilespmem:s22+$0x18EB0];
	v21 =	vadd.f32 v8, v2  }
0x685: {  	v28 =	vld [tilespmem:s22+$0x18ED0];
	v20 =	vadd.f32 v20, v0;
	v27 =	vsub.f32 $0.0e+00, v22  }
0x686: {  	v30 =	vld [tilespmem:s22+$0x18EE0];
	v29 =	vsub.f32 $0.0e+00, v21  }
0x687: {  	v47 =	vadd.f32 v18, v62;
	v44 =	vpop (erf);
	v8 =	vld [tilespmem:s22+$0x18EC0];
	v31 =	vsub.f32 $0.0e+00, v20;
	v27 =	vmul.f32 $1.442695020e+00, v27  }
0x688: {  	s23 =	simm.s32 $0x100;
	v15 =	vadd.f32 v15, v56;
	v10 =	vadd.f32 v16, v10;
	v63 =	vld [tilespmem:s22+$0x18EF0];
	v45 =	vpop (erf);
	v16 =	vmul.f32 $1.442695020e+00, v29  }
0x689: {  	v9 =	vadd.f32 v9, v25;
	v46 =	vld [tilespmem:s23+$0x14F20];
	v31 =	vmul.f32 $1.442695020e+00, v31;
	(erf) = vpow2.f32 v27;
	v39 =	vpop (erf)  }
0x68a: {  	v33 =	vadd.f32 v57, v24;
	v48 =	vld [tilespmem:s23+$0x18F20];
	v37 =	vpop (erf);
	(erf) = vpow2.f32 v16;
	v16 =	vadd.f32 $1.000000000e+00, v44  }
0x68b: {  	v19 =	vadd.f32 v60, v19;
	v27 =	vld [tilespmem:s22+$0x18F10];
	v24 =	vadd.f32 $1.000000000e+00, v45;
	v25 =	vpop (erf);
	(erf) = vpow2.f32 v31  }
0x68c: {  	v8 =	vadd.f32 v8, v10;
	v31 =	vld [tilespmem:s23+$0x16F20];
	(erf) = vrcp.f32 v16;
	v16 =	vadd.f32 $1.000000000e+00, v25  }
0x68d: {  	v29 =	vld [tilespmem:s22+$0x18F00];
	v15 =	vadd.f32 v17, v15;
	v10 =	vadd.f32 v23, v26;
	(erf) = vrcp.f32 v24  }
0x68e: {  	v34 =	vld [tilespmem:s23+$0x16EE0];
	v24 =	vadd.f32 v8, v5;
	v8 =	vadd.f32 v30, v33;
	(erf) = vrcp.f32 v16  }
0x68f: {  	v40 =	vld [tilespmem:s23+$0x14EF0];
	v9 =	vadd.f32 v28, v9;
	v23 =	vadd.f32 v63, v19  }
0x690: {  	v53 =	vld [tilespmem:s23+$0x16EF0];
	v19 =	vadd.f32 v8, v4;
	v8 =	vadd.f32 v27, v10  }
0x691: {  	v35 =	vld [tilespmem:s23+$0x16F00];
	v10 =	vadd.f32 v23, v1;
	v23 =	vadd.f32 v31, v46  }
0x692: {  	v57 =	vld [tilespmem:s23+$0x14F10];
	v18 =	vadd.f32 v9, v3;
	v9 =	vadd.f32 v29, v47;
	v29 =	vpop (erf)  }
0x693: {  	v17 =	vld [tilespmem:s23+$0x14EB0];
	v25 =	vadd.f32 v15, v6;
	v23 =	vadd.f32 v48, v23;
	v30 =	vpop (erf)  }
0x694: {  	v28 =	vld [tilespmem:s23+$0x14ED0];
	v51 =	vsub.f32 $0.0e+00, v18;
	v32 =	vpop (erf)  }
0x695: {  	v26 =	vld [tilespmem:s23+$0x16EC0];
	v49 =	vsub.f32 $0.0e+00, v25;
	v9 =	vadd.f32 v9, v2;
	v36 =	vpop (erf)  }
0x696: {  	v15 =	vld [tilespmem:s23+$0x16EB0];
	v41 =	vmul.f32 $1.442695020e+00, v51;
	v50 =	vsub.f32 $0.0e+00, v24;
	v8 =	vadd.f32 v8, v0;
	v52 =	vpop (erf)  }
0x697: {  	v16 =	vld [tilespmem:s23+$0x14EC0];
	v33 =	vmul.f32 $1.442695020e+00, v49;
	v54 =	vsub.f32 $0.0e+00, v19;
	v45 =	vadd.f32 v23, v7;
	v23 =	vpop (erf)  }
0x698: {  	v27 =	vld [tilespmem:s23+$0x16ED0];
	v38 =	vmul.f32 $1.442695020e+00, v50;
	v55 =	vsub.f32 $0.0e+00, v10;
	v23 =	vmul.f32 v23, v59  }
0x699: {  	v31 =	vld [tilespmem:s23+$0x14EE0];
	(erf) = vpow2.f32 v33;
	v44 =	vmul.f32 $1.442695020e+00, v54;
	v56 =	vsub.f32 $0.0e+00, v45  }
0x69a: {  	v46 =	vld [tilespmem:s23+$0x14F00];
	v58 =	vsub.f32 $0.0e+00, v9;
	v47 =	vmul.f32 $1.442695020e+00, v55;
	(erf) = vpow2.f32 v38;
	[tilespmem:s22+$0x1CF20] =	vst v23  }
0x69b: {  	(erf) = vpow2.f32 v41;
	v59 =	vmul.f32 $1.442695020e+00, v56;
	v60 =	vld [tilespmem:s23+$0x16F10]  }
0x69c: {  	v61 =	vmul.f32 $1.442695020e+00, v58;
	(erf) = vpow2.f32 v44;
	v23 =	vsub.f32 $0.0e+00, v8;
	v62 =	vld [tilespmem:s23+$0x18EB0]  }
0x69d: {  	v14 =	vmul.f32 v36, v14;
	(erf) = vpow2.f32 v59;
	v63 =	vld [tilespmem:s23+$0x18EC0]  }
0x69e: {  	v39 =	vadd.f32 $1.000000000e+00, v39;
	(erf) = vpow2.f32 v47;
	v49 =	vld [tilespmem:s23+$0x18ED0];
	v23 =	vmul.f32 $1.442695020e+00, v23  }
0x69f: {  	v13 =	vmul.f32 v52, v13;
	v50 =	vld [tilespmem:s23+$0x18EE0];
	[tilespmem:s9+$0x1CEB0] =	vst v14;
	v14 =	vadd.f32 $1.000000000e+00, v37;
	(erf) = vpow2.f32 v61  }
0x6a0: {  	(erf) = vpow2.f32 v23  }
0x6a1: {  	v53 =	vadd.f32 v53, v40;
	v23 =	vld [tilespmem:s23+$0x18EF0];
	[tilespmem:s9+$0x1CEC0] =	vst v13;
	v13 =	vadd.f32 v15, v17;
	(erf) = vrcp.f32 v39  }
0x6a2: {  	v51 =	vpop (erf);
	v15 =	vadd.f32 v26, v16;
	v16 =	vadd.f32 $1.000000000e+00, v29  }
0x6a3: {  	v30 =	vadd.f32 $1.000000000e+00, v30;
	v32 =	vadd.f32 $1.000000000e+00, v32;
	(erf) = vrcp.f32 v14;
	v14 =	vpop (erf)  }
0x6a4: {  	v37 =	vadd.f32 $1.000000000e+00, v51;
	v17 =	vadd.f32 v27, v28;
	v28 =	vpop (erf)  }
0x6a5: {  	v35 =	vadd.f32 v35, v46;
	v29 =	vadd.f32 v34, v31;
	v26 =	vld [tilespmem:s23+$0x18F00];
	v31 =	vpop (erf)  }
0x6a6: {  	s29 =	simm.s32 $0x180;
	v27 =	vld [tilespmem:s23+$0x18F10];
	v13 =	vadd.f32 v62, v13;
	v15 =	vadd.f32 v63, v15;
	(erf) = vrcp.f32 v16;
	v16 =	vpop (erf)  }
0x6a7: {  	v52 =	vld [tilespmem:s29+$0x14F20];
	v33 =	vadd.f32 v60, v57;
	v14 =	vadd.f32 $1.000000000e+00, v14;
	(erf) = vrcp.f32 v30;
	v30 =	vpop (erf)  }
0x6a8: {  	v54 =	vld [tilespmem:s29+$0x16F20];
	v36 =	vadd.f32 v49, v17;
	v17 =	vadd.f32 v15, v5;
	(erf) = vrcp.f32 v37;
	v37 =	vpop (erf)  }
0x6a9: {  	v55 =	vld [tilespmem:s29+$0x14EB0];
	v23 =	vadd.f32 v23, v53;
	(erf) = vrcp.f32 v14;
	v14 =	vadd.f32 $1.000000000e+00, v16;
	v41 =	vpop (erf)  }
0x6aa: {  	v59 =	vld [tilespmem:s29+$0x18F20];
	v16 =	vadd.f32 v13, v6;
	v26 =	vadd.f32 v26, v35;
	(erf) = vrcp.f32 v32;
	v13 =	vpop (erf)  }
0x6ab: {  	v60 =	vld [tilespmem:s29+$0x16EB0];
	(erf) = vrcp.f32 v14;
	v12 =	vmul.f32 v13, v12;
	v13 =	vadd.f32 v50, v29  }
0x6ac: {  	v61 =	vld [tilespmem:s29+$0x16EC0];
	v62 =	vsub.f32 $0.0e+00, v17;
	v14 =	vadd.f32 v36, v3;
	v15 =	vpop (erf)  }
0x6ad: {  	v32 =	vld [tilespmem:s29+$0x14EC0];
	v11 =	vmul.f32 v15, v11;
	v15 =	vadd.f32 v13, v4;
	v13 =	vadd.f32 v27, v33  }
0x6ae: {  	v29 =	vld [tilespmem:s29+$0x14ED0];
	[tilespmem:s9+$0x1CED0] =	vst v12;
	v12 =	vadd.f32 v23, v1;
	v23 =	vsub.f32 $0.0e+00, v16  }
0x6af: {  	v33 =	vpop (erf);
	v35 =	vld [tilespmem:s29+$0x16ED0];
	[tilespmem:s9+$0x1CEE0] =	vst v11;
	v11 =	vadd.f32 v26, v2;
	v26 =	vadd.f32 v54, v52  }
0x6b0: {  	v42 =	vadd.f32 v60, v55;
	v63 =	vsub.f32 $0.0e+00, v14;
	v36 =	vpop (erf)  }
0x6b1: {  	v40 =	vmul.f32 $1.442695020e+00, v62;
	v27 =	vld [tilespmem:s29+$0x14EE0];
	v34 =	vpop (erf);
	v56 =	vmul.f32 $1.442695020e+00, v23;
	v23 =	vadd.f32 v59, v26  }
0x6b2: {  	v38 =	vadd.f32 v61, v32;
	v46 =	vmul.f32 $1.442695020e+00, v63;
	v39 =	vld [tilespmem:s29+$0x16EE0];
	v57 =	vsub.f32 $0.0e+00, v15;
	v47 =	vpop (erf)  }
0x6b3: {  	v22 =	vmul.f32 v33, v22;
	v13 =	vadd.f32 v13, v0;
	v48 =	vld [tilespmem:s29+$0x14EF0];
	v26 =	vpop (erf);
	v23 =	vadd.f32 v23, v7  }
0x6b4: {  	v43 =	vld [tilespmem:s29+$0x16EF0];
	v58 =	vsub.f32 $0.0e+00, v12;
	v21 =	vmul.f32 v36, v21;
	v50 =	vmul.f32 $1.442695020e+00, v57;
	v59 =	vpop (erf)  }
0x6b5: {  	v52 =	vld [tilespmem:s29+$0x14F00];
	(erf) = vpow2.f32 v56;
	v44 =	vmul.f32 v59, v45;
	v61 =	vsub.f32 $0.0e+00, v23  }
0x6b6: {  	v32 =	vld [tilespmem:s29+$0x14F10];
	v60 =	vsub.f32 $0.0e+00, v11;
	v51 =	vmul.f32 $1.442695020e+00, v58;
	(erf) = vpow2.f32 v40  }
0x6b7: {  	v35 =	vadd.f32 v35, v29;
	(erf) = vpow2.f32 v46;
	v45 =	vld [tilespmem:s29+$0x16F00];
	[tilespmem:s23+$0x1CF20] =	vst v44;
	v29 =	vmul.f32 $1.442695020e+00, v61  }
0x6b8: {  	v62 =	vsub.f32 $0.0e+00, v13;
	v24 =	vmul.f32 v47, v24;
	(erf) = vpow2.f32 v50;
	v57 =	vld [tilespmem:s29+$0x18EB0]  }
0x6b9: {  	v55 =	vadd.f32 $1.000000000e+00, v30;
	v53 =	vmul.f32 $1.442695020e+00, v60;
	(erf) = vpow2.f32 v29  }
0x6ba: {  	v37 =	vadd.f32 $1.000000000e+00, v37;
	v44 =	vmul.f32 $1.442695020e+00, v62;
	v63 =	vld [tilespmem:s29+$0x16F10];
	(erf) = vpow2.f32 v51  }
0x6bb: {  	v25 =	vmul.f32 v34, v25;
	v58 =	vadd.f32 $1.000000000e+00, v28;
	v59 =	vld [tilespmem:s29+$0x18EC0];
	(erf) = vpow2.f32 v53  }
0x6bc: {  	v60 =	vadd.f32 $1.000000000e+00, v31;
	v39 =	vadd.f32 v39, v27;
	v54 =	vld [tilespmem:s29+$0x18ED0];
	(erf) = vpow2.f32 v44  }
0x6bd: {  	v27 =	vadd.f32 v43, v48;
	v61 =	vld [tilespmem:s29+$0x18EE0];
	[tilespmem:s22+$0x1CEB0] =	vst v25;
	(erf) = vrcp.f32 v58;
	v25 =	vadd.f32 v57, v42  }
0x6be: {  	v29 =	vadd.f32 $1.000000000e+00, v41;
	v31 =	vld [tilespmem:s29+$0x18EF0];
	[tilespmem:s22+$0x1CEC0] =	vst v24;
	v28 =	vadd.f32 v45, v52;
	v24 =	vpop (erf);
	(erf) = vrcp.f32 v60  }
0x6bf: {  	v62 =	vadd.f32 $1.000000000e+00, v24;
	v24 =	vpop (erf);
	v30 =	vadd.f32 v63, v32;
	v32 =	vld [tilespmem:s29+$0x18F00];
	[tilespmem:s9+$0x1CEF0] =	vst v22;
	(erf) = vrcp.f32 v55  }
0x6c0: {  	v22 =	vadd.f32 v59, v38;
	v63 =	vadd.f32 $1.000000000e+00, v24;
	v24 =	vpop (erf);
	v34 =	vld [tilespmem:s29+$0x18F10];
	(erf) = vrcp.f32 v37  }
0x6c1: {  	s11 =	simm.s32 $0x200;
	v35 =	vadd.f32 v54, v35;
	[tilespmem:s9+$0x1CF00] =	vst v21;
	v21 =	vadd.f32 v25, v6;
	(erf) = vrcp.f32 v62;
	v25 =	vpop (erf)  }
0x6c2: {  	s12 =	simm.s32 $0xA00;
	v36 =	vadd.f32 v61, v39;
	v33 =	vld [tilespmem:s11+$0x14F20];
	v22 =	vadd.f32 v22, v5;
	v37 =	vpop (erf);
	(erf) = vrcp.f32 v63  }
.LBB2_16:
0x6c3: {  	p1 =	sne.s32 s12, $0x7E00;
	v38 =	vld [tilespmem:s11+$0x16F20];
	v27 =	vadd.f32 v31, v27;
	v39 =	vadd.f32 $1.000000000e+00, v37;
	v37 =	vpop (erf);
	(erf) = vrcp.f32 v29  }
0x6c4: {  	v35 =	vadd.f32 v35, v3;
	v20 =	vmul.f32 v26, v20;
	v29 =	vld [tilespmem:s11+$0x14EB0];
	v41 =	vadd.f32 v32, v28;
	v32 =	vpop (erf)  }
0x6c5: {  	v36 =	vadd.f32 v36, v4;
	v26 =	vld [tilespmem:s11+$0x18F20];
	v30 =	vadd.f32 v34, v30;
	(erf) = vrcp.f32 v39;
	v31 =	vpop (erf)  }
0x6c6: {  	v40 =	vmov v9;
	v39 =	vadd.f32 v27, v1;
	v34 =	vld [tilespmem:s11+$0x16EB0];
	v27 =	vadd.f32 v41, v2;
	v28 =	vpop (erf);
	[tilespmem:s9+$0x1CF10] =	vst v20;
	s9 =	smov.u32 s22;
	s22 =	smov.u32 s23;
	s23 =	smov.u32 s29  }
0x6c7: {  	v20 =	vsub.f32 $0.0e+00, v21;
	s29 =	smov.u32 s11;
	v9 =	vld [tilespmem:s11+$0x14EC0];
	v30 =	vadd.f32 v30, v0;
	v18 =	vmul.f32 v28, v18;
	v28 =	vpop (erf)  }
0x6c8: {  	v41 =	vld [tilespmem:s29+$0x16EC0];
	v33 =	vadd.f32 v38, v33;
	v38 =	vsub.f32 $0.0e+00, v22;
	v19 =	vmul.f32 v28, v19;
	v42 =	vpop (erf)  }
0x6c9: {  	v43 =	vsub.f32 $0.0e+00, v35;
	v44 =	vsub.f32 $0.0e+00, v36;
	v20 =	vmul.f32 $1.442695020e+00, v20;
	v28 =	vld [tilespmem:s29+$0x14ED0];
	[tilespmem:s9+$0x1CED0] =	vst v18;
	v45 =	vpop (erf)  }
0x6ca: {  	v46 =	vld [tilespmem:s29+$0x16ED0];
	v54 =	vadd.f32 v26, v33;
	v33 =	vmul.f32 $1.442695020e+00, v38;
	v38 =	vsub.f32 $0.0e+00, v39;
	v47 =	vpop (erf);
	[tilespmem:s9+$0x1CEE0] =	vst v19  }
0x6cb: {  	v43 =	vmul.f32 $1.442695020e+00, v43;
	v55 =	vsub.f32 $0.0e+00, v27;
	v34 =	vadd.f32 v34, v29;
	v29 =	vld [tilespmem:s29+$0x14EE0];
	v48 =	vpop (erf)  }
0x6cc: {  	v44 =	vmul.f32 $1.442695020e+00, v44;
	v51 =	vsub.f32 $0.0e+00, v30;
	v49 =	vld [tilespmem:s29+$0x16EE0];
	v50 =	vadd.f32 v54, v7;
	v26 =	vpop (erf)  }
0x6cd: {  	v53 =	vmul.f32 $1.442695020e+00, v55;
	v18 =	vmovc v14;
	v14 =	vmovc v35;
	v38 =	vmul.f32 $1.442695020e+00, v38;
	v41 =	vadd.f32 v41, v9;
	v52 =	vld [tilespmem:s29+$0x14EF0]  }
0x6ce: {  	v51 =	vmul.f32 $1.442695020e+00, v51;
	v35 =	vld [tilespmem:s29+$0x16EF0];
	v54 =	vsub.f32 $0.0e+00, v50;
	(erf) = vpow2.f32 v20;
	v19 =	vpop (erf)  }
0x6cf: {  	v46 =	vadd.f32 v46, v28;
	v28 =	vld [tilespmem:s29+$0x14F00];
	v55 =	vmul.f32 v19, v23;
	(erf) = vpow2.f32 v33;
	v19 =	vmovc v15;
	v15 =	vmovc v36  }
0x6d0: {  	v24 =	vadd.f32 $1.000000000e+00, v24;
	v9 =	vmovc v11;
	v11 =	vmovc v27;
	v33 =	vld [tilespmem:s29+$0x16F00];
	v54 =	vmul.f32 $1.442695020e+00, v54;
	(erf) = vpow2.f32 v43  }
0x6d1: {  	v25 =	vadd.f32 $1.000000000e+00, v25;
	v20 =	vmovc v8;
	v8 =	vmovc v13;
	v36 =	vadd.f32 v49, v29;
	v43 =	vld [tilespmem:s29+$0x14F10];
	[tilespmem:s23+$0x1CF20] =	vst v55;
	(erf) = vpow2.f32 v44  }
0x6d2: {  	v37 =	vadd.f32 $1.000000000e+00, v37;
	v13 =	vmovc v30;
	v23 =	vmovc v50;
	v49 =	vadd.f32 $1.000000000e+00, v32;
	v44 =	vld [tilespmem:s29+$0x16F10];
	(erf) = vpow2.f32 v54  }
0x6d3: {  	v29 =	vadd.f32 $1.000000000e+00, v31;
	v32 =	vld [tilespmem:s29+$0x18EB0];
	v27 =	vadd.f32 v35, v52;
	(erf) = vpow2.f32 v38  }
0x6d4: {  	v30 =	vmul.f32 v47, v16;
	v16 =	vmov v21;
	v35 =	vld [tilespmem:s29+$0x18EC0];
	(erf) = vpow2.f32 v53  }
0x6d5: {  	v21 =	vmul.f32 v48, v17;
	v17 =	vmovc v22;
	v38 =	vld [tilespmem:s29+$0x18ED0];
	v28 =	vadd.f32 v33, v28;
	(erf) = vpow2.f32 v51  }
0x6d6: {  	v22 =	vmul.f32 v42, v10;
	v10 =	vmovc v12;
	v12 =	vmov v39;
	v47 =	vld [tilespmem:s29+$0x18EE0];
	[tilespmem:s22+$0x1CEB0] =	vst v30;
	(erf) = vrcp.f32 v24  }
.Ltmp7:
0x6d7: {  	v31 =	vld [tilespmem:s29+$0x18EF0];
	v30 =	vadd.f32 v44, v43;
	v24 =	vpop (erf);
	[tilespmem:s22+$0x1CEC0] =	vst v21;
	(erf) = vrcp.f32 v25;
	v21 =	vmul.f32 v45, v40;
	(pc) =	sbr.rel @p1 .LBB2_16-.Ltmp7, $4  }
0x6d8: {  	v40 =	vadd.f32 v32, v34;
	v32 =	vld [tilespmem:s29+$0x18F00];
	v33 =	vadd.f32 $1.000000000e+00, v24;
	v24 =	vpop (erf);
	(erf) = vrcp.f32 v37;
	[tilespmem:s9+$0x1CEF0] =	vst v22  }
0x6d9: {  	v22 =	vadd.f32 v35, v41;
	v34 =	vld [tilespmem:s29+$0x18F10];
	v39 =	vadd.f32 $1.000000000e+00, v24;
	v24 =	vpop (erf);
	(erf) = vrcp.f32 v49;
	[tilespmem:s9+$0x1CF00] =	vst v21  }
0x6da: {  	s11 =	sshra.s32 s12, $0x2;
	v21 =	vadd.f32 v40, v6;
	v35 =	vadd.f32 v38, v46;
	(erf) = vrcp.f32 v33;
	v25 =	vpop (erf)  }
0x6db: {  	s12 =	sadd.s32 $0x200, s12;
	v33 =	vld [tilespmem:s11+$0x14F20];
	v22 =	vadd.f32 v22, v5;
	v36 =	vadd.f32 v47, v36;
	v37 =	vpop (erf);
	(erf) = vrcp.f32 v39  }
0x6dc: {  	v38 =	vld [tilespmem:s11+$0x16F20];
	v40 =	vpop (erf);
	v54 =	vadd.f32 $1.000000000e+00, v37  }
0x6dd: {  	v39 =	vld [tilespmem:s11+$0x14EB0];
	v20 =	vmul.f32 v26, v20;
	(erf) = vrcp.f32 v29;
	v42 =	vpop (erf)  }
0x6de: {  	v41 =	vld [tilespmem:s11+$0x18F20];
	v37 =	vpop (erf);
	(erf) = vrcp.f32 v54  }
0x6df: {  	v43 =	vld [tilespmem:s11+$0x16EB0];
	[tilespmem:s9+$0x1CF10] =	vst v20;
	v55 =	vpop (erf)  }
0x6e0: {  	v27 =	vadd.f32 v31, v27;
	v29 =	vld [tilespmem:s11+$0x14EC0];
	v18 =	vmul.f32 v55, v18;
	v56 =	vpop (erf)  }
0x6e1: {  	v26 =	vadd.f32 v35, v3;
	v59 =	vsub.f32 $0.0e+00, v21;
	v44 =	vld [tilespmem:s11+$0x16EC0];
	v19 =	vmul.f32 v56, v19  }
0x6e2: {  	v24 =	vadd.f32 $1.000000000e+00, v24;
	v30 =	vadd.f32 v34, v30;
	v45 =	vld [tilespmem:s11+$0x14ED0];
	v34 =	vpop (erf);
	[tilespmem:s22+$0x1CED0] =	vst v18  }
0x6e3: {  	v25 =	vadd.f32 $1.000000000e+00, v25;
	v57 =	vadd.f32 v32, v28;
	v28 =	vpop (erf);
	v32 =	vld [tilespmem:s11+$0x16ED0];
	[tilespmem:s22+$0x1CEE0] =	vst v19  }
0x6e4: {  	v60 =	vsub.f32 $0.0e+00, v22;
	v58 =	vadd.f32 v38, v33;
	v35 =	vpop (erf);
	v33 =	vld [tilespmem:s11+$0x14EE0]  }
0x6e5: {  	v40 =	vadd.f32 $1.000000000e+00, v40;
	v20 =	vadd.f32 v36, v4;
	v61 =	vmul.f32 $1.442695020e+00, v59;
	v36 =	vld [tilespmem:s11+$0x16EE0];
	v46 =	vpop (erf)  }
0x6e6: {  	v62 =	vsub.f32 $0.0e+00, v26;
	v42 =	vadd.f32 $1.000000000e+00, v42;
	v38 =	vmul.f32 $1.442695020e+00, v60;
	v47 =	vld [tilespmem:s11+$0x14EF0];
	v48 =	vpop (erf)  }
0x6e7: {  	v37 =	vadd.f32 $1.000000000e+00, v37;
	v50 =	vsub.f32 $0.0e+00, v20;
	(erf) = vpow2.f32 v61;
	v49 =	vld [tilespmem:s11+$0x16EF0];
	v63 =	vpop (erf)  }
0x6e8: {  	v41 =	vadd.f32 v41, v58;
	(erf) = vpow2.f32 v38;
	v51 =	vld [tilespmem:s11+$0x14F00];
	v23 =	vmul.f32 v63, v23  }
0x6e9: {  	v18 =	vadd.f32 v27, v1;
	v27 =	vadd.f32 v30, v0;
	v30 =	vld [tilespmem:s11+$0x16F00]  }
0x6ea: {  	v31 =	vmul.f32 $1.442695020e+00, v62;
	v50 =	vmul.f32 $1.442695020e+00, v50;
	v54 =	vld [tilespmem:s11+$0x14F10];
	v7 =	vadd.f32 v41, v7;
	[tilespmem:s29+$0x1CF20] =	vst v23  }
0x6eb: {  	v10 =	vmul.f32 v34, v10;
	v19 =	vadd.f32 v57, v2;
	v55 =	vsub.f32 $0.0e+00, v18;
	v57 =	vld [tilespmem:s11+$0x16F10]  }
0x6ec: {  	(erf) = vpow2.f32 v31;
	v58 =	vsub.f32 $0.0e+00, v27;
	v53 =	vsub.f32 $0.0e+00, v7;
	v59 =	vld [tilespmem:s11+$0x18EB0]  }
0x6ed: {  	v16 =	vmul.f32 v35, v16;
	v56 =	vsub.f32 $0.0e+00, v19;
	(erf) = vpow2.f32 v50;
	v60 =	vld [tilespmem:s11+$0x18EC0]  }
0x6ee: {  	v39 =	vadd.f32 v43, v39;
	v17 =	vmul.f32 v46, v17;
	v41 =	vmul.f32 $1.442695020e+00, v53;
	v61 =	vld [tilespmem:s11+$0x18ED0]  }
0x6ef: {  	v29 =	vadd.f32 v44, v29;
	v43 =	vmul.f32 $1.442695020e+00, v55;
	v62 =	vmul.f32 $1.442695020e+00, v58;
	v63 =	vld [tilespmem:s11+$0x18EE0];
	[tilespmem:s23+$0x1CEB0] =	vst v16  }
0x6f0: {  	v32 =	vadd.f32 v32, v45;
	v33 =	vadd.f32 v36, v33;
	(erf) = vpow2.f32 v41;
	v53 =	vpop (erf);
	v52 =	vld [tilespmem:s11+$0x18EF0]  }
0x6f1: {  	v49 =	vadd.f32 v49, v47;
	v30 =	vadd.f32 v30, v51;
	v23 =	vmul.f32 $1.442695020e+00, v56;
	[tilespmem:s23+$0x1CEC0] =	vst v17;
	v56 =	vpop (erf)  }
0x6f2: {  	(erf) = vpow2.f32 v43;
	v34 =	vadd.f32 $1.000000000e+00, v53;
	v55 =	vld [tilespmem:s11+$0x18F00];
	v58 =	vadd.f32 $1.000000000e+00, v56  }
0x6f3: {  	(erf) = vpow2.f32 v23;
	v31 =	vadd.f32 v57, v54;
	v54 =	vadd.f32 v59, v39  }
0x6f4: {  	(erf) = vpow2.f32 v62;
	v57 =	vadd.f32 v60, v29;
	v60 =	vadd.f32 v61, v32  }
0x6f5: {  	(erf) = vrcp.f32 v24;
	v62 =	vadd.f32 v63, v33;
	v16 =	vadd.f32 v52, v49  }
0x6f6: {  	[tilespmem:s22+$0x1CEF0] =	vst v10;
	(erf) = vrcp.f32 v25;
	v6 =	vadd.f32 v54, v6;
	v5 =	vadd.f32 v57, v5  }
0x6f7: {  	v29 =	vpop (erf);
	v59 =	vld [tilespmem:s11+$0x18F10];
	(erf) = vrcp.f32 v40;
	v3 =	vadd.f32 v60, v3;
	v39 =	vadd.f32 v55, v30  }
0x6f8: {  	v61 =	vpop (erf);
	(erf) = vrcp.f32 v42;
	v4 =	vadd.f32 v62, v4;
	v1 =	vadd.f32 v16, v1  }
0x6f9: {  	(erf) = vrcp.f32 v34;
	v63 =	vpop (erf);
	v40 =	vsub.f32 $0.0e+00, v6;
	v42 =	vsub.f32 $0.0e+00, v5  }
0x6fa: {  	(erf) = vrcp.f32 v58;
	v2 =	vadd.f32 v39, v2;
	v38 =	vadd.f32 $1.000000000e+00, v63  }
0x6fb: {  	v45 =	vsub.f32 $0.0e+00, v3;
	(erf) = vrcp.f32 v37;
	v43 =	vpop (erf);
	v10 =	vmul.f32 $1.442695020e+00, v40  }
0x6fc: {  	v41 =	vadd.f32 v59, v31;
	v44 =	vpop (erf);
	v46 =	vmul.f32 $1.442695020e+00, v42;
	(erf) = vrcp.f32 v38  }
0x6fd: {  	v49 =	vsub.f32 $0.0e+00, v4;
	v51 =	vsub.f32 $0.0e+00, v1;
	v47 =	vpop (erf);
	(erf) = vpow2.f32 v10  }
0x6fe: {  	v17 =	vmul.f32 $1.442695020e+00, v45;
	v0 =	vadd.f32 v41, v0;
	v50 =	vpop (erf);
	(erf) = vpow2.f32 v46  }
0x6ff: {  	v53 =	vsub.f32 $0.0e+00, v2;
	v24 =	vmul.f32 $1.442695020e+00, v49;
	v52 =	vpop (erf)  }
0x700: {  	v31 =	vmul.f32 $1.442695020e+00, v51;
	v55 =	vsub.f32 $0.0e+00, v0;
	v54 =	vpop (erf);
	(erf) = vpow2.f32 v17  }
0x701: {  	v33 =	vmul.f32 $1.442695020e+00, v53;
	v56 =	vpop (erf);
	(erf) = vpow2.f32 v24  }
0x702: {  	v35 =	vmul.f32 $1.442695020e+00, v55;
	v57 =	vpop (erf);
	(erf) = vpow2.f32 v31  }
0x703: {  	v29 =	vadd.f32 $1.000000000e+00, v29;
	v58 =	vpop (erf);
	(erf) = vpow2.f32 v33  }
0x704: {  	v32 =	vadd.f32 $1.000000000e+00, v61;
	v59 =	vpop (erf);
	(erf) = vpow2.f32 v35  }
0x705: {  	v30 =	vadd.f32 $1.000000000e+00, v43;
	v60 =	vpop (erf);
	(erf) = vrcp.f32 v29  }
0x706: {  	v16 =	vadd.f32 $1.000000000e+00, v44;
	v61 =	vpop (erf);
	(erf) = vrcp.f32 v32  }
0x707: {  	v9 =	vmul.f32 v28, v9;
	v62 =	vadd.f32 $1.000000000e+00, v61;
	v63 =	vpop (erf);
	(erf) = vrcp.f32 v30  }
0x708: {  	v8 =	vmul.f32 v48, v8;
	v29 =	vadd.f32 $1.000000000e+00, v63;
	(erf) = vrcp.f32 v16  }
0x709: {  	[tilespmem:s22+$0x1CF00] =	vst v9;
	v32 =	vmul.f32 v52, v15;
	v30 =	vpop (erf);
	(erf) = vrcp.f32 v62  }
0x70a: {  	[tilespmem:s22+$0x1CF10] =	vst v8;
	v16 =	vmul.f32 v50, v14;
	v36 =	vpop (erf);
	(erf) = vrcp.f32 v29  }
0x70b: {  	v37 =	vadd.f32 $1.000000000e+00, v47;
	v7 =	vmul.f32 v60, v7;
	[tilespmem:s23+$0x1CEE0] =	vst v32;
	v38 =	vpop (erf)  }
0x70c: {  	v39 =	vmul.f32 v57, v21;
	v10 =	vadd.f32 $1.000000000e+00, v30;
	[tilespmem:s23+$0x1CED0] =	vst v16;
	v40 =	vpop (erf)  }
0x70d: {  	v41 =	vmul.f32 v58, v22;
	v14 =	vadd.f32 $1.000000000e+00, v36;
	[tilespmem:s11+$0x1CF20] =	vst v7;
	(erf) = vrcp.f32 v37;
	v42 =	vpop (erf)  }
0x70e: {  	v43 =	vmul.f32 v54, v12;
	v15 =	vadd.f32 $1.000000000e+00, v38;
	[tilespmem:s29+$0x1CEB0] =	vst v39;
	v44 =	vpop (erf);
	(erf) = vrcp.f32 v10  }
0x70f: {  	v45 =	vmul.f32 v56, v11;
	[tilespmem:s29+$0x1CEC0] =	vst v41;
	v47 =	vadd.f32 $1.000000000e+00, v40;
	v46 =	vpop (erf);
	(erf) = vrcp.f32 v14  }
0x710: {  	v48 =	vmul.f32 v59, v13;
	[tilespmem:s23+$0x1CEF0] =	vst v43;
	v9 =	vadd.f32 $1.000000000e+00, v42;
	v49 =	vpop (erf);
	(erf) = vrcp.f32 v15  }
0x711: {  	[tilespmem:s23+$0x1CF00] =	vst v45;
	v50 =	vmul.f32 v44, v26;
	v51 =	vpop (erf);
	(erf) = vrcp.f32 v47  }
0x712: {  	[tilespmem:s23+$0x1CF10] =	vst v48;
	v52 =	vmul.f32 v46, v20;
	v53 =	vpop (erf);
	(erf) = vrcp.f32 v9  }
0x713: {  	[tilespmem:s29+$0x1CED0] =	vst v50;
	v54 =	vpop (erf);
	v6 =	vmul.f32 v53, v6  }
0x714: {  	[tilespmem:s29+$0x1CEE0] =	vst v52;
	v5 =	vmul.f32 v54, v5  }
0x715: {  	v55 =	vmul.f32 v49, v18;
	[tilespmem:s11+$0x1CEB0] =	vst v6  }
0x716: {  	v57 =	vmul.f32 v51, v19;
	v56 =	vpop (erf);
	[tilespmem:s11+$0x1CEC0] =	vst v5  }
0x717: {  	v58 =	vmul.f32 v56, v27;
	[tilespmem:s29+$0x1CEF0] =	vst v55;
	v59 =	vpop (erf)  }
0x718: {  	[tilespmem:s29+$0x1CF00] =	vst v57;
	v3 =	vmul.f32 v59, v3;
	v60 =	vpop (erf)  }
0x719: {  	[tilespmem:s29+$0x1CF10] =	vst v58;
	v4 =	vmul.f32 v60, v4;
	v61 =	vpop (erf)  }
0x71a: {  	[tilespmem:s11+$0x1CED0] =	vst v3;
	v62 =	vpop (erf);
	v1 =	vmul.f32 v61, v1  }
0x71b: {  	[tilespmem:s11+$0x1CEE0] =	vst v4;
	v63 =	vpop (erf);
	v2 =	vmul.f32 v62, v2  }
0x71c: {  	[tilespmem:s11+$0x1CEF0] =	vst v1;
	v0 =	vmul.f32 v63, v0  }
0x71d: {  	[tilespmem:s11+$0x1CF00] =	vst v2  }
0x71e: {  	s4 =	sadd.s32 $0x1, s4;
	[tilespmem:s11+$0x1CF10] =	vst v0  }
0x71f: {  	[hbm4b:s19+s8] =	stream.linear.scatter [tilespmem:s0], [sflag:$0x8], $0x2000, $0x38;
	[tilespmem:$0x1EF30] =	vst v63  }
0x720: {  	p1 =	sne.s32 s4, s20;
	_ =	swait.ge [sflag:s24], $0x2000  }
.Ltmp8:
0x721: {  	[sflag:s24] =	ssyncset.done $0x0;
	(pc) =	sbr.rel @p1 .LBB2_1-.Ltmp8, $4  }
0x722: {  	[sflag:s24] =	ssyncadd.s32 $0xFFFFE000  }
0x723: {  	_ =	swait.ge [sflag:s3], $0x2000  }
0x724: {  	[sflag:s3] =	ssyncset.done $0x0  }
0x725: {  	[sflag:s3] =	ssyncadd.s32 $0xFFFFE000  }
0x726: {  	_ =	sfence.sel $0x180000  }
0x727: {  	[bflag:$0x0] =	sbarrier.arrive $0xFFFF  }
0x728: {  	_ =	strace $0x90000047  }
0x729: {  	[bflag:$0x2] =	sbarrier.arrive $0xFFFF  }
0x72a: {  	s0 =	rddreg [dreg:$0xb]  }
0x72b: {  	s0 =	sadd.s32 @!p0 $0x100000, s0  }
0x72c: {  	[sflag:s0] =	ssyncadd.tile.s32 @!p0 $0x1;
	_ =	shalt  }
.Lfunc_end2:
_tile_overlayer_lowered:
.L_overlay_start_2:
0x72d: {  	(tag) =	ssettag $0x2  }
0x72e: {  	s0 =	rddreg [dreg:$0x0];
	s2 =	stileid.u32  }
0x72f: {  	s1 =	rddreg [dreg:$0x1];
	p0 =	sne.s32 s2, $0x0  }
0x730: {  	s3 =	rddreg [dreg:$0x2];
	[bflag:$0x3] =	sbarrier.arrive $0xFFFF;
	s2 =	simm.s32 @!p0 $0x1C09  }
0x731: {  	[timem:s3], [sflag:s2] =	dma.local @!p0 [hbm:s0], s1  }
0x732: {  	s0 =	simm.s32 @!p0 $0x9  }
0x733: {  	_ =	swait.ge @!p0 [sflag:s0], s1  }
0x734: {  	s1 =	ssub.s32 @!p0 $0x0, s1;
	[sflag:s0] =	ssyncset.done @!p0 $0x0  }
0x735: {  	[sflag:s0] =	ssyncadd.s32 @!p0 s1  }
0x736: {  	[bflag:$0x3] =	sbarrier.arrive $0xFFFF  }
0x737: {  	_ =	shalt  }

</sc_bundles>
